<compile_context>
chip_gen: v7x
topology: tpu7x:2x2x1
jax: 0.10.2.dev20260603
libtpu: 0.0.44.dev20260713+nightly
codegen_flags: <defaults>
</compile_context>

<pallas_src>
import jax
import jax.numpy as jnp
from jax import lax
from jax.experimental import pallas as pl
from jax.experimental.pallas import tpu as pltpu
from jax.experimental.pallas import tpu_sc as plsc

_B = 1024
_D = 128
_N = 256
_NTILES = 32
_QPT = _B // _NTILES
_NCHUNK = _N // 16


def _allmin(v):
    lane = lax.broadcasted_iota(jnp.int32, (16,), 0)
    for k in (8, 4, 2, 1):
        v = jnp.minimum(v, v.at[lane ^ k].get(mode="promise_in_bounds"))
    return v


def _sc_bmu(x_hbm, wt_hbm, out_hbm, x_v, wt_v, out_v):
    cid = lax.axis_index("c")
    sid = lax.axis_index("s")
    wid = sid * 2 + cid
    base = wid * _QPT
    pltpu.sync_copy(x_hbm.at[pl.ds(base, _QPT)], x_v)
    pltpu.sync_copy(wt_hbm, wt_v)

    lane = lax.broadcasted_iota(jnp.int32, (16,), 0)
    big_i = jnp.full((16,), 1 << 30, jnp.int32)

    def per_query(qq, bestv, h):
        q = h * 16 + qq
        def gbody(g, tot):
            xg = x_v[q, pl.ds(g * 16, 16)]
            accs = [jnp.zeros((16,), jnp.float32) for _ in range(_NCHUNK)]
            for dd in range(16):
                xv = jnp.full((16,), xg[dd], jnp.float32)
                d = g * 16 + dd
                for cc in range(_NCHUNK):
                    wv = wt_v[d, pl.ds(cc * 16, 16)]
                    diff = wv - xv
                    accs[cc] = accs[cc] + diff * diff
            return tuple(t + a for t, a in zip(tot, accs))
        tot = lax.fori_loop(
            0, 8, gbody,
            tuple(jnp.zeros((16,), jnp.float32) for _ in range(_NCHUNK)))
        tot = list(tot)
        m = tot[0]
        for cc in range(1, _NCHUNK):
            m = jnp.minimum(m, tot[cc])
        mvec = _allmin(m)
        vbest = big_i
        for cc in range(_NCHUNK):
            cand = jnp.where(tot[cc] == mvec, lane + cc * 16, big_i)
            vbest = jnp.minimum(vbest, cand)
        bestall = _allmin(vbest)
        return jnp.where(lane == qq, bestall, bestv)

    half = lane >> 1
    even = (lane & 1) == 0
    for h in range(2):
        bestv = lax.fori_loop(
            0, 16, lambda qq, bv: per_query(qq, bv, h),
            jnp.zeros((16,), jnp.int32))
        rowv = bestv >> 4
        colv = bestv & 15
        for k in range(2):
            idx = half + k * 8
            r = rowv.at[idx].get(mode="promise_in_bounds")
            c = colv.at[idx].get(mode="promise_in_bounds")
            out_v[pl.ds(h * 32 + k * 16, 16)] = jnp.where(even, r, c)

    pltpu.sync_copy(out_v, out_hbm.at[pl.ds(base * 2, _QPT * 2)])


def kernel(x, weights):
    w_t = weights.reshape(_N, _D).T
    sc_call = pl.kernel(
        _sc_bmu,
        out_type=jax.ShapeDtypeStruct((_B * 2,), jnp.int32),
        mesh=plsc.VectorSubcoreMesh(core_axis_name="c", subcore_axis_name="s"),
        scratch_types=[
            pltpu.VMEM((_QPT, _D), jnp.float32),
            pltpu.VMEM((_D, _N), jnp.float32),
            pltpu.VMEM((_QPT * 2,), jnp.int32),
        ],
    )
    return sc_call(x, w_t).reshape(_B, 2)

# --- scband reference (transcript-rebuilt; emitter-appended) ---
"""Pipeline reference for scband-som-79534204388018 (READ-ONLY COPY).

The authoritative reference and input builder live on the scoring server;
editing this copy changes nothing except your own understanding.
"""

import jax, jax.numpy as jnp
import numpy as np


def setup_inputs(seed: int = 0) -> dict:
    key = jax.random.key(seed)
    k1, k2 = jax.random.split(key)
    x = jax.random.normal(k1, (1024, 128), dtype=jnp.float32)
    # SOM weight map, sized per init_kwargs size=(16, 16, 128); torch.randn init
    weights = jax.random.normal(k2, (16, 16, 128), dtype=jnp.float32)
    return {"x": x, "weights": weights}


def reference(x, weights):
    # Faithful translation of Som.forward (eval mode: training=False, so no
    # diff caching / weight update happens; forward returns BMU indices).
    batch_size, in_size = x.shape
    rows, cols, _ = weights.shape
    w_flat = weights.reshape(-1, in_size)  # [rows*cols, in_size]
    # distance(): pairwise_distance over expanded tensors -> same math via broadcasting
    diff = x[:, None, :] - w_flat[None, :, :]          # [B, rows*cols, in_size]
    d = jnp.sqrt(jnp.sum(diff * diff, axis=-1))        # [B, rows*cols]
    distances = d.reshape(batch_size, rows, cols)      # [B, rows, cols]
    # find_bmus(): argmin over flattened map, then convert flat index to 2D coords
    min_idx = jnp.argmin(distances.reshape(batch_size, -1), axis=-1)  # [B]
    bmus = jnp.stack((min_idx // cols, min_idx % cols), axis=1)       # [B, 2]
    return bmus

if __name__ == "__main__":
    import jax
    _d = setup_inputs()
    print(jax.jit(kernel)(*tuple(_d.values())))

</pallas_src>

<mosaic_0001>
#map = affine_map<(d0, d1) -> (0, 0)>
#map1 = affine_map<(d0, d1) -> (0)>
module attributes {stable_mosaic.version = 14 : i64} {
  func.func @_sc_bmu(%arg0: i32, %arg1: i32, %arg2: memref<1024x128xf32, #tpu.memory_space<hbm>>, %arg3: memref<128x256xf32, #tpu.memory_space<hbm>>, %arg4: memref<2048xi32, #tpu.memory_space<hbm>>, %arg5: memref<32x128xf32, #tpu.memory_space<vmem>>, %arg6: memref<128x256xf32, #tpu.memory_space<vmem>>, %arg7: memref<64xi32, #tpu.memory_space<vmem>>) attributes {dimension_semantics = [#tpu.dimension_semantics<core_parallel>, #tpu.dimension_semantics<subcore_parallel>], iteration_bounds = array<i64: 2, 16>, scalar_prefetch = 0 : i64, scratch_operands = 3 : i64, tpu.core_type = #tpu.core_type<sc_vector_subcore>, window_params = [{transform_indices = #map}, {transform_indices = #map}, {transform_indices = #map1}]} {
    %mul3A = arith.constant 2 : i32
    %mul3A_0 = arith.muli %arg1, %mul3A : i32
    %add3A = arith.addi %mul3A_0, %arg0 : i32
    %mul3A_1 = arith.constant 32 : i32
    %mul3A_2 = arith.muli %add3A, %mul3A_1 : i32
    "tpu.region"() ({
      %run_scoped3A = tpu.sem_alloc : memref<!tpu.dma_semaphore, #tpu.memory_space<semaphore_mem>>
      %dma_start3A = arith.constant 0 : i32
      %dma_start3A_147 = tpu.memref_slice %arg2[%mul3A_2, %dma_start3A] : memref<1024x128xf32, #tpu.memory_space<hbm>> -> memref<32x128xf32, #tpu.memory_space<hbm>>
      %dma_start3A_148 = arith.constant 0 : i32
      %dma_start3A_149 = tpu.memref_slice %arg2[%mul3A_2, %dma_start3A_148] : memref<1024x128xf32, #tpu.memory_space<hbm>> -> memref<32x128xf32, #tpu.memory_space<hbm>>
      tpu.enqueue_dma source(%dma_start3A_149 : memref<32x128xf32, #tpu.memory_space<hbm>>) target(%arg5 : memref<32x128xf32, #tpu.memory_space<vmem>>) target_semaphore(%run_scoped3A : memref<!tpu.dma_semaphore, #tpu.memory_space<semaphore_mem>>)
      %dma_wait3A = arith.constant 0 : i32
      %dma_wait3A_150 = tpu.memref_slice %arg2[%mul3A_2, %dma_wait3A] : memref<1024x128xf32, #tpu.memory_space<hbm>> -> memref<32x128xf32, #tpu.memory_space<hbm>>
      %dma_wait3A_151 = arith.constant 0 : i32
      %dma_wait3A_152 = tpu.memref_slice %arg2[%mul3A_2, %dma_wait3A_151] : memref<1024x128xf32, #tpu.memory_space<hbm>> -> memref<32x128xf32, #tpu.memory_space<hbm>>
      tpu.wait_dma2 semaphore(%run_scoped3A : memref<!tpu.dma_semaphore, #tpu.memory_space<semaphore_mem>>) src(%dma_wait3A_152 : memref<32x128xf32, #tpu.memory_space<hbm>>) dst(%arg5 : memref<32x128xf32, #tpu.memory_space<vmem>>)
      tpu.yield
    }) : () -> ()
    "tpu.region"() ({
      %run_scoped3A = tpu.sem_alloc : memref<!tpu.dma_semaphore, #tpu.memory_space<semaphore_mem>>
      tpu.enqueue_dma source(%arg3 : memref<128x256xf32, #tpu.memory_space<hbm>>) target(%arg6 : memref<128x256xf32, #tpu.memory_space<vmem>>) target_semaphore(%run_scoped3A : memref<!tpu.dma_semaphore, #tpu.memory_space<semaphore_mem>>)
      tpu.wait_dma2 semaphore(%run_scoped3A : memref<!tpu.dma_semaphore, #tpu.memory_space<semaphore_mem>>) src(%arg3 : memref<128x256xf32, #tpu.memory_space<hbm>>) dst(%arg6 : memref<128x256xf32, #tpu.memory_space<vmem>>)
      tpu.yield
    }) : () -> ()
    %iota3A = tpu.iota {dimensions = array<i32: 0>} : vector<16xi32>
    %broadcast_in_dim3A = arith.constant 1073741824 : i32
    %broadcast_in_dim3A_3 = vector.broadcast %broadcast_in_dim3A : i32 to vector<16xi32>
    %shift_right_arithmetic3A = arith.constant 1 : i32
    %shift_right_arithmetic3A_4 = vector.broadcast %shift_right_arithmetic3A : i32 to vector<16xi32>
    %shift_right_arithmetic3A_5 = arith.shrsi %iota3A, %shift_right_arithmetic3A_4 : vector<16xi32>
    %and3A = arith.constant 1 : i32
    %and3A_6 = vector.broadcast %and3A : i32 to vector<16xi32>
    %and3A_7 = arith.andi %iota3A, %and3A_6 : vector<16xi32>
    %eq3A = arith.constant 0 : i32
    %eq3A_8 = vector.broadcast %eq3A : i32 to vector<16xi32>
    %eq3A_9 = arith.cmpi eq, %and3A_7, %eq3A_8 : vector<16xi32>
    %broadcast_in_dim3A_10 = arith.constant 0 : i32
    %broadcast_in_dim3A_11 = vector.broadcast %broadcast_in_dim3A_10 : i32 to vector<16xi32>
    %scan3A = arith.constant 0 : i32
    %scan3A_12 = arith.constant 16 : i32
    %scan3A_13 = arith.addi %scan3A, %scan3A_12 : i32
    %scan3A_14 = arith.constant 1 : i32
    %scan3A_15 = scf.for %scan3A_147 = %scan3A to %scan3A_13 step %scan3A_14 iter_args(%scan3A_148 = %broadcast_in_dim3A_11) -> (vector<16xi32>)  : i32 {
      %add3A_149 = arith.constant 0 : i32
      %add3A_150 = arith.addi %add3A_149, %scan3A_147 : i32
      %broadcast_in_dim3A_151 = arith.constant 0.000000e+00 : f32
      %broadcast_in_dim3A_152 = vector.broadcast %broadcast_in_dim3A_151 : f32 to vector<16xf32>
      %broadcast_in_dim3A_153 = arith.constant 0.000000e+00 : f32
      %broadcast_in_dim3A_154 = vector.broadcast %broadcast_in_dim3A_153 : f32 to vector<16xf32>
      %broadcast_in_dim3A_155 = arith.constant 0.000000e+00 : f32
      %broadcast_in_dim3A_156 = vector.broadcast %broadcast_in_dim3A_155 : f32 to vector<16xf32>
      %broadcast_in_dim3A_157 = arith.constant 0.000000e+00 : f32
      %broadcast_in_dim3A_158 = vector.broadcast %broadcast_in_dim3A_157 : f32 to vector<16xf32>
      %broadcast_in_dim3A_159 = arith.constant 0.000000e+00 : f32
      %broadcast_in_dim3A_160 = vector.broadcast %broadcast_in_dim3A_159 : f32 to vector<16xf32>
      %broadcast_in_dim3A_161 = arith.constant 0.000000e+00 : f32
      %broadcast_in_dim3A_162 = vector.broadcast %broadcast_in_dim3A_161 : f32 to vector<16xf32>
      %broadcast_in_dim3A_163 = arith.constant 0.000000e+00 : f32
      %broadcast_in_dim3A_164 = vector.broadcast %broadcast_in_dim3A_163 : f32 to vector<16xf32>
      %broadcast_in_dim3A_165 = arith.constant 0.000000e+00 : f32
      %broadcast_in_dim3A_166 = vector.broadcast %broadcast_in_dim3A_165 : f32 to vector<16xf32>
      %broadcast_in_dim3A_167 = arith.constant 0.000000e+00 : f32
      %broadcast_in_dim3A_168 = vector.broadcast %broadcast_in_dim3A_167 : f32 to vector<16xf32>
      %broadcast_in_dim3A_169 = arith.constant 0.000000e+00 : f32
      %broadcast_in_dim3A_170 = vector.broadcast %broadcast_in_dim3A_169 : f32 to vector<16xf32>
      %broadcast_in_dim3A_171 = arith.constant 0.000000e+00 : f32
      %broadcast_in_dim3A_172 = vector.broadcast %broadcast_in_dim3A_171 : f32 to vector<16xf32>
      %broadcast_in_dim3A_173 = arith.constant 0.000000e+00 : f32
      %broadcast_in_dim3A_174 = vector.broadcast %broadcast_in_dim3A_173 : f32 to vector<16xf32>
      %broadcast_in_dim3A_175 = arith.constant 0.000000e+00 : f32
      %broadcast_in_dim3A_176 = vector.broadcast %broadcast_in_dim3A_175 : f32 to vector<16xf32>
      %broadcast_in_dim3A_177 = arith.constant 0.000000e+00 : f32
      %broadcast_in_dim3A_178 = vector.broadcast %broadcast_in_dim3A_177 : f32 to vector<16xf32>
      %broadcast_in_dim3A_179 = arith.constant 0.000000e+00 : f32
      %broadcast_in_dim3A_180 = vector.broadcast %broadcast_in_dim3A_179 : f32 to vector<16xf32>
      %broadcast_in_dim3A_181 = arith.constant 0.000000e+00 : f32
      %broadcast_in_dim3A_182 = vector.broadcast %broadcast_in_dim3A_181 : f32 to vector<16xf32>
      %scan3A_183 = arith.constant 0 : i32
      %scan3A_184 = arith.constant 8 : i32
      %scan3A_185 = arith.addi %scan3A_183, %scan3A_184 : i32
      %scan3A_186 = arith.constant 1 : i32
      %scan3A_187:16 = scf.for %scan3A_415 = %scan3A_183 to %scan3A_185 step %scan3A_186 iter_args(%scan3A_416 = %broadcast_in_dim3A_152, %scan3A_417 = %broadcast_in_dim3A_154, %scan3A_418 = %broadcast_in_dim3A_156, %scan3A_419 = %broadcast_in_dim3A_158, %scan3A_420 = %broadcast_in_dim3A_160, %scan3A_421 = %broadcast_in_dim3A_162, %scan3A_422 = %broadcast_in_dim3A_164, %scan3A_423 = %broadcast_in_dim3A_166, %scan3A_424 = %broadcast_in_dim3A_168, %scan3A_425 = %broadcast_in_dim3A_170, %scan3A_426 = %broadcast_in_dim3A_172, %scan3A_427 = %broadcast_in_dim3A_174, %scan3A_428 = %broadcast_in_dim3A_176, %scan3A_429 = %broadcast_in_dim3A_178, %scan3A_430 = %broadcast_in_dim3A_180, %scan3A_431 = %broadcast_in_dim3A_182) -> (vector<16xf32>, vector<16xf32>, vector<16xf32>, vector<16xf32>, vector<16xf32>, vector<16xf32>, vector<16xf32>, vector<16xf32>, vector<16xf32>, vector<16xf32>, vector<16xf32>, vector<16xf32>, vector<16xf32>, vector<16xf32>, vector<16xf32>, vector<16xf32>)  : i32 {
        %mul3A_432 = arith.constant 16 : i32
        %mul3A_433 = arith.muli %scan3A_415, %mul3A_432 : i32
        %get3A = arith.index_cast %add3A_150 : i32 to index
        %get3A_434 = arith.index_cast %mul3A_433 : i32 to index
        %get3A_435 = tpu.vector_load %arg5[%get3A, %get3A_434] {strides = array<i32>} : memref<32x128xf32, #tpu.memory_space<vmem>>, vector<1x16xf32>,
        %get3A_436 = vector.shape_cast %get3A_435 : vector<1x16xf32> to vector<16xf32>
        %broadcast_in_dim3A_437 = arith.constant 0.000000e+00 : f32
        %broadcast_in_dim3A_438 = vector.broadcast %broadcast_in_dim3A_437 : f32 to vector<16xf32>
        %broadcast_in_dim3A_439 = arith.constant 0.000000e+00 : f32
        %broadcast_in_dim3A_440 = vector.broadcast %broadcast_in_dim3A_439 : f32 to vector<16xf32>
        %broadcast_in_dim3A_441 = arith.constant 0.000000e+00 : f32
        %broadcast_in_dim3A_442 = vector.broadcast %broadcast_in_dim3A_441 : f32 to vector<16xf32>
        %broadcast_in_dim3A_443 = arith.constant 0.000000e+00 : f32
        %broadcast_in_dim3A_444 = vector.broadcast %broadcast_in_dim3A_443 : f32 to vector<16xf32>
        %broadcast_in_dim3A_445 = arith.constant 0.000000e+00 : f32
        %broadcast_in_dim3A_446 = vector.broadcast %broadcast_in_dim3A_445 : f32 to vector<16xf32>
        %broadcast_in_dim3A_447 = arith.constant 0.000000e+00 : f32
        %broadcast_in_dim3A_448 = vector.broadcast %broadcast_in_dim3A_447 : f32 to vector<16xf32>
        %broadcast_in_dim3A_449 = arith.constant 0.000000e+00 : f32
        %broadcast_in_dim3A_450 = vector.broadcast %broadcast_in_dim3A_449 : f32 to vector<16xf32>
        %broadcast_in_dim3A_451 = arith.constant 0.000000e+00 : f32
        %broadcast_in_dim3A_452 = vector.broadcast %broadcast_in_dim3A_451 : f32 to vector<16xf32>
        %broadcast_in_dim3A_453 = arith.constant 0.000000e+00 : f32
        %broadcast_in_dim3A_454 = vector.broadcast %broadcast_in_dim3A_453 : f32 to vector<16xf32>
        %broadcast_in_dim3A_455 = arith.constant 0.000000e+00 : f32
        %broadcast_in_dim3A_456 = vector.broadcast %broadcast_in_dim3A_455 : f32 to vector<16xf32>
        %broadcast_in_dim3A_457 = arith.constant 0.000000e+00 : f32
        %broadcast_in_dim3A_458 = vector.broadcast %broadcast_in_dim3A_457 : f32 to vector<16xf32>
        %broadcast_in_dim3A_459 = arith.constant 0.000000e+00 : f32
        %broadcast_in_dim3A_460 = vector.broadcast %broadcast_in_dim3A_459 : f32 to vector<16xf32>
        %broadcast_in_dim3A_461 = arith.constant 0.000000e+00 : f32
        %broadcast_in_dim3A_462 = vector.broadcast %broadcast_in_dim3A_461 : f32 to vector<16xf32>
        %broadcast_in_dim3A_463 = arith.constant 0.000000e+00 : f32
        %broadcast_in_dim3A_464 = vector.broadcast %broadcast_in_dim3A_463 : f32 to vector<16xf32>
        %broadcast_in_dim3A_465 = arith.constant 0.000000e+00 : f32
        %broadcast_in_dim3A_466 = vector.broadcast %broadcast_in_dim3A_465 : f32 to vector<16xf32>
        %broadcast_in_dim3A_467 = arith.constant 0.000000e+00 : f32
        %broadcast_in_dim3A_468 = vector.broadcast %broadcast_in_dim3A_467 : f32 to vector<16xf32>
        %slice3A = vector.extract_strided_slice %get3A_436 {offsets = [0], sizes = [1], strides = [1]} : vector<16xf32> to vector<1xf32>
        %squeeze3A = vector.extract %slice3A[0] : f32 from vector<1xf32>
        %broadcast_in_dim3A_469 = vector.broadcast %squeeze3A : f32 to vector<16xf32>
        %mul3A_470 = arith.constant 16 : i32
        %mul3A_471 = arith.muli %scan3A_415, %mul3A_470 : i32
        %add3A_472 = arith.constant 0 : i32
        %add3A_473 = arith.addi %mul3A_471, %add3A_472 : i32
        %get3A_474 = arith.index_cast %add3A_473 : i32 to index
        %get3A_475 = arith.constant 0 : index
        %get3A_476 = tpu.vector_load %arg6[%get3A_474, %get3A_475] {strides = array<i32>} : memref<128x256xf32, #tpu.memory_space<vmem>>, vector<1x16xf32>,
        %get3A_477 = vector.shape_cast %get3A_476 : vector<1x16xf32> to vector<16xf32>
        %sub3A = arith.subf %get3A_477, %broadcast_in_dim3A_469 : vector<16xf32>
        %mul3A_478 = arith.mulf %sub3A, %sub3A : vector<16xf32>
        %add3A_479 = arith.addf %broadcast_in_dim3A_438, %mul3A_478 : vector<16xf32>
        %get3A_480 = arith.index_cast %add3A_473 : i32 to index
        %get3A_481 = arith.constant 16 : index
        %get3A_482 = tpu.vector_load %arg6[%get3A_480, %get3A_481] {strides = array<i32>} : memref<128x256xf32, #tpu.memory_space<vmem>>, vector<1x16xf32>,
        %get3A_483 = vector.shape_cast %get3A_482 : vector<1x16xf32> to vector<16xf32>
        %sub3A_484 = arith.subf %get3A_483, %broadcast_in_dim3A_469 : vector<16xf32>
        %mul3A_485 = arith.mulf %sub3A_484, %sub3A_484 : vector<16xf32>
        %add3A_486 = arith.addf %broadcast_in_dim3A_440, %mul3A_485 : vector<16xf32>
        %get3A_487 = arith.index_cast %add3A_473 : i32 to index
        %get3A_488 = arith.constant 32 : index
        %get3A_489 = tpu.vector_load %arg6[%get3A_487, %get3A_488] {strides = array<i32>} : memref<128x256xf32, #tpu.memory_space<vmem>>, vector<1x16xf32>,
        %get3A_490 = vector.shape_cast %get3A_489 : vector<1x16xf32> to vector<16xf32>
        %sub3A_491 = arith.subf %get3A_490, %broadcast_in_dim3A_469 : vector<16xf32>
        %mul3A_492 = arith.mulf %sub3A_491, %sub3A_491 : vector<16xf32>
        %add3A_493 = arith.addf %broadcast_in_dim3A_442, %mul3A_492 : vector<16xf32>
        %get3A_494 = arith.index_cast %add3A_473 : i32 to index
        %get3A_495 = arith.constant 48 : index
        %get3A_496 = tpu.vector_load %arg6[%get3A_494, %get3A_495] {strides = array<i32>} : memref<128x256xf32, #tpu.memory_space<vmem>>, vector<1x16xf32>,
        %get3A_497 = vector.shape_cast %get3A_496 : vector<1x16xf32> to vector<16xf32>
        %sub3A_498 = arith.subf %get3A_497, %broadcast_in_dim3A_469 : vector<16xf32>
        %mul3A_499 = arith.mulf %sub3A_498, %sub3A_498 : vector<16xf32>
        %add3A_500 = arith.addf %broadcast_in_dim3A_444, %mul3A_499 : vector<16xf32>
        %get3A_501 = arith.index_cast %add3A_473 : i32 to index
        %get3A_502 = arith.constant 64 : index
        %get3A_503 = tpu.vector_load %arg6[%get3A_501, %get3A_502] {strides = array<i32>} : memref<128x256xf32, #tpu.memory_space<vmem>>, vector<1x16xf32>,
        %get3A_504 = vector.shape_cast %get3A_503 : vector<1x16xf32> to vector<16xf32>
        %sub3A_505 = arith.subf %get3A_504, %broadcast_in_dim3A_469 : vector<16xf32>
        %mul3A_506 = arith.mulf %sub3A_505, %sub3A_505 : vector<16xf32>
        %add3A_507 = arith.addf %broadcast_in_dim3A_446, %mul3A_506 : vector<16xf32>
        %get3A_508 = arith.index_cast %add3A_473 : i32 to index
        %get3A_509 = arith.constant 80 : index
        %get3A_510 = tpu.vector_load %arg6[%get3A_508, %get3A_509] {strides = array<i32>} : memref<128x256xf32, #tpu.memory_space<vmem>>, vector<1x16xf32>,
        %get3A_511 = vector.shape_cast %get3A_510 : vector<1x16xf32> to vector<16xf32>
        %sub3A_512 = arith.subf %get3A_511, %broadcast_in_dim3A_469 : vector<16xf32>
        %mul3A_513 = arith.mulf %sub3A_512, %sub3A_512 : vector<16xf32>
        %add3A_514 = arith.addf %broadcast_in_dim3A_448, %mul3A_513 : vector<16xf32>
        %get3A_515 = arith.index_cast %add3A_473 : i32 to index
        %get3A_516 = arith.constant 96 : index
        %get3A_517 = tpu.vector_load %arg6[%get3A_515, %get3A_516] {strides = array<i32>} : memref<128x256xf32, #tpu.memory_space<vmem>>, vector<1x16xf32>,
        %get3A_518 = vector.shape_cast %get3A_517 : vector<1x16xf32> to vector<16xf32>
        %sub3A_519 = arith.subf %get3A_518, %broadcast_in_dim3A_469 : vector<16xf32>
        %mul3A_520 = arith.mulf %sub3A_519, %sub3A_519 : vector<16xf32>
        %add3A_521 = arith.addf %broadcast_in_dim3A_450, %mul3A_520 : vector<16xf32>
        %get3A_522 = arith.index_cast %add3A_473 : i32 to index
        %get3A_523 = arith.constant 112 : index
        %get3A_524 = tpu.vector_load %arg6[%get3A_522, %get3A_523] {strides = array<i32>} : memref<128x256xf32, #tpu.memory_space<vmem>>, vector<1x16xf32>,
        %get3A_525 = vector.shape_cast %get3A_524 : vector<1x16xf32> to vector<16xf32>
        %sub3A_526 = arith.subf %get3A_525, %broadcast_in_dim3A_469 : vector<16xf32>
        %mul3A_527 = arith.mulf %sub3A_526, %sub3A_526 : vector<16xf32>
        %add3A_528 = arith.addf %broadcast_in_dim3A_452, %mul3A_527 : vector<16xf32>
        %get3A_529 = arith.index_cast %add3A_473 : i32 to index
        %get3A_530 = arith.constant 128 : index
        %get3A_531 = tpu.vector_load %arg6[%get3A_529, %get3A_530] {strides = array<i32>} : memref<128x256xf32, #tpu.memory_space<vmem>>, vector<1x16xf32>,
        %get3A_532 = vector.shape_cast %get3A_531 : vector<1x16xf32> to vector<16xf32>
        %sub3A_533 = arith.subf %get3A_532, %broadcast_in_dim3A_469 : vector<16xf32>
        %mul3A_534 = arith.mulf %sub3A_533, %sub3A_533 : vector<16xf32>
        %add3A_535 = arith.addf %broadcast_in_dim3A_454, %mul3A_534 : vector<16xf32>
        %get3A_536 = arith.index_cast %add3A_473 : i32 to index
        %get3A_537 = arith.constant 144 : index
        %get3A_538 = tpu.vector_load %arg6[%get3A_536, %get3A_537] {strides = array<i32>} : memref<128x256xf32, #tpu.memory_space<vmem>>, vector<1x16xf32>,
        %get3A_539 = vector.shape_cast %get3A_538 : vector<1x16xf32> to vector<16xf32>
        %sub3A_540 = arith.subf %get3A_539, %broadcast_in_dim3A_469 : vector<16xf32>
        %mul3A_541 = arith.mulf %sub3A_540, %sub3A_540 : vector<16xf32>
        %add3A_542 = arith.addf %broadcast_in_dim3A_456, %mul3A_541 : vector<16xf32>
        %get3A_543 = arith.index_cast %add3A_473 : i32 to index
        %get3A_544 = arith.constant 160 : index
        %get3A_545 = tpu.vector_load %arg6[%get3A_543, %get3A_544] {strides = array<i32>} : memref<128x256xf32, #tpu.memory_space<vmem>>, vector<1x16xf32>,
        %get3A_546 = vector.shape_cast %get3A_545 : vector<1x16xf32> to vector<16xf32>
        %sub3A_547 = arith.subf %get3A_546, %broadcast_in_dim3A_469 : vector<16xf32>
        %mul3A_548 = arith.mulf %sub3A_547, %sub3A_547 : vector<16xf32>
        %add3A_549 = arith.addf %broadcast_in_dim3A_458, %mul3A_548 : vector<16xf32>
        %get3A_550 = arith.index_cast %add3A_473 : i32 to index
        %get3A_551 = arith.constant 176 : index
        %get3A_552 = tpu.vector_load %arg6[%get3A_550, %get3A_551] {strides = array<i32>} : memref<128x256xf32, #tpu.memory_space<vmem>>, vector<1x16xf32>,
        %get3A_553 = vector.shape_cast %get3A_552 : vector<1x16xf32> to vector<16xf32>
        %sub3A_554 = arith.subf %get3A_553, %broadcast_in_dim3A_469 : vector<16xf32>
        %mul3A_555 = arith.mulf %sub3A_554, %sub3A_554 : vector<16xf32>
        %add3A_556 = arith.addf %broadcast_in_dim3A_460, %mul3A_555 : vector<16xf32>
        %get3A_557 = arith.index_cast %add3A_473 : i32 to index
        %get3A_558 = arith.constant 192 : index
        %get3A_559 = tpu.vector_load %arg6[%get3A_557, %get3A_558] {strides = array<i32>} : memref<128x256xf32, #tpu.memory_space<vmem>>, vector<1x16xf32>,
        %get3A_560 = vector.shape_cast %get3A_559 : vector<1x16xf32> to vector<16xf32>
        %sub3A_561 = arith.subf %get3A_560, %broadcast_in_dim3A_469 : vector<16xf32>
        %mul3A_562 = arith.mulf %sub3A_561, %sub3A_561 : vector<16xf32>
        %add3A_563 = arith.addf %broadcast_in_dim3A_462, %mul3A_562 : vector<16xf32>
        %get3A_564 = arith.index_cast %add3A_473 : i32 to index
        %get3A_565 = arith.constant 208 : index
        %get3A_566 = tpu.vector_load %arg6[%get3A_564, %get3A_565] {strides = array<i32>} : memref<128x256xf32, #tpu.memory_space<vmem>>, vector<1x16xf32>,
        %get3A_567 = vector.shape_cast %get3A_566 : vector<1x16xf32> to vector<16xf32>
        %sub3A_568 = arith.subf %get3A_567, %broadcast_in_dim3A_469 : vector<16xf32>
        %mul3A_569 = arith.mulf %sub3A_568, %sub3A_568 : vector<16xf32>
        %add3A_570 = arith.addf %broadcast_in_dim3A_464, %mul3A_569 : vector<16xf32>
        %get3A_571 = arith.index_cast %add3A_473 : i32 to index
        %get3A_572 = arith.constant 224 : index
        %get3A_573 = tpu.vector_load %arg6[%get3A_571, %get3A_572] {strides = array<i32>} : memref<128x256xf32, #tpu.memory_space<vmem>>, vector<1x16xf32>,
        %get3A_574 = vector.shape_cast %get3A_573 : vector<1x16xf32> to vector<16xf32>
        %sub3A_575 = arith.subf %get3A_574, %broadcast_in_dim3A_469 : vector<16xf32>
        %mul3A_576 = arith.mulf %sub3A_575, %sub3A_575 : vector<16xf32>
        %add3A_577 = arith.addf %broadcast_in_dim3A_466, %mul3A_576 : vector<16xf32>
        %get3A_578 = arith.index_cast %add3A_473 : i32 to index
        %get3A_579 = arith.constant 240 : index
        %get3A_580 = tpu.vector_load %arg6[%get3A_578, %get3A_579] {strides = array<i32>} : memref<128x256xf32, #tpu.memory_space<vmem>>, vector<1x16xf32>,
        %get3A_581 = vector.shape_cast %get3A_580 : vector<1x16xf32> to vector<16xf32>
        %sub3A_582 = arith.subf %get3A_581, %broadcast_in_dim3A_469 : vector<16xf32>
        %mul3A_583 = arith.mulf %sub3A_582, %sub3A_582 : vector<16xf32>
        %add3A_584 = arith.addf %broadcast_in_dim3A_468, %mul3A_583 : vector<16xf32>
        %slice3A_585 = vector.extract_strided_slice %get3A_436 {offsets = [1], sizes = [1], strides = [1]} : vector<16xf32> to vector<1xf32>
        %squeeze3A_586 = vector.extract %slice3A_585[0] : f32 from vector<1xf32>
        %broadcast_in_dim3A_587 = vector.broadcast %squeeze3A_586 : f32 to vector<16xf32>
        %mul3A_588 = arith.constant 16 : i32
        %mul3A_589 = arith.muli %scan3A_415, %mul3A_588 : i32
        %add3A_590 = arith.constant 1 : i32
        %add3A_591 = arith.addi %mul3A_589, %add3A_590 : i32
        %get3A_592 = arith.index_cast %add3A_591 : i32 to index
        %get3A_593 = arith.constant 0 : index
        %get3A_594 = tpu.vector_load %arg6[%get3A_592, %get3A_593] {strides = array<i32>} : memref<128x256xf32, #tpu.memory_space<vmem>>, vector<1x16xf32>,
        %get3A_595 = vector.shape_cast %get3A_594 : vector<1x16xf32> to vector<16xf32>
        %sub3A_596 = arith.subf %get3A_595, %broadcast_in_dim3A_587 : vector<16xf32>
        %mul3A_597 = arith.mulf %sub3A_596, %sub3A_596 : vector<16xf32>
        %add3A_598 = arith.addf %add3A_479, %mul3A_597 : vector<16xf32>
        %get3A_599 = arith.index_cast %add3A_591 : i32 to index
        %get3A_600 = arith.constant 16 : index
        %get3A_601 = tpu.vector_load %arg6[%get3A_599, %get3A_600] {strides = array<i32>} : memref<128x256xf32, #tpu.memory_space<vmem>>, vector<1x16xf32>,
        %get3A_602 = vector.shape_cast %get3A_601 : vector<1x16xf32> to vector<16xf32>
        %sub3A_603 = arith.subf %get3A_602, %broadcast_in_dim3A_587 : vector<16xf32>
        %mul3A_604 = arith.mulf %sub3A_603, %sub3A_603 : vector<16xf32>
        %add3A_605 = arith.addf %add3A_486, %mul3A_604 : vector<16xf32>
        %get3A_606 = arith.index_cast %add3A_591 : i32 to index
        %get3A_607 = arith.constant 32 : index
        %get3A_608 = tpu.vector_load %arg6[%get3A_606, %get3A_607] {strides = array<i32>} : memref<128x256xf32, #tpu.memory_space<vmem>>, vector<1x16xf32>,
        %get3A_609 = vector.shape_cast %get3A_608 : vector<1x16xf32> to vector<16xf32>
        %sub3A_610 = arith.subf %get3A_609, %broadcast_in_dim3A_587 : vector<16xf32>
        %mul3A_611 = arith.mulf %sub3A_610, %sub3A_610 : vector<16xf32>
        %add3A_612 = arith.addf %add3A_493, %mul3A_611 : vector<16xf32>
        %get3A_613 = arith.index_cast %add3A_591 : i32 to index
        %get3A_614 = arith.constant 48 : index
        %get3A_615 = tpu.vector_load %arg6[%get3A_613, %get3A_614] {strides = array<i32>} : memref<128x256xf32, #tpu.memory_space<vmem>>, vector<1x16xf32>,
        %get3A_616 = vector.shape_cast %get3A_615 : vector<1x16xf32> to vector<16xf32>
        %sub3A_617 = arith.subf %get3A_616, %broadcast_in_dim3A_587 : vector<16xf32>
        %mul3A_618 = arith.mulf %sub3A_617, %sub3A_617 : vector<16xf32>
        %add3A_619 = arith.addf %add3A_500, %mul3A_618 : vector<16xf32>
        %get3A_620 = arith.index_cast %add3A_591 : i32 to index
        %get3A_621 = arith.constant 64 : index
        %get3A_622 = tpu.vector_load %arg6[%get3A_620, %get3A_621] {strides = array<i32>} : memref<128x256xf32, #tpu.memory_space<vmem>>, vector<1x16xf32>,
        %get3A_623 = vector.shape_cast %get3A_622 : vector<1x16xf32> to vector<16xf32>
        %sub3A_624 = arith.subf %get3A_623, %broadcast_in_dim3A_587 : vector<16xf32>
        %mul3A_625 = arith.mulf %sub3A_624, %sub3A_624 : vector<16xf32>
        %add3A_626 = arith.addf %add3A_507, %mul3A_625 : vector<16xf32>
        %get3A_627 = arith.index_cast %add3A_591 : i32 to index
        %get3A_628 = arith.constant 80 : index
        %get3A_629 = tpu.vector_load %arg6[%get3A_627, %get3A_628] {strides = array<i32>} : memref<128x256xf32, #tpu.memory_space<vmem>>, vector<1x16xf32>,
        %get3A_630 = vector.shape_cast %get3A_629 : vector<1x16xf32> to vector<16xf32>
        %sub3A_631 = arith.subf %get3A_630, %broadcast_in_dim3A_587 : vector<16xf32>
        %mul3A_632 = arith.mulf %sub3A_631, %sub3A_631 : vector<16xf32>
        %add3A_633 = arith.addf %add3A_514, %mul3A_632 : vector<16xf32>
        %get3A_634 = arith.index_cast %add3A_591 : i32 to index
        %get3A_635 = arith.constant 96 : index
        %get3A_636 = tpu.vector_load %arg6[%get3A_634, %get3A_635] {strides = array<i32>} : memref<128x256xf32, #tpu.memory_space<vmem>>, vector<1x16xf32>,
        %get3A_637 = vector.shape_cast %get3A_636 : vector<1x16xf32> to vector<16xf32>
        %sub3A_638 = arith.subf %get3A_637, %broadcast_in_dim3A_587 : vector<16xf32>
        %mul3A_639 = arith.mulf %sub3A_638, %sub3A_638 : vector<16xf32>
        %add3A_640 = arith.addf %add3A_521, %mul3A_639 : vector<16xf32>
        %get3A_641 = arith.index_cast %add3A_591 : i32 to index
        %get3A_642 = arith.constant 112 : index
        %get3A_643 = tpu.vector_load %arg6[%get3A_641, %get3A_642] {strides = array<i32>} : memref<128x256xf32, #tpu.memory_space<vmem>>, vector<1x16xf32>,
        %get3A_644 = vector.shape_cast %get3A_643 : vector<1x16xf32> to vector<16xf32>
        %sub3A_645 = arith.subf %get3A_644, %broadcast_in_dim3A_587 : vector<16xf32>
        %mul3A_646 = arith.mulf %sub3A_645, %sub3A_645 : vector<16xf32>
        %add3A_647 = arith.addf %add3A_528, %mul3A_646 : vector<16xf32>
        %get3A_648 = arith.index_cast %add3A_591 : i32 to index
        %get3A_649 = arith.constant 128 : index
        %get3A_650 = tpu.vector_load %arg6[%get3A_648, %get3A_649] {strides = array<i32>} : memref<128x256xf32, #tpu.memory_space<vmem>>, vector<1x16xf32>,
        %get3A_651 = vector.shape_cast %get3A_650 : vector<1x16xf32> to vector<16xf32>
        %sub3A_652 = arith.subf %get3A_651, %broadcast_in_dim3A_587 : vector<16xf32>
        %mul3A_653 = arith.mulf %sub3A_652, %sub3A_652 : vector<16xf32>
        %add3A_654 = arith.addf %add3A_535, %mul3A_653 : vector<16xf32>
        %get3A_655 = arith.index_cast %add3A_591 : i32 to index
        %get3A_656 = arith.constant 144 : index
        %get3A_657 = tpu.vector_load %arg6[%get3A_655, %get3A_656] {strides = array<i32>} : memref<128x256xf32, #tpu.memory_space<vmem>>, vector<1x16xf32>,
        %get3A_658 = vector.shape_cast %get3A_657 : vector<1x16xf32> to vector<16xf32>
        %sub3A_659 = arith.subf %get3A_658, %broadcast_in_dim3A_587 : vector<16xf32>
        %mul3A_660 = arith.mulf %sub3A_659, %sub3A_659 : vector<16xf32>
        %add3A_661 = arith.addf %add3A_542, %mul3A_660 : vector<16xf32>
        %get3A_662 = arith.index_cast %add3A_591 : i32 to index
        %get3A_663 = arith.constant 160 : index
        %get3A_664 = tpu.vector_load %arg6[%get3A_662, %get3A_663] {strides = array<i32>} : memref<128x256xf32, #tpu.memory_space<vmem>>, vector<1x16xf32>,
        %get3A_665 = vector.shape_cast %get3A_664 : vector<1x16xf32> to vector<16xf32>
        %sub3A_666 = arith.subf %get3A_665, %broadcast_in_dim3A_587 : vector<16xf32>
        %mul3A_667 = arith.mulf %sub3A_666, %sub3A_666 : vector<16xf32>
        %add3A_668 = arith.addf %add3A_549, %mul3A_667 : vector<16xf32>
        %get3A_669 = arith.index_cast %add3A_591 : i32 to index
        %get3A_670 = arith.constant 176 : index
        %get3A_671 = tpu.vector_load %arg6[%get3A_669, %get3A_670] {strides = array<i32>} : memref<128x256xf32, #tpu.memory_space<vmem>>, vector<1x16xf32>,
        %get3A_672 = vector.shape_cast %get3A_671 : vector<1x16xf32> to vector<16xf32>
        %sub3A_673 = arith.subf %get3A_672, %broadcast_in_dim3A_587 : vector<16xf32>
        %mul3A_674 = arith.mulf %sub3A_673, %sub3A_673 : vector<16xf32>
        %add3A_675 = arith.addf %add3A_556, %mul3A_674 : vector<16xf32>
        %get3A_676 = arith.index_cast %add3A_591 : i32 to index
        %get3A_677 = arith.constant 192 : index
        %get3A_678 = tpu.vector_load %arg6[%get3A_676, %get3A_677] {strides = array<i32>} : memref<128x256xf32, #tpu.memory_space<vmem>>, vector<1x16xf32>,
        %get3A_679 = vector.shape_cast %get3A_678 : vector<1x16xf32> to vector<16xf32>
        %sub3A_680 = arith.subf %get3A_679, %broadcast_in_dim3A_587 : vector<16xf32>
        %mul3A_681 = arith.mulf %sub3A_680, %sub3A_680 : vector<16xf32>
        %add3A_682 = arith.addf %add3A_563, %mul3A_681 : vector<16xf32>
        %get3A_683 = arith.index_cast %add3A_591 : i32 to index
        %get3A_684 = arith.constant 208 : index
        %get3A_685 = tpu.vector_load %arg6[%get3A_683, %get3A_684] {strides = array<i32>} : memref<128x256xf32, #tpu.memory_space<vmem>>, vector<1x16xf32>,
        %get3A_686 = vector.shape_cast %get3A_685 : vector<1x16xf32> to vector<16xf32>
        %sub3A_687 = arith.subf %get3A_686, %broadcast_in_dim3A_587 : vector<16xf32>
        %mul3A_688 = arith.mulf %sub3A_687, %sub3A_687 : vector<16xf32>
        %add3A_689 = arith.addf %add3A_570, %mul3A_688 : vector<16xf32>
        %get3A_690 = arith.index_cast %add3A_591 : i32 to index
        %get3A_691 = arith.constant 224 : index
        %get3A_692 = tpu.vector_load %arg6[%get3A_690, %get3A_691] {strides = array<i32>} : memref<128x256xf32, #tpu.memory_space<vmem>>, vector<1x16xf32>,
        %get3A_693 = vector.shape_cast %get3A_692 : vector<1x16xf32> to vector<16xf32>
        %sub3A_694 = arith.subf %get3A_693, %broadcast_in_dim3A_587 : vector<16xf32>
        %mul3A_695 = arith.mulf %sub3A_694, %sub3A_694 : vector<16xf32>
        %add3A_696 = arith.addf %add3A_577, %mul3A_695 : vector<16xf32>
        %get3A_697 = arith.index_cast %add3A_591 : i32 to index
        %get3A_698 = arith.constant 240 : index
        %get3A_699 = tpu.vector_load %arg6[%get3A_697, %get3A_698] {strides = array<i32>} : memref<128x256xf32, #tpu.memory_space<vmem>>, vector<1x16xf32>,
        %get3A_700 = vector.shape_cast %get3A_699 : vector<1x16xf32> to vector<16xf32>
        %sub3A_701 = arith.subf %get3A_700, %broadcast_in_dim3A_587 : vector<16xf32>
        %mul3A_702 = arith.mulf %sub3A_701, %sub3A_701 : vector<16xf32>
        %add3A_703 = arith.addf %add3A_584, %mul3A_702 : vector<16xf32>
        %slice3A_704 = vector.extract_strided_slice %get3A_436 {offsets = [2], sizes = [1], strides = [1]} : vector<16xf32> to vector<1xf32>
        %squeeze3A_705 = vector.extract %slice3A_704[0] : f32 from vector<1xf32>
        %broadcast_in_dim3A_706 = vector.broadcast %squeeze3A_705 : f32 to vector<16xf32>
        %mul3A_707 = arith.constant 16 : i32
        %mul3A_708 = arith.muli %scan3A_415, %mul3A_707 : i32
        %add3A_709 = arith.constant 2 : i32
        %add3A_710 = arith.addi %mul3A_708, %add3A_709 : i32
        %get3A_711 = arith.index_cast %add3A_710 : i32 to index
        %get3A_712 = arith.constant 0 : index
        %get3A_713 = tpu.vector_load %arg6[%get3A_711, %get3A_712] {strides = array<i32>} : memref<128x256xf32, #tpu.memory_space<vmem>>, vector<1x16xf32>,
        %get3A_714 = vector.shape_cast %get3A_713 : vector<1x16xf32> to vector<16xf32>
        %sub3A_715 = arith.subf %get3A_714, %broadcast_in_dim3A_706 : vector<16xf32>
        %mul3A_716 = arith.mulf %sub3A_715, %sub3A_715 : vector<16xf32>
        %add3A_717 = arith.addf %add3A_598, %mul3A_716 : vector<16xf32>
        %get3A_718 = arith.index_cast %add3A_710 : i32 to index
        %get3A_719 = arith.constant 16 : index
        %get3A_720 = tpu.vector_load %arg6[%get3A_718, %get3A_719] {strides = array<i32>} : memref<128x256xf32, #tpu.memory_space<vmem>>, vector<1x16xf32>,
        %get3A_721 = vector.shape_cast %get3A_720 : vector<1x16xf32> to vector<16xf32>
        %sub3A_722 = arith.subf %get3A_721, %broadcast_in_dim3A_706 : vector<16xf32>
        %mul3A_723 = arith.mulf %sub3A_722, %sub3A_722 : vector<16xf32>
        %add3A_724 = arith.addf %add3A_605, %mul3A_723 : vector<16xf32>
        %get3A_725 = arith.index_cast %add3A_710 : i32 to index
        %get3A_726 = arith.constant 32 : index
        %get3A_727 = tpu.vector_load %arg6[%get3A_725, %get3A_726] {strides = array<i32>} : memref<128x256xf32, #tpu.memory_space<vmem>>, vector<1x16xf32>,
        %get3A_728 = vector.shape_cast %get3A_727 : vector<1x16xf32> to vector<16xf32>
        %sub3A_729 = arith.subf %get3A_728, %broadcast_in_dim3A_706 : vector<16xf32>
        %mul3A_730 = arith.mulf %sub3A_729, %sub3A_729 : vector<16xf32>
        %add3A_731 = arith.addf %add3A_612, %mul3A_730 : vector<16xf32>
        %get3A_732 = arith.index_cast %add3A_710 : i32 to index
        %get3A_733 = arith.constant 48 : index
        %get3A_734 = tpu.vector_load %arg6[%get3A_732, %get3A_733] {strides = array<i32>} : memref<128x256xf32, #tpu.memory_space<vmem>>, vector<1x16xf32>,
        %get3A_735 = vector.shape_cast %get3A_734 : vector<1x16xf32> to vector<16xf32>
        %sub3A_736 = arith.subf %get3A_735, %broadcast_in_dim3A_706 : vector<16xf32>
        %mul3A_737 = arith.mulf %sub3A_736, %sub3A_736 : vector<16xf32>
        %add3A_738 = arith.addf %add3A_619, %mul3A_737 : vector<16xf32>
        %get3A_739 = arith.index_cast %add3A_710 : i32 to index
        %get3A_740 = arith.constant 64 : index
        %get3A_741 = tpu.vector_load %arg6[%get3A_739, %get3A_740] {strides = array<i32>} : memref<128x256xf32, #tpu.memory_space<vmem>>, vector<1x16xf32>,
        %get3A_742 = vector.shape_cast %get3A_741 : vector<1x16xf32> to vector<16xf32>
        %sub3A_743 = arith.subf %get3A_742, %broadcast_in_dim3A_706 : vector<16xf32>
        %mul3A_744 = arith.mulf %sub3A_743, %sub3A_743 : vector<16xf32>
        %add3A_745 = arith.addf %add3A_626, %mul3A_744 : vector<16xf32>
        %get3A_746 = arith.index_cast %add3A_710 : i32 to index
        %get3A_747 = arith.constant 80 : index
        %get3A_748 = tpu.vector_load %arg6[%get3A_746, %get3A_747] {strides = array<i32>} : memref<128x256xf32, #tpu.memory_space<vmem>>, vector<1x16xf32>,
        %get3A_749 = vector.shape_cast %get3A_748 : vector<1x16xf32> to vector<16xf32>
        %sub3A_750 = arith.subf %get3A_749, %broadcast_in_dim3A_706 : vector<16xf32>
        %mul3A_751 = arith.mulf %sub3A_750, %sub3A_750 : vector<16xf32>
        %add3A_752 = arith.addf %add3A_633, %mul3A_751 : vector<16xf32>
        %get3A_753 = arith.index_cast %add3A_710 : i32 to index
        %get3A_754 = arith.constant 96 : index
        %get3A_755 = tpu.vector_load %arg6[%get3A_753, %get3A_754] {strides = array<i32>} : memref<128x256xf32, #tpu.memory_space<vmem>>, vector<1x16xf32>,
        %get3A_756 = vector.shape_cast %get3A_755 : vector<1x16xf32> to vector<16xf32>
        %sub3A_757 = arith.subf %get3A_756, %broadcast_in_dim3A_706 : vector<16xf32>
        %mul3A_758 = arith.mulf %sub3A_757, %sub3A_757 : vector<16xf32>
        %add3A_759 = arith.addf %add3A_640, %mul3A_758 : vector<16xf32>
        %get3A_760 = arith.index_cast %add3A_710 : i32 to index
        %get3A_761 = arith.constant 112 : index
        %get3A_762 = tpu.vector_load %arg6[%get3A_760, %get3A_761] {strides = array<i32>} : memref<128x256xf32, #tpu.memory_space<vmem>>, vector<1x16xf32>,
        %get3A_763 = vector.shape_cast %get3A_762 : vector<1x16xf32> to vector<16xf32>
        %sub3A_764 = arith.subf %get3A_763, %broadcast_in_dim3A_706 : vector<16xf32>
        %mul3A_765 = arith.mulf %sub3A_764, %sub3A_764 : vector<16xf32>
        %add3A_766 = arith.addf %add3A_647, %mul3A_765 : vector<16xf32>
        %get3A_767 = arith.index_cast %add3A_710 : i32 to index
        %get3A_768 = arith.constant 128 : index
        %get3A_769 = tpu.vector_load %arg6[%get3A_767, %get3A_768] {strides = array<i32>} : memref<128x256xf32, #tpu.memory_space<vmem>>, vector<1x16xf32>,
        %get3A_770 = vector.shape_cast %get3A_769 : vector<1x16xf32> to vector<16xf32>
        %sub3A_771 = arith.subf %get3A_770, %broadcast_in_dim3A_706 : vector<16xf32>
        %mul3A_772 = arith.mulf %sub3A_771, %sub3A_771 : vector<16xf32>
        %add3A_773 = arith.addf %add3A_654, %mul3A_772 : vector<16xf32>
        %get3A_774 = arith.index_cast %add3A_710 : i32 to index
        %get3A_775 = arith.constant 144 : index
        %get3A_776 = tpu.vector_load %arg6[%get3A_774, %get3A_775] {strides = array<i32>} : memref<128x256xf32, #tpu.memory_space<vmem>>, vector<1x16xf32>,
        %get3A_777 = vector.shape_cast %get3A_776 : vector<1x16xf32> to vector<16xf32>
        %sub3A_778 = arith.subf %get3A_777, %broadcast_in_dim3A_706 : vector<16xf32>
        %mul3A_779 = arith.mulf %sub3A_778, %sub3A_778 : vector<16xf32>
        %add3A_780 = arith.addf %add3A_661, %mul3A_779 : vector<16xf32>
        %get3A_781 = arith.index_cast %add3A_710 : i32 to index
        %get3A_782 = arith.constant 160 : index
        %get3A_783 = tpu.vector_load %arg6[%get3A_781, %get3A_782] {strides = array<i32>} : memref<128x256xf32, #tpu.memory_space<vmem>>, vector<1x16xf32>,
        %get3A_784 = vector.shape_cast %get3A_783 : vector<1x16xf32> to vector<16xf32>
        %sub3A_785 = arith.subf %get3A_784, %broadcast_in_dim3A_706 : vector<16xf32>
        %mul3A_786 = arith.mulf %sub3A_785, %sub3A_785 : vector<16xf32>
        %add3A_787 = arith.addf %add3A_668, %mul3A_786 : vector<16xf32>
        %get3A_788 = arith.index_cast %add3A_710 : i32 to index
        %get3A_789 = arith.constant 176 : index
        %get3A_790 = tpu.vector_load %arg6[%get3A_788, %get3A_789] {strides = array<i32>} : memref<128x256xf32, #tpu.memory_space<vmem>>, vector<1x16xf32>,
        %get3A_791 = vector.shape_cast %get3A_790 : vector<1x16xf32> to vector<16xf32>
        %sub3A_792 = arith.subf %get3A_791, %broadcast_in_dim3A_706 : vector<16xf32>
        %mul3A_793 = arith.mulf %sub3A_792, %sub3A_792 : vector<16xf32>
        %add3A_794 = arith.addf %add3A_675, %mul3A_793 : vector<16xf32>
        %get3A_795 = arith.index_cast %add3A_710 : i32 to index
        %get3A_796 = arith.constant 192 : index
        %get3A_797 = tpu.vector_load %arg6[%get3A_795, %get3A_796] {strides = array<i32>} : memref<128x256xf32, #tpu.memory_space<vmem>>, vector<1x16xf32>,
        %get3A_798 = vector.shape_cast %get3A_797 : vector<1x16xf32> to vector<16xf32>
        %sub3A_799 = arith.subf %get3A_798, %broadcast_in_dim3A_706 : vector<16xf32>
        %mul3A_800 = arith.mulf %sub3A_799, %sub3A_799 : vector<16xf32>
        %add3A_801 = arith.addf %add3A_682, %mul3A_800 : vector<16xf32>
        %get3A_802 = arith.index_cast %add3A_710 : i32 to index
        %get3A_803 = arith.constant 208 : index
        %get3A_804 = tpu.vector_load %arg6[%get3A_802, %get3A_803] {strides = array<i32>} : memref<128x256xf32, #tpu.memory_space<vmem>>, vector<1x16xf32>,
        %get3A_805 = vector.shape_cast %get3A_804 : vector<1x16xf32> to vector<16xf32>
        %sub3A_806 = arith.subf %get3A_805, %broadcast_in_dim3A_706 : vector<16xf32>
        %mul3A_807 = arith.mulf %sub3A_806, %sub3A_806 : vector<16xf32>
        %add3A_808 = arith.addf %add3A_689, %mul3A_807 : vector<16xf32>
        %get3A_809 = arith.index_cast %add3A_710 : i32 to index
        %get3A_810 = arith.constant 224 : index
        %get3A_811 = tpu.vector_load %arg6[%get3A_809, %get3A_810] {strides = array<i32>} : memref<128x256xf32, #tpu.memory_space<vmem>>, vector<1x16xf32>,
        %get3A_812 = vector.shape_cast %get3A_811 : vector<1x16xf32> to vector<16xf32>
        %sub3A_813 = arith.subf %get3A_812, %broadcast_in_dim3A_706 : vector<16xf32>
        %mul3A_814 = arith.mulf %sub3A_813, %sub3A_813 : vector<16xf32>
        %add3A_815 = arith.addf %add3A_696, %mul3A_814 : vector<16xf32>
        %get3A_816 = arith.index_cast %add3A_710 : i32 to index
        %get3A_817 = arith.constant 240 : index
        %get3A_818 = tpu.vector_load %arg6[%get3A_816, %get3A_817] {strides = array<i32>} : memref<128x256xf32, #tpu.memory_space<vmem>>, vector<1x16xf32>,
        %get3A_819 = vector.shape_cast %get3A_818 : vector<1x16xf32> to vector<16xf32>
        %sub3A_820 = arith.subf %get3A_819, %broadcast_in_dim3A_706 : vector<16xf32>
        %mul3A_821 = arith.mulf %sub3A_820, %sub3A_820 : vector<16xf32>
        %add3A_822 = arith.addf %add3A_703, %mul3A_821 : vector<16xf32>
        %slice3A_823 = vector.extract_strided_slice %get3A_436 {offsets = [3], sizes = [1], strides = [1]} : vector<16xf32> to vector<1xf32>
        %squeeze3A_824 = vector.extract %slice3A_823[0] : f32 from vector<1xf32>
        %broadcast_in_dim3A_825 = vector.broadcast %squeeze3A_824 : f32 to vector<16xf32>
        %mul3A_826 = arith.constant 16 : i32
        %mul3A_827 = arith.muli %scan3A_415, %mul3A_826 : i32
        %add3A_828 = arith.constant 3 : i32
        %add3A_829 = arith.addi %mul3A_827, %add3A_828 : i32
        %get3A_830 = arith.index_cast %add3A_829 : i32 to index
        %get3A_831 = arith.constant 0 : index
        %get3A_832 = tpu.vector_load %arg6[%get3A_830, %get3A_831] {strides = array<i32>} : memref<128x256xf32, #tpu.memory_space<vmem>>, vector<1x16xf32>,
        %get3A_833 = vector.shape_cast %get3A_832 : vector<1x16xf32> to vector<16xf32>
        %sub3A_834 = arith.subf %get3A_833, %broadcast_in_dim3A_825 : vector<16xf32>
        %mul3A_835 = arith.mulf %sub3A_834, %sub3A_834 : vector<16xf32>
        %add3A_836 = arith.addf %add3A_717, %mul3A_835 : vector<16xf32>
        %get3A_837 = arith.index_cast %add3A_829 : i32 to index
        %get3A_838 = arith.constant 16 : index
        %get3A_839 = tpu.vector_load %arg6[%get3A_837, %get3A_838] {strides = array<i32>} : memref<128x256xf32, #tpu.memory_space<vmem>>, vector<1x16xf32>,
        %get3A_840 = vector.shape_cast %get3A_839 : vector<1x16xf32> to vector<16xf32>
        %sub3A_841 = arith.subf %get3A_840, %broadcast_in_dim3A_825 : vector<16xf32>
        %mul3A_842 = arith.mulf %sub3A_841, %sub3A_841 : vector<16xf32>
        %add3A_843 = arith.addf %add3A_724, %mul3A_842 : vector<16xf32>
        %get3A_844 = arith.index_cast %add3A_829 : i32 to index
        %get3A_845 = arith.constant 32 : index
        %get3A_846 = tpu.vector_load %arg6[%get3A_844, %get3A_845] {strides = array<i32>} : memref<128x256xf32, #tpu.memory_space<vmem>>, vector<1x16xf32>,
        %get3A_847 = vector.shape_cast %get3A_846 : vector<1x16xf32> to vector<16xf32>
        %sub3A_848 = arith.subf %get3A_847, %broadcast_in_dim3A_825 : vector<16xf32>
        %mul3A_849 = arith.mulf %sub3A_848, %sub3A_848 : vector<16xf32>
        %add3A_850 = arith.addf %add3A_731, %mul3A_849 : vector<16xf32>
        %get3A_851 = arith.index_cast %add3A_829 : i32 to index
        %get3A_852 = arith.constant 48 : index
        %get3A_853 = tpu.vector_load %arg6[%get3A_851, %get3A_852] {strides = array<i32>} : memref<128x256xf32, #tpu.memory_space<vmem>>, vector<1x16xf32>,
        %get3A_854 = vector.shape_cast %get3A_853 : vector<1x16xf32> to vector<16xf32>
        %sub3A_855 = arith.subf %get3A_854, %broadcast_in_dim3A_825 : vector<16xf32>
        %mul3A_856 = arith.mulf %sub3A_855, %sub3A_855 : vector<16xf32>
        %add3A_857 = arith.addf %add3A_738, %mul3A_856 : vector<16xf32>
        %get3A_858 = arith.index_cast %add3A_829 : i32 to index
        %get3A_859 = arith.constant 64 : index
        %get3A_860 = tpu.vector_load %arg6[%get3A_858, %get3A_859] {strides = array<i32>} : memref<128x256xf32, #tpu.memory_space<vmem>>, vector<1x16xf32>,
        %get3A_861 = vector.shape_cast %get3A_860 : vector<1x16xf32> to vector<16xf32>
        %sub3A_862 = arith.subf %get3A_861, %broadcast_in_dim3A_825 : vector<16xf32>
        %mul3A_863 = arith.mulf %sub3A_862, %sub3A_862 : vector<16xf32>
        %add3A_864 = arith.addf %add3A_745, %mul3A_863 : vector<16xf32>
        %get3A_865 = arith.index_cast %add3A_829 : i32 to index
        %get3A_866 = arith.constant 80 : index
        %get3A_867 = tpu.vector_load %arg6[%get3A_865, %get3A_866] {strides = array<i32>} : memref<128x256xf32, #tpu.memory_space<vmem>>, vector<1x16xf32>,
        %get3A_868 = vector.shape_cast %get3A_867 : vector<1x16xf32> to vector<16xf32>
        %sub3A_869 = arith.subf %get3A_868, %broadcast_in_dim3A_825 : vector<16xf32>
        %mul3A_870 = arith.mulf %sub3A_869, %sub3A_869 : vector<16xf32>
        %add3A_871 = arith.addf %add3A_752, %mul3A_870 : vector<16xf32>
        %get3A_872 = arith.index_cast %add3A_829 : i32 to index
        %get3A_873 = arith.constant 96 : index
        %get3A_874 = tpu.vector_load %arg6[%get3A_872, %get3A_873] {strides = array<i32>} : memref<128x256xf32, #tpu.memory_space<vmem>>, vector<1x16xf32>,
        %get3A_875 = vector.shape_cast %get3A_874 : vector<1x16xf32> to vector<16xf32>
        %sub3A_876 = arith.subf %get3A_875, %broadcast_in_dim3A_825 : vector<16xf32>
        %mul3A_877 = arith.mulf %sub3A_876, %sub3A_876 : vector<16xf32>
        %add3A_878 = arith.addf %add3A_759, %mul3A_877 : vector<16xf32>
        %get3A_879 = arith.index_cast %add3A_829 : i32 to index
        %get3A_880 = arith.constant 112 : index
        %get3A_881 = tpu.vector_load %arg6[%get3A_879, %get3A_880] {strides = array<i32>} : memref<128x256xf32, #tpu.memory_space<vmem>>, vector<1x16xf32>,
        %get3A_882 = vector.shape_cast %get3A_881 : vector<1x16xf32> to vector<16xf32>
        %sub3A_883 = arith.subf %get3A_882, %broadcast_in_dim3A_825 : vector<16xf32>
        %mul3A_884 = arith.mulf %sub3A_883, %sub3A_883 : vector<16xf32>
        %add3A_885 = arith.addf %add3A_766, %mul3A_884 : vector<16xf32>
        %get3A_886 = arith.index_cast %add3A_829 : i32 to index
        %get3A_887 = arith.constant 128 : index
        %get3A_888 = tpu.vector_load %arg6[%get3A_886, %get3A_887] {strides = array<i32>} : memref<128x256xf32, #tpu.memory_space<vmem>>, vector<1x16xf32>,
        %get3A_889 = vector.shape_cast %get3A_888 : vector<1x16xf32> to vector<16xf32>
        %sub3A_890 = arith.subf %get3A_889, %broadcast_in_dim3A_825 : vector<16xf32>
        %mul3A_891 = arith.mulf %sub3A_890, %sub3A_890 : vector<16xf32>
        %add3A_892 = arith.addf %add3A_773, %mul3A_891 : vector<16xf32>
        %get3A_893 = arith.index_cast %add3A_829 : i32 to index
        %get3A_894 = arith.constant 144 : index
        %get3A_895 = tpu.vector_load %arg6[%get3A_893, %get3A_894] {strides = array<i32>} : memref<128x256xf32, #tpu.memory_space<vmem>>, vector<1x16xf32>,
        %get3A_896 = vector.shape_cast %get3A_895 : vector<1x16xf32> to vector<16xf32>
        %sub3A_897 = arith.subf %get3A_896, %broadcast_in_dim3A_825 : vector<16xf32>
        %mul3A_898 = arith.mulf %sub3A_897, %sub3A_897 : vector<16xf32>
        %add3A_899 = arith.addf %add3A_780, %mul3A_898 : vector<16xf32>
        %get3A_900 = arith.index_cast %add3A_829 : i32 to index
        %get3A_901 = arith.constant 160 : index
        %get3A_902 = tpu.vector_load %arg6[%get3A_900, %get3A_901] {strides = array<i32>} : memref<128x256xf32, #tpu.memory_space<vmem>>, vector<1x16xf32>,
        %get3A_903 = vector.shape_cast %get3A_902 : vector<1x16xf32> to vector<16xf32>
        %sub3A_904 = arith.subf %get3A_903, %broadcast_in_dim3A_825 : vector<16xf32>
        %mul3A_905 = arith.mulf %sub3A_904, %sub3A_904 : vector<16xf32>
        %add3A_906 = arith.addf %add3A_787, %mul3A_905 : vector<16xf32>
        %get3A_907 = arith.index_cast %add3A_829 : i32 to index
        %get3A_908 = arith.constant 176 : index
        %get3A_909 = tpu.vector_load %arg6[%get3A_907, %get3A_908] {strides = array<i32>} : memref<128x256xf32, #tpu.memory_space<vmem>>, vector<1x16xf32>,
        %get3A_910 = vector.shape_cast %get3A_909 : vector<1x16xf32> to vector<16xf32>
        %sub3A_911 = arith.subf %get3A_910, %broadcast_in_dim3A_825 : vector<16xf32>
        %mul3A_912 = arith.mulf %sub3A_911, %sub3A_911 : vector<16xf32>
        %add3A_913 = arith.addf %add3A_794, %mul3A_912 : vector<16xf32>
        %get3A_914 = arith.index_cast %add3A_829 : i32 to index
        %get3A_915 = arith.constant 192 : index
        %get3A_916 = tpu.vector_load %arg6[%get3A_914, %get3A_915] {strides = array<i32>} : memref<128x256xf32, #tpu.memory_space<vmem>>, vector<1x16xf32>,
        %get3A_917 = vector.shape_cast %get3A_916 : vector<1x16xf32> to vector<16xf32>
        %sub3A_918 = arith.subf %get3A_917, %broadcast_in_dim3A_825 : vector<16xf32>
        %mul3A_919 = arith.mulf %sub3A_918, %sub3A_918 : vector<16xf32>
        %add3A_920 = arith.addf %add3A_801, %mul3A_919 : vector<16xf32>
        %get3A_921 = arith.index_cast %add3A_829 : i32 to index
        %get3A_922 = arith.constant 208 : index
        %get3A_923 = tpu.vector_load %arg6[%get3A_921, %get3A_922] {strides = array<i32>} : memref<128x256xf32, #tpu.memory_space<vmem>>, vector<1x16xf32>,
        %get3A_924 = vector.shape_cast %get3A_923 : vector<1x16xf32> to vector<16xf32>
        %sub3A_925 = arith.subf %get3A_924, %broadcast_in_dim3A_825 : vector<16xf32>
        %mul3A_926 = arith.mulf %sub3A_925, %sub3A_925 : vector<16xf32>
        %add3A_927 = arith.addf %add3A_808, %mul3A_926 : vector<16xf32>
        %get3A_928 = arith.index_cast %add3A_829 : i32 to index
        %get3A_929 = arith.constant 224 : index
        %get3A_930 = tpu.vector_load %arg6[%get3A_928, %get3A_929] {strides = array<i32>} : memref<128x256xf32, #tpu.memory_space<vmem>>, vector<1x16xf32>,
        %get3A_931 = vector.shape_cast %get3A_930 : vector<1x16xf32> to vector<16xf32>
        %sub3A_932 = arith.subf %get3A_931, %broadcast_in_dim3A_825 : vector<16xf32>
        %mul3A_933 = arith.mulf %sub3A_932, %sub3A_932 : vector<16xf32>
        %add3A_934 = arith.addf %add3A_815, %mul3A_933 : vector<16xf32>
        %get3A_935 = arith.index_cast %add3A_829 : i32 to index
        %get3A_936 = arith.constant 240 : index
        %get3A_937 = tpu.vector_load %arg6[%get3A_935, %get3A_936] {strides = array<i32>} : memref<128x256xf32, #tpu.memory_space<vmem>>, vector<1x16xf32>,
        %get3A_938 = vector.shape_cast %get3A_937 : vector<1x16xf32> to vector<16xf32>
        %sub3A_939 = arith.subf %get3A_938, %broadcast_in_dim3A_825 : vector<16xf32>
        %mul3A_940 = arith.mulf %sub3A_939, %sub3A_939 : vector<16xf32>
        %add3A_941 = arith.addf %add3A_822, %mul3A_940 : vector<16xf32>
        %slice3A_942 = vector.extract_strided_slice %get3A_436 {offsets = [4], sizes = [1], strides = [1]} : vector<16xf32> to vector<1xf32>
        %squeeze3A_943 = vector.extract %slice3A_942[0] : f32 from vector<1xf32>
        %broadcast_in_dim3A_944 = vector.broadcast %squeeze3A_943 : f32 to vector<16xf32>
        %mul3A_945 = arith.constant 16 : i32
        %mul3A_946 = arith.muli %scan3A_415, %mul3A_945 : i32
        %add3A_947 = arith.constant 4 : i32
        %add3A_948 = arith.addi %mul3A_946, %add3A_947 : i32
        %get3A_949 = arith.index_cast %add3A_948 : i32 to index
        %get3A_950 = arith.constant 0 : index
        %get3A_951 = tpu.vector_load %arg6[%get3A_949, %get3A_950] {strides = array<i32>} : memref<128x256xf32, #tpu.memory_space<vmem>>, vector<1x16xf32>,
        %get3A_952 = vector.shape_cast %get3A_951 : vector<1x16xf32> to vector<16xf32>
        %sub3A_953 = arith.subf %get3A_952, %broadcast_in_dim3A_944 : vector<16xf32>
        %mul3A_954 = arith.mulf %sub3A_953, %sub3A_953 : vector<16xf32>
        %add3A_955 = arith.addf %add3A_836, %mul3A_954 : vector<16xf32>
        %get3A_956 = arith.index_cast %add3A_948 : i32 to index
        %get3A_957 = arith.constant 16 : index
        %get3A_958 = tpu.vector_load %arg6[%get3A_956, %get3A_957] {strides = array<i32>} : memref<128x256xf32, #tpu.memory_space<vmem>>, vector<1x16xf32>,
        %get3A_959 = vector.shape_cast %get3A_958 : vector<1x16xf32> to vector<16xf32>
        %sub3A_960 = arith.subf %get3A_959, %broadcast_in_dim3A_944 : vector<16xf32>
        %mul3A_961 = arith.mulf %sub3A_960, %sub3A_960 : vector<16xf32>
        %add3A_962 = arith.addf %add3A_843, %mul3A_961 : vector<16xf32>
        %get3A_963 = arith.index_cast %add3A_948 : i32 to index
        %get3A_964 = arith.constant 32 : index
        %get3A_965 = tpu.vector_load %arg6[%get3A_963, %get3A_964] {strides = array<i32>} : memref<128x256xf32, #tpu.memory_space<vmem>>, vector<1x16xf32>,
        %get3A_966 = vector.shape_cast %get3A_965 : vector<1x16xf32> to vector<16xf32>
        %sub3A_967 = arith.subf %get3A_966, %broadcast_in_dim3A_944 : vector<16xf32>
        %mul3A_968 = arith.mulf %sub3A_967, %sub3A_967 : vector<16xf32>
        %add3A_969 = arith.addf %add3A_850, %mul3A_968 : vector<16xf32>
        %get3A_970 = arith.index_cast %add3A_948 : i32 to index
        %get3A_971 = arith.constant 48 : index
        %get3A_972 = tpu.vector_load %arg6[%get3A_970, %get3A_971] {strides = array<i32>} : memref<128x256xf32, #tpu.memory_space<vmem>>, vector<1x16xf32>,
        %get3A_973 = vector.shape_cast %get3A_972 : vector<1x16xf32> to vector<16xf32>
        %sub3A_974 = arith.subf %get3A_973, %broadcast_in_dim3A_944 : vector<16xf32>
        %mul3A_975 = arith.mulf %sub3A_974, %sub3A_974 : vector<16xf32>
        %add3A_976 = arith.addf %add3A_857, %mul3A_975 : vector<16xf32>
        %get3A_977 = arith.index_cast %add3A_948 : i32 to index
        %get3A_978 = arith.constant 64 : index
        %get3A_979 = tpu.vector_load %arg6[%get3A_977, %get3A_978] {strides = array<i32>} : memref<128x256xf32, #tpu.memory_space<vmem>>, vector<1x16xf32>,
        %get3A_980 = vector.shape_cast %get3A_979 : vector<1x16xf32> to vector<16xf32>
        %sub3A_981 = arith.subf %get3A_980, %broadcast_in_dim3A_944 : vector<16xf32>
        %mul3A_982 = arith.mulf %sub3A_981, %sub3A_981 : vector<16xf32>
        %add3A_983 = arith.addf %add3A_864, %mul3A_982 : vector<16xf32>
        %get3A_984 = arith.index_cast %add3A_948 : i32 to index
        %get3A_985 = arith.constant 80 : index
        %get3A_986 = tpu.vector_load %arg6[%get3A_984, %get3A_985] {strides = array<i32>} : memref<128x256xf32, #tpu.memory_space<vmem>>, vector<1x16xf32>,
        %get3A_987 = vector.shape_cast %get3A_986 : vector<1x16xf32> to vector<16xf32>
        %sub3A_988 = arith.subf %get3A_987, %broadcast_in_dim3A_944 : vector<16xf32>
        %mul3A_989 = arith.mulf %sub3A_988, %sub3A_988 : vector<16xf32>
        %add3A_990 = arith.addf %add3A_871, %mul3A_989 : vector<16xf32>
        %get3A_991 = arith.index_cast %add3A_948 : i32 to index
        %get3A_992 = arith.constant 96 : index
        %get3A_993 = tpu.vector_load %arg6[%get3A_991, %get3A_992] {strides = array<i32>} : memref<128x256xf32, #tpu.memory_space<vmem>>, vector<1x16xf32>,
        %get3A_994 = vector.shape_cast %get3A_993 : vector<1x16xf32> to vector<16xf32>
        %sub3A_995 = arith.subf %get3A_994, %broadcast_in_dim3A_944 : vector<16xf32>
        %mul3A_996 = arith.mulf %sub3A_995, %sub3A_995 : vector<16xf32>
        %add3A_997 = arith.addf %add3A_878, %mul3A_996 : vector<16xf32>
        %get3A_998 = arith.index_cast %add3A_948 : i32 to index
        %get3A_999 = arith.constant 112 : index
        %get3A_1000 = tpu.vector_load %arg6[%get3A_998, %get3A_999] {strides = array<i32>} : memref<128x256xf32, #tpu.memory_space<vmem>>, vector<1x16xf32>,
        %get3A_1001 = vector.shape_cast %get3A_1000 : vector<1x16xf32> to vector<16xf32>
        %sub3A_1002 = arith.subf %get3A_1001, %broadcast_in_dim3A_944 : vector<16xf32>
        %mul3A_1003 = arith.mulf %sub3A_1002, %sub3A_1002 : vector<16xf32>
        %add3A_1004 = arith.addf %add3A_885, %mul3A_1003 : vector<16xf32>
        %get3A_1005 = arith.index_cast %add3A_948 : i32 to index
        %get3A_1006 = arith.constant 128 : index
        %get3A_1007 = tpu.vector_load %arg6[%get3A_1005, %get3A_1006] {strides = array<i32>} : memref<128x256xf32, #tpu.memory_space<vmem>>, vector<1x16xf32>,
        %get3A_1008 = vector.shape_cast %get3A_1007 : vector<1x16xf32> to vector<16xf32>
        %sub3A_1009 = arith.subf %get3A_1008, %broadcast_in_dim3A_944 : vector<16xf32>
        %mul3A_1010 = arith.mulf %sub3A_1009, %sub3A_1009 : vector<16xf32>
        %add3A_1011 = arith.addf %add3A_892, %mul3A_1010 : vector<16xf32>
        %get3A_1012 = arith.index_cast %add3A_948 : i32 to index
        %get3A_1013 = arith.constant 144 : index
        %get3A_1014 = tpu.vector_load %arg6[%get3A_1012, %get3A_1013] {strides = array<i32>} : memref<128x256xf32, #tpu.memory_space<vmem>>, vector<1x16xf32>,
        %get3A_1015 = vector.shape_cast %get3A_1014 : vector<1x16xf32> to vector<16xf32>
        %sub3A_1016 = arith.subf %get3A_1015, %broadcast_in_dim3A_944 : vector<16xf32>
        %mul3A_1017 = arith.mulf %sub3A_1016, %sub3A_1016 : vector<16xf32>
        %add3A_1018 = arith.addf %add3A_899, %mul3A_1017 : vector<16xf32>
        %get3A_1019 = arith.index_cast %add3A_948 : i32 to index
        %get3A_1020 = arith.constant 160 : index
        %get3A_1021 = tpu.vector_load %arg6[%get3A_1019, %get3A_1020] {strides = array<i32>} : memref<128x256xf32, #tpu.memory_space<vmem>>, vector<1x16xf32>,
        %get3A_1022 = vector.shape_cast %get3A_1021 : vector<1x16xf32> to vector<16xf32>
        %sub3A_1023 = arith.subf %get3A_1022, %broadcast_in_dim3A_944 : vector<16xf32>
        %mul3A_1024 = arith.mulf %sub3A_1023, %sub3A_1023 : vector<16xf32>
        %add3A_1025 = arith.addf %add3A_906, %mul3A_1024 : vector<16xf32>
        %get3A_1026 = arith.index_cast %add3A_948 : i32 to index
        %get3A_1027 = arith.constant 176 : index
        %get3A_1028 = tpu.vector_load %arg6[%get3A_1026, %get3A_1027] {strides = array<i32>} : memref<128x256xf32, #tpu.memory_space<vmem>>, vector<1x16xf32>,
        %get3A_1029 = vector.shape_cast %get3A_1028 : vector<1x16xf32> to vector<16xf32>
        %sub3A_1030 = arith.subf %get3A_1029, %broadcast_in_dim3A_944 : vector<16xf32>
        %mul3A_1031 = arith.mulf %sub3A_1030, %sub3A_1030 : vector<16xf32>
        %add3A_1032 = arith.addf %add3A_913, %mul3A_1031 : vector<16xf32>
        %get3A_1033 = arith.index_cast %add3A_948 : i32 to index
        %get3A_1034 = arith.constant 192 : index
        %get3A_1035 = tpu.vector_load %arg6[%get3A_1033, %get3A_1034] {strides = array<i32>} : memref<128x256xf32, #tpu.memory_space<vmem>>, vector<1x16xf32>,
        %get3A_1036 = vector.shape_cast %get3A_1035 : vector<1x16xf32> to vector<16xf32>
        %sub3A_1037 = arith.subf %get3A_1036, %broadcast_in_dim3A_944 : vector<16xf32>
        %mul3A_1038 = arith.mulf %sub3A_1037, %sub3A_1037 : vector<16xf32>
        %add3A_1039 = arith.addf %add3A_920, %mul3A_1038 : vector<16xf32>
        %get3A_1040 = arith.index_cast %add3A_948 : i32 to index
        %get3A_1041 = arith.constant 208 : index
        %get3A_1042 = tpu.vector_load %arg6[%get3A_1040, %get3A_1041] {strides = array<i32>} : memref<128x256xf32, #tpu.memory_space<vmem>>, vector<1x16xf32>,
        %get3A_1043 = vector.shape_cast %get3A_1042 : vector<1x16xf32> to vector<16xf32>
        %sub3A_1044 = arith.subf %get3A_1043, %broadcast_in_dim3A_944 : vector<16xf32>
        %mul3A_1045 = arith.mulf %sub3A_1044, %sub3A_1044 : vector<16xf32>
        %add3A_1046 = arith.addf %add3A_927, %mul3A_1045 : vector<16xf32>
        %get3A_1047 = arith.index_cast %add3A_948 : i32 to index
        %get3A_1048 = arith.constant 224 : index
        %get3A_1049 = tpu.vector_load %arg6[%get3A_1047, %get3A_1048] {strides = array<i32>} : memref<128x256xf32, #tpu.memory_space<vmem>>, vector<1x16xf32>,
        %get3A_1050 = vector.shape_cast %get3A_1049 : vector<1x16xf32> to vector<16xf32>
        %sub3A_1051 = arith.subf %get3A_1050, %broadcast_in_dim3A_944 : vector<16xf32>
        %mul3A_1052 = arith.mulf %sub3A_1051, %sub3A_1051 : vector<16xf32>
        %add3A_1053 = arith.addf %add3A_934, %mul3A_1052 : vector<16xf32>
        %get3A_1054 = arith.index_cast %add3A_948 : i32 to index
        %get3A_1055 = arith.constant 240 : index
        %get3A_1056 = tpu.vector_load %arg6[%get3A_1054, %get3A_1055] {strides = array<i32>} : memref<128x256xf32, #tpu.memory_space<vmem>>, vector<1x16xf32>,
        %get3A_1057 = vector.shape_cast %get3A_1056 : vector<1x16xf32> to vector<16xf32>
        %sub3A_1058 = arith.subf %get3A_1057, %broadcast_in_dim3A_944 : vector<16xf32>
        %mul3A_1059 = arith.mulf %sub3A_1058, %sub3A_1058 : vector<16xf32>
        %add3A_1060 = arith.addf %add3A_941, %mul3A_1059 : vector<16xf32>
        %slice3A_1061 = vector.extract_strided_slice %get3A_436 {offsets = [5], sizes = [1], strides = [1]} : vector<16xf32> to vector<1xf32>
        %squeeze3A_1062 = vector.extract %slice3A_1061[0] : f32 from vector<1xf32>
        %broadcast_in_dim3A_1063 = vector.broadcast %squeeze3A_1062 : f32 to vector<16xf32>
        %mul3A_1064 = arith.constant 16 : i32
        %mul3A_1065 = arith.muli %scan3A_415, %mul3A_1064 : i32
        %add3A_1066 = arith.constant 5 : i32
        %add3A_1067 = arith.addi %mul3A_1065, %add3A_1066 : i32
        %get3A_1068 = arith.index_cast %add3A_1067 : i32 to index
        %get3A_1069 = arith.constant 0 : index
        %get3A_1070 = tpu.vector_load %arg6[%get3A_1068, %get3A_1069] {strides = array<i32>} : memref<128x256xf32, #tpu.memory_space<vmem>>, vector<1x16xf32>,
        %get3A_1071 = vector.shape_cast %get3A_1070 : vector<1x16xf32> to vector<16xf32>
        %sub3A_1072 = arith.subf %get3A_1071, %broadcast_in_dim3A_1063 : vector<16xf32>
        %mul3A_1073 = arith.mulf %sub3A_1072, %sub3A_1072 : vector<16xf32>
        %add3A_1074 = arith.addf %add3A_955, %mul3A_1073 : vector<16xf32>
        %get3A_1075 = arith.index_cast %add3A_1067 : i32 to index
        %get3A_1076 = arith.constant 16 : index
        %get3A_1077 = tpu.vector_load %arg6[%get3A_1075, %get3A_1076] {strides = array<i32>} : memref<128x256xf32, #tpu.memory_space<vmem>>, vector<1x16xf32>,
        %get3A_1078 = vector.shape_cast %get3A_1077 : vector<1x16xf32> to vector<16xf32>
        %sub3A_1079 = arith.subf %get3A_1078, %broadcast_in_dim3A_1063 : vector<16xf32>
        %mul3A_1080 = arith.mulf %sub3A_1079, %sub3A_1079 : vector<16xf32>
        %add3A_1081 = arith.addf %add3A_962, %mul3A_1080 : vector<16xf32>
        %get3A_1082 = arith.index_cast %add3A_1067 : i32 to index
        %get3A_1083 = arith.constant 32 : index
        %get3A_1084 = tpu.vector_load %arg6[%get3A_1082, %get3A_1083] {strides = array<i32>} : memref<128x256xf32, #tpu.memory_space<vmem>>, vector<1x16xf32>,
        %get3A_1085 = vector.shape_cast %get3A_1084 : vector<1x16xf32> to vector<16xf32>
        %sub3A_1086 = arith.subf %get3A_1085, %broadcast_in_dim3A_1063 : vector<16xf32>
        %mul3A_1087 = arith.mulf %sub3A_1086, %sub3A_1086 : vector<16xf32>
        %add3A_1088 = arith.addf %add3A_969, %mul3A_1087 : vector<16xf32>
        %get3A_1089 = arith.index_cast %add3A_1067 : i32 to index
        %get3A_1090 = arith.constant 48 : index
        %get3A_1091 = tpu.vector_load %arg6[%get3A_1089, %get3A_1090] {strides = array<i32>} : memref<128x256xf32, #tpu.memory_space<vmem>>, vector<1x16xf32>,
        %get3A_1092 = vector.shape_cast %get3A_1091 : vector<1x16xf32> to vector<16xf32>
        %sub3A_1093 = arith.subf %get3A_1092, %broadcast_in_dim3A_1063 : vector<16xf32>
        %mul3A_1094 = arith.mulf %sub3A_1093, %sub3A_1093 : vector<16xf32>
        %add3A_1095 = arith.addf %add3A_976, %mul3A_1094 : vector<16xf32>
        %get3A_1096 = arith.index_cast %add3A_1067 : i32 to index
        %get3A_1097 = arith.constant 64 : index
        %get3A_1098 = tpu.vector_load %arg6[%get3A_1096, %get3A_1097] {strides = array<i32>} : memref<128x256xf32, #tpu.memory_space<vmem>>, vector<1x16xf32>,
        %get3A_1099 = vector.shape_cast %get3A_1098 : vector<1x16xf32> to vector<16xf32>
        %sub3A_1100 = arith.subf %get3A_1099, %broadcast_in_dim3A_1063 : vector<16xf32>
        %mul3A_1101 = arith.mulf %sub3A_1100, %sub3A_1100 : vector<16xf32>
        %add3A_1102 = arith.addf %add3A_983, %mul3A_1101 : vector<16xf32>
        %get3A_1103 = arith.index_cast %add3A_1067 : i32 to index
        %get3A_1104 = arith.constant 80 : index
        %get3A_1105 = tpu.vector_load %arg6[%get3A_1103, %get3A_1104] {strides = array<i32>} : memref<128x256xf32, #tpu.memory_space<vmem>>, vector<1x16xf32>,
        %get3A_1106 = vector.shape_cast %get3A_1105 : vector<1x16xf32> to vector<16xf32>
        %sub3A_1107 = arith.subf %get3A_1106, %broadcast_in_dim3A_1063 : vector<16xf32>
        %mul3A_1108 = arith.mulf %sub3A_1107, %sub3A_1107 : vector<16xf32>
        %add3A_1109 = arith.addf %add3A_990, %mul3A_1108 : vector<16xf32>
        %get3A_1110 = arith.index_cast %add3A_1067 : i32 to index
        %get3A_1111 = arith.constant 96 : index
        %get3A_1112 = tpu.vector_load %arg6[%get3A_1110, %get3A_1111] {strides = array<i32>} : memref<128x256xf32, #tpu.memory_space<vmem>>, vector<1x16xf32>,
        %get3A_1113 = vector.shape_cast %get3A_1112 : vector<1x16xf32> to vector<16xf32>
        %sub3A_1114 = arith.subf %get3A_1113, %broadcast_in_dim3A_1063 : vector<16xf32>
        %mul3A_1115 = arith.mulf %sub3A_1114, %sub3A_1114 : vector<16xf32>
        %add3A_1116 = arith.addf %add3A_997, %mul3A_1115 : vector<16xf32>
        %get3A_1117 = arith.index_cast %add3A_1067 : i32 to index
        %get3A_1118 = arith.constant 112 : index
        %get3A_1119 = tpu.vector_load %arg6[%get3A_1117, %get3A_1118] {strides = array<i32>} : memref<128x256xf32, #tpu.memory_space<vmem>>, vector<1x16xf32>,
        %get3A_1120 = vector.shape_cast %get3A_1119 : vector<1x16xf32> to vector<16xf32>
        %sub3A_1121 = arith.subf %get3A_1120, %broadcast_in_dim3A_1063 : vector<16xf32>
        %mul3A_1122 = arith.mulf %sub3A_1121, %sub3A_1121 : vector<16xf32>
        %add3A_1123 = arith.addf %add3A_1004, %mul3A_1122 : vector<16xf32>
        %get3A_1124 = arith.index_cast %add3A_1067 : i32 to index
        %get3A_1125 = arith.constant 128 : index
        %get3A_1126 = tpu.vector_load %arg6[%get3A_1124, %get3A_1125] {strides = array<i32>} : memref<128x256xf32, #tpu.memory_space<vmem>>, vector<1x16xf32>,
        %get3A_1127 = vector.shape_cast %get3A_1126 : vector<1x16xf32> to vector<16xf32>
        %sub3A_1128 = arith.subf %get3A_1127, %broadcast_in_dim3A_1063 : vector<16xf32>
        %mul3A_1129 = arith.mulf %sub3A_1128, %sub3A_1128 : vector<16xf32>
        %add3A_1130 = arith.addf %add3A_1011, %mul3A_1129 : vector<16xf32>
        %get3A_1131 = arith.index_cast %add3A_1067 : i32 to index
        %get3A_1132 = arith.constant 144 : index
        %get3A_1133 = tpu.vector_load %arg6[%get3A_1131, %get3A_1132] {strides = array<i32>} : memref<128x256xf32, #tpu.memory_space<vmem>>, vector<1x16xf32>,
        %get3A_1134 = vector.shape_cast %get3A_1133 : vector<1x16xf32> to vector<16xf32>
        %sub3A_1135 = arith.subf %get3A_1134, %broadcast_in_dim3A_1063 : vector<16xf32>
        %mul3A_1136 = arith.mulf %sub3A_1135, %sub3A_1135 : vector<16xf32>
        %add3A_1137 = arith.addf %add3A_1018, %mul3A_1136 : vector<16xf32>
        %get3A_1138 = arith.index_cast %add3A_1067 : i32 to index
        %get3A_1139 = arith.constant 160 : index
        %get3A_1140 = tpu.vector_load %arg6[%get3A_1138, %get3A_1139] {strides = array<i32>} : memref<128x256xf32, #tpu.memory_space<vmem>>, vector<1x16xf32>,
        %get3A_1141 = vector.shape_cast %get3A_1140 : vector<1x16xf32> to vector<16xf32>
        %sub3A_1142 = arith.subf %get3A_1141, %broadcast_in_dim3A_1063 : vector<16xf32>
        %mul3A_1143 = arith.mulf %sub3A_1142, %sub3A_1142 : vector<16xf32>
        %add3A_1144 = arith.addf %add3A_1025, %mul3A_1143 : vector<16xf32>
        %get3A_1145 = arith.index_cast %add3A_1067 : i32 to index
        %get3A_1146 = arith.constant 176 : index
        %get3A_1147 = tpu.vector_load %arg6[%get3A_1145, %get3A_1146] {strides = array<i32>} : memref<128x256xf32, #tpu.memory_space<vmem>>, vector<1x16xf32>,
        %get3A_1148 = vector.shape_cast %get3A_1147 : vector<1x16xf32> to vector<16xf32>
        %sub3A_1149 = arith.subf %get3A_1148, %broadcast_in_dim3A_1063 : vector<16xf32>
        %mul3A_1150 = arith.mulf %sub3A_1149, %sub3A_1149 : vector<16xf32>
        %add3A_1151 = arith.addf %add3A_1032, %mul3A_1150 : vector<16xf32>
        %get3A_1152 = arith.index_cast %add3A_1067 : i32 to index
        %get3A_1153 = arith.constant 192 : index
        %get3A_1154 = tpu.vector_load %arg6[%get3A_1152, %get3A_1153] {strides = array<i32>} : memref<128x256xf32, #tpu.memory_space<vmem>>, vector<1x16xf32>,
        %get3A_1155 = vector.shape_cast %get3A_1154 : vector<1x16xf32> to vector<16xf32>
        %sub3A_1156 = arith.subf %get3A_1155, %broadcast_in_dim3A_1063 : vector<16xf32>
        %mul3A_1157 = arith.mulf %sub3A_1156, %sub3A_1156 : vector<16xf32>
        %add3A_1158 = arith.addf %add3A_1039, %mul3A_1157 : vector<16xf32>
        %get3A_1159 = arith.index_cast %add3A_1067 : i32 to index
        %get3A_1160 = arith.constant 208 : index
        %get3A_1161 = tpu.vector_load %arg6[%get3A_1159, %get3A_1160] {strides = array<i32>} : memref<128x256xf32, #tpu.memory_space<vmem>>, vector<1x16xf32>,
        %get3A_1162 = vector.shape_cast %get3A_1161 : vector<1x16xf32> to vector<16xf32>
        %sub3A_1163 = arith.subf %get3A_1162, %broadcast_in_dim3A_1063 : vector<16xf32>
        %mul3A_1164 = arith.mulf %sub3A_1163, %sub3A_1163 : vector<16xf32>
        %add3A_1165 = arith.addf %add3A_1046, %mul3A_1164 : vector<16xf32>
        %get3A_1166 = arith.index_cast %add3A_1067 : i32 to index
        %get3A_1167 = arith.constant 224 : index
        %get3A_1168 = tpu.vector_load %arg6[%get3A_1166, %get3A_1167] {strides = array<i32>} : memref<128x256xf32, #tpu.memory_space<vmem>>, vector<1x16xf32>,
        %get3A_1169 = vector.shape_cast %get3A_1168 : vector<1x16xf32> to vector<16xf32>
        %sub3A_1170 = arith.subf %get3A_1169, %broadcast_in_dim3A_1063 : vector<16xf32>
        %mul3A_1171 = arith.mulf %sub3A_1170, %sub3A_1170 : vector<16xf32>
        %add3A_1172 = arith.addf %add3A_1053, %mul3A_1171 : vector<16xf32>
        %get3A_1173 = arith.index_cast %add3A_1067 : i32 to index
        %get3A_1174 = arith.constant 240 : index
        %get3A_1175 = tpu.vector_load %arg6[%get3A_1173, %get3A_1174] {strides = array<i32>} : memref<128x256xf32, #tpu.memory_space<vmem>>, vector<1x16xf32>,
        %get3A_1176 = vector.shape_cast %get3A_1175 : vector<1x16xf32> to vector<16xf32>
        %sub3A_1177 = arith.subf %get3A_1176, %broadcast_in_dim3A_1063 : vector<16xf32>
        %mul3A_1178 = arith.mulf %sub3A_1177, %sub3A_1177 : vector<16xf32>
        %add3A_1179 = arith.addf %add3A_1060, %mul3A_1178 : vector<16xf32>
        %slice3A_1180 = vector.extract_strided_slice %get3A_436 {offsets = [6], sizes = [1], strides = [1]} : vector<16xf32> to vector<1xf32>
        %squeeze3A_1181 = vector.extract %slice3A_1180[0] : f32 from vector<1xf32>
        %broadcast_in_dim3A_1182 = vector.broadcast %squeeze3A_1181 : f32 to vector<16xf32>
        %mul3A_1183 = arith.constant 16 : i32
        %mul3A_1184 = arith.muli %scan3A_415, %mul3A_1183 : i32
        %add3A_1185 = arith.constant 6 : i32
        %add3A_1186 = arith.addi %mul3A_1184, %add3A_1185 : i32
        %get3A_1187 = arith.index_cast %add3A_1186 : i32 to index
        %get3A_1188 = arith.constant 0 : index
        %get3A_1189 = tpu.vector_load %arg6[%get3A_1187, %get3A_1188] {strides = array<i32>} : memref<128x256xf32, #tpu.memory_space<vmem>>, vector<1x16xf32>,
        %get3A_1190 = vector.shape_cast %get3A_1189 : vector<1x16xf32> to vector<16xf32>
        %sub3A_1191 = arith.subf %get3A_1190, %broadcast_in_dim3A_1182 : vector<16xf32>
        %mul3A_1192 = arith.mulf %sub3A_1191, %sub3A_1191 : vector<16xf32>
        %add3A_1193 = arith.addf %add3A_1074, %mul3A_1192 : vector<16xf32>
        %get3A_1194 = arith.index_cast %add3A_1186 : i32 to index
        %get3A_1195 = arith.constant 16 : index
        %get3A_1196 = tpu.vector_load %arg6[%get3A_1194, %get3A_1195] {strides = array<i32>} : memref<128x256xf32, #tpu.memory_space<vmem>>, vector<1x16xf32>,
        %get3A_1197 = vector.shape_cast %get3A_1196 : vector<1x16xf32> to vector<16xf32>
        %sub3A_1198 = arith.subf %get3A_1197, %broadcast_in_dim3A_1182 : vector<16xf32>
        %mul3A_1199 = arith.mulf %sub3A_1198, %sub3A_1198 : vector<16xf32>
        %add3A_1200 = arith.addf %add3A_1081, %mul3A_1199 : vector<16xf32>
        %get3A_1201 = arith.index_cast %add3A_1186 : i32 to index
        %get3A_1202 = arith.constant 32 : index
        %get3A_1203 = tpu.vector_load %arg6[%get3A_1201, %get3A_1202] {strides = array<i32>} : memref<128x256xf32, #tpu.memory_space<vmem>>, vector<1x16xf32>,
        %get3A_1204 = vector.shape_cast %get3A_1203 : vector<1x16xf32> to vector<16xf32>
        %sub3A_1205 = arith.subf %get3A_1204, %broadcast_in_dim3A_1182 : vector<16xf32>
        %mul3A_1206 = arith.mulf %sub3A_1205, %sub3A_1205 : vector<16xf32>
        %add3A_1207 = arith.addf %add3A_1088, %mul3A_1206 : vector<16xf32>
        %get3A_1208 = arith.index_cast %add3A_1186 : i32 to index
        %get3A_1209 = arith.constant 48 : index
        %get3A_1210 = tpu.vector_load %arg6[%get3A_1208, %get3A_1209] {strides = array<i32>} : memref<128x256xf32, #tpu.memory_space<vmem>>, vector<1x16xf32>,
        %get3A_1211 = vector.shape_cast %get3A_1210 : vector<1x16xf32> to vector<16xf32>
        %sub3A_1212 = arith.subf %get3A_1211, %broadcast_in_dim3A_1182 : vector<16xf32>
        %mul3A_1213 = arith.mulf %sub3A_1212, %sub3A_1212 : vector<16xf32>
        %add3A_1214 = arith.addf %add3A_1095, %mul3A_1213 : vector<16xf32>
        %get3A_1215 = arith.index_cast %add3A_1186 : i32 to index
        %get3A_1216 = arith.constant 64 : index
        %get3A_1217 = tpu.vector_load %arg6[%get3A_1215, %get3A_1216] {strides = array<i32>} : memref<128x256xf32, #tpu.memory_space<vmem>>, vector<1x16xf32>,
        %get3A_1218 = vector.shape_cast %get3A_1217 : vector<1x16xf32> to vector<16xf32>
        %sub3A_1219 = arith.subf %get3A_1218, %broadcast_in_dim3A_1182 : vector<16xf32>
        %mul3A_1220 = arith.mulf %sub3A_1219, %sub3A_1219 : vector<16xf32>
        %add3A_1221 = arith.addf %add3A_1102, %mul3A_1220 : vector<16xf32>
        %get3A_1222 = arith.index_cast %add3A_1186 : i32 to index
        %get3A_1223 = arith.constant 80 : index
        %get3A_1224 = tpu.vector_load %arg6[%get3A_1222, %get3A_1223] {strides = array<i32>} : memref<128x256xf32, #tpu.memory_space<vmem>>, vector<1x16xf32>,
        %get3A_1225 = vector.shape_cast %get3A_1224 : vector<1x16xf32> to vector<16xf32>
        %sub3A_1226 = arith.subf %get3A_1225, %broadcast_in_dim3A_1182 : vector<16xf32>
        %mul3A_1227 = arith.mulf %sub3A_1226, %sub3A_1226 : vector<16xf32>
        %add3A_1228 = arith.addf %add3A_1109, %mul3A_1227 : vector<16xf32>
        %get3A_1229 = arith.index_cast %add3A_1186 : i32 to index
        %get3A_1230 = arith.constant 96 : index
        %get3A_1231 = tpu.vector_load %arg6[%get3A_1229, %get3A_1230] {strides = array<i32>} : memref<128x256xf32, #tpu.memory_space<vmem>>, vector<1x16xf32>,
        %get3A_1232 = vector.shape_cast %get3A_1231 : vector<1x16xf32> to vector<16xf32>
        %sub3A_1233 = arith.subf %get3A_1232, %broadcast_in_dim3A_1182 : vector<16xf32>
        %mul3A_1234 = arith.mulf %sub3A_1233, %sub3A_1233 : vector<16xf32>
        %add3A_1235 = arith.addf %add3A_1116, %mul3A_1234 : vector<16xf32>
        %get3A_1236 = arith.index_cast %add3A_1186 : i32 to index
        %get3A_1237 = arith.constant 112 : index
        %get3A_1238 = tpu.vector_load %arg6[%get3A_1236, %get3A_1237] {strides = array<i32>} : memref<128x256xf32, #tpu.memory_space<vmem>>, vector<1x16xf32>,
        %get3A_1239 = vector.shape_cast %get3A_1238 : vector<1x16xf32> to vector<16xf32>
        %sub3A_1240 = arith.subf %get3A_1239, %broadcast_in_dim3A_1182 : vector<16xf32>
        %mul3A_1241 = arith.mulf %sub3A_1240, %sub3A_1240 : vector<16xf32>
        %add3A_1242 = arith.addf %add3A_1123, %mul3A_1241 : vector<16xf32>
        %get3A_1243 = arith.index_cast %add3A_1186 : i32 to index
        %get3A_1244 = arith.constant 128 : index
        %get3A_1245 = tpu.vector_load %arg6[%get3A_1243, %get3A_1244] {strides = array<i32>} : memref<128x256xf32, #tpu.memory_space<vmem>>, vector<1x16xf32>,
        %get3A_1246 = vector.shape_cast %get3A_1245 : vector<1x16xf32> to vector<16xf32>
        %sub3A_1247 = arith.subf %get3A_1246, %broadcast_in_dim3A_1182 : vector<16xf32>
        %mul3A_1248 = arith.mulf %sub3A_1247, %sub3A_1247 : vector<16xf32>
        %add3A_1249 = arith.addf %add3A_1130, %mul3A_1248 : vector<16xf32>
        %get3A_1250 = arith.index_cast %add3A_1186 : i32 to index
        %get3A_1251 = arith.constant 144 : index
        %get3A_1252 = tpu.vector_load %arg6[%get3A_1250, %get3A_1251] {strides = array<i32>} : memref<128x256xf32, #tpu.memory_space<vmem>>, vector<1x16xf32>,
        %get3A_1253 = vector.shape_cast %get3A_1252 : vector<1x16xf32> to vector<16xf32>
        %sub3A_1254 = arith.subf %get3A_1253, %broadcast_in_dim3A_1182 : vector<16xf32>
        %mul3A_1255 = arith.mulf %sub3A_1254, %sub3A_1254 : vector<16xf32>
        %add3A_1256 = arith.addf %add3A_1137, %mul3A_1255 : vector<16xf32>
        %get3A_1257 = arith.index_cast %add3A_1186 : i32 to index
        %get3A_1258 = arith.constant 160 : index
        %get3A_1259 = tpu.vector_load %arg6[%get3A_1257, %get3A_1258] {strides = array<i32>} : memref<128x256xf32, #tpu.memory_space<vmem>>, vector<1x16xf32>,
        %get3A_1260 = vector.shape_cast %get3A_1259 : vector<1x16xf32> to vector<16xf32>
        %sub3A_1261 = arith.subf %get3A_1260, %broadcast_in_dim3A_1182 : vector<16xf32>
        %mul3A_1262 = arith.mulf %sub3A_1261, %sub3A_1261 : vector<16xf32>
        %add3A_1263 = arith.addf %add3A_1144, %mul3A_1262 : vector<16xf32>
        %get3A_1264 = arith.index_cast %add3A_1186 : i32 to index
        %get3A_1265 = arith.constant 176 : index
        %get3A_1266 = tpu.vector_load %arg6[%get3A_1264, %get3A_1265] {strides = array<i32>} : memref<128x256xf32, #tpu.memory_space<vmem>>, vector<1x16xf32>,
        %get3A_1267 = vector.shape_cast %get3A_1266 : vector<1x16xf32> to vector<16xf32>
        %sub3A_1268 = arith.subf %get3A_1267, %broadcast_in_dim3A_1182 : vector<16xf32>
        %mul3A_1269 = arith.mulf %sub3A_1268, %sub3A_1268 : vector<16xf32>
        %add3A_1270 = arith.addf %add3A_1151, %mul3A_1269 : vector<16xf32>
        %get3A_1271 = arith.index_cast %add3A_1186 : i32 to index
        %get3A_1272 = arith.constant 192 : index
        %get3A_1273 = tpu.vector_load %arg6[%get3A_1271, %get3A_1272] {strides = array<i32>} : memref<128x256xf32, #tpu.memory_space<vmem>>, vector<1x16xf32>,
        %get3A_1274 = vector.shape_cast %get3A_1273 : vector<1x16xf32> to vector<16xf32>
        %sub3A_1275 = arith.subf %get3A_1274, %broadcast_in_dim3A_1182 : vector<16xf32>
        %mul3A_1276 = arith.mulf %sub3A_1275, %sub3A_1275 : vector<16xf32>
        %add3A_1277 = arith.addf %add3A_1158, %mul3A_1276 : vector<16xf32>
        %get3A_1278 = arith.index_cast %add3A_1186 : i32 to index
        %get3A_1279 = arith.constant 208 : index
        %get3A_1280 = tpu.vector_load %arg6[%get3A_1278, %get3A_1279] {strides = array<i32>} : memref<128x256xf32, #tpu.memory_space<vmem>>, vector<1x16xf32>,
        %get3A_1281 = vector.shape_cast %get3A_1280 : vector<1x16xf32> to vector<16xf32>
        %sub3A_1282 = arith.subf %get3A_1281, %broadcast_in_dim3A_1182 : vector<16xf32>
        %mul3A_1283 = arith.mulf %sub3A_1282, %sub3A_1282 : vector<16xf32>
        %add3A_1284 = arith.addf %add3A_1165, %mul3A_1283 : vector<16xf32>
        %get3A_1285 = arith.index_cast %add3A_1186 : i32 to index
        %get3A_1286 = arith.constant 224 : index
        %get3A_1287 = tpu.vector_load %arg6[%get3A_1285, %get3A_1286] {strides = array<i32>} : memref<128x256xf32, #tpu.memory_space<vmem>>, vector<1x16xf32>,
        %get3A_1288 = vector.shape_cast %get3A_1287 : vector<1x16xf32> to vector<16xf32>
        %sub3A_1289 = arith.subf %get3A_1288, %broadcast_in_dim3A_1182 : vector<16xf32>
        %mul3A_1290 = arith.mulf %sub3A_1289, %sub3A_1289 : vector<16xf32>
        %add3A_1291 = arith.addf %add3A_1172, %mul3A_1290 : vector<16xf32>
        %get3A_1292 = arith.index_cast %add3A_1186 : i32 to index
        %get3A_1293 = arith.constant 240 : index
        %get3A_1294 = tpu.vector_load %arg6[%get3A_1292, %get3A_1293] {strides = array<i32>} : memref<128x256xf32, #tpu.memory_space<vmem>>, vector<1x16xf32>,
        %get3A_1295 = vector.shape_cast %get3A_1294 : vector<1x16xf32> to vector<16xf32>
        %sub3A_1296 = arith.subf %get3A_1295, %broadcast_in_dim3A_1182 : vector<16xf32>
        %mul3A_1297 = arith.mulf %sub3A_1296, %sub3A_1296 : vector<16xf32>
        %add3A_1298 = arith.addf %add3A_1179, %mul3A_1297 : vector<16xf32>
        %slice3A_1299 = vector.extract_strided_slice %get3A_436 {offsets = [7], sizes = [1], strides = [1]} : vector<16xf32> to vector<1xf32>
        %squeeze3A_1300 = vector.extract %slice3A_1299[0] : f32 from vector<1xf32>
        %broadcast_in_dim3A_1301 = vector.broadcast %squeeze3A_1300 : f32 to vector<16xf32>
        %mul3A_1302 = arith.constant 16 : i32
        %mul3A_1303 = arith.muli %scan3A_415, %mul3A_1302 : i32
        %add3A_1304 = arith.constant 7 : i32
        %add3A_1305 = arith.addi %mul3A_1303, %add3A_1304 : i32
        %get3A_1306 = arith.index_cast %add3A_1305 : i32 to index
        %get3A_1307 = arith.constant 0 : index
        %get3A_1308 = tpu.vector_load %arg6[%get3A_1306, %get3A_1307] {strides = array<i32>} : memref<128x256xf32, #tpu.memory_space<vmem>>, vector<1x16xf32>,
        %get3A_1309 = vector.shape_cast %get3A_1308 : vector<1x16xf32> to vector<16xf32>
        %sub3A_1310 = arith.subf %get3A_1309, %broadcast_in_dim3A_1301 : vector<16xf32>
        %mul3A_1311 = arith.mulf %sub3A_1310, %sub3A_1310 : vector<16xf32>
        %add3A_1312 = arith.addf %add3A_1193, %mul3A_1311 : vector<16xf32>
        %get3A_1313 = arith.index_cast %add3A_1305 : i32 to index
        %get3A_1314 = arith.constant 16 : index
        %get3A_1315 = tpu.vector_load %arg6[%get3A_1313, %get3A_1314] {strides = array<i32>} : memref<128x256xf32, #tpu.memory_space<vmem>>, vector<1x16xf32>,
        %get3A_1316 = vector.shape_cast %get3A_1315 : vector<1x16xf32> to vector<16xf32>
        %sub3A_1317 = arith.subf %get3A_1316, %broadcast_in_dim3A_1301 : vector<16xf32>
        %mul3A_1318 = arith.mulf %sub3A_1317, %sub3A_1317 : vector<16xf32>
        %add3A_1319 = arith.addf %add3A_1200, %mul3A_1318 : vector<16xf32>
        %get3A_1320 = arith.index_cast %add3A_1305 : i32 to index
        %get3A_1321 = arith.constant 32 : index
        %get3A_1322 = tpu.vector_load %arg6[%get3A_1320, %get3A_1321] {strides = array<i32>} : memref<128x256xf32, #tpu.memory_space<vmem>>, vector<1x16xf32>,
        %get3A_1323 = vector.shape_cast %get3A_1322 : vector<1x16xf32> to vector<16xf32>
        %sub3A_1324 = arith.subf %get3A_1323, %broadcast_in_dim3A_1301 : vector<16xf32>
        %mul3A_1325 = arith.mulf %sub3A_1324, %sub3A_1324 : vector<16xf32>
        %add3A_1326 = arith.addf %add3A_1207, %mul3A_1325 : vector<16xf32>
        %get3A_1327 = arith.index_cast %add3A_1305 : i32 to index
        %get3A_1328 = arith.constant 48 : index
        %get3A_1329 = tpu.vector_load %arg6[%get3A_1327, %get3A_1328] {strides = array<i32>} : memref<128x256xf32, #tpu.memory_space<vmem>>, vector<1x16xf32>,
        %get3A_1330 = vector.shape_cast %get3A_1329 : vector<1x16xf32> to vector<16xf32>
        %sub3A_1331 = arith.subf %get3A_1330, %broadcast_in_dim3A_1301 : vector<16xf32>
        %mul3A_1332 = arith.mulf %sub3A_1331, %sub3A_1331 : vector<16xf32>
        %add3A_1333 = arith.addf %add3A_1214, %mul3A_1332 : vector<16xf32>
        %get3A_1334 = arith.index_cast %add3A_1305 : i32 to index
        %get3A_1335 = arith.constant 64 : index
        %get3A_1336 = tpu.vector_load %arg6[%get3A_1334, %get3A_1335] {strides = array<i32>} : memref<128x256xf32, #tpu.memory_space<vmem>>, vector<1x16xf32>,
        %get3A_1337 = vector.shape_cast %get3A_1336 : vector<1x16xf32> to vector<16xf32>
        %sub3A_1338 = arith.subf %get3A_1337, %broadcast_in_dim3A_1301 : vector<16xf32>
        %mul3A_1339 = arith.mulf %sub3A_1338, %sub3A_1338 : vector<16xf32>
        %add3A_1340 = arith.addf %add3A_1221, %mul3A_1339 : vector<16xf32>
        %get3A_1341 = arith.index_cast %add3A_1305 : i32 to index
        %get3A_1342 = arith.constant 80 : index
        %get3A_1343 = tpu.vector_load %arg6[%get3A_1341, %get3A_1342] {strides = array<i32>} : memref<128x256xf32, #tpu.memory_space<vmem>>, vector<1x16xf32>,
        %get3A_1344 = vector.shape_cast %get3A_1343 : vector<1x16xf32> to vector<16xf32>
        %sub3A_1345 = arith.subf %get3A_1344, %broadcast_in_dim3A_1301 : vector<16xf32>
        %mul3A_1346 = arith.mulf %sub3A_1345, %sub3A_1345 : vector<16xf32>
        %add3A_1347 = arith.addf %add3A_1228, %mul3A_1346 : vector<16xf32>
        %get3A_1348 = arith.index_cast %add3A_1305 : i32 to index
        %get3A_1349 = arith.constant 96 : index
        %get3A_1350 = tpu.vector_load %arg6[%get3A_1348, %get3A_1349] {strides = array<i32>} : memref<128x256xf32, #tpu.memory_space<vmem>>, vector<1x16xf32>,
        %get3A_1351 = vector.shape_cast %get3A_1350 : vector<1x16xf32> to vector<16xf32>
        %sub3A_1352 = arith.subf %get3A_1351, %broadcast_in_dim3A_1301 : vector<16xf32>
        %mul3A_1353 = arith.mulf %sub3A_1352, %sub3A_1352 : vector<16xf32>
        %add3A_1354 = arith.addf %add3A_1235, %mul3A_1353 : vector<16xf32>
        %get3A_1355 = arith.index_cast %add3A_1305 : i32 to index
        %get3A_1356 = arith.constant 112 : index
        %get3A_1357 = tpu.vector_load %arg6[%get3A_1355, %get3A_1356] {strides = array<i32>} : memref<128x256xf32, #tpu.memory_space<vmem>>, vector<1x16xf32>,
        %get3A_1358 = vector.shape_cast %get3A_1357 : vector<1x16xf32> to vector<16xf32>
        %sub3A_1359 = arith.subf %get3A_1358, %broadcast_in_dim3A_1301 : vector<16xf32>
        %mul3A_1360 = arith.mulf %sub3A_1359, %sub3A_1359 : vector<16xf32>
        %add3A_1361 = arith.addf %add3A_1242, %mul3A_1360 : vector<16xf32>
        %get3A_1362 = arith.index_cast %add3A_1305 : i32 to index
        %get3A_1363 = arith.constant 128 : index
        %get3A_1364 = tpu.vector_load %arg6[%get3A_1362, %get3A_1363] {strides = array<i32>} : memref<128x256xf32, #tpu.memory_space<vmem>>, vector<1x16xf32>,
        %get3A_1365 = vector.shape_cast %get3A_1364 : vector<1x16xf32> to vector<16xf32>
        %sub3A_1366 = arith.subf %get3A_1365, %broadcast_in_dim3A_1301 : vector<16xf32>
        %mul3A_1367 = arith.mulf %sub3A_1366, %sub3A_1366 : vector<16xf32>
        %add3A_1368 = arith.addf %add3A_1249, %mul3A_1367 : vector<16xf32>
        %get3A_1369 = arith.index_cast %add3A_1305 : i32 to index
        %get3A_1370 = arith.constant 144 : index
        %get3A_1371 = tpu.vector_load %arg6[%get3A_1369, %get3A_1370] {strides = array<i32>} : memref<128x256xf32, #tpu.memory_space<vmem>>, vector<1x16xf32>,
        %get3A_1372 = vector.shape_cast %get3A_1371 : vector<1x16xf32> to vector<16xf32>
        %sub3A_1373 = arith.subf %get3A_1372, %broadcast_in_dim3A_1301 : vector<16xf32>
        %mul3A_1374 = arith.mulf %sub3A_1373, %sub3A_1373 : vector<16xf32>
        %add3A_1375 = arith.addf %add3A_1256, %mul3A_1374 : vector<16xf32>
        %get3A_1376 = arith.index_cast %add3A_1305 : i32 to index
        %get3A_1377 = arith.constant 160 : index
        %get3A_1378 = tpu.vector_load %arg6[%get3A_1376, %get3A_1377] {strides = array<i32>} : memref<128x256xf32, #tpu.memory_space<vmem>>, vector<1x16xf32>,
        %get3A_1379 = vector.shape_cast %get3A_1378 : vector<1x16xf32> to vector<16xf32>
        %sub3A_1380 = arith.subf %get3A_1379, %broadcast_in_dim3A_1301 : vector<16xf32>
        %mul3A_1381 = arith.mulf %sub3A_1380, %sub3A_1380 : vector<16xf32>
        %add3A_1382 = arith.addf %add3A_1263, %mul3A_1381 : vector<16xf32>
        %get3A_1383 = arith.index_cast %add3A_1305 : i32 to index
        %get3A_1384 = arith.constant 176 : index
        %get3A_1385 = tpu.vector_load %arg6[%get3A_1383, %get3A_1384] {strides = array<i32>} : memref<128x256xf32, #tpu.memory_space<vmem>>, vector<1x16xf32>,
        %get3A_1386 = vector.shape_cast %get3A_1385 : vector<1x16xf32> to vector<16xf32>
        %sub3A_1387 = arith.subf %get3A_1386, %broadcast_in_dim3A_1301 : vector<16xf32>
        %mul3A_1388 = arith.mulf %sub3A_1387, %sub3A_1387 : vector<16xf32>
        %add3A_1389 = arith.addf %add3A_1270, %mul3A_1388 : vector<16xf32>
        %get3A_1390 = arith.index_cast %add3A_1305 : i32 to index
        %get3A_1391 = arith.constant 192 : index
        %get3A_1392 = tpu.vector_load %arg6[%get3A_1390, %get3A_1391] {strides = array<i32>} : memref<128x256xf32, #tpu.memory_space<vmem>>, vector<1x16xf32>,
        %get3A_1393 = vector.shape_cast %get3A_1392 : vector<1x16xf32> to vector<16xf32>
        %sub3A_1394 = arith.subf %get3A_1393, %broadcast_in_dim3A_1301 : vector<16xf32>
        %mul3A_1395 = arith.mulf %sub3A_1394, %sub3A_1394 : vector<16xf32>
        %add3A_1396 = arith.addf %add3A_1277, %mul3A_1395 : vector<16xf32>
        %get3A_1397 = arith.index_cast %add3A_1305 : i32 to index
        %get3A_1398 = arith.constant 208 : index
        %get3A_1399 = tpu.vector_load %arg6[%get3A_1397, %get3A_1398] {strides = array<i32>} : memref<128x256xf32, #tpu.memory_space<vmem>>, vector<1x16xf32>,
        %get3A_1400 = vector.shape_cast %get3A_1399 : vector<1x16xf32> to vector<16xf32>
        %sub3A_1401 = arith.subf %get3A_1400, %broadcast_in_dim3A_1301 : vector<16xf32>
        %mul3A_1402 = arith.mulf %sub3A_1401, %sub3A_1401 : vector<16xf32>
        %add3A_1403 = arith.addf %add3A_1284, %mul3A_1402 : vector<16xf32>
        %get3A_1404 = arith.index_cast %add3A_1305 : i32 to index
        %get3A_1405 = arith.constant 224 : index
        %get3A_1406 = tpu.vector_load %arg6[%get3A_1404, %get3A_1405] {strides = array<i32>} : memref<128x256xf32, #tpu.memory_space<vmem>>, vector<1x16xf32>,
        %get3A_1407 = vector.shape_cast %get3A_1406 : vector<1x16xf32> to vector<16xf32>
        %sub3A_1408 = arith.subf %get3A_1407, %broadcast_in_dim3A_1301 : vector<16xf32>
        %mul3A_1409 = arith.mulf %sub3A_1408, %sub3A_1408 : vector<16xf32>
        %add3A_1410 = arith.addf %add3A_1291, %mul3A_1409 : vector<16xf32>
        %get3A_1411 = arith.index_cast %add3A_1305 : i32 to index
        %get3A_1412 = arith.constant 240 : index
        %get3A_1413 = tpu.vector_load %arg6[%get3A_1411, %get3A_1412] {strides = array<i32>} : memref<128x256xf32, #tpu.memory_space<vmem>>, vector<1x16xf32>,
        %get3A_1414 = vector.shape_cast %get3A_1413 : vector<1x16xf32> to vector<16xf32>
        %sub3A_1415 = arith.subf %get3A_1414, %broadcast_in_dim3A_1301 : vector<16xf32>
        %mul3A_1416 = arith.mulf %sub3A_1415, %sub3A_1415 : vector<16xf32>
        %add3A_1417 = arith.addf %add3A_1298, %mul3A_1416 : vector<16xf32>
        %slice3A_1418 = vector.extract_strided_slice %get3A_436 {offsets = [8], sizes = [1], strides = [1]} : vector<16xf32> to vector<1xf32>
        %squeeze3A_1419 = vector.extract %slice3A_1418[0] : f32 from vector<1xf32>
        %broadcast_in_dim3A_1420 = vector.broadcast %squeeze3A_1419 : f32 to vector<16xf32>
        %mul3A_1421 = arith.constant 16 : i32
        %mul3A_1422 = arith.muli %scan3A_415, %mul3A_1421 : i32
        %add3A_1423 = arith.constant 8 : i32
        %add3A_1424 = arith.addi %mul3A_1422, %add3A_1423 : i32
        %get3A_1425 = arith.index_cast %add3A_1424 : i32 to index
        %get3A_1426 = arith.constant 0 : index
        %get3A_1427 = tpu.vector_load %arg6[%get3A_1425, %get3A_1426] {strides = array<i32>} : memref<128x256xf32, #tpu.memory_space<vmem>>, vector<1x16xf32>,
        %get3A_1428 = vector.shape_cast %get3A_1427 : vector<1x16xf32> to vector<16xf32>
        %sub3A_1429 = arith.subf %get3A_1428, %broadcast_in_dim3A_1420 : vector<16xf32>
        %mul3A_1430 = arith.mulf %sub3A_1429, %sub3A_1429 : vector<16xf32>
        %add3A_1431 = arith.addf %add3A_1312, %mul3A_1430 : vector<16xf32>
        %get3A_1432 = arith.index_cast %add3A_1424 : i32 to index
        %get3A_1433 = arith.constant 16 : index
        %get3A_1434 = tpu.vector_load %arg6[%get3A_1432, %get3A_1433] {strides = array<i32>} : memref<128x256xf32, #tpu.memory_space<vmem>>, vector<1x16xf32>,
        %get3A_1435 = vector.shape_cast %get3A_1434 : vector<1x16xf32> to vector<16xf32>
        %sub3A_1436 = arith.subf %get3A_1435, %broadcast_in_dim3A_1420 : vector<16xf32>
        %mul3A_1437 = arith.mulf %sub3A_1436, %sub3A_1436 : vector<16xf32>
        %add3A_1438 = arith.addf %add3A_1319, %mul3A_1437 : vector<16xf32>
        %get3A_1439 = arith.index_cast %add3A_1424 : i32 to index
        %get3A_1440 = arith.constant 32 : index
        %get3A_1441 = tpu.vector_load %arg6[%get3A_1439, %get3A_1440] {strides = array<i32>} : memref<128x256xf32, #tpu.memory_space<vmem>>, vector<1x16xf32>,
        %get3A_1442 = vector.shape_cast %get3A_1441 : vector<1x16xf32> to vector<16xf32>
        %sub3A_1443 = arith.subf %get3A_1442, %broadcast_in_dim3A_1420 : vector<16xf32>
        %mul3A_1444 = arith.mulf %sub3A_1443, %sub3A_1443 : vector<16xf32>
        %add3A_1445 = arith.addf %add3A_1326, %mul3A_1444 : vector<16xf32>
        %get3A_1446 = arith.index_cast %add3A_1424 : i32 to index
        %get3A_1447 = arith.constant 48 : index
        %get3A_1448 = tpu.vector_load %arg6[%get3A_1446, %get3A_1447] {strides = array<i32>} : memref<128x256xf32, #tpu.memory_space<vmem>>, vector<1x16xf32>,
        %get3A_1449 = vector.shape_cast %get3A_1448 : vector<1x16xf32> to vector<16xf32>
        %sub3A_1450 = arith.subf %get3A_1449, %broadcast_in_dim3A_1420 : vector<16xf32>
        %mul3A_1451 = arith.mulf %sub3A_1450, %sub3A_1450 : vector<16xf32>
        %add3A_1452 = arith.addf %add3A_1333, %mul3A_1451 : vector<16xf32>
        %get3A_1453 = arith.index_cast %add3A_1424 : i32 to index
        %get3A_1454 = arith.constant 64 : index
        %get3A_1455 = tpu.vector_load %arg6[%get3A_1453, %get3A_1454] {strides = array<i32>} : memref<128x256xf32, #tpu.memory_space<vmem>>, vector<1x16xf32>,
        %get3A_1456 = vector.shape_cast %get3A_1455 : vector<1x16xf32> to vector<16xf32>
        %sub3A_1457 = arith.subf %get3A_1456, %broadcast_in_dim3A_1420 : vector<16xf32>
        %mul3A_1458 = arith.mulf %sub3A_1457, %sub3A_1457 : vector<16xf32>
        %add3A_1459 = arith.addf %add3A_1340, %mul3A_1458 : vector<16xf32>
        %get3A_1460 = arith.index_cast %add3A_1424 : i32 to index
        %get3A_1461 = arith.constant 80 : index
        %get3A_1462 = tpu.vector_load %arg6[%get3A_1460, %get3A_1461] {strides = array<i32>} : memref<128x256xf32, #tpu.memory_space<vmem>>, vector<1x16xf32>,
        %get3A_1463 = vector.shape_cast %get3A_1462 : vector<1x16xf32> to vector<16xf32>
        %sub3A_1464 = arith.subf %get3A_1463, %broadcast_in_dim3A_1420 : vector<16xf32>
        %mul3A_1465 = arith.mulf %sub3A_1464, %sub3A_1464 : vector<16xf32>
        %add3A_1466 = arith.addf %add3A_1347, %mul3A_1465 : vector<16xf32>
        %get3A_1467 = arith.index_cast %add3A_1424 : i32 to index
        %get3A_1468 = arith.constant 96 : index
        %get3A_1469 = tpu.vector_load %arg6[%get3A_1467, %get3A_1468] {strides = array<i32>} : memref<128x256xf32, #tpu.memory_space<vmem>>, vector<1x16xf32>,
        %get3A_1470 = vector.shape_cast %get3A_1469 : vector<1x16xf32> to vector<16xf32>
        %sub3A_1471 = arith.subf %get3A_1470, %broadcast_in_dim3A_1420 : vector<16xf32>
        %mul3A_1472 = arith.mulf %sub3A_1471, %sub3A_1471 : vector<16xf32>
        %add3A_1473 = arith.addf %add3A_1354, %mul3A_1472 : vector<16xf32>
        %get3A_1474 = arith.index_cast %add3A_1424 : i32 to index
        %get3A_1475 = arith.constant 112 : index
        %get3A_1476 = tpu.vector_load %arg6[%get3A_1474, %get3A_1475] {strides = array<i32>} : memref<128x256xf32, #tpu.memory_space<vmem>>, vector<1x16xf32>,
        %get3A_1477 = vector.shape_cast %get3A_1476 : vector<1x16xf32> to vector<16xf32>
        %sub3A_1478 = arith.subf %get3A_1477, %broadcast_in_dim3A_1420 : vector<16xf32>
        %mul3A_1479 = arith.mulf %sub3A_1478, %sub3A_1478 : vector<16xf32>
        %add3A_1480 = arith.addf %add3A_1361, %mul3A_1479 : vector<16xf32>
        %get3A_1481 = arith.index_cast %add3A_1424 : i32 to index
        %get3A_1482 = arith.constant 128 : index
        %get3A_1483 = tpu.vector_load %arg6[%get3A_1481, %get3A_1482] {strides = array<i32>} : memref<128x256xf32, #tpu.memory_space<vmem>>, vector<1x16xf32>,
        %get3A_1484 = vector.shape_cast %get3A_1483 : vector<1x16xf32> to vector<16xf32>
        %sub3A_1485 = arith.subf %get3A_1484, %broadcast_in_dim3A_1420 : vector<16xf32>
        %mul3A_1486 = arith.mulf %sub3A_1485, %sub3A_1485 : vector<16xf32>
        %add3A_1487 = arith.addf %add3A_1368, %mul3A_1486 : vector<16xf32>
        %get3A_1488 = arith.index_cast %add3A_1424 : i32 to index
        %get3A_1489 = arith.constant 144 : index
        %get3A_1490 = tpu.vector_load %arg6[%get3A_1488, %get3A_1489] {strides = array<i32>} : memref<128x256xf32, #tpu.memory_space<vmem>>, vector<1x16xf32>,
        %get3A_1491 = vector.shape_cast %get3A_1490 : vector<1x16xf32> to vector<16xf32>
        %sub3A_1492 = arith.subf %get3A_1491, %broadcast_in_dim3A_1420 : vector<16xf32>
        %mul3A_1493 = arith.mulf %sub3A_1492, %sub3A_1492 : vector<16xf32>
        %add3A_1494 = arith.addf %add3A_1375, %mul3A_1493 : vector<16xf32>
        %get3A_1495 = arith.index_cast %add3A_1424 : i32 to index
        %get3A_1496 = arith.constant 160 : index
        %get3A_1497 = tpu.vector_load %arg6[%get3A_1495, %get3A_1496] {strides = array<i32>} : memref<128x256xf32, #tpu.memory_space<vmem>>, vector<1x16xf32>,
        %get3A_1498 = vector.shape_cast %get3A_1497 : vector<1x16xf32> to vector<16xf32>
        %sub3A_1499 = arith.subf %get3A_1498, %broadcast_in_dim3A_1420 : vector<16xf32>
        %mul3A_1500 = arith.mulf %sub3A_1499, %sub3A_1499 : vector<16xf32>
        %add3A_1501 = arith.addf %add3A_1382, %mul3A_1500 : vector<16xf32>
        %get3A_1502 = arith.index_cast %add3A_1424 : i32 to index
        %get3A_1503 = arith.constant 176 : index
        %get3A_1504 = tpu.vector_load %arg6[%get3A_1502, %get3A_1503] {strides = array<i32>} : memref<128x256xf32, #tpu.memory_space<vmem>>, vector<1x16xf32>,
        %get3A_1505 = vector.shape_cast %get3A_1504 : vector<1x16xf32> to vector<16xf32>
        %sub3A_1506 = arith.subf %get3A_1505, %broadcast_in_dim3A_1420 : vector<16xf32>
        %mul3A_1507 = arith.mulf %sub3A_1506, %sub3A_1506 : vector<16xf32>
        %add3A_1508 = arith.addf %add3A_1389, %mul3A_1507 : vector<16xf32>
        %get3A_1509 = arith.index_cast %add3A_1424 : i32 to index
        %get3A_1510 = arith.constant 192 : index
        %get3A_1511 = tpu.vector_load %arg6[%get3A_1509, %get3A_1510] {strides = array<i32>} : memref<128x256xf32, #tpu.memory_space<vmem>>, vector<1x16xf32>,
        %get3A_1512 = vector.shape_cast %get3A_1511 : vector<1x16xf32> to vector<16xf32>
        %sub3A_1513 = arith.subf %get3A_1512, %broadcast_in_dim3A_1420 : vector<16xf32>
        %mul3A_1514 = arith.mulf %sub3A_1513, %sub3A_1513 : vector<16xf32>
        %add3A_1515 = arith.addf %add3A_1396, %mul3A_1514 : vector<16xf32>
        %get3A_1516 = arith.index_cast %add3A_1424 : i32 to index
        %get3A_1517 = arith.constant 208 : index
        %get3A_1518 = tpu.vector_load %arg6[%get3A_1516, %get3A_1517] {strides = array<i32>} : memref<128x256xf32, #tpu.memory_space<vmem>>, vector<1x16xf32>,
        %get3A_1519 = vector.shape_cast %get3A_1518 : vector<1x16xf32> to vector<16xf32>
        %sub3A_1520 = arith.subf %get3A_1519, %broadcast_in_dim3A_1420 : vector<16xf32>
        %mul3A_1521 = arith.mulf %sub3A_1520, %sub3A_1520 : vector<16xf32>
        %add3A_1522 = arith.addf %add3A_1403, %mul3A_1521 : vector<16xf32>
        %get3A_1523 = arith.index_cast %add3A_1424 : i32 to index
        %get3A_1524 = arith.constant 224 : index
        %get3A_1525 = tpu.vector_load %arg6[%get3A_1523, %get3A_1524] {strides = array<i32>} : memref<128x256xf32, #tpu.memory_space<vmem>>, vector<1x16xf32>,
        %get3A_1526 = vector.shape_cast %get3A_1525 : vector<1x16xf32> to vector<16xf32>
        %sub3A_1527 = arith.subf %get3A_1526, %broadcast_in_dim3A_1420 : vector<16xf32>
        %mul3A_1528 = arith.mulf %sub3A_1527, %sub3A_1527 : vector<16xf32>
        %add3A_1529 = arith.addf %add3A_1410, %mul3A_1528 : vector<16xf32>
        %get3A_1530 = arith.index_cast %add3A_1424 : i32 to index
        %get3A_1531 = arith.constant 240 : index
        %get3A_1532 = tpu.vector_load %arg6[%get3A_1530, %get3A_1531] {strides = array<i32>} : memref<128x256xf32, #tpu.memory_space<vmem>>, vector<1x16xf32>,
        %get3A_1533 = vector.shape_cast %get3A_1532 : vector<1x16xf32> to vector<16xf32>
        %sub3A_1534 = arith.subf %get3A_1533, %broadcast_in_dim3A_1420 : vector<16xf32>
        %mul3A_1535 = arith.mulf %sub3A_1534, %sub3A_1534 : vector<16xf32>
        %add3A_1536 = arith.addf %add3A_1417, %mul3A_1535 : vector<16xf32>
        %slice3A_1537 = vector.extract_strided_slice %get3A_436 {offsets = [9], sizes = [1], strides = [1]} : vector<16xf32> to vector<1xf32>
        %squeeze3A_1538 = vector.extract %slice3A_1537[0] : f32 from vector<1xf32>
        %broadcast_in_dim3A_1539 = vector.broadcast %squeeze3A_1538 : f32 to vector<16xf32>
        %mul3A_1540 = arith.constant 16 : i32
        %mul3A_1541 = arith.muli %scan3A_415, %mul3A_1540 : i32
        %add3A_1542 = arith.constant 9 : i32
        %add3A_1543 = arith.addi %mul3A_1541, %add3A_1542 : i32
        %get3A_1544 = arith.index_cast %add3A_1543 : i32 to index
        %get3A_1545 = arith.constant 0 : index
        %get3A_1546 = tpu.vector_load %arg6[%get3A_1544, %get3A_1545] {strides = array<i32>} : memref<128x256xf32, #tpu.memory_space<vmem>>, vector<1x16xf32>,
        %get3A_1547 = vector.shape_cast %get3A_1546 : vector<1x16xf32> to vector<16xf32>
        %sub3A_1548 = arith.subf %get3A_1547, %broadcast_in_dim3A_1539 : vector<16xf32>
        %mul3A_1549 = arith.mulf %sub3A_1548, %sub3A_1548 : vector<16xf32>
        %add3A_1550 = arith.addf %add3A_1431, %mul3A_1549 : vector<16xf32>
        %get3A_1551 = arith.index_cast %add3A_1543 : i32 to index
        %get3A_1552 = arith.constant 16 : index
        %get3A_1553 = tpu.vector_load %arg6[%get3A_1551, %get3A_1552] {strides = array<i32>} : memref<128x256xf32, #tpu.memory_space<vmem>>, vector<1x16xf32>,
        %get3A_1554 = vector.shape_cast %get3A_1553 : vector<1x16xf32> to vector<16xf32>
        %sub3A_1555 = arith.subf %get3A_1554, %broadcast_in_dim3A_1539 : vector<16xf32>
        %mul3A_1556 = arith.mulf %sub3A_1555, %sub3A_1555 : vector<16xf32>
        %add3A_1557 = arith.addf %add3A_1438, %mul3A_1556 : vector<16xf32>
        %get3A_1558 = arith.index_cast %add3A_1543 : i32 to index
        %get3A_1559 = arith.constant 32 : index
        %get3A_1560 = tpu.vector_load %arg6[%get3A_1558, %get3A_1559] {strides = array<i32>} : memref<128x256xf32, #tpu.memory_space<vmem>>, vector<1x16xf32>,
        %get3A_1561 = vector.shape_cast %get3A_1560 : vector<1x16xf32> to vector<16xf32>
        %sub3A_1562 = arith.subf %get3A_1561, %broadcast_in_dim3A_1539 : vector<16xf32>
        %mul3A_1563 = arith.mulf %sub3A_1562, %sub3A_1562 : vector<16xf32>
        %add3A_1564 = arith.addf %add3A_1445, %mul3A_1563 : vector<16xf32>
        %get3A_1565 = arith.index_cast %add3A_1543 : i32 to index
        %get3A_1566 = arith.constant 48 : index
        %get3A_1567 = tpu.vector_load %arg6[%get3A_1565, %get3A_1566] {strides = array<i32>} : memref<128x256xf32, #tpu.memory_space<vmem>>, vector<1x16xf32>,
        %get3A_1568 = vector.shape_cast %get3A_1567 : vector<1x16xf32> to vector<16xf32>
        %sub3A_1569 = arith.subf %get3A_1568, %broadcast_in_dim3A_1539 : vector<16xf32>
        %mul3A_1570 = arith.mulf %sub3A_1569, %sub3A_1569 : vector<16xf32>
        %add3A_1571 = arith.addf %add3A_1452, %mul3A_1570 : vector<16xf32>
        %get3A_1572 = arith.index_cast %add3A_1543 : i32 to index
        %get3A_1573 = arith.constant 64 : index
        %get3A_1574 = tpu.vector_load %arg6[%get3A_1572, %get3A_1573] {strides = array<i32>} : memref<128x256xf32, #tpu.memory_space<vmem>>, vector<1x16xf32>,
        %get3A_1575 = vector.shape_cast %get3A_1574 : vector<1x16xf32> to vector<16xf32>
        %sub3A_1576 = arith.subf %get3A_1575, %broadcast_in_dim3A_1539 : vector<16xf32>
        %mul3A_1577 = arith.mulf %sub3A_1576, %sub3A_1576 : vector<16xf32>
        %add3A_1578 = arith.addf %add3A_1459, %mul3A_1577 : vector<16xf32>
        %get3A_1579 = arith.index_cast %add3A_1543 : i32 to index
        %get3A_1580 = arith.constant 80 : index
        %get3A_1581 = tpu.vector_load %arg6[%get3A_1579, %get3A_1580] {strides = array<i32>} : memref<128x256xf32, #tpu.memory_space<vmem>>, vector<1x16xf32>,
        %get3A_1582 = vector.shape_cast %get3A_1581 : vector<1x16xf32> to vector<16xf32>
        %sub3A_1583 = arith.subf %get3A_1582, %broadcast_in_dim3A_1539 : vector<16xf32>
        %mul3A_1584 = arith.mulf %sub3A_1583, %sub3A_1583 : vector<16xf32>
        %add3A_1585 = arith.addf %add3A_1466, %mul3A_1584 : vector<16xf32>
        %get3A_1586 = arith.index_cast %add3A_1543 : i32 to index
        %get3A_1587 = arith.constant 96 : index
        %get3A_1588 = tpu.vector_load %arg6[%get3A_1586, %get3A_1587] {strides = array<i32>} : memref<128x256xf32, #tpu.memory_space<vmem>>, vector<1x16xf32>,
        %get3A_1589 = vector.shape_cast %get3A_1588 : vector<1x16xf32> to vector<16xf32>
        %sub3A_1590 = arith.subf %get3A_1589, %broadcast_in_dim3A_1539 : vector<16xf32>
        %mul3A_1591 = arith.mulf %sub3A_1590, %sub3A_1590 : vector<16xf32>
        %add3A_1592 = arith.addf %add3A_1473, %mul3A_1591 : vector<16xf32>
        %get3A_1593 = arith.index_cast %add3A_1543 : i32 to index
        %get3A_1594 = arith.constant 112 : index
        %get3A_1595 = tpu.vector_load %arg6[%get3A_1593, %get3A_1594] {strides = array<i32>} : memref<128x256xf32, #tpu.memory_space<vmem>>, vector<1x16xf32>,
        %get3A_1596 = vector.shape_cast %get3A_1595 : vector<1x16xf32> to vector<16xf32>
        %sub3A_1597 = arith.subf %get3A_1596, %broadcast_in_dim3A_1539 : vector<16xf32>
        %mul3A_1598 = arith.mulf %sub3A_1597, %sub3A_1597 : vector<16xf32>
        %add3A_1599 = arith.addf %add3A_1480, %mul3A_1598 : vector<16xf32>
        %get3A_1600 = arith.index_cast %add3A_1543 : i32 to index
        %get3A_1601 = arith.constant 128 : index
        %get3A_1602 = tpu.vector_load %arg6[%get3A_1600, %get3A_1601] {strides = array<i32>} : memref<128x256xf32, #tpu.memory_space<vmem>>, vector<1x16xf32>,
        %get3A_1603 = vector.shape_cast %get3A_1602 : vector<1x16xf32> to vector<16xf32>
        %sub3A_1604 = arith.subf %get3A_1603, %broadcast_in_dim3A_1539 : vector<16xf32>
        %mul3A_1605 = arith.mulf %sub3A_1604, %sub3A_1604 : vector<16xf32>
        %add3A_1606 = arith.addf %add3A_1487, %mul3A_1605 : vector<16xf32>
        %get3A_1607 = arith.index_cast %add3A_1543 : i32 to index
        %get3A_1608 = arith.constant 144 : index
        %get3A_1609 = tpu.vector_load %arg6[%get3A_1607, %get3A_1608] {strides = array<i32>} : memref<128x256xf32, #tpu.memory_space<vmem>>, vector<1x16xf32>,
        %get3A_1610 = vector.shape_cast %get3A_1609 : vector<1x16xf32> to vector<16xf32>
        %sub3A_1611 = arith.subf %get3A_1610, %broadcast_in_dim3A_1539 : vector<16xf32>
        %mul3A_1612 = arith.mulf %sub3A_1611, %sub3A_1611 : vector<16xf32>
        %add3A_1613 = arith.addf %add3A_1494, %mul3A_1612 : vector<16xf32>
        %get3A_1614 = arith.index_cast %add3A_1543 : i32 to index
        %get3A_1615 = arith.constant 160 : index
        %get3A_1616 = tpu.vector_load %arg6[%get3A_1614, %get3A_1615] {strides = array<i32>} : memref<128x256xf32, #tpu.memory_space<vmem>>, vector<1x16xf32>,
        %get3A_1617 = vector.shape_cast %get3A_1616 : vector<1x16xf32> to vector<16xf32>
        %sub3A_1618 = arith.subf %get3A_1617, %broadcast_in_dim3A_1539 : vector<16xf32>
        %mul3A_1619 = arith.mulf %sub3A_1618, %sub3A_1618 : vector<16xf32>
        %add3A_1620 = arith.addf %add3A_1501, %mul3A_1619 : vector<16xf32>
        %get3A_1621 = arith.index_cast %add3A_1543 : i32 to index
        %get3A_1622 = arith.constant 176 : index
        %get3A_1623 = tpu.vector_load %arg6[%get3A_1621, %get3A_1622] {strides = array<i32>} : memref<128x256xf32, #tpu.memory_space<vmem>>, vector<1x16xf32>,
        %get3A_1624 = vector.shape_cast %get3A_1623 : vector<1x16xf32> to vector<16xf32>
        %sub3A_1625 = arith.subf %get3A_1624, %broadcast_in_dim3A_1539 : vector<16xf32>
        %mul3A_1626 = arith.mulf %sub3A_1625, %sub3A_1625 : vector<16xf32>
        %add3A_1627 = arith.addf %add3A_1508, %mul3A_1626 : vector<16xf32>
        %get3A_1628 = arith.index_cast %add3A_1543 : i32 to index
        %get3A_1629 = arith.constant 192 : index
        %get3A_1630 = tpu.vector_load %arg6[%get3A_1628, %get3A_1629] {strides = array<i32>} : memref<128x256xf32, #tpu.memory_space<vmem>>, vector<1x16xf32>,
        %get3A_1631 = vector.shape_cast %get3A_1630 : vector<1x16xf32> to vector<16xf32>
        %sub3A_1632 = arith.subf %get3A_1631, %broadcast_in_dim3A_1539 : vector<16xf32>
        %mul3A_1633 = arith.mulf %sub3A_1632, %sub3A_1632 : vector<16xf32>
        %add3A_1634 = arith.addf %add3A_1515, %mul3A_1633 : vector<16xf32>
        %get3A_1635 = arith.index_cast %add3A_1543 : i32 to index
        %get3A_1636 = arith.constant 208 : index
        %get3A_1637 = tpu.vector_load %arg6[%get3A_1635, %get3A_1636] {strides = array<i32>} : memref<128x256xf32, #tpu.memory_space<vmem>>, vector<1x16xf32>,
        %get3A_1638 = vector.shape_cast %get3A_1637 : vector<1x16xf32> to vector<16xf32>
        %sub3A_1639 = arith.subf %get3A_1638, %broadcast_in_dim3A_1539 : vector<16xf32>
        %mul3A_1640 = arith.mulf %sub3A_1639, %sub3A_1639 : vector<16xf32>
        %add3A_1641 = arith.addf %add3A_1522, %mul3A_1640 : vector<16xf32>
        %get3A_1642 = arith.index_cast %add3A_1543 : i32 to index
        %get3A_1643 = arith.constant 224 : index
        %get3A_1644 = tpu.vector_load %arg6[%get3A_1642, %get3A_1643] {strides = array<i32>} : memref<128x256xf32, #tpu.memory_space<vmem>>, vector<1x16xf32>,
        %get3A_1645 = vector.shape_cast %get3A_1644 : vector<1x16xf32> to vector<16xf32>
        %sub3A_1646 = arith.subf %get3A_1645, %broadcast_in_dim3A_1539 : vector<16xf32>
        %mul3A_1647 = arith.mulf %sub3A_1646, %sub3A_1646 : vector<16xf32>
        %add3A_1648 = arith.addf %add3A_1529, %mul3A_1647 : vector<16xf32>
        %get3A_1649 = arith.index_cast %add3A_1543 : i32 to index
        %get3A_1650 = arith.constant 240 : index
        %get3A_1651 = tpu.vector_load %arg6[%get3A_1649, %get3A_1650] {strides = array<i32>} : memref<128x256xf32, #tpu.memory_space<vmem>>, vector<1x16xf32>,
        %get3A_1652 = vector.shape_cast %get3A_1651 : vector<1x16xf32> to vector<16xf32>
        %sub3A_1653 = arith.subf %get3A_1652, %broadcast_in_dim3A_1539 : vector<16xf32>
        %mul3A_1654 = arith.mulf %sub3A_1653, %sub3A_1653 : vector<16xf32>
        %add3A_1655 = arith.addf %add3A_1536, %mul3A_1654 : vector<16xf32>
        %slice3A_1656 = vector.extract_strided_slice %get3A_436 {offsets = [10], sizes = [1], strides = [1]} : vector<16xf32> to vector<1xf32>
        %squeeze3A_1657 = vector.extract %slice3A_1656[0] : f32 from vector<1xf32>
        %broadcast_in_dim3A_1658 = vector.broadcast %squeeze3A_1657 : f32 to vector<16xf32>
        %mul3A_1659 = arith.constant 16 : i32
        %mul3A_1660 = arith.muli %scan3A_415, %mul3A_1659 : i32
        %add3A_1661 = arith.constant 10 : i32
        %add3A_1662 = arith.addi %mul3A_1660, %add3A_1661 : i32
        %get3A_1663 = arith.index_cast %add3A_1662 : i32 to index
        %get3A_1664 = arith.constant 0 : index
        %get3A_1665 = tpu.vector_load %arg6[%get3A_1663, %get3A_1664] {strides = array<i32>} : memref<128x256xf32, #tpu.memory_space<vmem>>, vector<1x16xf32>,
        %get3A_1666 = vector.shape_cast %get3A_1665 : vector<1x16xf32> to vector<16xf32>
        %sub3A_1667 = arith.subf %get3A_1666, %broadcast_in_dim3A_1658 : vector<16xf32>
        %mul3A_1668 = arith.mulf %sub3A_1667, %sub3A_1667 : vector<16xf32>
        %add3A_1669 = arith.addf %add3A_1550, %mul3A_1668 : vector<16xf32>
        %get3A_1670 = arith.index_cast %add3A_1662 : i32 to index
        %get3A_1671 = arith.constant 16 : index
        %get3A_1672 = tpu.vector_load %arg6[%get3A_1670, %get3A_1671] {strides = array<i32>} : memref<128x256xf32, #tpu.memory_space<vmem>>, vector<1x16xf32>,
        %get3A_1673 = vector.shape_cast %get3A_1672 : vector<1x16xf32> to vector<16xf32>
        %sub3A_1674 = arith.subf %get3A_1673, %broadcast_in_dim3A_1658 : vector<16xf32>
        %mul3A_1675 = arith.mulf %sub3A_1674, %sub3A_1674 : vector<16xf32>
        %add3A_1676 = arith.addf %add3A_1557, %mul3A_1675 : vector<16xf32>
        %get3A_1677 = arith.index_cast %add3A_1662 : i32 to index
        %get3A_1678 = arith.constant 32 : index
        %get3A_1679 = tpu.vector_load %arg6[%get3A_1677, %get3A_1678] {strides = array<i32>} : memref<128x256xf32, #tpu.memory_space<vmem>>, vector<1x16xf32>,
        %get3A_1680 = vector.shape_cast %get3A_1679 : vector<1x16xf32> to vector<16xf32>
        %sub3A_1681 = arith.subf %get3A_1680, %broadcast_in_dim3A_1658 : vector<16xf32>
        %mul3A_1682 = arith.mulf %sub3A_1681, %sub3A_1681 : vector<16xf32>
        %add3A_1683 = arith.addf %add3A_1564, %mul3A_1682 : vector<16xf32>
        %get3A_1684 = arith.index_cast %add3A_1662 : i32 to index
        %get3A_1685 = arith.constant 48 : index
        %get3A_1686 = tpu.vector_load %arg6[%get3A_1684, %get3A_1685] {strides = array<i32>} : memref<128x256xf32, #tpu.memory_space<vmem>>, vector<1x16xf32>,
        %get3A_1687 = vector.shape_cast %get3A_1686 : vector<1x16xf32> to vector<16xf32>
        %sub3A_1688 = arith.subf %get3A_1687, %broadcast_in_dim3A_1658 : vector<16xf32>
        %mul3A_1689 = arith.mulf %sub3A_1688, %sub3A_1688 : vector<16xf32>
        %add3A_1690 = arith.addf %add3A_1571, %mul3A_1689 : vector<16xf32>
        %get3A_1691 = arith.index_cast %add3A_1662 : i32 to index
        %get3A_1692 = arith.constant 64 : index
        %get3A_1693 = tpu.vector_load %arg6[%get3A_1691, %get3A_1692] {strides = array<i32>} : memref<128x256xf32, #tpu.memory_space<vmem>>, vector<1x16xf32>,
        %get3A_1694 = vector.shape_cast %get3A_1693 : vector<1x16xf32> to vector<16xf32>
        %sub3A_1695 = arith.subf %get3A_1694, %broadcast_in_dim3A_1658 : vector<16xf32>
        %mul3A_1696 = arith.mulf %sub3A_1695, %sub3A_1695 : vector<16xf32>
        %add3A_1697 = arith.addf %add3A_1578, %mul3A_1696 : vector<16xf32>
        %get3A_1698 = arith.index_cast %add3A_1662 : i32 to index
        %get3A_1699 = arith.constant 80 : index
        %get3A_1700 = tpu.vector_load %arg6[%get3A_1698, %get3A_1699] {strides = array<i32>} : memref<128x256xf32, #tpu.memory_space<vmem>>, vector<1x16xf32>,
        %get3A_1701 = vector.shape_cast %get3A_1700 : vector<1x16xf32> to vector<16xf32>
        %sub3A_1702 = arith.subf %get3A_1701, %broadcast_in_dim3A_1658 : vector<16xf32>
        %mul3A_1703 = arith.mulf %sub3A_1702, %sub3A_1702 : vector<16xf32>
        %add3A_1704 = arith.addf %add3A_1585, %mul3A_1703 : vector<16xf32>
        %get3A_1705 = arith.index_cast %add3A_1662 : i32 to index
        %get3A_1706 = arith.constant 96 : index
        %get3A_1707 = tpu.vector_load %arg6[%get3A_1705, %get3A_1706] {strides = array<i32>} : memref<128x256xf32, #tpu.memory_space<vmem>>, vector<1x16xf32>,
        %get3A_1708 = vector.shape_cast %get3A_1707 : vector<1x16xf32> to vector<16xf32>
        %sub3A_1709 = arith.subf %get3A_1708, %broadcast_in_dim3A_1658 : vector<16xf32>
        %mul3A_1710 = arith.mulf %sub3A_1709, %sub3A_1709 : vector<16xf32>
        %add3A_1711 = arith.addf %add3A_1592, %mul3A_1710 : vector<16xf32>
        %get3A_1712 = arith.index_cast %add3A_1662 : i32 to index
        %get3A_1713 = arith.constant 112 : index
        %get3A_1714 = tpu.vector_load %arg6[%get3A_1712, %get3A_1713] {strides = array<i32>} : memref<128x256xf32, #tpu.memory_space<vmem>>, vector<1x16xf32>,
        %get3A_1715 = vector.shape_cast %get3A_1714 : vector<1x16xf32> to vector<16xf32>
        %sub3A_1716 = arith.subf %get3A_1715, %broadcast_in_dim3A_1658 : vector<16xf32>
        %mul3A_1717 = arith.mulf %sub3A_1716, %sub3A_1716 : vector<16xf32>
        %add3A_1718 = arith.addf %add3A_1599, %mul3A_1717 : vector<16xf32>
        %get3A_1719 = arith.index_cast %add3A_1662 : i32 to index
        %get3A_1720 = arith.constant 128 : index
        %get3A_1721 = tpu.vector_load %arg6[%get3A_1719, %get3A_1720] {strides = array<i32>} : memref<128x256xf32, #tpu.memory_space<vmem>>, vector<1x16xf32>,
        %get3A_1722 = vector.shape_cast %get3A_1721 : vector<1x16xf32> to vector<16xf32>
        %sub3A_1723 = arith.subf %get3A_1722, %broadcast_in_dim3A_1658 : vector<16xf32>
        %mul3A_1724 = arith.mulf %sub3A_1723, %sub3A_1723 : vector<16xf32>
        %add3A_1725 = arith.addf %add3A_1606, %mul3A_1724 : vector<16xf32>
        %get3A_1726 = arith.index_cast %add3A_1662 : i32 to index
        %get3A_1727 = arith.constant 144 : index
        %get3A_1728 = tpu.vector_load %arg6[%get3A_1726, %get3A_1727] {strides = array<i32>} : memref<128x256xf32, #tpu.memory_space<vmem>>, vector<1x16xf32>,
        %get3A_1729 = vector.shape_cast %get3A_1728 : vector<1x16xf32> to vector<16xf32>
        %sub3A_1730 = arith.subf %get3A_1729, %broadcast_in_dim3A_1658 : vector<16xf32>
        %mul3A_1731 = arith.mulf %sub3A_1730, %sub3A_1730 : vector<16xf32>
        %add3A_1732 = arith.addf %add3A_1613, %mul3A_1731 : vector<16xf32>
        %get3A_1733 = arith.index_cast %add3A_1662 : i32 to index
        %get3A_1734 = arith.constant 160 : index
        %get3A_1735 = tpu.vector_load %arg6[%get3A_1733, %get3A_1734] {strides = array<i32>} : memref<128x256xf32, #tpu.memory_space<vmem>>, vector<1x16xf32>,
        %get3A_1736 = vector.shape_cast %get3A_1735 : vector<1x16xf32> to vector<16xf32>
        %sub3A_1737 = arith.subf %get3A_1736, %broadcast_in_dim3A_1658 : vector<16xf32>
        %mul3A_1738 = arith.mulf %sub3A_1737, %sub3A_1737 : vector<16xf32>
        %add3A_1739 = arith.addf %add3A_1620, %mul3A_1738 : vector<16xf32>
        %get3A_1740 = arith.index_cast %add3A_1662 : i32 to index
        %get3A_1741 = arith.constant 176 : index
        %get3A_1742 = tpu.vector_load %arg6[%get3A_1740, %get3A_1741] {strides = array<i32>} : memref<128x256xf32, #tpu.memory_space<vmem>>, vector<1x16xf32>,
        %get3A_1743 = vector.shape_cast %get3A_1742 : vector<1x16xf32> to vector<16xf32>
        %sub3A_1744 = arith.subf %get3A_1743, %broadcast_in_dim3A_1658 : vector<16xf32>
        %mul3A_1745 = arith.mulf %sub3A_1744, %sub3A_1744 : vector<16xf32>
        %add3A_1746 = arith.addf %add3A_1627, %mul3A_1745 : vector<16xf32>
        %get3A_1747 = arith.index_cast %add3A_1662 : i32 to index
        %get3A_1748 = arith.constant 192 : index
        %get3A_1749 = tpu.vector_load %arg6[%get3A_1747, %get3A_1748] {strides = array<i32>} : memref<128x256xf32, #tpu.memory_space<vmem>>, vector<1x16xf32>,
        %get3A_1750 = vector.shape_cast %get3A_1749 : vector<1x16xf32> to vector<16xf32>
        %sub3A_1751 = arith.subf %get3A_1750, %broadcast_in_dim3A_1658 : vector<16xf32>
        %mul3A_1752 = arith.mulf %sub3A_1751, %sub3A_1751 : vector<16xf32>
        %add3A_1753 = arith.addf %add3A_1634, %mul3A_1752 : vector<16xf32>
        %get3A_1754 = arith.index_cast %add3A_1662 : i32 to index
        %get3A_1755 = arith.constant 208 : index
        %get3A_1756 = tpu.vector_load %arg6[%get3A_1754, %get3A_1755] {strides = array<i32>} : memref<128x256xf32, #tpu.memory_space<vmem>>, vector<1x16xf32>,
        %get3A_1757 = vector.shape_cast %get3A_1756 : vector<1x16xf32> to vector<16xf32>
        %sub3A_1758 = arith.subf %get3A_1757, %broadcast_in_dim3A_1658 : vector<16xf32>
        %mul3A_1759 = arith.mulf %sub3A_1758, %sub3A_1758 : vector<16xf32>
        %add3A_1760 = arith.addf %add3A_1641, %mul3A_1759 : vector<16xf32>
        %get3A_1761 = arith.index_cast %add3A_1662 : i32 to index
        %get3A_1762 = arith.constant 224 : index
        %get3A_1763 = tpu.vector_load %arg6[%get3A_1761, %get3A_1762] {strides = array<i32>} : memref<128x256xf32, #tpu.memory_space<vmem>>, vector<1x16xf32>,
        %get3A_1764 = vector.shape_cast %get3A_1763 : vector<1x16xf32> to vector<16xf32>
        %sub3A_1765 = arith.subf %get3A_1764, %broadcast_in_dim3A_1658 : vector<16xf32>
        %mul3A_1766 = arith.mulf %sub3A_1765, %sub3A_1765 : vector<16xf32>
        %add3A_1767 = arith.addf %add3A_1648, %mul3A_1766 : vector<16xf32>
        %get3A_1768 = arith.index_cast %add3A_1662 : i32 to index
        %get3A_1769 = arith.constant 240 : index
        %get3A_1770 = tpu.vector_load %arg6[%get3A_1768, %get3A_1769] {strides = array<i32>} : memref<128x256xf32, #tpu.memory_space<vmem>>, vector<1x16xf32>,
        %get3A_1771 = vector.shape_cast %get3A_1770 : vector<1x16xf32> to vector<16xf32>
        %sub3A_1772 = arith.subf %get3A_1771, %broadcast_in_dim3A_1658 : vector<16xf32>
        %mul3A_1773 = arith.mulf %sub3A_1772, %sub3A_1772 : vector<16xf32>
        %add3A_1774 = arith.addf %add3A_1655, %mul3A_1773 : vector<16xf32>
        %slice3A_1775 = vector.extract_strided_slice %get3A_436 {offsets = [11], sizes = [1], strides = [1]} : vector<16xf32> to vector<1xf32>
        %squeeze3A_1776 = vector.extract %slice3A_1775[0] : f32 from vector<1xf32>
        %broadcast_in_dim3A_1777 = vector.broadcast %squeeze3A_1776 : f32 to vector<16xf32>
        %mul3A_1778 = arith.constant 16 : i32
        %mul3A_1779 = arith.muli %scan3A_415, %mul3A_1778 : i32
        %add3A_1780 = arith.constant 11 : i32
        %add3A_1781 = arith.addi %mul3A_1779, %add3A_1780 : i32
        %get3A_1782 = arith.index_cast %add3A_1781 : i32 to index
        %get3A_1783 = arith.constant 0 : index
        %get3A_1784 = tpu.vector_load %arg6[%get3A_1782, %get3A_1783] {strides = array<i32>} : memref<128x256xf32, #tpu.memory_space<vmem>>, vector<1x16xf32>,
        %get3A_1785 = vector.shape_cast %get3A_1784 : vector<1x16xf32> to vector<16xf32>
        %sub3A_1786 = arith.subf %get3A_1785, %broadcast_in_dim3A_1777 : vector<16xf32>
        %mul3A_1787 = arith.mulf %sub3A_1786, %sub3A_1786 : vector<16xf32>
        %add3A_1788 = arith.addf %add3A_1669, %mul3A_1787 : vector<16xf32>
        %get3A_1789 = arith.index_cast %add3A_1781 : i32 to index
        %get3A_1790 = arith.constant 16 : index
        %get3A_1791 = tpu.vector_load %arg6[%get3A_1789, %get3A_1790] {strides = array<i32>} : memref<128x256xf32, #tpu.memory_space<vmem>>, vector<1x16xf32>,
        %get3A_1792 = vector.shape_cast %get3A_1791 : vector<1x16xf32> to vector<16xf32>
        %sub3A_1793 = arith.subf %get3A_1792, %broadcast_in_dim3A_1777 : vector<16xf32>
        %mul3A_1794 = arith.mulf %sub3A_1793, %sub3A_1793 : vector<16xf32>
        %add3A_1795 = arith.addf %add3A_1676, %mul3A_1794 : vector<16xf32>
        %get3A_1796 = arith.index_cast %add3A_1781 : i32 to index
        %get3A_1797 = arith.constant 32 : index
        %get3A_1798 = tpu.vector_load %arg6[%get3A_1796, %get3A_1797] {strides = array<i32>} : memref<128x256xf32, #tpu.memory_space<vmem>>, vector<1x16xf32>,
        %get3A_1799 = vector.shape_cast %get3A_1798 : vector<1x16xf32> to vector<16xf32>
        %sub3A_1800 = arith.subf %get3A_1799, %broadcast_in_dim3A_1777 : vector<16xf32>
        %mul3A_1801 = arith.mulf %sub3A_1800, %sub3A_1800 : vector<16xf32>
        %add3A_1802 = arith.addf %add3A_1683, %mul3A_1801 : vector<16xf32>
        %get3A_1803 = arith.index_cast %add3A_1781 : i32 to index
        %get3A_1804 = arith.constant 48 : index
        %get3A_1805 = tpu.vector_load %arg6[%get3A_1803, %get3A_1804] {strides = array<i32>} : memref<128x256xf32, #tpu.memory_space<vmem>>, vector<1x16xf32>,
        %get3A_1806 = vector.shape_cast %get3A_1805 : vector<1x16xf32> to vector<16xf32>
        %sub3A_1807 = arith.subf %get3A_1806, %broadcast_in_dim3A_1777 : vector<16xf32>
        %mul3A_1808 = arith.mulf %sub3A_1807, %sub3A_1807 : vector<16xf32>
        %add3A_1809 = arith.addf %add3A_1690, %mul3A_1808 : vector<16xf32>
        %get3A_1810 = arith.index_cast %add3A_1781 : i32 to index
        %get3A_1811 = arith.constant 64 : index
        %get3A_1812 = tpu.vector_load %arg6[%get3A_1810, %get3A_1811] {strides = array<i32>} : memref<128x256xf32, #tpu.memory_space<vmem>>, vector<1x16xf32>,
        %get3A_1813 = vector.shape_cast %get3A_1812 : vector<1x16xf32> to vector<16xf32>
        %sub3A_1814 = arith.subf %get3A_1813, %broadcast_in_dim3A_1777 : vector<16xf32>
        %mul3A_1815 = arith.mulf %sub3A_1814, %sub3A_1814 : vector<16xf32>
        %add3A_1816 = arith.addf %add3A_1697, %mul3A_1815 : vector<16xf32>
        %get3A_1817 = arith.index_cast %add3A_1781 : i32 to index
        %get3A_1818 = arith.constant 80 : index
        %get3A_1819 = tpu.vector_load %arg6[%get3A_1817, %get3A_1818] {strides = array<i32>} : memref<128x256xf32, #tpu.memory_space<vmem>>, vector<1x16xf32>,
        %get3A_1820 = vector.shape_cast %get3A_1819 : vector<1x16xf32> to vector<16xf32>
        %sub3A_1821 = arith.subf %get3A_1820, %broadcast_in_dim3A_1777 : vector<16xf32>
        %mul3A_1822 = arith.mulf %sub3A_1821, %sub3A_1821 : vector<16xf32>
        %add3A_1823 = arith.addf %add3A_1704, %mul3A_1822 : vector<16xf32>
        %get3A_1824 = arith.index_cast %add3A_1781 : i32 to index
        %get3A_1825 = arith.constant 96 : index
        %get3A_1826 = tpu.vector_load %arg6[%get3A_1824, %get3A_1825] {strides = array<i32>} : memref<128x256xf32, #tpu.memory_space<vmem>>, vector<1x16xf32>,
        %get3A_1827 = vector.shape_cast %get3A_1826 : vector<1x16xf32> to vector<16xf32>
        %sub3A_1828 = arith.subf %get3A_1827, %broadcast_in_dim3A_1777 : vector<16xf32>
        %mul3A_1829 = arith.mulf %sub3A_1828, %sub3A_1828 : vector<16xf32>
        %add3A_1830 = arith.addf %add3A_1711, %mul3A_1829 : vector<16xf32>
        %get3A_1831 = arith.index_cast %add3A_1781 : i32 to index
        %get3A_1832 = arith.constant 112 : index
        %get3A_1833 = tpu.vector_load %arg6[%get3A_1831, %get3A_1832] {strides = array<i32>} : memref<128x256xf32, #tpu.memory_space<vmem>>, vector<1x16xf32>,
        %get3A_1834 = vector.shape_cast %get3A_1833 : vector<1x16xf32> to vector<16xf32>
        %sub3A_1835 = arith.subf %get3A_1834, %broadcast_in_dim3A_1777 : vector<16xf32>
        %mul3A_1836 = arith.mulf %sub3A_1835, %sub3A_1835 : vector<16xf32>
        %add3A_1837 = arith.addf %add3A_1718, %mul3A_1836 : vector<16xf32>
        %get3A_1838 = arith.index_cast %add3A_1781 : i32 to index
        %get3A_1839 = arith.constant 128 : index
        %get3A_1840 = tpu.vector_load %arg6[%get3A_1838, %get3A_1839] {strides = array<i32>} : memref<128x256xf32, #tpu.memory_space<vmem>>, vector<1x16xf32>,
        %get3A_1841 = vector.shape_cast %get3A_1840 : vector<1x16xf32> to vector<16xf32>
        %sub3A_1842 = arith.subf %get3A_1841, %broadcast_in_dim3A_1777 : vector<16xf32>
        %mul3A_1843 = arith.mulf %sub3A_1842, %sub3A_1842 : vector<16xf32>
        %add3A_1844 = arith.addf %add3A_1725, %mul3A_1843 : vector<16xf32>
        %get3A_1845 = arith.index_cast %add3A_1781 : i32 to index
        %get3A_1846 = arith.constant 144 : index
        %get3A_1847 = tpu.vector_load %arg6[%get3A_1845, %get3A_1846] {strides = array<i32>} : memref<128x256xf32, #tpu.memory_space<vmem>>, vector<1x16xf32>,
        %get3A_1848 = vector.shape_cast %get3A_1847 : vector<1x16xf32> to vector<16xf32>
        %sub3A_1849 = arith.subf %get3A_1848, %broadcast_in_dim3A_1777 : vector<16xf32>
        %mul3A_1850 = arith.mulf %sub3A_1849, %sub3A_1849 : vector<16xf32>
        %add3A_1851 = arith.addf %add3A_1732, %mul3A_1850 : vector<16xf32>
        %get3A_1852 = arith.index_cast %add3A_1781 : i32 to index
        %get3A_1853 = arith.constant 160 : index
        %get3A_1854 = tpu.vector_load %arg6[%get3A_1852, %get3A_1853] {strides = array<i32>} : memref<128x256xf32, #tpu.memory_space<vmem>>, vector<1x16xf32>,
        %get3A_1855 = vector.shape_cast %get3A_1854 : vector<1x16xf32> to vector<16xf32>
        %sub3A_1856 = arith.subf %get3A_1855, %broadcast_in_dim3A_1777 : vector<16xf32>
        %mul3A_1857 = arith.mulf %sub3A_1856, %sub3A_1856 : vector<16xf32>
        %add3A_1858 = arith.addf %add3A_1739, %mul3A_1857 : vector<16xf32>
        %get3A_1859 = arith.index_cast %add3A_1781 : i32 to index
        %get3A_1860 = arith.constant 176 : index
        %get3A_1861 = tpu.vector_load %arg6[%get3A_1859, %get3A_1860] {strides = array<i32>} : memref<128x256xf32, #tpu.memory_space<vmem>>, vector<1x16xf32>,
        %get3A_1862 = vector.shape_cast %get3A_1861 : vector<1x16xf32> to vector<16xf32>
        %sub3A_1863 = arith.subf %get3A_1862, %broadcast_in_dim3A_1777 : vector<16xf32>
        %mul3A_1864 = arith.mulf %sub3A_1863, %sub3A_1863 : vector<16xf32>
        %add3A_1865 = arith.addf %add3A_1746, %mul3A_1864 : vector<16xf32>
        %get3A_1866 = arith.index_cast %add3A_1781 : i32 to index
        %get3A_1867 = arith.constant 192 : index
        %get3A_1868 = tpu.vector_load %arg6[%get3A_1866, %get3A_1867] {strides = array<i32>} : memref<128x256xf32, #tpu.memory_space<vmem>>, vector<1x16xf32>,
        %get3A_1869 = vector.shape_cast %get3A_1868 : vector<1x16xf32> to vector<16xf32>
        %sub3A_1870 = arith.subf %get3A_1869, %broadcast_in_dim3A_1777 : vector<16xf32>
        %mul3A_1871 = arith.mulf %sub3A_1870, %sub3A_1870 : vector<16xf32>
        %add3A_1872 = arith.addf %add3A_1753, %mul3A_1871 : vector<16xf32>
        %get3A_1873 = arith.index_cast %add3A_1781 : i32 to index
        %get3A_1874 = arith.constant 208 : index
        %get3A_1875 = tpu.vector_load %arg6[%get3A_1873, %get3A_1874] {strides = array<i32>} : memref<128x256xf32, #tpu.memory_space<vmem>>, vector<1x16xf32>,
        %get3A_1876 = vector.shape_cast %get3A_1875 : vector<1x16xf32> to vector<16xf32>
        %sub3A_1877 = arith.subf %get3A_1876, %broadcast_in_dim3A_1777 : vector<16xf32>
        %mul3A_1878 = arith.mulf %sub3A_1877, %sub3A_1877 : vector<16xf32>
        %add3A_1879 = arith.addf %add3A_1760, %mul3A_1878 : vector<16xf32>
        %get3A_1880 = arith.index_cast %add3A_1781 : i32 to index
        %get3A_1881 = arith.constant 224 : index
        %get3A_1882 = tpu.vector_load %arg6[%get3A_1880, %get3A_1881] {strides = array<i32>} : memref<128x256xf32, #tpu.memory_space<vmem>>, vector<1x16xf32>,
        %get3A_1883 = vector.shape_cast %get3A_1882 : vector<1x16xf32> to vector<16xf32>
        %sub3A_1884 = arith.subf %get3A_1883, %broadcast_in_dim3A_1777 : vector<16xf32>
        %mul3A_1885 = arith.mulf %sub3A_1884, %sub3A_1884 : vector<16xf32>
        %add3A_1886 = arith.addf %add3A_1767, %mul3A_1885 : vector<16xf32>
        %get3A_1887 = arith.index_cast %add3A_1781 : i32 to index
        %get3A_1888 = arith.constant 240 : index
        %get3A_1889 = tpu.vector_load %arg6[%get3A_1887, %get3A_1888] {strides = array<i32>} : memref<128x256xf32, #tpu.memory_space<vmem>>, vector<1x16xf32>,
        %get3A_1890 = vector.shape_cast %get3A_1889 : vector<1x16xf32> to vector<16xf32>
        %sub3A_1891 = arith.subf %get3A_1890, %broadcast_in_dim3A_1777 : vector<16xf32>
        %mul3A_1892 = arith.mulf %sub3A_1891, %sub3A_1891 : vector<16xf32>
        %add3A_1893 = arith.addf %add3A_1774, %mul3A_1892 : vector<16xf32>
        %slice3A_1894 = vector.extract_strided_slice %get3A_436 {offsets = [12], sizes = [1], strides = [1]} : vector<16xf32> to vector<1xf32>
        %squeeze3A_1895 = vector.extract %slice3A_1894[0] : f32 from vector<1xf32>
        %broadcast_in_dim3A_1896 = vector.broadcast %squeeze3A_1895 : f32 to vector<16xf32>
        %mul3A_1897 = arith.constant 16 : i32
        %mul3A_1898 = arith.muli %scan3A_415, %mul3A_1897 : i32
        %add3A_1899 = arith.constant 12 : i32
        %add3A_1900 = arith.addi %mul3A_1898, %add3A_1899 : i32
        %get3A_1901 = arith.index_cast %add3A_1900 : i32 to index
        %get3A_1902 = arith.constant 0 : index
        %get3A_1903 = tpu.vector_load %arg6[%get3A_1901, %get3A_1902] {strides = array<i32>} : memref<128x256xf32, #tpu.memory_space<vmem>>, vector<1x16xf32>,
        %get3A_1904 = vector.shape_cast %get3A_1903 : vector<1x16xf32> to vector<16xf32>
        %sub3A_1905 = arith.subf %get3A_1904, %broadcast_in_dim3A_1896 : vector<16xf32>
        %mul3A_1906 = arith.mulf %sub3A_1905, %sub3A_1905 : vector<16xf32>
        %add3A_1907 = arith.addf %add3A_1788, %mul3A_1906 : vector<16xf32>
        %get3A_1908 = arith.index_cast %add3A_1900 : i32 to index
        %get3A_1909 = arith.constant 16 : index
        %get3A_1910 = tpu.vector_load %arg6[%get3A_1908, %get3A_1909] {strides = array<i32>} : memref<128x256xf32, #tpu.memory_space<vmem>>, vector<1x16xf32>,
        %get3A_1911 = vector.shape_cast %get3A_1910 : vector<1x16xf32> to vector<16xf32>
        %sub3A_1912 = arith.subf %get3A_1911, %broadcast_in_dim3A_1896 : vector<16xf32>
        %mul3A_1913 = arith.mulf %sub3A_1912, %sub3A_1912 : vector<16xf32>
        %add3A_1914 = arith.addf %add3A_1795, %mul3A_1913 : vector<16xf32>
        %get3A_1915 = arith.index_cast %add3A_1900 : i32 to index
        %get3A_1916 = arith.constant 32 : index
        %get3A_1917 = tpu.vector_load %arg6[%get3A_1915, %get3A_1916] {strides = array<i32>} : memref<128x256xf32, #tpu.memory_space<vmem>>, vector<1x16xf32>,
        %get3A_1918 = vector.shape_cast %get3A_1917 : vector<1x16xf32> to vector<16xf32>
        %sub3A_1919 = arith.subf %get3A_1918, %broadcast_in_dim3A_1896 : vector<16xf32>
        %mul3A_1920 = arith.mulf %sub3A_1919, %sub3A_1919 : vector<16xf32>
        %add3A_1921 = arith.addf %add3A_1802, %mul3A_1920 : vector<16xf32>
        %get3A_1922 = arith.index_cast %add3A_1900 : i32 to index
        %get3A_1923 = arith.constant 48 : index
        %get3A_1924 = tpu.vector_load %arg6[%get3A_1922, %get3A_1923] {strides = array<i32>} : memref<128x256xf32, #tpu.memory_space<vmem>>, vector<1x16xf32>,
        %get3A_1925 = vector.shape_cast %get3A_1924 : vector<1x16xf32> to vector<16xf32>
        %sub3A_1926 = arith.subf %get3A_1925, %broadcast_in_dim3A_1896 : vector<16xf32>
        %mul3A_1927 = arith.mulf %sub3A_1926, %sub3A_1926 : vector<16xf32>
        %add3A_1928 = arith.addf %add3A_1809, %mul3A_1927 : vector<16xf32>
        %get3A_1929 = arith.index_cast %add3A_1900 : i32 to index
        %get3A_1930 = arith.constant 64 : index
        %get3A_1931 = tpu.vector_load %arg6[%get3A_1929, %get3A_1930] {strides = array<i32>} : memref<128x256xf32, #tpu.memory_space<vmem>>, vector<1x16xf32>,
        %get3A_1932 = vector.shape_cast %get3A_1931 : vector<1x16xf32> to vector<16xf32>
        %sub3A_1933 = arith.subf %get3A_1932, %broadcast_in_dim3A_1896 : vector<16xf32>
        %mul3A_1934 = arith.mulf %sub3A_1933, %sub3A_1933 : vector<16xf32>
        %add3A_1935 = arith.addf %add3A_1816, %mul3A_1934 : vector<16xf32>
        %get3A_1936 = arith.index_cast %add3A_1900 : i32 to index
        %get3A_1937 = arith.constant 80 : index
        %get3A_1938 = tpu.vector_load %arg6[%get3A_1936, %get3A_1937] {strides = array<i32>} : memref<128x256xf32, #tpu.memory_space<vmem>>, vector<1x16xf32>,
        %get3A_1939 = vector.shape_cast %get3A_1938 : vector<1x16xf32> to vector<16xf32>
        %sub3A_1940 = arith.subf %get3A_1939, %broadcast_in_dim3A_1896 : vector<16xf32>
        %mul3A_1941 = arith.mulf %sub3A_1940, %sub3A_1940 : vector<16xf32>
        %add3A_1942 = arith.addf %add3A_1823, %mul3A_1941 : vector<16xf32>
        %get3A_1943 = arith.index_cast %add3A_1900 : i32 to index
        %get3A_1944 = arith.constant 96 : index
        %get3A_1945 = tpu.vector_load %arg6[%get3A_1943, %get3A_1944] {strides = array<i32>} : memref<128x256xf32, #tpu.memory_space<vmem>>, vector<1x16xf32>,
        %get3A_1946 = vector.shape_cast %get3A_1945 : vector<1x16xf32> to vector<16xf32>
        %sub3A_1947 = arith.subf %get3A_1946, %broadcast_in_dim3A_1896 : vector<16xf32>
        %mul3A_1948 = arith.mulf %sub3A_1947, %sub3A_1947 : vector<16xf32>
        %add3A_1949 = arith.addf %add3A_1830, %mul3A_1948 : vector<16xf32>
        %get3A_1950 = arith.index_cast %add3A_1900 : i32 to index
        %get3A_1951 = arith.constant 112 : index
        %get3A_1952 = tpu.vector_load %arg6[%get3A_1950, %get3A_1951] {strides = array<i32>} : memref<128x256xf32, #tpu.memory_space<vmem>>, vector<1x16xf32>,
        %get3A_1953 = vector.shape_cast %get3A_1952 : vector<1x16xf32> to vector<16xf32>
        %sub3A_1954 = arith.subf %get3A_1953, %broadcast_in_dim3A_1896 : vector<16xf32>
        %mul3A_1955 = arith.mulf %sub3A_1954, %sub3A_1954 : vector<16xf32>
        %add3A_1956 = arith.addf %add3A_1837, %mul3A_1955 : vector<16xf32>
        %get3A_1957 = arith.index_cast %add3A_1900 : i32 to index
        %get3A_1958 = arith.constant 128 : index
        %get3A_1959 = tpu.vector_load %arg6[%get3A_1957, %get3A_1958] {strides = array<i32>} : memref<128x256xf32, #tpu.memory_space<vmem>>, vector<1x16xf32>,
        %get3A_1960 = vector.shape_cast %get3A_1959 : vector<1x16xf32> to vector<16xf32>
        %sub3A_1961 = arith.subf %get3A_1960, %broadcast_in_dim3A_1896 : vector<16xf32>
        %mul3A_1962 = arith.mulf %sub3A_1961, %sub3A_1961 : vector<16xf32>
        %add3A_1963 = arith.addf %add3A_1844, %mul3A_1962 : vector<16xf32>
        %get3A_1964 = arith.index_cast %add3A_1900 : i32 to index
        %get3A_1965 = arith.constant 144 : index
        %get3A_1966 = tpu.vector_load %arg6[%get3A_1964, %get3A_1965] {strides = array<i32>} : memref<128x256xf32, #tpu.memory_space<vmem>>, vector<1x16xf32>,
        %get3A_1967 = vector.shape_cast %get3A_1966 : vector<1x16xf32> to vector<16xf32>
        %sub3A_1968 = arith.subf %get3A_1967, %broadcast_in_dim3A_1896 : vector<16xf32>
        %mul3A_1969 = arith.mulf %sub3A_1968, %sub3A_1968 : vector<16xf32>
        %add3A_1970 = arith.addf %add3A_1851, %mul3A_1969 : vector<16xf32>
        %get3A_1971 = arith.index_cast %add3A_1900 : i32 to index
        %get3A_1972 = arith.constant 160 : index
        %get3A_1973 = tpu.vector_load %arg6[%get3A_1971, %get3A_1972] {strides = array<i32>} : memref<128x256xf32, #tpu.memory_space<vmem>>, vector<1x16xf32>,
        %get3A_1974 = vector.shape_cast %get3A_1973 : vector<1x16xf32> to vector<16xf32>
        %sub3A_1975 = arith.subf %get3A_1974, %broadcast_in_dim3A_1896 : vector<16xf32>
        %mul3A_1976 = arith.mulf %sub3A_1975, %sub3A_1975 : vector<16xf32>
        %add3A_1977 = arith.addf %add3A_1858, %mul3A_1976 : vector<16xf32>
        %get3A_1978 = arith.index_cast %add3A_1900 : i32 to index
        %get3A_1979 = arith.constant 176 : index
        %get3A_1980 = tpu.vector_load %arg6[%get3A_1978, %get3A_1979] {strides = array<i32>} : memref<128x256xf32, #tpu.memory_space<vmem>>, vector<1x16xf32>,
        %get3A_1981 = vector.shape_cast %get3A_1980 : vector<1x16xf32> to vector<16xf32>
        %sub3A_1982 = arith.subf %get3A_1981, %broadcast_in_dim3A_1896 : vector<16xf32>
        %mul3A_1983 = arith.mulf %sub3A_1982, %sub3A_1982 : vector<16xf32>
        %add3A_1984 = arith.addf %add3A_1865, %mul3A_1983 : vector<16xf32>
        %get3A_1985 = arith.index_cast %add3A_1900 : i32 to index
        %get3A_1986 = arith.constant 192 : index
        %get3A_1987 = tpu.vector_load %arg6[%get3A_1985, %get3A_1986] {strides = array<i32>} : memref<128x256xf32, #tpu.memory_space<vmem>>, vector<1x16xf32>,
        %get3A_1988 = vector.shape_cast %get3A_1987 : vector<1x16xf32> to vector<16xf32>
        %sub3A_1989 = arith.subf %get3A_1988, %broadcast_in_dim3A_1896 : vector<16xf32>
        %mul3A_1990 = arith.mulf %sub3A_1989, %sub3A_1989 : vector<16xf32>
        %add3A_1991 = arith.addf %add3A_1872, %mul3A_1990 : vector<16xf32>
        %get3A_1992 = arith.index_cast %add3A_1900 : i32 to index
        %get3A_1993 = arith.constant 208 : index
        %get3A_1994 = tpu.vector_load %arg6[%get3A_1992, %get3A_1993] {strides = array<i32>} : memref<128x256xf32, #tpu.memory_space<vmem>>, vector<1x16xf32>,
        %get3A_1995 = vector.shape_cast %get3A_1994 : vector<1x16xf32> to vector<16xf32>
        %sub3A_1996 = arith.subf %get3A_1995, %broadcast_in_dim3A_1896 : vector<16xf32>
        %mul3A_1997 = arith.mulf %sub3A_1996, %sub3A_1996 : vector<16xf32>
        %add3A_1998 = arith.addf %add3A_1879, %mul3A_1997 : vector<16xf32>
        %get3A_1999 = arith.index_cast %add3A_1900 : i32 to index
        %get3A_2000 = arith.constant 224 : index
        %get3A_2001 = tpu.vector_load %arg6[%get3A_1999, %get3A_2000] {strides = array<i32>} : memref<128x256xf32, #tpu.memory_space<vmem>>, vector<1x16xf32>,
        %get3A_2002 = vector.shape_cast %get3A_2001 : vector<1x16xf32> to vector<16xf32>
        %sub3A_2003 = arith.subf %get3A_2002, %broadcast_in_dim3A_1896 : vector<16xf32>
        %mul3A_2004 = arith.mulf %sub3A_2003, %sub3A_2003 : vector<16xf32>
        %add3A_2005 = arith.addf %add3A_1886, %mul3A_2004 : vector<16xf32>
        %get3A_2006 = arith.index_cast %add3A_1900 : i32 to index
        %get3A_2007 = arith.constant 240 : index
        %get3A_2008 = tpu.vector_load %arg6[%get3A_2006, %get3A_2007] {strides = array<i32>} : memref<128x256xf32, #tpu.memory_space<vmem>>, vector<1x16xf32>,
        %get3A_2009 = vector.shape_cast %get3A_2008 : vector<1x16xf32> to vector<16xf32>
        %sub3A_2010 = arith.subf %get3A_2009, %broadcast_in_dim3A_1896 : vector<16xf32>
        %mul3A_2011 = arith.mulf %sub3A_2010, %sub3A_2010 : vector<16xf32>
        %add3A_2012 = arith.addf %add3A_1893, %mul3A_2011 : vector<16xf32>
        %slice3A_2013 = vector.extract_strided_slice %get3A_436 {offsets = [13], sizes = [1], strides = [1]} : vector<16xf32> to vector<1xf32>
        %squeeze3A_2014 = vector.extract %slice3A_2013[0] : f32 from vector<1xf32>
        %broadcast_in_dim3A_2015 = vector.broadcast %squeeze3A_2014 : f32 to vector<16xf32>
        %mul3A_2016 = arith.constant 16 : i32
        %mul3A_2017 = arith.muli %scan3A_415, %mul3A_2016 : i32
        %add3A_2018 = arith.constant 13 : i32
        %add3A_2019 = arith.addi %mul3A_2017, %add3A_2018 : i32
        %get3A_2020 = arith.index_cast %add3A_2019 : i32 to index
        %get3A_2021 = arith.constant 0 : index
        %get3A_2022 = tpu.vector_load %arg6[%get3A_2020, %get3A_2021] {strides = array<i32>} : memref<128x256xf32, #tpu.memory_space<vmem>>, vector<1x16xf32>,
        %get3A_2023 = vector.shape_cast %get3A_2022 : vector<1x16xf32> to vector<16xf32>
        %sub3A_2024 = arith.subf %get3A_2023, %broadcast_in_dim3A_2015 : vector<16xf32>
        %mul3A_2025 = arith.mulf %sub3A_2024, %sub3A_2024 : vector<16xf32>
        %add3A_2026 = arith.addf %add3A_1907, %mul3A_2025 : vector<16xf32>
        %get3A_2027 = arith.index_cast %add3A_2019 : i32 to index
        %get3A_2028 = arith.constant 16 : index
        %get3A_2029 = tpu.vector_load %arg6[%get3A_2027, %get3A_2028] {strides = array<i32>} : memref<128x256xf32, #tpu.memory_space<vmem>>, vector<1x16xf32>,
        %get3A_2030 = vector.shape_cast %get3A_2029 : vector<1x16xf32> to vector<16xf32>
        %sub3A_2031 = arith.subf %get3A_2030, %broadcast_in_dim3A_2015 : vector<16xf32>
        %mul3A_2032 = arith.mulf %sub3A_2031, %sub3A_2031 : vector<16xf32>
        %add3A_2033 = arith.addf %add3A_1914, %mul3A_2032 : vector<16xf32>
        %get3A_2034 = arith.index_cast %add3A_2019 : i32 to index
        %get3A_2035 = arith.constant 32 : index
        %get3A_2036 = tpu.vector_load %arg6[%get3A_2034, %get3A_2035] {strides = array<i32>} : memref<128x256xf32, #tpu.memory_space<vmem>>, vector<1x16xf32>,
        %get3A_2037 = vector.shape_cast %get3A_2036 : vector<1x16xf32> to vector<16xf32>
        %sub3A_2038 = arith.subf %get3A_2037, %broadcast_in_dim3A_2015 : vector<16xf32>
        %mul3A_2039 = arith.mulf %sub3A_2038, %sub3A_2038 : vector<16xf32>
        %add3A_2040 = arith.addf %add3A_1921, %mul3A_2039 : vector<16xf32>
        %get3A_2041 = arith.index_cast %add3A_2019 : i32 to index
        %get3A_2042 = arith.constant 48 : index
        %get3A_2043 = tpu.vector_load %arg6[%get3A_2041, %get3A_2042] {strides = array<i32>} : memref<128x256xf32, #tpu.memory_space<vmem>>, vector<1x16xf32>,
        %get3A_2044 = vector.shape_cast %get3A_2043 : vector<1x16xf32> to vector<16xf32>
        %sub3A_2045 = arith.subf %get3A_2044, %broadcast_in_dim3A_2015 : vector<16xf32>
        %mul3A_2046 = arith.mulf %sub3A_2045, %sub3A_2045 : vector<16xf32>
        %add3A_2047 = arith.addf %add3A_1928, %mul3A_2046 : vector<16xf32>
        %get3A_2048 = arith.index_cast %add3A_2019 : i32 to index
        %get3A_2049 = arith.constant 64 : index
        %get3A_2050 = tpu.vector_load %arg6[%get3A_2048, %get3A_2049] {strides = array<i32>} : memref<128x256xf32, #tpu.memory_space<vmem>>, vector<1x16xf32>,
        %get3A_2051 = vector.shape_cast %get3A_2050 : vector<1x16xf32> to vector<16xf32>
        %sub3A_2052 = arith.subf %get3A_2051, %broadcast_in_dim3A_2015 : vector<16xf32>
        %mul3A_2053 = arith.mulf %sub3A_2052, %sub3A_2052 : vector<16xf32>
        %add3A_2054 = arith.addf %add3A_1935, %mul3A_2053 : vector<16xf32>
        %get3A_2055 = arith.index_cast %add3A_2019 : i32 to index
        %get3A_2056 = arith.constant 80 : index
        %get3A_2057 = tpu.vector_load %arg6[%get3A_2055, %get3A_2056] {strides = array<i32>} : memref<128x256xf32, #tpu.memory_space<vmem>>, vector<1x16xf32>,
        %get3A_2058 = vector.shape_cast %get3A_2057 : vector<1x16xf32> to vector<16xf32>
        %sub3A_2059 = arith.subf %get3A_2058, %broadcast_in_dim3A_2015 : vector<16xf32>
        %mul3A_2060 = arith.mulf %sub3A_2059, %sub3A_2059 : vector<16xf32>
        %add3A_2061 = arith.addf %add3A_1942, %mul3A_2060 : vector<16xf32>
        %get3A_2062 = arith.index_cast %add3A_2019 : i32 to index
        %get3A_2063 = arith.constant 96 : index
        %get3A_2064 = tpu.vector_load %arg6[%get3A_2062, %get3A_2063] {strides = array<i32>} : memref<128x256xf32, #tpu.memory_space<vmem>>, vector<1x16xf32>,
        %get3A_2065 = vector.shape_cast %get3A_2064 : vector<1x16xf32> to vector<16xf32>
        %sub3A_2066 = arith.subf %get3A_2065, %broadcast_in_dim3A_2015 : vector<16xf32>
        %mul3A_2067 = arith.mulf %sub3A_2066, %sub3A_2066 : vector<16xf32>
        %add3A_2068 = arith.addf %add3A_1949, %mul3A_2067 : vector<16xf32>
        %get3A_2069 = arith.index_cast %add3A_2019 : i32 to index
        %get3A_2070 = arith.constant 112 : index
        %get3A_2071 = tpu.vector_load %arg6[%get3A_2069, %get3A_2070] {strides = array<i32>} : memref<128x256xf32, #tpu.memory_space<vmem>>, vector<1x16xf32>,
        %get3A_2072 = vector.shape_cast %get3A_2071 : vector<1x16xf32> to vector<16xf32>
        %sub3A_2073 = arith.subf %get3A_2072, %broadcast_in_dim3A_2015 : vector<16xf32>
        %mul3A_2074 = arith.mulf %sub3A_2073, %sub3A_2073 : vector<16xf32>
        %add3A_2075 = arith.addf %add3A_1956, %mul3A_2074 : vector<16xf32>
        %get3A_2076 = arith.index_cast %add3A_2019 : i32 to index
        %get3A_2077 = arith.constant 128 : index
        %get3A_2078 = tpu.vector_load %arg6[%get3A_2076, %get3A_2077] {strides = array<i32>} : memref<128x256xf32, #tpu.memory_space<vmem>>, vector<1x16xf32>,
        %get3A_2079 = vector.shape_cast %get3A_2078 : vector<1x16xf32> to vector<16xf32>
        %sub3A_2080 = arith.subf %get3A_2079, %broadcast_in_dim3A_2015 : vector<16xf32>
        %mul3A_2081 = arith.mulf %sub3A_2080, %sub3A_2080 : vector<16xf32>
        %add3A_2082 = arith.addf %add3A_1963, %mul3A_2081 : vector<16xf32>
        %get3A_2083 = arith.index_cast %add3A_2019 : i32 to index
        %get3A_2084 = arith.constant 144 : index
        %get3A_2085 = tpu.vector_load %arg6[%get3A_2083, %get3A_2084] {strides = array<i32>} : memref<128x256xf32, #tpu.memory_space<vmem>>, vector<1x16xf32>,
        %get3A_2086 = vector.shape_cast %get3A_2085 : vector<1x16xf32> to vector<16xf32>
        %sub3A_2087 = arith.subf %get3A_2086, %broadcast_in_dim3A_2015 : vector<16xf32>
        %mul3A_2088 = arith.mulf %sub3A_2087, %sub3A_2087 : vector<16xf32>
        %add3A_2089 = arith.addf %add3A_1970, %mul3A_2088 : vector<16xf32>
        %get3A_2090 = arith.index_cast %add3A_2019 : i32 to index
        %get3A_2091 = arith.constant 160 : index
        %get3A_2092 = tpu.vector_load %arg6[%get3A_2090, %get3A_2091] {strides = array<i32>} : memref<128x256xf32, #tpu.memory_space<vmem>>, vector<1x16xf32>,
        %get3A_2093 = vector.shape_cast %get3A_2092 : vector<1x16xf32> to vector<16xf32>
        %sub3A_2094 = arith.subf %get3A_2093, %broadcast_in_dim3A_2015 : vector<16xf32>
        %mul3A_2095 = arith.mulf %sub3A_2094, %sub3A_2094 : vector<16xf32>
        %add3A_2096 = arith.addf %add3A_1977, %mul3A_2095 : vector<16xf32>
        %get3A_2097 = arith.index_cast %add3A_2019 : i32 to index
        %get3A_2098 = arith.constant 176 : index
        %get3A_2099 = tpu.vector_load %arg6[%get3A_2097, %get3A_2098] {strides = array<i32>} : memref<128x256xf32, #tpu.memory_space<vmem>>, vector<1x16xf32>,
        %get3A_2100 = vector.shape_cast %get3A_2099 : vector<1x16xf32> to vector<16xf32>
        %sub3A_2101 = arith.subf %get3A_2100, %broadcast_in_dim3A_2015 : vector<16xf32>
        %mul3A_2102 = arith.mulf %sub3A_2101, %sub3A_2101 : vector<16xf32>
        %add3A_2103 = arith.addf %add3A_1984, %mul3A_2102 : vector<16xf32>
        %get3A_2104 = arith.index_cast %add3A_2019 : i32 to index
        %get3A_2105 = arith.constant 192 : index
        %get3A_2106 = tpu.vector_load %arg6[%get3A_2104, %get3A_2105] {strides = array<i32>} : memref<128x256xf32, #tpu.memory_space<vmem>>, vector<1x16xf32>,
        %get3A_2107 = vector.shape_cast %get3A_2106 : vector<1x16xf32> to vector<16xf32>
        %sub3A_2108 = arith.subf %get3A_2107, %broadcast_in_dim3A_2015 : vector<16xf32>
        %mul3A_2109 = arith.mulf %sub3A_2108, %sub3A_2108 : vector<16xf32>
        %add3A_2110 = arith.addf %add3A_1991, %mul3A_2109 : vector<16xf32>
        %get3A_2111 = arith.index_cast %add3A_2019 : i32 to index
        %get3A_2112 = arith.constant 208 : index
        %get3A_2113 = tpu.vector_load %arg6[%get3A_2111, %get3A_2112] {strides = array<i32>} : memref<128x256xf32, #tpu.memory_space<vmem>>, vector<1x16xf32>,
        %get3A_2114 = vector.shape_cast %get3A_2113 : vector<1x16xf32> to vector<16xf32>
        %sub3A_2115 = arith.subf %get3A_2114, %broadcast_in_dim3A_2015 : vector<16xf32>
        %mul3A_2116 = arith.mulf %sub3A_2115, %sub3A_2115 : vector<16xf32>
        %add3A_2117 = arith.addf %add3A_1998, %mul3A_2116 : vector<16xf32>
        %get3A_2118 = arith.index_cast %add3A_2019 : i32 to index
        %get3A_2119 = arith.constant 224 : index
        %get3A_2120 = tpu.vector_load %arg6[%get3A_2118, %get3A_2119] {strides = array<i32>} : memref<128x256xf32, #tpu.memory_space<vmem>>, vector<1x16xf32>,
        %get3A_2121 = vector.shape_cast %get3A_2120 : vector<1x16xf32> to vector<16xf32>
        %sub3A_2122 = arith.subf %get3A_2121, %broadcast_in_dim3A_2015 : vector<16xf32>
        %mul3A_2123 = arith.mulf %sub3A_2122, %sub3A_2122 : vector<16xf32>
        %add3A_2124 = arith.addf %add3A_2005, %mul3A_2123 : vector<16xf32>
        %get3A_2125 = arith.index_cast %add3A_2019 : i32 to index
        %get3A_2126 = arith.constant 240 : index
        %get3A_2127 = tpu.vector_load %arg6[%get3A_2125, %get3A_2126] {strides = array<i32>} : memref<128x256xf32, #tpu.memory_space<vmem>>, vector<1x16xf32>,
        %get3A_2128 = vector.shape_cast %get3A_2127 : vector<1x16xf32> to vector<16xf32>
        %sub3A_2129 = arith.subf %get3A_2128, %broadcast_in_dim3A_2015 : vector<16xf32>
        %mul3A_2130 = arith.mulf %sub3A_2129, %sub3A_2129 : vector<16xf32>
        %add3A_2131 = arith.addf %add3A_2012, %mul3A_2130 : vector<16xf32>
        %slice3A_2132 = vector.extract_strided_slice %get3A_436 {offsets = [14], sizes = [1], strides = [1]} : vector<16xf32> to vector<1xf32>
        %squeeze3A_2133 = vector.extract %slice3A_2132[0] : f32 from vector<1xf32>
        %broadcast_in_dim3A_2134 = vector.broadcast %squeeze3A_2133 : f32 to vector<16xf32>
        %mul3A_2135 = arith.constant 16 : i32
        %mul3A_2136 = arith.muli %scan3A_415, %mul3A_2135 : i32
        %add3A_2137 = arith.constant 14 : i32
        %add3A_2138 = arith.addi %mul3A_2136, %add3A_2137 : i32
        %get3A_2139 = arith.index_cast %add3A_2138 : i32 to index
        %get3A_2140 = arith.constant 0 : index
        %get3A_2141 = tpu.vector_load %arg6[%get3A_2139, %get3A_2140] {strides = array<i32>} : memref<128x256xf32, #tpu.memory_space<vmem>>, vector<1x16xf32>,
        %get3A_2142 = vector.shape_cast %get3A_2141 : vector<1x16xf32> to vector<16xf32>
        %sub3A_2143 = arith.subf %get3A_2142, %broadcast_in_dim3A_2134 : vector<16xf32>
        %mul3A_2144 = arith.mulf %sub3A_2143, %sub3A_2143 : vector<16xf32>
        %add3A_2145 = arith.addf %add3A_2026, %mul3A_2144 : vector<16xf32>
        %get3A_2146 = arith.index_cast %add3A_2138 : i32 to index
        %get3A_2147 = arith.constant 16 : index
        %get3A_2148 = tpu.vector_load %arg6[%get3A_2146, %get3A_2147] {strides = array<i32>} : memref<128x256xf32, #tpu.memory_space<vmem>>, vector<1x16xf32>,
        %get3A_2149 = vector.shape_cast %get3A_2148 : vector<1x16xf32> to vector<16xf32>
        %sub3A_2150 = arith.subf %get3A_2149, %broadcast_in_dim3A_2134 : vector<16xf32>
        %mul3A_2151 = arith.mulf %sub3A_2150, %sub3A_2150 : vector<16xf32>
        %add3A_2152 = arith.addf %add3A_2033, %mul3A_2151 : vector<16xf32>
        %get3A_2153 = arith.index_cast %add3A_2138 : i32 to index
        %get3A_2154 = arith.constant 32 : index
        %get3A_2155 = tpu.vector_load %arg6[%get3A_2153, %get3A_2154] {strides = array<i32>} : memref<128x256xf32, #tpu.memory_space<vmem>>, vector<1x16xf32>,
        %get3A_2156 = vector.shape_cast %get3A_2155 : vector<1x16xf32> to vector<16xf32>
        %sub3A_2157 = arith.subf %get3A_2156, %broadcast_in_dim3A_2134 : vector<16xf32>
        %mul3A_2158 = arith.mulf %sub3A_2157, %sub3A_2157 : vector<16xf32>
        %add3A_2159 = arith.addf %add3A_2040, %mul3A_2158 : vector<16xf32>
        %get3A_2160 = arith.index_cast %add3A_2138 : i32 to index
        %get3A_2161 = arith.constant 48 : index
        %get3A_2162 = tpu.vector_load %arg6[%get3A_2160, %get3A_2161] {strides = array<i32>} : memref<128x256xf32, #tpu.memory_space<vmem>>, vector<1x16xf32>,
        %get3A_2163 = vector.shape_cast %get3A_2162 : vector<1x16xf32> to vector<16xf32>
        %sub3A_2164 = arith.subf %get3A_2163, %broadcast_in_dim3A_2134 : vector<16xf32>
        %mul3A_2165 = arith.mulf %sub3A_2164, %sub3A_2164 : vector<16xf32>
        %add3A_2166 = arith.addf %add3A_2047, %mul3A_2165 : vector<16xf32>
        %get3A_2167 = arith.index_cast %add3A_2138 : i32 to index
        %get3A_2168 = arith.constant 64 : index
        %get3A_2169 = tpu.vector_load %arg6[%get3A_2167, %get3A_2168] {strides = array<i32>} : memref<128x256xf32, #tpu.memory_space<vmem>>, vector<1x16xf32>,
        %get3A_2170 = vector.shape_cast %get3A_2169 : vector<1x16xf32> to vector<16xf32>
        %sub3A_2171 = arith.subf %get3A_2170, %broadcast_in_dim3A_2134 : vector<16xf32>
        %mul3A_2172 = arith.mulf %sub3A_2171, %sub3A_2171 : vector<16xf32>
        %add3A_2173 = arith.addf %add3A_2054, %mul3A_2172 : vector<16xf32>
        %get3A_2174 = arith.index_cast %add3A_2138 : i32 to index
        %get3A_2175 = arith.constant 80 : index
        %get3A_2176 = tpu.vector_load %arg6[%get3A_2174, %get3A_2175] {strides = array<i32>} : memref<128x256xf32, #tpu.memory_space<vmem>>, vector<1x16xf32>,
        %get3A_2177 = vector.shape_cast %get3A_2176 : vector<1x16xf32> to vector<16xf32>
        %sub3A_2178 = arith.subf %get3A_2177, %broadcast_in_dim3A_2134 : vector<16xf32>
        %mul3A_2179 = arith.mulf %sub3A_2178, %sub3A_2178 : vector<16xf32>
        %add3A_2180 = arith.addf %add3A_2061, %mul3A_2179 : vector<16xf32>
        %get3A_2181 = arith.index_cast %add3A_2138 : i32 to index
        %get3A_2182 = arith.constant 96 : index
        %get3A_2183 = tpu.vector_load %arg6[%get3A_2181, %get3A_2182] {strides = array<i32>} : memref<128x256xf32, #tpu.memory_space<vmem>>, vector<1x16xf32>,
        %get3A_2184 = vector.shape_cast %get3A_2183 : vector<1x16xf32> to vector<16xf32>
        %sub3A_2185 = arith.subf %get3A_2184, %broadcast_in_dim3A_2134 : vector<16xf32>
        %mul3A_2186 = arith.mulf %sub3A_2185, %sub3A_2185 : vector<16xf32>
        %add3A_2187 = arith.addf %add3A_2068, %mul3A_2186 : vector<16xf32>
        %get3A_2188 = arith.index_cast %add3A_2138 : i32 to index
        %get3A_2189 = arith.constant 112 : index
        %get3A_2190 = tpu.vector_load %arg6[%get3A_2188, %get3A_2189] {strides = array<i32>} : memref<128x256xf32, #tpu.memory_space<vmem>>, vector<1x16xf32>,
        %get3A_2191 = vector.shape_cast %get3A_2190 : vector<1x16xf32> to vector<16xf32>
        %sub3A_2192 = arith.subf %get3A_2191, %broadcast_in_dim3A_2134 : vector<16xf32>
        %mul3A_2193 = arith.mulf %sub3A_2192, %sub3A_2192 : vector<16xf32>
        %add3A_2194 = arith.addf %add3A_2075, %mul3A_2193 : vector<16xf32>
        %get3A_2195 = arith.index_cast %add3A_2138 : i32 to index
        %get3A_2196 = arith.constant 128 : index
        %get3A_2197 = tpu.vector_load %arg6[%get3A_2195, %get3A_2196] {strides = array<i32>} : memref<128x256xf32, #tpu.memory_space<vmem>>, vector<1x16xf32>,
        %get3A_2198 = vector.shape_cast %get3A_2197 : vector<1x16xf32> to vector<16xf32>
        %sub3A_2199 = arith.subf %get3A_2198, %broadcast_in_dim3A_2134 : vector<16xf32>
        %mul3A_2200 = arith.mulf %sub3A_2199, %sub3A_2199 : vector<16xf32>
        %add3A_2201 = arith.addf %add3A_2082, %mul3A_2200 : vector<16xf32>
        %get3A_2202 = arith.index_cast %add3A_2138 : i32 to index
        %get3A_2203 = arith.constant 144 : index
        %get3A_2204 = tpu.vector_load %arg6[%get3A_2202, %get3A_2203] {strides = array<i32>} : memref<128x256xf32, #tpu.memory_space<vmem>>, vector<1x16xf32>,
        %get3A_2205 = vector.shape_cast %get3A_2204 : vector<1x16xf32> to vector<16xf32>
        %sub3A_2206 = arith.subf %get3A_2205, %broadcast_in_dim3A_2134 : vector<16xf32>
        %mul3A_2207 = arith.mulf %sub3A_2206, %sub3A_2206 : vector<16xf32>
        %add3A_2208 = arith.addf %add3A_2089, %mul3A_2207 : vector<16xf32>
        %get3A_2209 = arith.index_cast %add3A_2138 : i32 to index
        %get3A_2210 = arith.constant 160 : index
        %get3A_2211 = tpu.vector_load %arg6[%get3A_2209, %get3A_2210] {strides = array<i32>} : memref<128x256xf32, #tpu.memory_space<vmem>>, vector<1x16xf32>,
        %get3A_2212 = vector.shape_cast %get3A_2211 : vector<1x16xf32> to vector<16xf32>
        %sub3A_2213 = arith.subf %get3A_2212, %broadcast_in_dim3A_2134 : vector<16xf32>
        %mul3A_2214 = arith.mulf %sub3A_2213, %sub3A_2213 : vector<16xf32>
        %add3A_2215 = arith.addf %add3A_2096, %mul3A_2214 : vector<16xf32>
        %get3A_2216 = arith.index_cast %add3A_2138 : i32 to index
        %get3A_2217 = arith.constant 176 : index
        %get3A_2218 = tpu.vector_load %arg6[%get3A_2216, %get3A_2217] {strides = array<i32>} : memref<128x256xf32, #tpu.memory_space<vmem>>, vector<1x16xf32>,
        %get3A_2219 = vector.shape_cast %get3A_2218 : vector<1x16xf32> to vector<16xf32>
        %sub3A_2220 = arith.subf %get3A_2219, %broadcast_in_dim3A_2134 : vector<16xf32>
        %mul3A_2221 = arith.mulf %sub3A_2220, %sub3A_2220 : vector<16xf32>
        %add3A_2222 = arith.addf %add3A_2103, %mul3A_2221 : vector<16xf32>
        %get3A_2223 = arith.index_cast %add3A_2138 : i32 to index
        %get3A_2224 = arith.constant 192 : index
        %get3A_2225 = tpu.vector_load %arg6[%get3A_2223, %get3A_2224] {strides = array<i32>} : memref<128x256xf32, #tpu.memory_space<vmem>>, vector<1x16xf32>,
        %get3A_2226 = vector.shape_cast %get3A_2225 : vector<1x16xf32> to vector<16xf32>
        %sub3A_2227 = arith.subf %get3A_2226, %broadcast_in_dim3A_2134 : vector<16xf32>
        %mul3A_2228 = arith.mulf %sub3A_2227, %sub3A_2227 : vector<16xf32>
        %add3A_2229 = arith.addf %add3A_2110, %mul3A_2228 : vector<16xf32>
        %get3A_2230 = arith.index_cast %add3A_2138 : i32 to index
        %get3A_2231 = arith.constant 208 : index
        %get3A_2232 = tpu.vector_load %arg6[%get3A_2230, %get3A_2231] {strides = array<i32>} : memref<128x256xf32, #tpu.memory_space<vmem>>, vector<1x16xf32>,
        %get3A_2233 = vector.shape_cast %get3A_2232 : vector<1x16xf32> to vector<16xf32>
        %sub3A_2234 = arith.subf %get3A_2233, %broadcast_in_dim3A_2134 : vector<16xf32>
        %mul3A_2235 = arith.mulf %sub3A_2234, %sub3A_2234 : vector<16xf32>
        %add3A_2236 = arith.addf %add3A_2117, %mul3A_2235 : vector<16xf32>
        %get3A_2237 = arith.index_cast %add3A_2138 : i32 to index
        %get3A_2238 = arith.constant 224 : index
        %get3A_2239 = tpu.vector_load %arg6[%get3A_2237, %get3A_2238] {strides = array<i32>} : memref<128x256xf32, #tpu.memory_space<vmem>>, vector<1x16xf32>,
        %get3A_2240 = vector.shape_cast %get3A_2239 : vector<1x16xf32> to vector<16xf32>
        %sub3A_2241 = arith.subf %get3A_2240, %broadcast_in_dim3A_2134 : vector<16xf32>
        %mul3A_2242 = arith.mulf %sub3A_2241, %sub3A_2241 : vector<16xf32>
        %add3A_2243 = arith.addf %add3A_2124, %mul3A_2242 : vector<16xf32>
        %get3A_2244 = arith.index_cast %add3A_2138 : i32 to index
        %get3A_2245 = arith.constant 240 : index
        %get3A_2246 = tpu.vector_load %arg6[%get3A_2244, %get3A_2245] {strides = array<i32>} : memref<128x256xf32, #tpu.memory_space<vmem>>, vector<1x16xf32>,
        %get3A_2247 = vector.shape_cast %get3A_2246 : vector<1x16xf32> to vector<16xf32>
        %sub3A_2248 = arith.subf %get3A_2247, %broadcast_in_dim3A_2134 : vector<16xf32>
        %mul3A_2249 = arith.mulf %sub3A_2248, %sub3A_2248 : vector<16xf32>
        %add3A_2250 = arith.addf %add3A_2131, %mul3A_2249 : vector<16xf32>
        %slice3A_2251 = vector.extract_strided_slice %get3A_436 {offsets = [15], sizes = [1], strides = [1]} : vector<16xf32> to vector<1xf32>
        %squeeze3A_2252 = vector.extract %slice3A_2251[0] : f32 from vector<1xf32>
        %broadcast_in_dim3A_2253 = vector.broadcast %squeeze3A_2252 : f32 to vector<16xf32>
        %mul3A_2254 = arith.constant 16 : i32
        %mul3A_2255 = arith.muli %scan3A_415, %mul3A_2254 : i32
        %add3A_2256 = arith.constant 15 : i32
        %add3A_2257 = arith.addi %mul3A_2255, %add3A_2256 : i32
        %get3A_2258 = arith.index_cast %add3A_2257 : i32 to index
        %get3A_2259 = arith.constant 0 : index
        %get3A_2260 = tpu.vector_load %arg6[%get3A_2258, %get3A_2259] {strides = array<i32>} : memref<128x256xf32, #tpu.memory_space<vmem>>, vector<1x16xf32>,
        %get3A_2261 = vector.shape_cast %get3A_2260 : vector<1x16xf32> to vector<16xf32>
        %sub3A_2262 = arith.subf %get3A_2261, %broadcast_in_dim3A_2253 : vector<16xf32>
        %mul3A_2263 = arith.mulf %sub3A_2262, %sub3A_2262 : vector<16xf32>
        %add3A_2264 = arith.addf %add3A_2145, %mul3A_2263 : vector<16xf32>
        %get3A_2265 = arith.index_cast %add3A_2257 : i32 to index
        %get3A_2266 = arith.constant 16 : index
        %get3A_2267 = tpu.vector_load %arg6[%get3A_2265, %get3A_2266] {strides = array<i32>} : memref<128x256xf32, #tpu.memory_space<vmem>>, vector<1x16xf32>,
        %get3A_2268 = vector.shape_cast %get3A_2267 : vector<1x16xf32> to vector<16xf32>
        %sub3A_2269 = arith.subf %get3A_2268, %broadcast_in_dim3A_2253 : vector<16xf32>
        %mul3A_2270 = arith.mulf %sub3A_2269, %sub3A_2269 : vector<16xf32>
        %add3A_2271 = arith.addf %add3A_2152, %mul3A_2270 : vector<16xf32>
        %get3A_2272 = arith.index_cast %add3A_2257 : i32 to index
        %get3A_2273 = arith.constant 32 : index
        %get3A_2274 = tpu.vector_load %arg6[%get3A_2272, %get3A_2273] {strides = array<i32>} : memref<128x256xf32, #tpu.memory_space<vmem>>, vector<1x16xf32>,
        %get3A_2275 = vector.shape_cast %get3A_2274 : vector<1x16xf32> to vector<16xf32>
        %sub3A_2276 = arith.subf %get3A_2275, %broadcast_in_dim3A_2253 : vector<16xf32>
        %mul3A_2277 = arith.mulf %sub3A_2276, %sub3A_2276 : vector<16xf32>
        %add3A_2278 = arith.addf %add3A_2159, %mul3A_2277 : vector<16xf32>
        %get3A_2279 = arith.index_cast %add3A_2257 : i32 to index
        %get3A_2280 = arith.constant 48 : index
        %get3A_2281 = tpu.vector_load %arg6[%get3A_2279, %get3A_2280] {strides = array<i32>} : memref<128x256xf32, #tpu.memory_space<vmem>>, vector<1x16xf32>,
        %get3A_2282 = vector.shape_cast %get3A_2281 : vector<1x16xf32> to vector<16xf32>
        %sub3A_2283 = arith.subf %get3A_2282, %broadcast_in_dim3A_2253 : vector<16xf32>
        %mul3A_2284 = arith.mulf %sub3A_2283, %sub3A_2283 : vector<16xf32>
        %add3A_2285 = arith.addf %add3A_2166, %mul3A_2284 : vector<16xf32>
        %get3A_2286 = arith.index_cast %add3A_2257 : i32 to index
        %get3A_2287 = arith.constant 64 : index
        %get3A_2288 = tpu.vector_load %arg6[%get3A_2286, %get3A_2287] {strides = array<i32>} : memref<128x256xf32, #tpu.memory_space<vmem>>, vector<1x16xf32>,
        %get3A_2289 = vector.shape_cast %get3A_2288 : vector<1x16xf32> to vector<16xf32>
        %sub3A_2290 = arith.subf %get3A_2289, %broadcast_in_dim3A_2253 : vector<16xf32>
        %mul3A_2291 = arith.mulf %sub3A_2290, %sub3A_2290 : vector<16xf32>
        %add3A_2292 = arith.addf %add3A_2173, %mul3A_2291 : vector<16xf32>
        %get3A_2293 = arith.index_cast %add3A_2257 : i32 to index
        %get3A_2294 = arith.constant 80 : index
        %get3A_2295 = tpu.vector_load %arg6[%get3A_2293, %get3A_2294] {strides = array<i32>} : memref<128x256xf32, #tpu.memory_space<vmem>>, vector<1x16xf32>,
        %get3A_2296 = vector.shape_cast %get3A_2295 : vector<1x16xf32> to vector<16xf32>
        %sub3A_2297 = arith.subf %get3A_2296, %broadcast_in_dim3A_2253 : vector<16xf32>
        %mul3A_2298 = arith.mulf %sub3A_2297, %sub3A_2297 : vector<16xf32>
        %add3A_2299 = arith.addf %add3A_2180, %mul3A_2298 : vector<16xf32>
        %get3A_2300 = arith.index_cast %add3A_2257 : i32 to index
        %get3A_2301 = arith.constant 96 : index
        %get3A_2302 = tpu.vector_load %arg6[%get3A_2300, %get3A_2301] {strides = array<i32>} : memref<128x256xf32, #tpu.memory_space<vmem>>, vector<1x16xf32>,
        %get3A_2303 = vector.shape_cast %get3A_2302 : vector<1x16xf32> to vector<16xf32>
        %sub3A_2304 = arith.subf %get3A_2303, %broadcast_in_dim3A_2253 : vector<16xf32>
        %mul3A_2305 = arith.mulf %sub3A_2304, %sub3A_2304 : vector<16xf32>
        %add3A_2306 = arith.addf %add3A_2187, %mul3A_2305 : vector<16xf32>
        %get3A_2307 = arith.index_cast %add3A_2257 : i32 to index
        %get3A_2308 = arith.constant 112 : index
        %get3A_2309 = tpu.vector_load %arg6[%get3A_2307, %get3A_2308] {strides = array<i32>} : memref<128x256xf32, #tpu.memory_space<vmem>>, vector<1x16xf32>,
        %get3A_2310 = vector.shape_cast %get3A_2309 : vector<1x16xf32> to vector<16xf32>
        %sub3A_2311 = arith.subf %get3A_2310, %broadcast_in_dim3A_2253 : vector<16xf32>
        %mul3A_2312 = arith.mulf %sub3A_2311, %sub3A_2311 : vector<16xf32>
        %add3A_2313 = arith.addf %add3A_2194, %mul3A_2312 : vector<16xf32>
        %get3A_2314 = arith.index_cast %add3A_2257 : i32 to index
        %get3A_2315 = arith.constant 128 : index
        %get3A_2316 = tpu.vector_load %arg6[%get3A_2314, %get3A_2315] {strides = array<i32>} : memref<128x256xf32, #tpu.memory_space<vmem>>, vector<1x16xf32>,
        %get3A_2317 = vector.shape_cast %get3A_2316 : vector<1x16xf32> to vector<16xf32>
        %sub3A_2318 = arith.subf %get3A_2317, %broadcast_in_dim3A_2253 : vector<16xf32>
        %mul3A_2319 = arith.mulf %sub3A_2318, %sub3A_2318 : vector<16xf32>
        %add3A_2320 = arith.addf %add3A_2201, %mul3A_2319 : vector<16xf32>
        %get3A_2321 = arith.index_cast %add3A_2257 : i32 to index
        %get3A_2322 = arith.constant 144 : index
        %get3A_2323 = tpu.vector_load %arg6[%get3A_2321, %get3A_2322] {strides = array<i32>} : memref<128x256xf32, #tpu.memory_space<vmem>>, vector<1x16xf32>,
        %get3A_2324 = vector.shape_cast %get3A_2323 : vector<1x16xf32> to vector<16xf32>
        %sub3A_2325 = arith.subf %get3A_2324, %broadcast_in_dim3A_2253 : vector<16xf32>
        %mul3A_2326 = arith.mulf %sub3A_2325, %sub3A_2325 : vector<16xf32>
        %add3A_2327 = arith.addf %add3A_2208, %mul3A_2326 : vector<16xf32>
        %get3A_2328 = arith.index_cast %add3A_2257 : i32 to index
        %get3A_2329 = arith.constant 160 : index
        %get3A_2330 = tpu.vector_load %arg6[%get3A_2328, %get3A_2329] {strides = array<i32>} : memref<128x256xf32, #tpu.memory_space<vmem>>, vector<1x16xf32>,
        %get3A_2331 = vector.shape_cast %get3A_2330 : vector<1x16xf32> to vector<16xf32>
        %sub3A_2332 = arith.subf %get3A_2331, %broadcast_in_dim3A_2253 : vector<16xf32>
        %mul3A_2333 = arith.mulf %sub3A_2332, %sub3A_2332 : vector<16xf32>
        %add3A_2334 = arith.addf %add3A_2215, %mul3A_2333 : vector<16xf32>
        %get3A_2335 = arith.index_cast %add3A_2257 : i32 to index
        %get3A_2336 = arith.constant 176 : index
        %get3A_2337 = tpu.vector_load %arg6[%get3A_2335, %get3A_2336] {strides = array<i32>} : memref<128x256xf32, #tpu.memory_space<vmem>>, vector<1x16xf32>,
        %get3A_2338 = vector.shape_cast %get3A_2337 : vector<1x16xf32> to vector<16xf32>
        %sub3A_2339 = arith.subf %get3A_2338, %broadcast_in_dim3A_2253 : vector<16xf32>
        %mul3A_2340 = arith.mulf %sub3A_2339, %sub3A_2339 : vector<16xf32>
        %add3A_2341 = arith.addf %add3A_2222, %mul3A_2340 : vector<16xf32>
        %get3A_2342 = arith.index_cast %add3A_2257 : i32 to index
        %get3A_2343 = arith.constant 192 : index
        %get3A_2344 = tpu.vector_load %arg6[%get3A_2342, %get3A_2343] {strides = array<i32>} : memref<128x256xf32, #tpu.memory_space<vmem>>, vector<1x16xf32>,
        %get3A_2345 = vector.shape_cast %get3A_2344 : vector<1x16xf32> to vector<16xf32>
        %sub3A_2346 = arith.subf %get3A_2345, %broadcast_in_dim3A_2253 : vector<16xf32>
        %mul3A_2347 = arith.mulf %sub3A_2346, %sub3A_2346 : vector<16xf32>
        %add3A_2348 = arith.addf %add3A_2229, %mul3A_2347 : vector<16xf32>
        %get3A_2349 = arith.index_cast %add3A_2257 : i32 to index
        %get3A_2350 = arith.constant 208 : index
        %get3A_2351 = tpu.vector_load %arg6[%get3A_2349, %get3A_2350] {strides = array<i32>} : memref<128x256xf32, #tpu.memory_space<vmem>>, vector<1x16xf32>,
        %get3A_2352 = vector.shape_cast %get3A_2351 : vector<1x16xf32> to vector<16xf32>
        %sub3A_2353 = arith.subf %get3A_2352, %broadcast_in_dim3A_2253 : vector<16xf32>
        %mul3A_2354 = arith.mulf %sub3A_2353, %sub3A_2353 : vector<16xf32>
        %add3A_2355 = arith.addf %add3A_2236, %mul3A_2354 : vector<16xf32>
        %get3A_2356 = arith.index_cast %add3A_2257 : i32 to index
        %get3A_2357 = arith.constant 224 : index
        %get3A_2358 = tpu.vector_load %arg6[%get3A_2356, %get3A_2357] {strides = array<i32>} : memref<128x256xf32, #tpu.memory_space<vmem>>, vector<1x16xf32>,
        %get3A_2359 = vector.shape_cast %get3A_2358 : vector<1x16xf32> to vector<16xf32>
        %sub3A_2360 = arith.subf %get3A_2359, %broadcast_in_dim3A_2253 : vector<16xf32>
        %mul3A_2361 = arith.mulf %sub3A_2360, %sub3A_2360 : vector<16xf32>
        %add3A_2362 = arith.addf %add3A_2243, %mul3A_2361 : vector<16xf32>
        %get3A_2363 = arith.index_cast %add3A_2257 : i32 to index
        %get3A_2364 = arith.constant 240 : index
        %get3A_2365 = tpu.vector_load %arg6[%get3A_2363, %get3A_2364] {strides = array<i32>} : memref<128x256xf32, #tpu.memory_space<vmem>>, vector<1x16xf32>,
        %get3A_2366 = vector.shape_cast %get3A_2365 : vector<1x16xf32> to vector<16xf32>
        %sub3A_2367 = arith.subf %get3A_2366, %broadcast_in_dim3A_2253 : vector<16xf32>
        %mul3A_2368 = arith.mulf %sub3A_2367, %sub3A_2367 : vector<16xf32>
        %add3A_2369 = arith.addf %add3A_2250, %mul3A_2368 : vector<16xf32>
        %add3A_2370 = arith.addf %scan3A_416, %add3A_2264 : vector<16xf32>
        %add3A_2371 = arith.addf %scan3A_417, %add3A_2271 : vector<16xf32>
        %add3A_2372 = arith.addf %scan3A_418, %add3A_2278 : vector<16xf32>
        %add3A_2373 = arith.addf %scan3A_419, %add3A_2285 : vector<16xf32>
        %add3A_2374 = arith.addf %scan3A_420, %add3A_2292 : vector<16xf32>
        %add3A_2375 = arith.addf %scan3A_421, %add3A_2299 : vector<16xf32>
        %add3A_2376 = arith.addf %scan3A_422, %add3A_2306 : vector<16xf32>
        %add3A_2377 = arith.addf %scan3A_423, %add3A_2313 : vector<16xf32>
        %add3A_2378 = arith.addf %scan3A_424, %add3A_2320 : vector<16xf32>
        %add3A_2379 = arith.addf %scan3A_425, %add3A_2327 : vector<16xf32>
        %add3A_2380 = arith.addf %scan3A_426, %add3A_2334 : vector<16xf32>
        %add3A_2381 = arith.addf %scan3A_427, %add3A_2341 : vector<16xf32>
        %add3A_2382 = arith.addf %scan3A_428, %add3A_2348 : vector<16xf32>
        %add3A_2383 = arith.addf %scan3A_429, %add3A_2355 : vector<16xf32>
        %add3A_2384 = arith.addf %scan3A_430, %add3A_2362 : vector<16xf32>
        %add3A_2385 = arith.addf %scan3A_431, %add3A_2369 : vector<16xf32>
        scf.yield %add3A_2370, %add3A_2371, %add3A_2372, %add3A_2373, %add3A_2374, %add3A_2375, %add3A_2376, %add3A_2377, %add3A_2378, %add3A_2379, %add3A_2380, %add3A_2381, %add3A_2382, %add3A_2383, %add3A_2384, %add3A_2385 : vector<16xf32>, vector<16xf32>, vector<16xf32>, vector<16xf32>, vector<16xf32>, vector<16xf32>, vector<16xf32>, vector<16xf32>, vector<16xf32>, vector<16xf32>, vector<16xf32>, vector<16xf32>, vector<16xf32>, vector<16xf32>, vector<16xf32>, vector<16xf32>
      }
      %scan3A_188 = arith.constant 8 : i32
      %min3A = arith.minimumf %scan3A_187#0, %scan3A_187#1 : vector<16xf32>
      %min3A_189 = arith.minimumf %min3A, %scan3A_187#2 : vector<16xf32>
      %min3A_190 = arith.minimumf %min3A_189, %scan3A_187#3 : vector<16xf32>
      %min3A_191 = arith.minimumf %min3A_190, %scan3A_187#4 : vector<16xf32>
      %min3A_192 = arith.minimumf %min3A_191, %scan3A_187#5 : vector<16xf32>
      %min3A_193 = arith.minimumf %min3A_192, %scan3A_187#6 : vector<16xf32>
      %min3A_194 = arith.minimumf %min3A_193, %scan3A_187#7 : vector<16xf32>
      %min3A_195 = arith.minimumf %min3A_194, %scan3A_187#8 : vector<16xf32>
      %min3A_196 = arith.minimumf %min3A_195, %scan3A_187#9 : vector<16xf32>
      %min3A_197 = arith.minimumf %min3A_196, %scan3A_187#10 : vector<16xf32>
      %min3A_198 = arith.minimumf %min3A_197, %scan3A_187#11 : vector<16xf32>
      %min3A_199 = arith.minimumf %min3A_198, %scan3A_187#12 : vector<16xf32>
      %min3A_200 = arith.minimumf %min3A_199, %scan3A_187#13 : vector<16xf32>
      %min3A_201 = arith.minimumf %min3A_200, %scan3A_187#14 : vector<16xf32>
      %min3A_202 = arith.minimumf %min3A_201, %scan3A_187#15 : vector<16xf32>
      %iota3A_203 = tpu.iota {dimensions = array<i32: 0>} : vector<16xi32>
      %xor3A = arith.constant 8 : i32
      %xor3A_204 = vector.broadcast %xor3A : i32 to vector<16xi32>
      %xor3A_205 = arith.xori %iota3A_203, %xor3A_204 : vector<16xi32>
      %lt3A_206 = arith.constant 0 : i32
      %lt3A_207 = vector.broadcast %lt3A_206 : i32 to vector<16xi32>
      %lt3A_208 = arith.cmpi slt, %xor3A_205, %lt3A_207 : vector<16xi32>
      %add3A_209 = arith.constant 16 : i32
      %add3A_210 = vector.broadcast %add3A_209 : i32 to vector<16xi32>
      %add3A_211 = arith.addi %xor3A_205, %add3A_210 : vector<16xi32>
      %select_n3A_212 = arith.select %lt3A_208, %add3A_211, %xor3A_205 : vector<16xi1>, vector<16xi32>
      %broadcast_in_dim3A_213 = vector.shape_cast %select_n3A_212 : vector<16xi32> to vector<16x1xi32>
      %gather3A_214 = vector.shape_cast %broadcast_in_dim3A_213 : vector<16x1xi32> to vector<16xi32>
      %gather3A_215 = tpu.dynamic_gather %min3A_202[%gather3A_214] in [0] : vector<16xf32>, vector<16xi32> -> vector<16xf32>
      %min3A_216 = arith.minimumf %min3A_202, %gather3A_215 : vector<16xf32>
      %xor3A_217 = arith.constant 4 : i32
      %xor3A_218 = vector.broadcast %xor3A_217 : i32 to vector<16xi32>
      %xor3A_219 = arith.xori %iota3A_203, %xor3A_218 : vector<16xi32>
      %lt3A_220 = arith.constant 0 : i32
      %lt3A_221 = vector.broadcast %lt3A_220 : i32 to vector<16xi32>
      %lt3A_222 = arith.cmpi slt, %xor3A_219, %lt3A_221 : vector<16xi32>
      %add3A_223 = arith.constant 16 : i32
      %add3A_224 = vector.broadcast %add3A_223 : i32 to vector<16xi32>
      %add3A_225 = arith.addi %xor3A_219, %add3A_224 : vector<16xi32>
      %select_n3A_226 = arith.select %lt3A_222, %add3A_225, %xor3A_219 : vector<16xi1>, vector<16xi32>
      %broadcast_in_dim3A_227 = vector.shape_cast %select_n3A_226 : vector<16xi32> to vector<16x1xi32>
      %gather3A_228 = vector.shape_cast %broadcast_in_dim3A_227 : vector<16x1xi32> to vector<16xi32>
      %gather3A_229 = tpu.dynamic_gather %min3A_216[%gather3A_228] in [0] : vector<16xf32>, vector<16xi32> -> vector<16xf32>
      %min3A_230 = arith.minimumf %min3A_216, %gather3A_229 : vector<16xf32>
      %xor3A_231 = arith.constant 2 : i32
      %xor3A_232 = vector.broadcast %xor3A_231 : i32 to vector<16xi32>
      %xor3A_233 = arith.xori %iota3A_203, %xor3A_232 : vector<16xi32>
      %lt3A_234 = arith.constant 0 : i32
      %lt3A_235 = vector.broadcast %lt3A_234 : i32 to vector<16xi32>
      %lt3A_236 = arith.cmpi slt, %xor3A_233, %lt3A_235 : vector<16xi32>
      %add3A_237 = arith.constant 16 : i32
      %add3A_238 = vector.broadcast %add3A_237 : i32 to vector<16xi32>
      %add3A_239 = arith.addi %xor3A_233, %add3A_238 : vector<16xi32>
      %select_n3A_240 = arith.select %lt3A_236, %add3A_239, %xor3A_233 : vector<16xi1>, vector<16xi32>
      %broadcast_in_dim3A_241 = vector.shape_cast %select_n3A_240 : vector<16xi32> to vector<16x1xi32>
      %gather3A_242 = vector.shape_cast %broadcast_in_dim3A_241 : vector<16x1xi32> to vector<16xi32>
      %gather3A_243 = tpu.dynamic_gather %min3A_230[%gather3A_242] in [0] : vector<16xf32>, vector<16xi32> -> vector<16xf32>
      %min3A_244 = arith.minimumf %min3A_230, %gather3A_243 : vector<16xf32>
      %xor3A_245 = arith.constant 1 : i32
      %xor3A_246 = vector.broadcast %xor3A_245 : i32 to vector<16xi32>
      %xor3A_247 = arith.xori %iota3A_203, %xor3A_246 : vector<16xi32>
      %lt3A_248 = arith.constant 0 : i32
      %lt3A_249 = vector.broadcast %lt3A_248 : i32 to vector<16xi32>
      %lt3A_250 = arith.cmpi slt, %xor3A_247, %lt3A_249 : vector<16xi32>
      %add3A_251 = arith.constant 16 : i32
      %add3A_252 = vector.broadcast %add3A_251 : i32 to vector<16xi32>
      %add3A_253 = arith.addi %xor3A_247, %add3A_252 : vector<16xi32>
      %select_n3A_254 = arith.select %lt3A_250, %add3A_253, %xor3A_247 : vector<16xi1>, vector<16xi32>
      %broadcast_in_dim3A_255 = vector.shape_cast %select_n3A_254 : vector<16xi32> to vector<16x1xi32>
      %gather3A_256 = vector.shape_cast %broadcast_in_dim3A_255 : vector<16x1xi32> to vector<16xi32>
      %gather3A_257 = tpu.dynamic_gather %min3A_244[%gather3A_256] in [0] : vector<16xf32>, vector<16xi32> -> vector<16xf32>
      %min3A_258 = arith.minimumf %min3A_244, %gather3A_257 : vector<16xf32>
      %eq3A_259 = arith.cmpf oeq, %scan3A_187#0, %min3A_258 : vector<16xf32>
      %add3A_260 = arith.constant 0 : i32
      %add3A_261 = vector.broadcast %add3A_260 : i32 to vector<16xi32>
      %add3A_262 = arith.addi %iota3A, %add3A_261 : vector<16xi32>
      %select_n3A_263 = arith.select %eq3A_259, %add3A_262, %broadcast_in_dim3A_3 : vector<16xi1>, vector<16xi32>
      %min3A_264 = arith.minsi %broadcast_in_dim3A_3, %select_n3A_263 : vector<16xi32>
      %eq3A_265 = arith.cmpf oeq, %scan3A_187#1, %min3A_258 : vector<16xf32>
      %add3A_266 = arith.constant 16 : i32
      %add3A_267 = vector.broadcast %add3A_266 : i32 to vector<16xi32>
      %add3A_268 = arith.addi %iota3A, %add3A_267 : vector<16xi32>
      %select_n3A_269 = arith.select %eq3A_265, %add3A_268, %broadcast_in_dim3A_3 : vector<16xi1>, vector<16xi32>
      %min3A_270 = arith.minsi %min3A_264, %select_n3A_269 : vector<16xi32>
      %eq3A_271 = arith.cmpf oeq, %scan3A_187#2, %min3A_258 : vector<16xf32>
      %add3A_272 = arith.constant 32 : i32
      %add3A_273 = vector.broadcast %add3A_272 : i32 to vector<16xi32>
      %add3A_274 = arith.addi %iota3A, %add3A_273 : vector<16xi32>
      %select_n3A_275 = arith.select %eq3A_271, %add3A_274, %broadcast_in_dim3A_3 : vector<16xi1>, vector<16xi32>
      %min3A_276 = arith.minsi %min3A_270, %select_n3A_275 : vector<16xi32>
      %eq3A_277 = arith.cmpf oeq, %scan3A_187#3, %min3A_258 : vector<16xf32>
      %add3A_278 = arith.constant 48 : i32
      %add3A_279 = vector.broadcast %add3A_278 : i32 to vector<16xi32>
      %add3A_280 = arith.addi %iota3A, %add3A_279 : vector<16xi32>
      %select_n3A_281 = arith.select %eq3A_277, %add3A_280, %broadcast_in_dim3A_3 : vector<16xi1>, vector<16xi32>
      %min3A_282 = arith.minsi %min3A_276, %select_n3A_281 : vector<16xi32>
      %eq3A_283 = arith.cmpf oeq, %scan3A_187#4, %min3A_258 : vector<16xf32>
      %add3A_284 = arith.constant 64 : i32
      %add3A_285 = vector.broadcast %add3A_284 : i32 to vector<16xi32>
      %add3A_286 = arith.addi %iota3A, %add3A_285 : vector<16xi32>
      %select_n3A_287 = arith.select %eq3A_283, %add3A_286, %broadcast_in_dim3A_3 : vector<16xi1>, vector<16xi32>
      %min3A_288 = arith.minsi %min3A_282, %select_n3A_287 : vector<16xi32>
      %eq3A_289 = arith.cmpf oeq, %scan3A_187#5, %min3A_258 : vector<16xf32>
      %add3A_290 = arith.constant 80 : i32
      %add3A_291 = vector.broadcast %add3A_290 : i32 to vector<16xi32>
      %add3A_292 = arith.addi %iota3A, %add3A_291 : vector<16xi32>
      %select_n3A_293 = arith.select %eq3A_289, %add3A_292, %broadcast_in_dim3A_3 : vector<16xi1>, vector<16xi32>
      %min3A_294 = arith.minsi %min3A_288, %select_n3A_293 : vector<16xi32>
      %eq3A_295 = arith.cmpf oeq, %scan3A_187#6, %min3A_258 : vector<16xf32>
      %add3A_296 = arith.constant 96 : i32
      %add3A_297 = vector.broadcast %add3A_296 : i32 to vector<16xi32>
      %add3A_298 = arith.addi %iota3A, %add3A_297 : vector<16xi32>
      %select_n3A_299 = arith.select %eq3A_295, %add3A_298, %broadcast_in_dim3A_3 : vector<16xi1>, vector<16xi32>
      %min3A_300 = arith.minsi %min3A_294, %select_n3A_299 : vector<16xi32>
      %eq3A_301 = arith.cmpf oeq, %scan3A_187#7, %min3A_258 : vector<16xf32>
      %add3A_302 = arith.constant 112 : i32
      %add3A_303 = vector.broadcast %add3A_302 : i32 to vector<16xi32>
      %add3A_304 = arith.addi %iota3A, %add3A_303 : vector<16xi32>
      %select_n3A_305 = arith.select %eq3A_301, %add3A_304, %broadcast_in_dim3A_3 : vector<16xi1>, vector<16xi32>
      %min3A_306 = arith.minsi %min3A_300, %select_n3A_305 : vector<16xi32>
      %eq3A_307 = arith.cmpf oeq, %scan3A_187#8, %min3A_258 : vector<16xf32>
      %add3A_308 = arith.constant 128 : i32
      %add3A_309 = vector.broadcast %add3A_308 : i32 to vector<16xi32>
      %add3A_310 = arith.addi %iota3A, %add3A_309 : vector<16xi32>
      %select_n3A_311 = arith.select %eq3A_307, %add3A_310, %broadcast_in_dim3A_3 : vector<16xi1>, vector<16xi32>
      %min3A_312 = arith.minsi %min3A_306, %select_n3A_311 : vector<16xi32>
      %eq3A_313 = arith.cmpf oeq, %scan3A_187#9, %min3A_258 : vector<16xf32>
      %add3A_314 = arith.constant 144 : i32
      %add3A_315 = vector.broadcast %add3A_314 : i32 to vector<16xi32>
      %add3A_316 = arith.addi %iota3A, %add3A_315 : vector<16xi32>
      %select_n3A_317 = arith.select %eq3A_313, %add3A_316, %broadcast_in_dim3A_3 : vector<16xi1>, vector<16xi32>
      %min3A_318 = arith.minsi %min3A_312, %select_n3A_317 : vector<16xi32>
      %eq3A_319 = arith.cmpf oeq, %scan3A_187#10, %min3A_258 : vector<16xf32>
      %add3A_320 = arith.constant 160 : i32
      %add3A_321 = vector.broadcast %add3A_320 : i32 to vector<16xi32>
      %add3A_322 = arith.addi %iota3A, %add3A_321 : vector<16xi32>
      %select_n3A_323 = arith.select %eq3A_319, %add3A_322, %broadcast_in_dim3A_3 : vector<16xi1>, vector<16xi32>
      %min3A_324 = arith.minsi %min3A_318, %select_n3A_323 : vector<16xi32>
      %eq3A_325 = arith.cmpf oeq, %scan3A_187#11, %min3A_258 : vector<16xf32>
      %add3A_326 = arith.constant 176 : i32
      %add3A_327 = vector.broadcast %add3A_326 : i32 to vector<16xi32>
      %add3A_328 = arith.addi %iota3A, %add3A_327 : vector<16xi32>
      %select_n3A_329 = arith.select %eq3A_325, %add3A_328, %broadcast_in_dim3A_3 : vector<16xi1>, vector<16xi32>
      %min3A_330 = arith.minsi %min3A_324, %select_n3A_329 : vector<16xi32>
      %eq3A_331 = arith.cmpf oeq, %scan3A_187#12, %min3A_258 : vector<16xf32>
      %add3A_332 = arith.constant 192 : i32
      %add3A_333 = vector.broadcast %add3A_332 : i32 to vector<16xi32>
      %add3A_334 = arith.addi %iota3A, %add3A_333 : vector<16xi32>
      %select_n3A_335 = arith.select %eq3A_331, %add3A_334, %broadcast_in_dim3A_3 : vector<16xi1>, vector<16xi32>
      %min3A_336 = arith.minsi %min3A_330, %select_n3A_335 : vector<16xi32>
      %eq3A_337 = arith.cmpf oeq, %scan3A_187#13, %min3A_258 : vector<16xf32>
      %add3A_338 = arith.constant 208 : i32
      %add3A_339 = vector.broadcast %add3A_338 : i32 to vector<16xi32>
      %add3A_340 = arith.addi %iota3A, %add3A_339 : vector<16xi32>
      %select_n3A_341 = arith.select %eq3A_337, %add3A_340, %broadcast_in_dim3A_3 : vector<16xi1>, vector<16xi32>
      %min3A_342 = arith.minsi %min3A_336, %select_n3A_341 : vector<16xi32>
      %eq3A_343 = arith.cmpf oeq, %scan3A_187#14, %min3A_258 : vector<16xf32>
      %add3A_344 = arith.constant 224 : i32
      %add3A_345 = vector.broadcast %add3A_344 : i32 to vector<16xi32>
      %add3A_346 = arith.addi %iota3A, %add3A_345 : vector<16xi32>
      %select_n3A_347 = arith.select %eq3A_343, %add3A_346, %broadcast_in_dim3A_3 : vector<16xi1>, vector<16xi32>
      %min3A_348 = arith.minsi %min3A_342, %select_n3A_347 : vector<16xi32>
      %eq3A_349 = arith.cmpf oeq, %scan3A_187#15, %min3A_258 : vector<16xf32>
      %add3A_350 = arith.constant 240 : i32
      %add3A_351 = vector.broadcast %add3A_350 : i32 to vector<16xi32>
      %add3A_352 = arith.addi %iota3A, %add3A_351 : vector<16xi32>
      %select_n3A_353 = arith.select %eq3A_349, %add3A_352, %broadcast_in_dim3A_3 : vector<16xi1>, vector<16xi32>
      %min3A_354 = arith.minsi %min3A_348, %select_n3A_353 : vector<16xi32>
      %iota3A_355 = tpu.iota {dimensions = array<i32: 0>} : vector<16xi32>
      %xor3A_356 = arith.constant 8 : i32
      %xor3A_357 = vector.broadcast %xor3A_356 : i32 to vector<16xi32>
      %xor3A_358 = arith.xori %iota3A_355, %xor3A_357 : vector<16xi32>
      %lt3A_359 = arith.constant 0 : i32
      %lt3A_360 = vector.broadcast %lt3A_359 : i32 to vector<16xi32>
      %lt3A_361 = arith.cmpi slt, %xor3A_358, %lt3A_360 : vector<16xi32>
      %add3A_362 = arith.constant 16 : i32
      %add3A_363 = vector.broadcast %add3A_362 : i32 to vector<16xi32>
      %add3A_364 = arith.addi %xor3A_358, %add3A_363 : vector<16xi32>
      %select_n3A_365 = arith.select %lt3A_361, %add3A_364, %xor3A_358 : vector<16xi1>, vector<16xi32>
      %broadcast_in_dim3A_366 = vector.shape_cast %select_n3A_365 : vector<16xi32> to vector<16x1xi32>
      %gather3A_367 = vector.shape_cast %broadcast_in_dim3A_366 : vector<16x1xi32> to vector<16xi32>
      %gather3A_368 = tpu.dynamic_gather %min3A_354[%gather3A_367] in [0] : vector<16xi32>, vector<16xi32> -> vector<16xi32>
      %min3A_369 = arith.minsi %min3A_354, %gather3A_368 : vector<16xi32>
      %xor3A_370 = arith.constant 4 : i32
      %xor3A_371 = vector.broadcast %xor3A_370 : i32 to vector<16xi32>
      %xor3A_372 = arith.xori %iota3A_355, %xor3A_371 : vector<16xi32>
      %lt3A_373 = arith.constant 0 : i32
      %lt3A_374 = vector.broadcast %lt3A_373 : i32 to vector<16xi32>
      %lt3A_375 = arith.cmpi slt, %xor3A_372, %lt3A_374 : vector<16xi32>
      %add3A_376 = arith.constant 16 : i32
      %add3A_377 = vector.broadcast %add3A_376 : i32 to vector<16xi32>
      %add3A_378 = arith.addi %xor3A_372, %add3A_377 : vector<16xi32>
      %select_n3A_379 = arith.select %lt3A_375, %add3A_378, %xor3A_372 : vector<16xi1>, vector<16xi32>
      %broadcast_in_dim3A_380 = vector.shape_cast %select_n3A_379 : vector<16xi32> to vector<16x1xi32>
      %gather3A_381 = vector.shape_cast %broadcast_in_dim3A_380 : vector<16x1xi32> to vector<16xi32>
      %gather3A_382 = tpu.dynamic_gather %min3A_369[%gather3A_381] in [0] : vector<16xi32>, vector<16xi32> -> vector<16xi32>
      %min3A_383 = arith.minsi %min3A_369, %gather3A_382 : vector<16xi32>
      %xor3A_384 = arith.constant 2 : i32
      %xor3A_385 = vector.broadcast %xor3A_384 : i32 to vector<16xi32>
      %xor3A_386 = arith.xori %iota3A_355, %xor3A_385 : vector<16xi32>
      %lt3A_387 = arith.constant 0 : i32
      %lt3A_388 = vector.broadcast %lt3A_387 : i32 to vector<16xi32>
      %lt3A_389 = arith.cmpi slt, %xor3A_386, %lt3A_388 : vector<16xi32>
      %add3A_390 = arith.constant 16 : i32
      %add3A_391 = vector.broadcast %add3A_390 : i32 to vector<16xi32>
      %add3A_392 = arith.addi %xor3A_386, %add3A_391 : vector<16xi32>
      %select_n3A_393 = arith.select %lt3A_389, %add3A_392, %xor3A_386 : vector<16xi1>, vector<16xi32>
      %broadcast_in_dim3A_394 = vector.shape_cast %select_n3A_393 : vector<16xi32> to vector<16x1xi32>
      %gather3A_395 = vector.shape_cast %broadcast_in_dim3A_394 : vector<16x1xi32> to vector<16xi32>
      %gather3A_396 = tpu.dynamic_gather %min3A_383[%gather3A_395] in [0] : vector<16xi32>, vector<16xi32> -> vector<16xi32>
      %min3A_397 = arith.minsi %min3A_383, %gather3A_396 : vector<16xi32>
      %xor3A_398 = arith.constant 1 : i32
      %xor3A_399 = vector.broadcast %xor3A_398 : i32 to vector<16xi32>
      %xor3A_400 = arith.xori %iota3A_355, %xor3A_399 : vector<16xi32>
      %lt3A_401 = arith.constant 0 : i32
      %lt3A_402 = vector.broadcast %lt3A_401 : i32 to vector<16xi32>
      %lt3A_403 = arith.cmpi slt, %xor3A_400, %lt3A_402 : vector<16xi32>
      %add3A_404 = arith.constant 16 : i32
      %add3A_405 = vector.broadcast %add3A_404 : i32 to vector<16xi32>
      %add3A_406 = arith.addi %xor3A_400, %add3A_405 : vector<16xi32>
      %select_n3A_407 = arith.select %lt3A_403, %add3A_406, %xor3A_400 : vector<16xi1>, vector<16xi32>
      %broadcast_in_dim3A_408 = vector.shape_cast %select_n3A_407 : vector<16xi32> to vector<16x1xi32>
      %gather3A_409 = vector.shape_cast %broadcast_in_dim3A_408 : vector<16x1xi32> to vector<16xi32>
      %gather3A_410 = tpu.dynamic_gather %min3A_397[%gather3A_409] in [0] : vector<16xi32>, vector<16xi32> -> vector<16xi32>
      %min3A_411 = arith.minsi %min3A_397, %gather3A_410 : vector<16xi32>
      %eq3A_412 = vector.broadcast %scan3A_147 : i32 to vector<16xi32>
      %eq3A_413 = arith.cmpi eq, %iota3A, %eq3A_412 : vector<16xi32>
      %select_n3A_414 = arith.select %eq3A_413, %min3A_411, %scan3A_148 : vector<16xi1>, vector<16xi32>
      scf.yield %select_n3A_414 : vector<16xi32>
    }
    %scan3A_16 = arith.constant 16 : i32
    %shift_right_arithmetic3A_17 = arith.constant 4 : i32
    %shift_right_arithmetic3A_18 = vector.broadcast %shift_right_arithmetic3A_17 : i32 to vector<16xi32>
    %shift_right_arithmetic3A_19 = arith.shrsi %scan3A_15, %shift_right_arithmetic3A_18 : vector<16xi32>
    %and3A_20 = arith.constant 15 : i32
    %and3A_21 = vector.broadcast %and3A_20 : i32 to vector<16xi32>
    %and3A_22 = arith.andi %scan3A_15, %and3A_21 : vector<16xi32>
    %add3A_23 = arith.constant 0 : i32
    %add3A_24 = vector.broadcast %add3A_23 : i32 to vector<16xi32>
    %add3A_25 = arith.addi %shift_right_arithmetic3A_5, %add3A_24 : vector<16xi32>
    %lt3A = arith.constant 0 : i32
    %lt3A_26 = vector.broadcast %lt3A : i32 to vector<16xi32>
    %lt3A_27 = arith.cmpi slt, %add3A_25, %lt3A_26 : vector<16xi32>
    %add3A_28 = arith.constant 16 : i32
    %add3A_29 = vector.broadcast %add3A_28 : i32 to vector<16xi32>
    %add3A_30 = arith.addi %add3A_25, %add3A_29 : vector<16xi32>
    %select_n3A = arith.select %lt3A_27, %add3A_30, %add3A_25 : vector<16xi1>, vector<16xi32>
    %broadcast_in_dim3A_31 = vector.shape_cast %select_n3A : vector<16xi32> to vector<16x1xi32>
    %gather3A = vector.shape_cast %broadcast_in_dim3A_31 : vector<16x1xi32> to vector<16xi32>
    %gather3A_32 = tpu.dynamic_gather %shift_right_arithmetic3A_19[%gather3A] in [0] : vector<16xi32>, vector<16xi32> -> vector<16xi32>
    %lt3A_33 = arith.constant 0 : i32
    %lt3A_34 = vector.broadcast %lt3A_33 : i32 to vector<16xi32>
    %lt3A_35 = arith.cmpi slt, %add3A_25, %lt3A_34 : vector<16xi32>
    %add3A_36 = arith.constant 16 : i32
    %add3A_37 = vector.broadcast %add3A_36 : i32 to vector<16xi32>
    %add3A_38 = arith.addi %add3A_25, %add3A_37 : vector<16xi32>
    %select_n3A_39 = arith.select %lt3A_35, %add3A_38, %add3A_25 : vector<16xi1>, vector<16xi32>
    %broadcast_in_dim3A_40 = vector.shape_cast %select_n3A_39 : vector<16xi32> to vector<16x1xi32>
    %gather3A_41 = vector.shape_cast %broadcast_in_dim3A_40 : vector<16x1xi32> to vector<16xi32>
    %gather3A_42 = tpu.dynamic_gather %and3A_22[%gather3A_41] in [0] : vector<16xi32>, vector<16xi32> -> vector<16xi32>
    %select_n3A_43 = arith.select %eq3A_9, %gather3A_32, %gather3A_42 : vector<16xi1>, vector<16xi32>
    %swap3A = arith.constant 0 : index
    %swap3A_44 = tpu.vector_load %arg7[%swap3A] {strides = array<i32>} : memref<64xi32, #tpu.memory_space<vmem>>, vector<16xi32>,
    %swap3A_45 = vector.shape_cast %swap3A_44 : vector<16xi32> to vector<16xi32>
    %swap3A_46 = vector.shape_cast %select_n3A_43 : vector<16xi32> to vector<16xi32>
    tpu.vector_store %arg7[%swap3A], %swap3A_46 {strides = array<i32>} : memref<64xi32, #tpu.memory_space<vmem>>, vector<16xi32>,
    %add3A_47 = arith.constant 8 : i32
    %add3A_48 = vector.broadcast %add3A_47 : i32 to vector<16xi32>
    %add3A_49 = arith.addi %shift_right_arithmetic3A_5, %add3A_48 : vector<16xi32>
    %lt3A_50 = arith.constant 0 : i32
    %lt3A_51 = vector.broadcast %lt3A_50 : i32 to vector<16xi32>
    %lt3A_52 = arith.cmpi slt, %add3A_49, %lt3A_51 : vector<16xi32>
    %add3A_53 = arith.constant 16 : i32
    %add3A_54 = vector.broadcast %add3A_53 : i32 to vector<16xi32>
    %add3A_55 = arith.addi %add3A_49, %add3A_54 : vector<16xi32>
    %select_n3A_56 = arith.select %lt3A_52, %add3A_55, %add3A_49 : vector<16xi1>, vector<16xi32>
    %broadcast_in_dim3A_57 = vector.shape_cast %select_n3A_56 : vector<16xi32> to vector<16x1xi32>
    %gather3A_58 = vector.shape_cast %broadcast_in_dim3A_57 : vector<16x1xi32> to vector<16xi32>
    %gather3A_59 = tpu.dynamic_gather %shift_right_arithmetic3A_19[%gather3A_58] in [0] : vector<16xi32>, vector<16xi32> -> vector<16xi32>
    %lt3A_60 = arith.constant 0 : i32
    %lt3A_61 = vector.broadcast %lt3A_60 : i32 to vector<16xi32>
    %lt3A_62 = arith.cmpi slt, %add3A_49, %lt3A_61 : vector<16xi32>
    %add3A_63 = arith.constant 16 : i32
    %add3A_64 = vector.broadcast %add3A_63 : i32 to vector<16xi32>
    %add3A_65 = arith.addi %add3A_49, %add3A_64 : vector<16xi32>
    %select_n3A_66 = arith.select %lt3A_62, %add3A_65, %add3A_49 : vector<16xi1>, vector<16xi32>
    %broadcast_in_dim3A_67 = vector.shape_cast %select_n3A_66 : vector<16xi32> to vector<16x1xi32>
    %gather3A_68 = vector.shape_cast %broadcast_in_dim3A_67 : vector<16x1xi32> to vector<16xi32>
    %gather3A_69 = tpu.dynamic_gather %and3A_22[%gather3A_68] in [0] : vector<16xi32>, vector<16xi32> -> vector<16xi32>
    %select_n3A_70 = arith.select %eq3A_9, %gather3A_59, %gather3A_69 : vector<16xi1>, vector<16xi32>
    %swap3A_71 = arith.constant 16 : index
    %swap3A_72 = tpu.vector_load %arg7[%swap3A_71] {strides = array<i32>} : memref<64xi32, #tpu.memory_space<vmem>>, vector<16xi32>,
    %swap3A_73 = vector.shape_cast %swap3A_72 : vector<16xi32> to vector<16xi32>
    %swap3A_74 = vector.shape_cast %select_n3A_70 : vector<16xi32> to vector<16xi32>
    tpu.vector_store %arg7[%swap3A_71], %swap3A_74 {strides = array<i32>} : memref<64xi32, #tpu.memory_space<vmem>>, vector<16xi32>,
    %broadcast_in_dim3A_75 = arith.constant 0 : i32
    %broadcast_in_dim3A_76 = vector.broadcast %broadcast_in_dim3A_75 : i32 to vector<16xi32>
    %scan3A_77 = arith.constant 0 : i32
    %scan3A_78 = arith.constant 16 : i32
    %scan3A_79 = arith.addi %scan3A_77, %scan3A_78 : i32
    %scan3A_80 = arith.constant 1 : i32
    %scan3A_81 = scf.for %scan3A_147 = %scan3A_77 to %scan3A_79 step %scan3A_80 iter_args(%scan3A_148 = %broadcast_in_dim3A_76) -> (vector<16xi32>)  : i32 {
      %add3A_149 = arith.constant 16 : i32
      %add3A_150 = arith.addi %add3A_149, %scan3A_147 : i32
      %broadcast_in_dim3A_151 = arith.constant 0.000000e+00 : f32
      %broadcast_in_dim3A_152 = vector.broadcast %broadcast_in_dim3A_151 : f32 to vector<16xf32>
      %broadcast_in_dim3A_153 = arith.constant 0.000000e+00 : f32
      %broadcast_in_dim3A_154 = vector.broadcast %broadcast_in_dim3A_153 : f32 to vector<16xf32>
      %broadcast_in_dim3A_155 = arith.constant 0.000000e+00 : f32
      %broadcast_in_dim3A_156 = vector.broadcast %broadcast_in_dim3A_155 : f32 to vector<16xf32>
      %broadcast_in_dim3A_157 = arith.constant 0.000000e+00 : f32
      %broadcast_in_dim3A_158 = vector.broadcast %broadcast_in_dim3A_157 : f32 to vector<16xf32>
      %broadcast_in_dim3A_159 = arith.constant 0.000000e+00 : f32
      %broadcast_in_dim3A_160 = vector.broadcast %broadcast_in_dim3A_159 : f32 to vector<16xf32>
      %broadcast_in_dim3A_161 = arith.constant 0.000000e+00 : f32
      %broadcast_in_dim3A_162 = vector.broadcast %broadcast_in_dim3A_161 : f32 to vector<16xf32>
      %broadcast_in_dim3A_163 = arith.constant 0.000000e+00 : f32
      %broadcast_in_dim3A_164 = vector.broadcast %broadcast_in_dim3A_163 : f32 to vector<16xf32>
      %broadcast_in_dim3A_165 = arith.constant 0.000000e+00 : f32
      %broadcast_in_dim3A_166 = vector.broadcast %broadcast_in_dim3A_165 : f32 to vector<16xf32>
      %broadcast_in_dim3A_167 = arith.constant 0.000000e+00 : f32
      %broadcast_in_dim3A_168 = vector.broadcast %broadcast_in_dim3A_167 : f32 to vector<16xf32>
      %broadcast_in_dim3A_169 = arith.constant 0.000000e+00 : f32
      %broadcast_in_dim3A_170 = vector.broadcast %broadcast_in_dim3A_169 : f32 to vector<16xf32>
      %broadcast_in_dim3A_171 = arith.constant 0.000000e+00 : f32
      %broadcast_in_dim3A_172 = vector.broadcast %broadcast_in_dim3A_171 : f32 to vector<16xf32>
      %broadcast_in_dim3A_173 = arith.constant 0.000000e+00 : f32
      %broadcast_in_dim3A_174 = vector.broadcast %broadcast_in_dim3A_173 : f32 to vector<16xf32>
      %broadcast_in_dim3A_175 = arith.constant 0.000000e+00 : f32
      %broadcast_in_dim3A_176 = vector.broadcast %broadcast_in_dim3A_175 : f32 to vector<16xf32>
      %broadcast_in_dim3A_177 = arith.constant 0.000000e+00 : f32
      %broadcast_in_dim3A_178 = vector.broadcast %broadcast_in_dim3A_177 : f32 to vector<16xf32>
      %broadcast_in_dim3A_179 = arith.constant 0.000000e+00 : f32
      %broadcast_in_dim3A_180 = vector.broadcast %broadcast_in_dim3A_179 : f32 to vector<16xf32>
      %broadcast_in_dim3A_181 = arith.constant 0.000000e+00 : f32
      %broadcast_in_dim3A_182 = vector.broadcast %broadcast_in_dim3A_181 : f32 to vector<16xf32>
      %scan3A_183 = arith.constant 0 : i32
      %scan3A_184 = arith.constant 8 : i32
      %scan3A_185 = arith.addi %scan3A_183, %scan3A_184 : i32
      %scan3A_186 = arith.constant 1 : i32
      %scan3A_187:16 = scf.for %scan3A_415 = %scan3A_183 to %scan3A_185 step %scan3A_186 iter_args(%scan3A_416 = %broadcast_in_dim3A_152, %scan3A_417 = %broadcast_in_dim3A_154, %scan3A_418 = %broadcast_in_dim3A_156, %scan3A_419 = %broadcast_in_dim3A_158, %scan3A_420 = %broadcast_in_dim3A_160, %scan3A_421 = %broadcast_in_dim3A_162, %scan3A_422 = %broadcast_in_dim3A_164, %scan3A_423 = %broadcast_in_dim3A_166, %scan3A_424 = %broadcast_in_dim3A_168, %scan3A_425 = %broadcast_in_dim3A_170, %scan3A_426 = %broadcast_in_dim3A_172, %scan3A_427 = %broadcast_in_dim3A_174, %scan3A_428 = %broadcast_in_dim3A_176, %scan3A_429 = %broadcast_in_dim3A_178, %scan3A_430 = %broadcast_in_dim3A_180, %scan3A_431 = %broadcast_in_dim3A_182) -> (vector<16xf32>, vector<16xf32>, vector<16xf32>, vector<16xf32>, vector<16xf32>, vector<16xf32>, vector<16xf32>, vector<16xf32>, vector<16xf32>, vector<16xf32>, vector<16xf32>, vector<16xf32>, vector<16xf32>, vector<16xf32>, vector<16xf32>, vector<16xf32>)  : i32 {
        %mul3A_432 = arith.constant 16 : i32
        %mul3A_433 = arith.muli %scan3A_415, %mul3A_432 : i32
        %get3A = arith.index_cast %add3A_150 : i32 to index
        %get3A_434 = arith.index_cast %mul3A_433 : i32 to index
        %get3A_435 = tpu.vector_load %arg5[%get3A, %get3A_434] {strides = array<i32>} : memref<32x128xf32, #tpu.memory_space<vmem>>, vector<1x16xf32>,
        %get3A_436 = vector.shape_cast %get3A_435 : vector<1x16xf32> to vector<16xf32>
        %broadcast_in_dim3A_437 = arith.constant 0.000000e+00 : f32
        %broadcast_in_dim3A_438 = vector.broadcast %broadcast_in_dim3A_437 : f32 to vector<16xf32>
        %broadcast_in_dim3A_439 = arith.constant 0.000000e+00 : f32
        %broadcast_in_dim3A_440 = vector.broadcast %broadcast_in_dim3A_439 : f32 to vector<16xf32>
        %broadcast_in_dim3A_441 = arith.constant 0.000000e+00 : f32
        %broadcast_in_dim3A_442 = vector.broadcast %broadcast_in_dim3A_441 : f32 to vector<16xf32>
        %broadcast_in_dim3A_443 = arith.constant 0.000000e+00 : f32
        %broadcast_in_dim3A_444 = vector.broadcast %broadcast_in_dim3A_443 : f32 to vector<16xf32>
        %broadcast_in_dim3A_445 = arith.constant 0.000000e+00 : f32
        %broadcast_in_dim3A_446 = vector.broadcast %broadcast_in_dim3A_445 : f32 to vector<16xf32>
        %broadcast_in_dim3A_447 = arith.constant 0.000000e+00 : f32
        %broadcast_in_dim3A_448 = vector.broadcast %broadcast_in_dim3A_447 : f32 to vector<16xf32>
        %broadcast_in_dim3A_449 = arith.constant 0.000000e+00 : f32
        %broadcast_in_dim3A_450 = vector.broadcast %broadcast_in_dim3A_449 : f32 to vector<16xf32>
        %broadcast_in_dim3A_451 = arith.constant 0.000000e+00 : f32
        %broadcast_in_dim3A_452 = vector.broadcast %broadcast_in_dim3A_451 : f32 to vector<16xf32>
        %broadcast_in_dim3A_453 = arith.constant 0.000000e+00 : f32
        %broadcast_in_dim3A_454 = vector.broadcast %broadcast_in_dim3A_453 : f32 to vector<16xf32>
        %broadcast_in_dim3A_455 = arith.constant 0.000000e+00 : f32
        %broadcast_in_dim3A_456 = vector.broadcast %broadcast_in_dim3A_455 : f32 to vector<16xf32>
        %broadcast_in_dim3A_457 = arith.constant 0.000000e+00 : f32
        %broadcast_in_dim3A_458 = vector.broadcast %broadcast_in_dim3A_457 : f32 to vector<16xf32>
        %broadcast_in_dim3A_459 = arith.constant 0.000000e+00 : f32
        %broadcast_in_dim3A_460 = vector.broadcast %broadcast_in_dim3A_459 : f32 to vector<16xf32>
        %broadcast_in_dim3A_461 = arith.constant 0.000000e+00 : f32
        %broadcast_in_dim3A_462 = vector.broadcast %broadcast_in_dim3A_461 : f32 to vector<16xf32>
        %broadcast_in_dim3A_463 = arith.constant 0.000000e+00 : f32
        %broadcast_in_dim3A_464 = vector.broadcast %broadcast_in_dim3A_463 : f32 to vector<16xf32>
        %broadcast_in_dim3A_465 = arith.constant 0.000000e+00 : f32
        %broadcast_in_dim3A_466 = vector.broadcast %broadcast_in_dim3A_465 : f32 to vector<16xf32>
        %broadcast_in_dim3A_467 = arith.constant 0.000000e+00 : f32
        %broadcast_in_dim3A_468 = vector.broadcast %broadcast_in_dim3A_467 : f32 to vector<16xf32>
        %slice3A = vector.extract_strided_slice %get3A_436 {offsets = [0], sizes = [1], strides = [1]} : vector<16xf32> to vector<1xf32>
        %squeeze3A = vector.extract %slice3A[0] : f32 from vector<1xf32>
        %broadcast_in_dim3A_469 = vector.broadcast %squeeze3A : f32 to vector<16xf32>
        %mul3A_470 = arith.constant 16 : i32
        %mul3A_471 = arith.muli %scan3A_415, %mul3A_470 : i32
        %add3A_472 = arith.constant 0 : i32
        %add3A_473 = arith.addi %mul3A_471, %add3A_472 : i32
        %get3A_474 = arith.index_cast %add3A_473 : i32 to index
        %get3A_475 = arith.constant 0 : index
        %get3A_476 = tpu.vector_load %arg6[%get3A_474, %get3A_475] {strides = array<i32>} : memref<128x256xf32, #tpu.memory_space<vmem>>, vector<1x16xf32>,
        %get3A_477 = vector.shape_cast %get3A_476 : vector<1x16xf32> to vector<16xf32>
        %sub3A = arith.subf %get3A_477, %broadcast_in_dim3A_469 : vector<16xf32>
        %mul3A_478 = arith.mulf %sub3A, %sub3A : vector<16xf32>
        %add3A_479 = arith.addf %broadcast_in_dim3A_438, %mul3A_478 : vector<16xf32>
        %get3A_480 = arith.index_cast %add3A_473 : i32 to index
        %get3A_481 = arith.constant 16 : index
        %get3A_482 = tpu.vector_load %arg6[%get3A_480, %get3A_481] {strides = array<i32>} : memref<128x256xf32, #tpu.memory_space<vmem>>, vector<1x16xf32>,
        %get3A_483 = vector.shape_cast %get3A_482 : vector<1x16xf32> to vector<16xf32>
        %sub3A_484 = arith.subf %get3A_483, %broadcast_in_dim3A_469 : vector<16xf32>
        %mul3A_485 = arith.mulf %sub3A_484, %sub3A_484 : vector<16xf32>
        %add3A_486 = arith.addf %broadcast_in_dim3A_440, %mul3A_485 : vector<16xf32>
        %get3A_487 = arith.index_cast %add3A_473 : i32 to index
        %get3A_488 = arith.constant 32 : index
        %get3A_489 = tpu.vector_load %arg6[%get3A_487, %get3A_488] {strides = array<i32>} : memref<128x256xf32, #tpu.memory_space<vmem>>, vector<1x16xf32>,
        %get3A_490 = vector.shape_cast %get3A_489 : vector<1x16xf32> to vector<16xf32>
        %sub3A_491 = arith.subf %get3A_490, %broadcast_in_dim3A_469 : vector<16xf32>
        %mul3A_492 = arith.mulf %sub3A_491, %sub3A_491 : vector<16xf32>
        %add3A_493 = arith.addf %broadcast_in_dim3A_442, %mul3A_492 : vector<16xf32>
        %get3A_494 = arith.index_cast %add3A_473 : i32 to index
        %get3A_495 = arith.constant 48 : index
        %get3A_496 = tpu.vector_load %arg6[%get3A_494, %get3A_495] {strides = array<i32>} : memref<128x256xf32, #tpu.memory_space<vmem>>, vector<1x16xf32>,
        %get3A_497 = vector.shape_cast %get3A_496 : vector<1x16xf32> to vector<16xf32>
        %sub3A_498 = arith.subf %get3A_497, %broadcast_in_dim3A_469 : vector<16xf32>
        %mul3A_499 = arith.mulf %sub3A_498, %sub3A_498 : vector<16xf32>
        %add3A_500 = arith.addf %broadcast_in_dim3A_444, %mul3A_499 : vector<16xf32>
        %get3A_501 = arith.index_cast %add3A_473 : i32 to index
        %get3A_502 = arith.constant 64 : index
        %get3A_503 = tpu.vector_load %arg6[%get3A_501, %get3A_502] {strides = array<i32>} : memref<128x256xf32, #tpu.memory_space<vmem>>, vector<1x16xf32>,
        %get3A_504 = vector.shape_cast %get3A_503 : vector<1x16xf32> to vector<16xf32>
        %sub3A_505 = arith.subf %get3A_504, %broadcast_in_dim3A_469 : vector<16xf32>
        %mul3A_506 = arith.mulf %sub3A_505, %sub3A_505 : vector<16xf32>
        %add3A_507 = arith.addf %broadcast_in_dim3A_446, %mul3A_506 : vector<16xf32>
        %get3A_508 = arith.index_cast %add3A_473 : i32 to index
        %get3A_509 = arith.constant 80 : index
        %get3A_510 = tpu.vector_load %arg6[%get3A_508, %get3A_509] {strides = array<i32>} : memref<128x256xf32, #tpu.memory_space<vmem>>, vector<1x16xf32>,
        %get3A_511 = vector.shape_cast %get3A_510 : vector<1x16xf32> to vector<16xf32>
        %sub3A_512 = arith.subf %get3A_511, %broadcast_in_dim3A_469 : vector<16xf32>
        %mul3A_513 = arith.mulf %sub3A_512, %sub3A_512 : vector<16xf32>
        %add3A_514 = arith.addf %broadcast_in_dim3A_448, %mul3A_513 : vector<16xf32>
        %get3A_515 = arith.index_cast %add3A_473 : i32 to index
        %get3A_516 = arith.constant 96 : index
        %get3A_517 = tpu.vector_load %arg6[%get3A_515, %get3A_516] {strides = array<i32>} : memref<128x256xf32, #tpu.memory_space<vmem>>, vector<1x16xf32>,
        %get3A_518 = vector.shape_cast %get3A_517 : vector<1x16xf32> to vector<16xf32>
        %sub3A_519 = arith.subf %get3A_518, %broadcast_in_dim3A_469 : vector<16xf32>
        %mul3A_520 = arith.mulf %sub3A_519, %sub3A_519 : vector<16xf32>
        %add3A_521 = arith.addf %broadcast_in_dim3A_450, %mul3A_520 : vector<16xf32>
        %get3A_522 = arith.index_cast %add3A_473 : i32 to index
        %get3A_523 = arith.constant 112 : index
        %get3A_524 = tpu.vector_load %arg6[%get3A_522, %get3A_523] {strides = array<i32>} : memref<128x256xf32, #tpu.memory_space<vmem>>, vector<1x16xf32>,
        %get3A_525 = vector.shape_cast %get3A_524 : vector<1x16xf32> to vector<16xf32>
        %sub3A_526 = arith.subf %get3A_525, %broadcast_in_dim3A_469 : vector<16xf32>
        %mul3A_527 = arith.mulf %sub3A_526, %sub3A_526 : vector<16xf32>
        %add3A_528 = arith.addf %broadcast_in_dim3A_452, %mul3A_527 : vector<16xf32>
        %get3A_529 = arith.index_cast %add3A_473 : i32 to index
        %get3A_530 = arith.constant 128 : index
        %get3A_531 = tpu.vector_load %arg6[%get3A_529, %get3A_530] {strides = array<i32>} : memref<128x256xf32, #tpu.memory_space<vmem>>, vector<1x16xf32>,
        %get3A_532 = vector.shape_cast %get3A_531 : vector<1x16xf32> to vector<16xf32>
        %sub3A_533 = arith.subf %get3A_532, %broadcast_in_dim3A_469 : vector<16xf32>
        %mul3A_534 = arith.mulf %sub3A_533, %sub3A_533 : vector<16xf32>
        %add3A_535 = arith.addf %broadcast_in_dim3A_454, %mul3A_534 : vector<16xf32>
        %get3A_536 = arith.index_cast %add3A_473 : i32 to index
        %get3A_537 = arith.constant 144 : index
        %get3A_538 = tpu.vector_load %arg6[%get3A_536, %get3A_537] {strides = array<i32>} : memref<128x256xf32, #tpu.memory_space<vmem>>, vector<1x16xf32>,
        %get3A_539 = vector.shape_cast %get3A_538 : vector<1x16xf32> to vector<16xf32>
        %sub3A_540 = arith.subf %get3A_539, %broadcast_in_dim3A_469 : vector<16xf32>
        %mul3A_541 = arith.mulf %sub3A_540, %sub3A_540 : vector<16xf32>
        %add3A_542 = arith.addf %broadcast_in_dim3A_456, %mul3A_541 : vector<16xf32>
        %get3A_543 = arith.index_cast %add3A_473 : i32 to index
        %get3A_544 = arith.constant 160 : index
        %get3A_545 = tpu.vector_load %arg6[%get3A_543, %get3A_544] {strides = array<i32>} : memref<128x256xf32, #tpu.memory_space<vmem>>, vector<1x16xf32>,
        %get3A_546 = vector.shape_cast %get3A_545 : vector<1x16xf32> to vector<16xf32>
        %sub3A_547 = arith.subf %get3A_546, %broadcast_in_dim3A_469 : vector<16xf32>
        %mul3A_548 = arith.mulf %sub3A_547, %sub3A_547 : vector<16xf32>
        %add3A_549 = arith.addf %broadcast_in_dim3A_458, %mul3A_548 : vector<16xf32>
        %get3A_550 = arith.index_cast %add3A_473 : i32 to index
        %get3A_551 = arith.constant 176 : index
        %get3A_552 = tpu.vector_load %arg6[%get3A_550, %get3A_551] {strides = array<i32>} : memref<128x256xf32, #tpu.memory_space<vmem>>, vector<1x16xf32>,
        %get3A_553 = vector.shape_cast %get3A_552 : vector<1x16xf32> to vector<16xf32>
        %sub3A_554 = arith.subf %get3A_553, %broadcast_in_dim3A_469 : vector<16xf32>
        %mul3A_555 = arith.mulf %sub3A_554, %sub3A_554 : vector<16xf32>
        %add3A_556 = arith.addf %broadcast_in_dim3A_460, %mul3A_555 : vector<16xf32>
        %get3A_557 = arith.index_cast %add3A_473 : i32 to index
        %get3A_558 = arith.constant 192 : index
        %get3A_559 = tpu.vector_load %arg6[%get3A_557, %get3A_558] {strides = array<i32>} : memref<128x256xf32, #tpu.memory_space<vmem>>, vector<1x16xf32>,
        %get3A_560 = vector.shape_cast %get3A_559 : vector<1x16xf32> to vector<16xf32>
        %sub3A_561 = arith.subf %get3A_560, %broadcast_in_dim3A_469 : vector<16xf32>
        %mul3A_562 = arith.mulf %sub3A_561, %sub3A_561 : vector<16xf32>
        %add3A_563 = arith.addf %broadcast_in_dim3A_462, %mul3A_562 : vector<16xf32>
        %get3A_564 = arith.index_cast %add3A_473 : i32 to index
        %get3A_565 = arith.constant 208 : index
        %get3A_566 = tpu.vector_load %arg6[%get3A_564, %get3A_565] {strides = array<i32>} : memref<128x256xf32, #tpu.memory_space<vmem>>, vector<1x16xf32>,
        %get3A_567 = vector.shape_cast %get3A_566 : vector<1x16xf32> to vector<16xf32>
        %sub3A_568 = arith.subf %get3A_567, %broadcast_in_dim3A_469 : vector<16xf32>
        %mul3A_569 = arith.mulf %sub3A_568, %sub3A_568 : vector<16xf32>
        %add3A_570 = arith.addf %broadcast_in_dim3A_464, %mul3A_569 : vector<16xf32>
        %get3A_571 = arith.index_cast %add3A_473 : i32 to index
        %get3A_572 = arith.constant 224 : index
        %get3A_573 = tpu.vector_load %arg6[%get3A_571, %get3A_572] {strides = array<i32>} : memref<128x256xf32, #tpu.memory_space<vmem>>, vector<1x16xf32>,
        %get3A_574 = vector.shape_cast %get3A_573 : vector<1x16xf32> to vector<16xf32>
        %sub3A_575 = arith.subf %get3A_574, %broadcast_in_dim3A_469 : vector<16xf32>
        %mul3A_576 = arith.mulf %sub3A_575, %sub3A_575 : vector<16xf32>
        %add3A_577 = arith.addf %broadcast_in_dim3A_466, %mul3A_576 : vector<16xf32>
        %get3A_578 = arith.index_cast %add3A_473 : i32 to index
        %get3A_579 = arith.constant 240 : index
        %get3A_580 = tpu.vector_load %arg6[%get3A_578, %get3A_579] {strides = array<i32>} : memref<128x256xf32, #tpu.memory_space<vmem>>, vector<1x16xf32>,
        %get3A_581 = vector.shape_cast %get3A_580 : vector<1x16xf32> to vector<16xf32>
        %sub3A_582 = arith.subf %get3A_581, %broadcast_in_dim3A_469 : vector<16xf32>
        %mul3A_583 = arith.mulf %sub3A_582, %sub3A_582 : vector<16xf32>
        %add3A_584 = arith.addf %broadcast_in_dim3A_468, %mul3A_583 : vector<16xf32>
        %slice3A_585 = vector.extract_strided_slice %get3A_436 {offsets = [1], sizes = [1], strides = [1]} : vector<16xf32> to vector<1xf32>
        %squeeze3A_586 = vector.extract %slice3A_585[0] : f32 from vector<1xf32>
        %broadcast_in_dim3A_587 = vector.broadcast %squeeze3A_586 : f32 to vector<16xf32>
        %mul3A_588 = arith.constant 16 : i32
        %mul3A_589 = arith.muli %scan3A_415, %mul3A_588 : i32
        %add3A_590 = arith.constant 1 : i32
        %add3A_591 = arith.addi %mul3A_589, %add3A_590 : i32
        %get3A_592 = arith.index_cast %add3A_591 : i32 to index
        %get3A_593 = arith.constant 0 : index
        %get3A_594 = tpu.vector_load %arg6[%get3A_592, %get3A_593] {strides = array<i32>} : memref<128x256xf32, #tpu.memory_space<vmem>>, vector<1x16xf32>,
        %get3A_595 = vector.shape_cast %get3A_594 : vector<1x16xf32> to vector<16xf32>
        %sub3A_596 = arith.subf %get3A_595, %broadcast_in_dim3A_587 : vector<16xf32>
        %mul3A_597 = arith.mulf %sub3A_596, %sub3A_596 : vector<16xf32>
        %add3A_598 = arith.addf %add3A_479, %mul3A_597 : vector<16xf32>
        %get3A_599 = arith.index_cast %add3A_591 : i32 to index
        %get3A_600 = arith.constant 16 : index
        %get3A_601 = tpu.vector_load %arg6[%get3A_599, %get3A_600] {strides = array<i32>} : memref<128x256xf32, #tpu.memory_space<vmem>>, vector<1x16xf32>,
        %get3A_602 = vector.shape_cast %get3A_601 : vector<1x16xf32> to vector<16xf32>
        %sub3A_603 = arith.subf %get3A_602, %broadcast_in_dim3A_587 : vector<16xf32>
        %mul3A_604 = arith.mulf %sub3A_603, %sub3A_603 : vector<16xf32>
        %add3A_605 = arith.addf %add3A_486, %mul3A_604 : vector<16xf32>
        %get3A_606 = arith.index_cast %add3A_591 : i32 to index
        %get3A_607 = arith.constant 32 : index
        %get3A_608 = tpu.vector_load %arg6[%get3A_606, %get3A_607] {strides = array<i32>} : memref<128x256xf32, #tpu.memory_space<vmem>>, vector<1x16xf32>,
        %get3A_609 = vector.shape_cast %get3A_608 : vector<1x16xf32> to vector<16xf32>
        %sub3A_610 = arith.subf %get3A_609, %broadcast_in_dim3A_587 : vector<16xf32>
        %mul3A_611 = arith.mulf %sub3A_610, %sub3A_610 : vector<16xf32>
        %add3A_612 = arith.addf %add3A_493, %mul3A_611 : vector<16xf32>
        %get3A_613 = arith.index_cast %add3A_591 : i32 to index
        %get3A_614 = arith.constant 48 : index
        %get3A_615 = tpu.vector_load %arg6[%get3A_613, %get3A_614] {strides = array<i32>} : memref<128x256xf32, #tpu.memory_space<vmem>>, vector<1x16xf32>,
        %get3A_616 = vector.shape_cast %get3A_615 : vector<1x16xf32> to vector<16xf32>
        %sub3A_617 = arith.subf %get3A_616, %broadcast_in_dim3A_587 : vector<16xf32>
        %mul3A_618 = arith.mulf %sub3A_617, %sub3A_617 : vector<16xf32>
        %add3A_619 = arith.addf %add3A_500, %mul3A_618 : vector<16xf32>
        %get3A_620 = arith.index_cast %add3A_591 : i32 to index
        %get3A_621 = arith.constant 64 : index
        %get3A_622 = tpu.vector_load %arg6[%get3A_620, %get3A_621] {strides = array<i32>} : memref<128x256xf32, #tpu.memory_space<vmem>>, vector<1x16xf32>,
        %get3A_623 = vector.shape_cast %get3A_622 : vector<1x16xf32> to vector<16xf32>
        %sub3A_624 = arith.subf %get3A_623, %broadcast_in_dim3A_587 : vector<16xf32>
        %mul3A_625 = arith.mulf %sub3A_624, %sub3A_624 : vector<16xf32>
        %add3A_626 = arith.addf %add3A_507, %mul3A_625 : vector<16xf32>
        %get3A_627 = arith.index_cast %add3A_591 : i32 to index
        %get3A_628 = arith.constant 80 : index
        %get3A_629 = tpu.vector_load %arg6[%get3A_627, %get3A_628] {strides = array<i32>} : memref<128x256xf32, #tpu.memory_space<vmem>>, vector<1x16xf32>,
        %get3A_630 = vector.shape_cast %get3A_629 : vector<1x16xf32> to vector<16xf32>
        %sub3A_631 = arith.subf %get3A_630, %broadcast_in_dim3A_587 : vector<16xf32>
        %mul3A_632 = arith.mulf %sub3A_631, %sub3A_631 : vector<16xf32>
        %add3A_633 = arith.addf %add3A_514, %mul3A_632 : vector<16xf32>
        %get3A_634 = arith.index_cast %add3A_591 : i32 to index
        %get3A_635 = arith.constant 96 : index
        %get3A_636 = tpu.vector_load %arg6[%get3A_634, %get3A_635] {strides = array<i32>} : memref<128x256xf32, #tpu.memory_space<vmem>>, vector<1x16xf32>,
        %get3A_637 = vector.shape_cast %get3A_636 : vector<1x16xf32> to vector<16xf32>
        %sub3A_638 = arith.subf %get3A_637, %broadcast_in_dim3A_587 : vector<16xf32>
        %mul3A_639 = arith.mulf %sub3A_638, %sub3A_638 : vector<16xf32>
        %add3A_640 = arith.addf %add3A_521, %mul3A_639 : vector<16xf32>
        %get3A_641 = arith.index_cast %add3A_591 : i32 to index
        %get3A_642 = arith.constant 112 : index
        %get3A_643 = tpu.vector_load %arg6[%get3A_641, %get3A_642] {strides = array<i32>} : memref<128x256xf32, #tpu.memory_space<vmem>>, vector<1x16xf32>,
        %get3A_644 = vector.shape_cast %get3A_643 : vector<1x16xf32> to vector<16xf32>
        %sub3A_645 = arith.subf %get3A_644, %broadcast_in_dim3A_587 : vector<16xf32>
        %mul3A_646 = arith.mulf %sub3A_645, %sub3A_645 : vector<16xf32>
        %add3A_647 = arith.addf %add3A_528, %mul3A_646 : vector<16xf32>
        %get3A_648 = arith.index_cast %add3A_591 : i32 to index
        %get3A_649 = arith.constant 128 : index
        %get3A_650 = tpu.vector_load %arg6[%get3A_648, %get3A_649] {strides = array<i32>} : memref<128x256xf32, #tpu.memory_space<vmem>>, vector<1x16xf32>,
        %get3A_651 = vector.shape_cast %get3A_650 : vector<1x16xf32> to vector<16xf32>
        %sub3A_652 = arith.subf %get3A_651, %broadcast_in_dim3A_587 : vector<16xf32>
        %mul3A_653 = arith.mulf %sub3A_652, %sub3A_652 : vector<16xf32>
        %add3A_654 = arith.addf %add3A_535, %mul3A_653 : vector<16xf32>
        %get3A_655 = arith.index_cast %add3A_591 : i32 to index
        %get3A_656 = arith.constant 144 : index
        %get3A_657 = tpu.vector_load %arg6[%get3A_655, %get3A_656] {strides = array<i32>} : memref<128x256xf32, #tpu.memory_space<vmem>>, vector<1x16xf32>,
        %get3A_658 = vector.shape_cast %get3A_657 : vector<1x16xf32> to vector<16xf32>
        %sub3A_659 = arith.subf %get3A_658, %broadcast_in_dim3A_587 : vector<16xf32>
        %mul3A_660 = arith.mulf %sub3A_659, %sub3A_659 : vector<16xf32>
        %add3A_661 = arith.addf %add3A_542, %mul3A_660 : vector<16xf32>
        %get3A_662 = arith.index_cast %add3A_591 : i32 to index
        %get3A_663 = arith.constant 160 : index
        %get3A_664 = tpu.vector_load %arg6[%get3A_662, %get3A_663] {strides = array<i32>} : memref<128x256xf32, #tpu.memory_space<vmem>>, vector<1x16xf32>,
        %get3A_665 = vector.shape_cast %get3A_664 : vector<1x16xf32> to vector<16xf32>
        %sub3A_666 = arith.subf %get3A_665, %broadcast_in_dim3A_587 : vector<16xf32>
        %mul3A_667 = arith.mulf %sub3A_666, %sub3A_666 : vector<16xf32>
        %add3A_668 = arith.addf %add3A_549, %mul3A_667 : vector<16xf32>
        %get3A_669 = arith.index_cast %add3A_591 : i32 to index
        %get3A_670 = arith.constant 176 : index
        %get3A_671 = tpu.vector_load %arg6[%get3A_669, %get3A_670] {strides = array<i32>} : memref<128x256xf32, #tpu.memory_space<vmem>>, vector<1x16xf32>,
        %get3A_672 = vector.shape_cast %get3A_671 : vector<1x16xf32> to vector<16xf32>
        %sub3A_673 = arith.subf %get3A_672, %broadcast_in_dim3A_587 : vector<16xf32>
        %mul3A_674 = arith.mulf %sub3A_673, %sub3A_673 : vector<16xf32>
        %add3A_675 = arith.addf %add3A_556, %mul3A_674 : vector<16xf32>
        %get3A_676 = arith.index_cast %add3A_591 : i32 to index
        %get3A_677 = arith.constant 192 : index
        %get3A_678 = tpu.vector_load %arg6[%get3A_676, %get3A_677] {strides = array<i32>} : memref<128x256xf32, #tpu.memory_space<vmem>>, vector<1x16xf32>,
        %get3A_679 = vector.shape_cast %get3A_678 : vector<1x16xf32> to vector<16xf32>
        %sub3A_680 = arith.subf %get3A_679, %broadcast_in_dim3A_587 : vector<16xf32>
        %mul3A_681 = arith.mulf %sub3A_680, %sub3A_680 : vector<16xf32>
        %add3A_682 = arith.addf %add3A_563, %mul3A_681 : vector<16xf32>
        %get3A_683 = arith.index_cast %add3A_591 : i32 to index
        %get3A_684 = arith.constant 208 : index
        %get3A_685 = tpu.vector_load %arg6[%get3A_683, %get3A_684] {strides = array<i32>} : memref<128x256xf32, #tpu.memory_space<vmem>>, vector<1x16xf32>,
        %get3A_686 = vector.shape_cast %get3A_685 : vector<1x16xf32> to vector<16xf32>
        %sub3A_687 = arith.subf %get3A_686, %broadcast_in_dim3A_587 : vector<16xf32>
        %mul3A_688 = arith.mulf %sub3A_687, %sub3A_687 : vector<16xf32>
        %add3A_689 = arith.addf %add3A_570, %mul3A_688 : vector<16xf32>
        %get3A_690 = arith.index_cast %add3A_591 : i32 to index
        %get3A_691 = arith.constant 224 : index
        %get3A_692 = tpu.vector_load %arg6[%get3A_690, %get3A_691] {strides = array<i32>} : memref<128x256xf32, #tpu.memory_space<vmem>>, vector<1x16xf32>,
        %get3A_693 = vector.shape_cast %get3A_692 : vector<1x16xf32> to vector<16xf32>
        %sub3A_694 = arith.subf %get3A_693, %broadcast_in_dim3A_587 : vector<16xf32>
        %mul3A_695 = arith.mulf %sub3A_694, %sub3A_694 : vector<16xf32>
        %add3A_696 = arith.addf %add3A_577, %mul3A_695 : vector<16xf32>
        %get3A_697 = arith.index_cast %add3A_591 : i32 to index
        %get3A_698 = arith.constant 240 : index
        %get3A_699 = tpu.vector_load %arg6[%get3A_697, %get3A_698] {strides = array<i32>} : memref<128x256xf32, #tpu.memory_space<vmem>>, vector<1x16xf32>,
        %get3A_700 = vector.shape_cast %get3A_699 : vector<1x16xf32> to vector<16xf32>
        %sub3A_701 = arith.subf %get3A_700, %broadcast_in_dim3A_587 : vector<16xf32>
        %mul3A_702 = arith.mulf %sub3A_701, %sub3A_701 : vector<16xf32>
        %add3A_703 = arith.addf %add3A_584, %mul3A_702 : vector<16xf32>
        %slice3A_704 = vector.extract_strided_slice %get3A_436 {offsets = [2], sizes = [1], strides = [1]} : vector<16xf32> to vector<1xf32>
        %squeeze3A_705 = vector.extract %slice3A_704[0] : f32 from vector<1xf32>
        %broadcast_in_dim3A_706 = vector.broadcast %squeeze3A_705 : f32 to vector<16xf32>
        %mul3A_707 = arith.constant 16 : i32
        %mul3A_708 = arith.muli %scan3A_415, %mul3A_707 : i32
        %add3A_709 = arith.constant 2 : i32
        %add3A_710 = arith.addi %mul3A_708, %add3A_709 : i32
        %get3A_711 = arith.index_cast %add3A_710 : i32 to index
        %get3A_712 = arith.constant 0 : index
        %get3A_713 = tpu.vector_load %arg6[%get3A_711, %get3A_712] {strides = array<i32>} : memref<128x256xf32, #tpu.memory_space<vmem>>, vector<1x16xf32>,
        %get3A_714 = vector.shape_cast %get3A_713 : vector<1x16xf32> to vector<16xf32>
        %sub3A_715 = arith.subf %get3A_714, %broadcast_in_dim3A_706 : vector<16xf32>
        %mul3A_716 = arith.mulf %sub3A_715, %sub3A_715 : vector<16xf32>
        %add3A_717 = arith.addf %add3A_598, %mul3A_716 : vector<16xf32>
        %get3A_718 = arith.index_cast %add3A_710 : i32 to index
        %get3A_719 = arith.constant 16 : index
        %get3A_720 = tpu.vector_load %arg6[%get3A_718, %get3A_719] {strides = array<i32>} : memref<128x256xf32, #tpu.memory_space<vmem>>, vector<1x16xf32>,
        %get3A_721 = vector.shape_cast %get3A_720 : vector<1x16xf32> to vector<16xf32>
        %sub3A_722 = arith.subf %get3A_721, %broadcast_in_dim3A_706 : vector<16xf32>
        %mul3A_723 = arith.mulf %sub3A_722, %sub3A_722 : vector<16xf32>
        %add3A_724 = arith.addf %add3A_605, %mul3A_723 : vector<16xf32>
        %get3A_725 = arith.index_cast %add3A_710 : i32 to index
        %get3A_726 = arith.constant 32 : index
        %get3A_727 = tpu.vector_load %arg6[%get3A_725, %get3A_726] {strides = array<i32>} : memref<128x256xf32, #tpu.memory_space<vmem>>, vector<1x16xf32>,
        %get3A_728 = vector.shape_cast %get3A_727 : vector<1x16xf32> to vector<16xf32>
        %sub3A_729 = arith.subf %get3A_728, %broadcast_in_dim3A_706 : vector<16xf32>
        %mul3A_730 = arith.mulf %sub3A_729, %sub3A_729 : vector<16xf32>
        %add3A_731 = arith.addf %add3A_612, %mul3A_730 : vector<16xf32>
        %get3A_732 = arith.index_cast %add3A_710 : i32 to index
        %get3A_733 = arith.constant 48 : index
        %get3A_734 = tpu.vector_load %arg6[%get3A_732, %get3A_733] {strides = array<i32>} : memref<128x256xf32, #tpu.memory_space<vmem>>, vector<1x16xf32>,
        %get3A_735 = vector.shape_cast %get3A_734 : vector<1x16xf32> to vector<16xf32>
        %sub3A_736 = arith.subf %get3A_735, %broadcast_in_dim3A_706 : vector<16xf32>
        %mul3A_737 = arith.mulf %sub3A_736, %sub3A_736 : vector<16xf32>
        %add3A_738 = arith.addf %add3A_619, %mul3A_737 : vector<16xf32>
        %get3A_739 = arith.index_cast %add3A_710 : i32 to index
        %get3A_740 = arith.constant 64 : index
        %get3A_741 = tpu.vector_load %arg6[%get3A_739, %get3A_740] {strides = array<i32>} : memref<128x256xf32, #tpu.memory_space<vmem>>, vector<1x16xf32>,
        %get3A_742 = vector.shape_cast %get3A_741 : vector<1x16xf32> to vector<16xf32>
        %sub3A_743 = arith.subf %get3A_742, %broadcast_in_dim3A_706 : vector<16xf32>
        %mul3A_744 = arith.mulf %sub3A_743, %sub3A_743 : vector<16xf32>
        %add3A_745 = arith.addf %add3A_626, %mul3A_744 : vector<16xf32>
        %get3A_746 = arith.index_cast %add3A_710 : i32 to index
        %get3A_747 = arith.constant 80 : index
        %get3A_748 = tpu.vector_load %arg6[%get3A_746, %get3A_747] {strides = array<i32>} : memref<128x256xf32, #tpu.memory_space<vmem>>, vector<1x16xf32>,
        %get3A_749 = vector.shape_cast %get3A_748 : vector<1x16xf32> to vector<16xf32>
        %sub3A_750 = arith.subf %get3A_749, %broadcast_in_dim3A_706 : vector<16xf32>
        %mul3A_751 = arith.mulf %sub3A_750, %sub3A_750 : vector<16xf32>
        %add3A_752 = arith.addf %add3A_633, %mul3A_751 : vector<16xf32>
        %get3A_753 = arith.index_cast %add3A_710 : i32 to index
        %get3A_754 = arith.constant 96 : index
        %get3A_755 = tpu.vector_load %arg6[%get3A_753, %get3A_754] {strides = array<i32>} : memref<128x256xf32, #tpu.memory_space<vmem>>, vector<1x16xf32>,
        %get3A_756 = vector.shape_cast %get3A_755 : vector<1x16xf32> to vector<16xf32>
        %sub3A_757 = arith.subf %get3A_756, %broadcast_in_dim3A_706 : vector<16xf32>
        %mul3A_758 = arith.mulf %sub3A_757, %sub3A_757 : vector<16xf32>
        %add3A_759 = arith.addf %add3A_640, %mul3A_758 : vector<16xf32>
        %get3A_760 = arith.index_cast %add3A_710 : i32 to index
        %get3A_761 = arith.constant 112 : index
        %get3A_762 = tpu.vector_load %arg6[%get3A_760, %get3A_761] {strides = array<i32>} : memref<128x256xf32, #tpu.memory_space<vmem>>, vector<1x16xf32>,
        %get3A_763 = vector.shape_cast %get3A_762 : vector<1x16xf32> to vector<16xf32>
        %sub3A_764 = arith.subf %get3A_763, %broadcast_in_dim3A_706 : vector<16xf32>
        %mul3A_765 = arith.mulf %sub3A_764, %sub3A_764 : vector<16xf32>
        %add3A_766 = arith.addf %add3A_647, %mul3A_765 : vector<16xf32>
        %get3A_767 = arith.index_cast %add3A_710 : i32 to index
        %get3A_768 = arith.constant 128 : index
        %get3A_769 = tpu.vector_load %arg6[%get3A_767, %get3A_768] {strides = array<i32>} : memref<128x256xf32, #tpu.memory_space<vmem>>, vector<1x16xf32>,
        %get3A_770 = vector.shape_cast %get3A_769 : vector<1x16xf32> to vector<16xf32>
        %sub3A_771 = arith.subf %get3A_770, %broadcast_in_dim3A_706 : vector<16xf32>
        %mul3A_772 = arith.mulf %sub3A_771, %sub3A_771 : vector<16xf32>
        %add3A_773 = arith.addf %add3A_654, %mul3A_772 : vector<16xf32>
        %get3A_774 = arith.index_cast %add3A_710 : i32 to index
        %get3A_775 = arith.constant 144 : index
        %get3A_776 = tpu.vector_load %arg6[%get3A_774, %get3A_775] {strides = array<i32>} : memref<128x256xf32, #tpu.memory_space<vmem>>, vector<1x16xf32>,
        %get3A_777 = vector.shape_cast %get3A_776 : vector<1x16xf32> to vector<16xf32>
        %sub3A_778 = arith.subf %get3A_777, %broadcast_in_dim3A_706 : vector<16xf32>
        %mul3A_779 = arith.mulf %sub3A_778, %sub3A_778 : vector<16xf32>
        %add3A_780 = arith.addf %add3A_661, %mul3A_779 : vector<16xf32>
        %get3A_781 = arith.index_cast %add3A_710 : i32 to index
        %get3A_782 = arith.constant 160 : index
        %get3A_783 = tpu.vector_load %arg6[%get3A_781, %get3A_782] {strides = array<i32>} : memref<128x256xf32, #tpu.memory_space<vmem>>, vector<1x16xf32>,
        %get3A_784 = vector.shape_cast %get3A_783 : vector<1x16xf32> to vector<16xf32>
        %sub3A_785 = arith.subf %get3A_784, %broadcast_in_dim3A_706 : vector<16xf32>
        %mul3A_786 = arith.mulf %sub3A_785, %sub3A_785 : vector<16xf32>
        %add3A_787 = arith.addf %add3A_668, %mul3A_786 : vector<16xf32>
        %get3A_788 = arith.index_cast %add3A_710 : i32 to index
        %get3A_789 = arith.constant 176 : index
        %get3A_790 = tpu.vector_load %arg6[%get3A_788, %get3A_789] {strides = array<i32>} : memref<128x256xf32, #tpu.memory_space<vmem>>, vector<1x16xf32>,
        %get3A_791 = vector.shape_cast %get3A_790 : vector<1x16xf32> to vector<16xf32>
        %sub3A_792 = arith.subf %get3A_791, %broadcast_in_dim3A_706 : vector<16xf32>
        %mul3A_793 = arith.mulf %sub3A_792, %sub3A_792 : vector<16xf32>
        %add3A_794 = arith.addf %add3A_675, %mul3A_793 : vector<16xf32>
        %get3A_795 = arith.index_cast %add3A_710 : i32 to index
        %get3A_796 = arith.constant 192 : index
        %get3A_797 = tpu.vector_load %arg6[%get3A_795, %get3A_796] {strides = array<i32>} : memref<128x256xf32, #tpu.memory_space<vmem>>, vector<1x16xf32>,
        %get3A_798 = vector.shape_cast %get3A_797 : vector<1x16xf32> to vector<16xf32>
        %sub3A_799 = arith.subf %get3A_798, %broadcast_in_dim3A_706 : vector<16xf32>
        %mul3A_800 = arith.mulf %sub3A_799, %sub3A_799 : vector<16xf32>
        %add3A_801 = arith.addf %add3A_682, %mul3A_800 : vector<16xf32>
        %get3A_802 = arith.index_cast %add3A_710 : i32 to index
        %get3A_803 = arith.constant 208 : index
        %get3A_804 = tpu.vector_load %arg6[%get3A_802, %get3A_803] {strides = array<i32>} : memref<128x256xf32, #tpu.memory_space<vmem>>, vector<1x16xf32>,
        %get3A_805 = vector.shape_cast %get3A_804 : vector<1x16xf32> to vector<16xf32>
        %sub3A_806 = arith.subf %get3A_805, %broadcast_in_dim3A_706 : vector<16xf32>
        %mul3A_807 = arith.mulf %sub3A_806, %sub3A_806 : vector<16xf32>
        %add3A_808 = arith.addf %add3A_689, %mul3A_807 : vector<16xf32>
        %get3A_809 = arith.index_cast %add3A_710 : i32 to index
        %get3A_810 = arith.constant 224 : index
        %get3A_811 = tpu.vector_load %arg6[%get3A_809, %get3A_810] {strides = array<i32>} : memref<128x256xf32, #tpu.memory_space<vmem>>, vector<1x16xf32>,
        %get3A_812 = vector.shape_cast %get3A_811 : vector<1x16xf32> to vector<16xf32>
        %sub3A_813 = arith.subf %get3A_812, %broadcast_in_dim3A_706 : vector<16xf32>
        %mul3A_814 = arith.mulf %sub3A_813, %sub3A_813 : vector<16xf32>
        %add3A_815 = arith.addf %add3A_696, %mul3A_814 : vector<16xf32>
        %get3A_816 = arith.index_cast %add3A_710 : i32 to index
        %get3A_817 = arith.constant 240 : index
        %get3A_818 = tpu.vector_load %arg6[%get3A_816, %get3A_817] {strides = array<i32>} : memref<128x256xf32, #tpu.memory_space<vmem>>, vector<1x16xf32>,
        %get3A_819 = vector.shape_cast %get3A_818 : vector<1x16xf32> to vector<16xf32>
        %sub3A_820 = arith.subf %get3A_819, %broadcast_in_dim3A_706 : vector<16xf32>
        %mul3A_821 = arith.mulf %sub3A_820, %sub3A_820 : vector<16xf32>
        %add3A_822 = arith.addf %add3A_703, %mul3A_821 : vector<16xf32>
        %slice3A_823 = vector.extract_strided_slice %get3A_436 {offsets = [3], sizes = [1], strides = [1]} : vector<16xf32> to vector<1xf32>
        %squeeze3A_824 = vector.extract %slice3A_823[0] : f32 from vector<1xf32>
        %broadcast_in_dim3A_825 = vector.broadcast %squeeze3A_824 : f32 to vector<16xf32>
        %mul3A_826 = arith.constant 16 : i32
        %mul3A_827 = arith.muli %scan3A_415, %mul3A_826 : i32
        %add3A_828 = arith.constant 3 : i32
        %add3A_829 = arith.addi %mul3A_827, %add3A_828 : i32
        %get3A_830 = arith.index_cast %add3A_829 : i32 to index
        %get3A_831 = arith.constant 0 : index
        %get3A_832 = tpu.vector_load %arg6[%get3A_830, %get3A_831] {strides = array<i32>} : memref<128x256xf32, #tpu.memory_space<vmem>>, vector<1x16xf32>,
        %get3A_833 = vector.shape_cast %get3A_832 : vector<1x16xf32> to vector<16xf32>
        %sub3A_834 = arith.subf %get3A_833, %broadcast_in_dim3A_825 : vector<16xf32>
        %mul3A_835 = arith.mulf %sub3A_834, %sub3A_834 : vector<16xf32>
        %add3A_836 = arith.addf %add3A_717, %mul3A_835 : vector<16xf32>
        %get3A_837 = arith.index_cast %add3A_829 : i32 to index
        %get3A_838 = arith.constant 16 : index
        %get3A_839 = tpu.vector_load %arg6[%get3A_837, %get3A_838] {strides = array<i32>} : memref<128x256xf32, #tpu.memory_space<vmem>>, vector<1x16xf32>,
        %get3A_840 = vector.shape_cast %get3A_839 : vector<1x16xf32> to vector<16xf32>
        %sub3A_841 = arith.subf %get3A_840, %broadcast_in_dim3A_825 : vector<16xf32>
        %mul3A_842 = arith.mulf %sub3A_841, %sub3A_841 : vector<16xf32>
        %add3A_843 = arith.addf %add3A_724, %mul3A_842 : vector<16xf32>
        %get3A_844 = arith.index_cast %add3A_829 : i32 to index
        %get3A_845 = arith.constant 32 : index
        %get3A_846 = tpu.vector_load %arg6[%get3A_844, %get3A_845] {strides = array<i32>} : memref<128x256xf32, #tpu.memory_space<vmem>>, vector<1x16xf32>,
        %get3A_847 = vector.shape_cast %get3A_846 : vector<1x16xf32> to vector<16xf32>
        %sub3A_848 = arith.subf %get3A_847, %broadcast_in_dim3A_825 : vector<16xf32>
        %mul3A_849 = arith.mulf %sub3A_848, %sub3A_848 : vector<16xf32>
        %add3A_850 = arith.addf %add3A_731, %mul3A_849 : vector<16xf32>
        %get3A_851 = arith.index_cast %add3A_829 : i32 to index
        %get3A_852 = arith.constant 48 : index
        %get3A_853 = tpu.vector_load %arg6[%get3A_851, %get3A_852] {strides = array<i32>} : memref<128x256xf32, #tpu.memory_space<vmem>>, vector<1x16xf32>,
        %get3A_854 = vector.shape_cast %get3A_853 : vector<1x16xf32> to vector<16xf32>
        %sub3A_855 = arith.subf %get3A_854, %broadcast_in_dim3A_825 : vector<16xf32>
        %mul3A_856 = arith.mulf %sub3A_855, %sub3A_855 : vector<16xf32>
        %add3A_857 = arith.addf %add3A_738, %mul3A_856 : vector<16xf32>
        %get3A_858 = arith.index_cast %add3A_829 : i32 to index
        %get3A_859 = arith.constant 64 : index
        %get3A_860 = tpu.vector_load %arg6[%get3A_858, %get3A_859] {strides = array<i32>} : memref<128x256xf32, #tpu.memory_space<vmem>>, vector<1x16xf32>,
        %get3A_861 = vector.shape_cast %get3A_860 : vector<1x16xf32> to vector<16xf32>
        %sub3A_862 = arith.subf %get3A_861, %broadcast_in_dim3A_825 : vector<16xf32>
        %mul3A_863 = arith.mulf %sub3A_862, %sub3A_862 : vector<16xf32>
        %add3A_864 = arith.addf %add3A_745, %mul3A_863 : vector<16xf32>
        %get3A_865 = arith.index_cast %add3A_829 : i32 to index
        %get3A_866 = arith.constant 80 : index
        %get3A_867 = tpu.vector_load %arg6[%get3A_865, %get3A_866] {strides = array<i32>} : memref<128x256xf32, #tpu.memory_space<vmem>>, vector<1x16xf32>,
        %get3A_868 = vector.shape_cast %get3A_867 : vector<1x16xf32> to vector<16xf32>
        %sub3A_869 = arith.subf %get3A_868, %broadcast_in_dim3A_825 : vector<16xf32>
        %mul3A_870 = arith.mulf %sub3A_869, %sub3A_869 : vector<16xf32>
        %add3A_871 = arith.addf %add3A_752, %mul3A_870 : vector<16xf32>
        %get3A_872 = arith.index_cast %add3A_829 : i32 to index
        %get3A_873 = arith.constant 96 : index
        %get3A_874 = tpu.vector_load %arg6[%get3A_872, %get3A_873] {strides = array<i32>} : memref<128x256xf32, #tpu.memory_space<vmem>>, vector<1x16xf32>,
        %get3A_875 = vector.shape_cast %get3A_874 : vector<1x16xf32> to vector<16xf32>
        %sub3A_876 = arith.subf %get3A_875, %broadcast_in_dim3A_825 : vector<16xf32>
        %mul3A_877 = arith.mulf %sub3A_876, %sub3A_876 : vector<16xf32>
        %add3A_878 = arith.addf %add3A_759, %mul3A_877 : vector<16xf32>
        %get3A_879 = arith.index_cast %add3A_829 : i32 to index
        %get3A_880 = arith.constant 112 : index
        %get3A_881 = tpu.vector_load %arg6[%get3A_879, %get3A_880] {strides = array<i32>} : memref<128x256xf32, #tpu.memory_space<vmem>>, vector<1x16xf32>,
        %get3A_882 = vector.shape_cast %get3A_881 : vector<1x16xf32> to vector<16xf32>
        %sub3A_883 = arith.subf %get3A_882, %broadcast_in_dim3A_825 : vector<16xf32>
        %mul3A_884 = arith.mulf %sub3A_883, %sub3A_883 : vector<16xf32>
        %add3A_885 = arith.addf %add3A_766, %mul3A_884 : vector<16xf32>
        %get3A_886 = arith.index_cast %add3A_829 : i32 to index
        %get3A_887 = arith.constant 128 : index
        %get3A_888 = tpu.vector_load %arg6[%get3A_886, %get3A_887] {strides = array<i32>} : memref<128x256xf32, #tpu.memory_space<vmem>>, vector<1x16xf32>,
        %get3A_889 = vector.shape_cast %get3A_888 : vector<1x16xf32> to vector<16xf32>
        %sub3A_890 = arith.subf %get3A_889, %broadcast_in_dim3A_825 : vector<16xf32>
        %mul3A_891 = arith.mulf %sub3A_890, %sub3A_890 : vector<16xf32>
        %add3A_892 = arith.addf %add3A_773, %mul3A_891 : vector<16xf32>
        %get3A_893 = arith.index_cast %add3A_829 : i32 to index
        %get3A_894 = arith.constant 144 : index
        %get3A_895 = tpu.vector_load %arg6[%get3A_893, %get3A_894] {strides = array<i32>} : memref<128x256xf32, #tpu.memory_space<vmem>>, vector<1x16xf32>,
        %get3A_896 = vector.shape_cast %get3A_895 : vector<1x16xf32> to vector<16xf32>
        %sub3A_897 = arith.subf %get3A_896, %broadcast_in_dim3A_825 : vector<16xf32>
        %mul3A_898 = arith.mulf %sub3A_897, %sub3A_897 : vector<16xf32>
        %add3A_899 = arith.addf %add3A_780, %mul3A_898 : vector<16xf32>
        %get3A_900 = arith.index_cast %add3A_829 : i32 to index
        %get3A_901 = arith.constant 160 : index
        %get3A_902 = tpu.vector_load %arg6[%get3A_900, %get3A_901] {strides = array<i32>} : memref<128x256xf32, #tpu.memory_space<vmem>>, vector<1x16xf32>,
        %get3A_903 = vector.shape_cast %get3A_902 : vector<1x16xf32> to vector<16xf32>
        %sub3A_904 = arith.subf %get3A_903, %broadcast_in_dim3A_825 : vector<16xf32>
        %mul3A_905 = arith.mulf %sub3A_904, %sub3A_904 : vector<16xf32>
        %add3A_906 = arith.addf %add3A_787, %mul3A_905 : vector<16xf32>
        %get3A_907 = arith.index_cast %add3A_829 : i32 to index
        %get3A_908 = arith.constant 176 : index
        %get3A_909 = tpu.vector_load %arg6[%get3A_907, %get3A_908] {strides = array<i32>} : memref<128x256xf32, #tpu.memory_space<vmem>>, vector<1x16xf32>,
        %get3A_910 = vector.shape_cast %get3A_909 : vector<1x16xf32> to vector<16xf32>
        %sub3A_911 = arith.subf %get3A_910, %broadcast_in_dim3A_825 : vector<16xf32>
        %mul3A_912 = arith.mulf %sub3A_911, %sub3A_911 : vector<16xf32>
        %add3A_913 = arith.addf %add3A_794, %mul3A_912 : vector<16xf32>
        %get3A_914 = arith.index_cast %add3A_829 : i32 to index
        %get3A_915 = arith.constant 192 : index
        %get3A_916 = tpu.vector_load %arg6[%get3A_914, %get3A_915] {strides = array<i32>} : memref<128x256xf32, #tpu.memory_space<vmem>>, vector<1x16xf32>,
        %get3A_917 = vector.shape_cast %get3A_916 : vector<1x16xf32> to vector<16xf32>
        %sub3A_918 = arith.subf %get3A_917, %broadcast_in_dim3A_825 : vector<16xf32>
        %mul3A_919 = arith.mulf %sub3A_918, %sub3A_918 : vector<16xf32>
        %add3A_920 = arith.addf %add3A_801, %mul3A_919 : vector<16xf32>
        %get3A_921 = arith.index_cast %add3A_829 : i32 to index
        %get3A_922 = arith.constant 208 : index
        %get3A_923 = tpu.vector_load %arg6[%get3A_921, %get3A_922] {strides = array<i32>} : memref<128x256xf32, #tpu.memory_space<vmem>>, vector<1x16xf32>,
        %get3A_924 = vector.shape_cast %get3A_923 : vector<1x16xf32> to vector<16xf32>
        %sub3A_925 = arith.subf %get3A_924, %broadcast_in_dim3A_825 : vector<16xf32>
        %mul3A_926 = arith.mulf %sub3A_925, %sub3A_925 : vector<16xf32>
        %add3A_927 = arith.addf %add3A_808, %mul3A_926 : vector<16xf32>
        %get3A_928 = arith.index_cast %add3A_829 : i32 to index
        %get3A_929 = arith.constant 224 : index
        %get3A_930 = tpu.vector_load %arg6[%get3A_928, %get3A_929] {strides = array<i32>} : memref<128x256xf32, #tpu.memory_space<vmem>>, vector<1x16xf32>,
        %get3A_931 = vector.shape_cast %get3A_930 : vector<1x16xf32> to vector<16xf32>
        %sub3A_932 = arith.subf %get3A_931, %broadcast_in_dim3A_825 : vector<16xf32>
        %mul3A_933 = arith.mulf %sub3A_932, %sub3A_932 : vector<16xf32>
        %add3A_934 = arith.addf %add3A_815, %mul3A_933 : vector<16xf32>
        %get3A_935 = arith.index_cast %add3A_829 : i32 to index
        %get3A_936 = arith.constant 240 : index
        %get3A_937 = tpu.vector_load %arg6[%get3A_935, %get3A_936] {strides = array<i32>} : memref<128x256xf32, #tpu.memory_space<vmem>>, vector<1x16xf32>,
        %get3A_938 = vector.shape_cast %get3A_937 : vector<1x16xf32> to vector<16xf32>
        %sub3A_939 = arith.subf %get3A_938, %broadcast_in_dim3A_825 : vector<16xf32>
        %mul3A_940 = arith.mulf %sub3A_939, %sub3A_939 : vector<16xf32>
        %add3A_941 = arith.addf %add3A_822, %mul3A_940 : vector<16xf32>
        %slice3A_942 = vector.extract_strided_slice %get3A_436 {offsets = [4], sizes = [1], strides = [1]} : vector<16xf32> to vector<1xf32>
        %squeeze3A_943 = vector.extract %slice3A_942[0] : f32 from vector<1xf32>
        %broadcast_in_dim3A_944 = vector.broadcast %squeeze3A_943 : f32 to vector<16xf32>
        %mul3A_945 = arith.constant 16 : i32
        %mul3A_946 = arith.muli %scan3A_415, %mul3A_945 : i32
        %add3A_947 = arith.constant 4 : i32
        %add3A_948 = arith.addi %mul3A_946, %add3A_947 : i32
        %get3A_949 = arith.index_cast %add3A_948 : i32 to index
        %get3A_950 = arith.constant 0 : index
        %get3A_951 = tpu.vector_load %arg6[%get3A_949, %get3A_950] {strides = array<i32>} : memref<128x256xf32, #tpu.memory_space<vmem>>, vector<1x16xf32>,
        %get3A_952 = vector.shape_cast %get3A_951 : vector<1x16xf32> to vector<16xf32>
        %sub3A_953 = arith.subf %get3A_952, %broadcast_in_dim3A_944 : vector<16xf32>
        %mul3A_954 = arith.mulf %sub3A_953, %sub3A_953 : vector<16xf32>
        %add3A_955 = arith.addf %add3A_836, %mul3A_954 : vector<16xf32>
        %get3A_956 = arith.index_cast %add3A_948 : i32 to index
        %get3A_957 = arith.constant 16 : index
        %get3A_958 = tpu.vector_load %arg6[%get3A_956, %get3A_957] {strides = array<i32>} : memref<128x256xf32, #tpu.memory_space<vmem>>, vector<1x16xf32>,
        %get3A_959 = vector.shape_cast %get3A_958 : vector<1x16xf32> to vector<16xf32>
        %sub3A_960 = arith.subf %get3A_959, %broadcast_in_dim3A_944 : vector<16xf32>
        %mul3A_961 = arith.mulf %sub3A_960, %sub3A_960 : vector<16xf32>
        %add3A_962 = arith.addf %add3A_843, %mul3A_961 : vector<16xf32>
        %get3A_963 = arith.index_cast %add3A_948 : i32 to index
        %get3A_964 = arith.constant 32 : index
        %get3A_965 = tpu.vector_load %arg6[%get3A_963, %get3A_964] {strides = array<i32>} : memref<128x256xf32, #tpu.memory_space<vmem>>, vector<1x16xf32>,
        %get3A_966 = vector.shape_cast %get3A_965 : vector<1x16xf32> to vector<16xf32>
        %sub3A_967 = arith.subf %get3A_966, %broadcast_in_dim3A_944 : vector<16xf32>
        %mul3A_968 = arith.mulf %sub3A_967, %sub3A_967 : vector<16xf32>
        %add3A_969 = arith.addf %add3A_850, %mul3A_968 : vector<16xf32>
        %get3A_970 = arith.index_cast %add3A_948 : i32 to index
        %get3A_971 = arith.constant 48 : index
        %get3A_972 = tpu.vector_load %arg6[%get3A_970, %get3A_971] {strides = array<i32>} : memref<128x256xf32, #tpu.memory_space<vmem>>, vector<1x16xf32>,
        %get3A_973 = vector.shape_cast %get3A_972 : vector<1x16xf32> to vector<16xf32>
        %sub3A_974 = arith.subf %get3A_973, %broadcast_in_dim3A_944 : vector<16xf32>
        %mul3A_975 = arith.mulf %sub3A_974, %sub3A_974 : vector<16xf32>
        %add3A_976 = arith.addf %add3A_857, %mul3A_975 : vector<16xf32>
        %get3A_977 = arith.index_cast %add3A_948 : i32 to index
        %get3A_978 = arith.constant 64 : index
        %get3A_979 = tpu.vector_load %arg6[%get3A_977, %get3A_978] {strides = array<i32>} : memref<128x256xf32, #tpu.memory_space<vmem>>, vector<1x16xf32>,
        %get3A_980 = vector.shape_cast %get3A_979 : vector<1x16xf32> to vector<16xf32>
        %sub3A_981 = arith.subf %get3A_980, %broadcast_in_dim3A_944 : vector<16xf32>
        %mul3A_982 = arith.mulf %sub3A_981, %sub3A_981 : vector<16xf32>
        %add3A_983 = arith.addf %add3A_864, %mul3A_982 : vector<16xf32>
        %get3A_984 = arith.index_cast %add3A_948 : i32 to index
        %get3A_985 = arith.constant 80 : index
        %get3A_986 = tpu.vector_load %arg6[%get3A_984, %get3A_985] {strides = array<i32>} : memref<128x256xf32, #tpu.memory_space<vmem>>, vector<1x16xf32>,
        %get3A_987 = vector.shape_cast %get3A_986 : vector<1x16xf32> to vector<16xf32>
        %sub3A_988 = arith.subf %get3A_987, %broadcast_in_dim3A_944 : vector<16xf32>
        %mul3A_989 = arith.mulf %sub3A_988, %sub3A_988 : vector<16xf32>
        %add3A_990 = arith.addf %add3A_871, %mul3A_989 : vector<16xf32>
        %get3A_991 = arith.index_cast %add3A_948 : i32 to index
        %get3A_992 = arith.constant 96 : index
        %get3A_993 = tpu.vector_load %arg6[%get3A_991, %get3A_992] {strides = array<i32>} : memref<128x256xf32, #tpu.memory_space<vmem>>, vector<1x16xf32>,
        %get3A_994 = vector.shape_cast %get3A_993 : vector<1x16xf32> to vector<16xf32>
        %sub3A_995 = arith.subf %get3A_994, %broadcast_in_dim3A_944 : vector<16xf32>
        %mul3A_996 = arith.mulf %sub3A_995, %sub3A_995 : vector<16xf32>
        %add3A_997 = arith.addf %add3A_878, %mul3A_996 : vector<16xf32>
        %get3A_998 = arith.index_cast %add3A_948 : i32 to index
        %get3A_999 = arith.constant 112 : index
        %get3A_1000 = tpu.vector_load %arg6[%get3A_998, %get3A_999] {strides = array<i32>} : memref<128x256xf32, #tpu.memory_space<vmem>>, vector<1x16xf32>,
        %get3A_1001 = vector.shape_cast %get3A_1000 : vector<1x16xf32> to vector<16xf32>
        %sub3A_1002 = arith.subf %get3A_1001, %broadcast_in_dim3A_944 : vector<16xf32>
        %mul3A_1003 = arith.mulf %sub3A_1002, %sub3A_1002 : vector<16xf32>
        %add3A_1004 = arith.addf %add3A_885, %mul3A_1003 : vector<16xf32>
        %get3A_1005 = arith.index_cast %add3A_948 : i32 to index
        %get3A_1006 = arith.constant 128 : index
        %get3A_1007 = tpu.vector_load %arg6[%get3A_1005, %get3A_1006] {strides = array<i32>} : memref<128x256xf32, #tpu.memory_space<vmem>>, vector<1x16xf32>,
        %get3A_1008 = vector.shape_cast %get3A_1007 : vector<1x16xf32> to vector<16xf32>
        %sub3A_1009 = arith.subf %get3A_1008, %broadcast_in_dim3A_944 : vector<16xf32>
        %mul3A_1010 = arith.mulf %sub3A_1009, %sub3A_1009 : vector<16xf32>
        %add3A_1011 = arith.addf %add3A_892, %mul3A_1010 : vector<16xf32>
        %get3A_1012 = arith.index_cast %add3A_948 : i32 to index
        %get3A_1013 = arith.constant 144 : index
        %get3A_1014 = tpu.vector_load %arg6[%get3A_1012, %get3A_1013] {strides = array<i32>} : memref<128x256xf32, #tpu.memory_space<vmem>>, vector<1x16xf32>,
        %get3A_1015 = vector.shape_cast %get3A_1014 : vector<1x16xf32> to vector<16xf32>
        %sub3A_1016 = arith.subf %get3A_1015, %broadcast_in_dim3A_944 : vector<16xf32>
        %mul3A_1017 = arith.mulf %sub3A_1016, %sub3A_1016 : vector<16xf32>
        %add3A_1018 = arith.addf %add3A_899, %mul3A_1017 : vector<16xf32>
        %get3A_1019 = arith.index_cast %add3A_948 : i32 to index
        %get3A_1020 = arith.constant 160 : index
        %get3A_1021 = tpu.vector_load %arg6[%get3A_1019, %get3A_1020] {strides = array<i32>} : memref<128x256xf32, #tpu.memory_space<vmem>>, vector<1x16xf32>,
        %get3A_1022 = vector.shape_cast %get3A_1021 : vector<1x16xf32> to vector<16xf32>
        %sub3A_1023 = arith.subf %get3A_1022, %broadcast_in_dim3A_944 : vector<16xf32>
        %mul3A_1024 = arith.mulf %sub3A_1023, %sub3A_1023 : vector<16xf32>
        %add3A_1025 = arith.addf %add3A_906, %mul3A_1024 : vector<16xf32>
        %get3A_1026 = arith.index_cast %add3A_948 : i32 to index
        %get3A_1027 = arith.constant 176 : index
        %get3A_1028 = tpu.vector_load %arg6[%get3A_1026, %get3A_1027] {strides = array<i32>} : memref<128x256xf32, #tpu.memory_space<vmem>>, vector<1x16xf32>,
        %get3A_1029 = vector.shape_cast %get3A_1028 : vector<1x16xf32> to vector<16xf32>
        %sub3A_1030 = arith.subf %get3A_1029, %broadcast_in_dim3A_944 : vector<16xf32>
        %mul3A_1031 = arith.mulf %sub3A_1030, %sub3A_1030 : vector<16xf32>
        %add3A_1032 = arith.addf %add3A_913, %mul3A_1031 : vector<16xf32>
        %get3A_1033 = arith.index_cast %add3A_948 : i32 to index
        %get3A_1034 = arith.constant 192 : index
        %get3A_1035 = tpu.vector_load %arg6[%get3A_1033, %get3A_1034] {strides = array<i32>} : memref<128x256xf32, #tpu.memory_space<vmem>>, vector<1x16xf32>,
        %get3A_1036 = vector.shape_cast %get3A_1035 : vector<1x16xf32> to vector<16xf32>
        %sub3A_1037 = arith.subf %get3A_1036, %broadcast_in_dim3A_944 : vector<16xf32>
        %mul3A_1038 = arith.mulf %sub3A_1037, %sub3A_1037 : vector<16xf32>
        %add3A_1039 = arith.addf %add3A_920, %mul3A_1038 : vector<16xf32>
        %get3A_1040 = arith.index_cast %add3A_948 : i32 to index
        %get3A_1041 = arith.constant 208 : index
        %get3A_1042 = tpu.vector_load %arg6[%get3A_1040, %get3A_1041] {strides = array<i32>} : memref<128x256xf32, #tpu.memory_space<vmem>>, vector<1x16xf32>,
        %get3A_1043 = vector.shape_cast %get3A_1042 : vector<1x16xf32> to vector<16xf32>
        %sub3A_1044 = arith.subf %get3A_1043, %broadcast_in_dim3A_944 : vector<16xf32>
        %mul3A_1045 = arith.mulf %sub3A_1044, %sub3A_1044 : vector<16xf32>
        %add3A_1046 = arith.addf %add3A_927, %mul3A_1045 : vector<16xf32>
        %get3A_1047 = arith.index_cast %add3A_948 : i32 to index
        %get3A_1048 = arith.constant 224 : index
        %get3A_1049 = tpu.vector_load %arg6[%get3A_1047, %get3A_1048] {strides = array<i32>} : memref<128x256xf32, #tpu.memory_space<vmem>>, vector<1x16xf32>,
        %get3A_1050 = vector.shape_cast %get3A_1049 : vector<1x16xf32> to vector<16xf32>
        %sub3A_1051 = arith.subf %get3A_1050, %broadcast_in_dim3A_944 : vector<16xf32>
        %mul3A_1052 = arith.mulf %sub3A_1051, %sub3A_1051 : vector<16xf32>
        %add3A_1053 = arith.addf %add3A_934, %mul3A_1052 : vector<16xf32>
        %get3A_1054 = arith.index_cast %add3A_948 : i32 to index
        %get3A_1055 = arith.constant 240 : index
        %get3A_1056 = tpu.vector_load %arg6[%get3A_1054, %get3A_1055] {strides = array<i32>} : memref<128x256xf32, #tpu.memory_space<vmem>>, vector<1x16xf32>,
        %get3A_1057 = vector.shape_cast %get3A_1056 : vector<1x16xf32> to vector<16xf32>
        %sub3A_1058 = arith.subf %get3A_1057, %broadcast_in_dim3A_944 : vector<16xf32>
        %mul3A_1059 = arith.mulf %sub3A_1058, %sub3A_1058 : vector<16xf32>
        %add3A_1060 = arith.addf %add3A_941, %mul3A_1059 : vector<16xf32>
        %slice3A_1061 = vector.extract_strided_slice %get3A_436 {offsets = [5], sizes = [1], strides = [1]} : vector<16xf32> to vector<1xf32>
        %squeeze3A_1062 = vector.extract %slice3A_1061[0] : f32 from vector<1xf32>
        %broadcast_in_dim3A_1063 = vector.broadcast %squeeze3A_1062 : f32 to vector<16xf32>
        %mul3A_1064 = arith.constant 16 : i32
        %mul3A_1065 = arith.muli %scan3A_415, %mul3A_1064 : i32
        %add3A_1066 = arith.constant 5 : i32
        %add3A_1067 = arith.addi %mul3A_1065, %add3A_1066 : i32
        %get3A_1068 = arith.index_cast %add3A_1067 : i32 to index
        %get3A_1069 = arith.constant 0 : index
        %get3A_1070 = tpu.vector_load %arg6[%get3A_1068, %get3A_1069] {strides = array<i32>} : memref<128x256xf32, #tpu.memory_space<vmem>>, vector<1x16xf32>,
        %get3A_1071 = vector.shape_cast %get3A_1070 : vector<1x16xf32> to vector<16xf32>
        %sub3A_1072 = arith.subf %get3A_1071, %broadcast_in_dim3A_1063 : vector<16xf32>
        %mul3A_1073 = arith.mulf %sub3A_1072, %sub3A_1072 : vector<16xf32>
        %add3A_1074 = arith.addf %add3A_955, %mul3A_1073 : vector<16xf32>
        %get3A_1075 = arith.index_cast %add3A_1067 : i32 to index
        %get3A_1076 = arith.constant 16 : index
        %get3A_1077 = tpu.vector_load %arg6[%get3A_1075, %get3A_1076] {strides = array<i32>} : memref<128x256xf32, #tpu.memory_space<vmem>>, vector<1x16xf32>,
        %get3A_1078 = vector.shape_cast %get3A_1077 : vector<1x16xf32> to vector<16xf32>
        %sub3A_1079 = arith.subf %get3A_1078, %broadcast_in_dim3A_1063 : vector<16xf32>
        %mul3A_1080 = arith.mulf %sub3A_1079, %sub3A_1079 : vector<16xf32>
        %add3A_1081 = arith.addf %add3A_962, %mul3A_1080 : vector<16xf32>
        %get3A_1082 = arith.index_cast %add3A_1067 : i32 to index
        %get3A_1083 = arith.constant 32 : index
        %get3A_1084 = tpu.vector_load %arg6[%get3A_1082, %get3A_1083] {strides = array<i32>} : memref<128x256xf32, #tpu.memory_space<vmem>>, vector<1x16xf32>,
        %get3A_1085 = vector.shape_cast %get3A_1084 : vector<1x16xf32> to vector<16xf32>
        %sub3A_1086 = arith.subf %get3A_1085, %broadcast_in_dim3A_1063 : vector<16xf32>
        %mul3A_1087 = arith.mulf %sub3A_1086, %sub3A_1086 : vector<16xf32>
        %add3A_1088 = arith.addf %add3A_969, %mul3A_1087 : vector<16xf32>
        %get3A_1089 = arith.index_cast %add3A_1067 : i32 to index
        %get3A_1090 = arith.constant 48 : index
        %get3A_1091 = tpu.vector_load %arg6[%get3A_1089, %get3A_1090] {strides = array<i32>} : memref<128x256xf32, #tpu.memory_space<vmem>>, vector<1x16xf32>,
        %get3A_1092 = vector.shape_cast %get3A_1091 : vector<1x16xf32> to vector<16xf32>
        %sub3A_1093 = arith.subf %get3A_1092, %broadcast_in_dim3A_1063 : vector<16xf32>
        %mul3A_1094 = arith.mulf %sub3A_1093, %sub3A_1093 : vector<16xf32>
        %add3A_1095 = arith.addf %add3A_976, %mul3A_1094 : vector<16xf32>
        %get3A_1096 = arith.index_cast %add3A_1067 : i32 to index
        %get3A_1097 = arith.constant 64 : index
        %get3A_1098 = tpu.vector_load %arg6[%get3A_1096, %get3A_1097] {strides = array<i32>} : memref<128x256xf32, #tpu.memory_space<vmem>>, vector<1x16xf32>,
        %get3A_1099 = vector.shape_cast %get3A_1098 : vector<1x16xf32> to vector<16xf32>
        %sub3A_1100 = arith.subf %get3A_1099, %broadcast_in_dim3A_1063 : vector<16xf32>
        %mul3A_1101 = arith.mulf %sub3A_1100, %sub3A_1100 : vector<16xf32>
        %add3A_1102 = arith.addf %add3A_983, %mul3A_1101 : vector<16xf32>
        %get3A_1103 = arith.index_cast %add3A_1067 : i32 to index
        %get3A_1104 = arith.constant 80 : index
        %get3A_1105 = tpu.vector_load %arg6[%get3A_1103, %get3A_1104] {strides = array<i32>} : memref<128x256xf32, #tpu.memory_space<vmem>>, vector<1x16xf32>,
        %get3A_1106 = vector.shape_cast %get3A_1105 : vector<1x16xf32> to vector<16xf32>
        %sub3A_1107 = arith.subf %get3A_1106, %broadcast_in_dim3A_1063 : vector<16xf32>
        %mul3A_1108 = arith.mulf %sub3A_1107, %sub3A_1107 : vector<16xf32>
        %add3A_1109 = arith.addf %add3A_990, %mul3A_1108 : vector<16xf32>
        %get3A_1110 = arith.index_cast %add3A_1067 : i32 to index
        %get3A_1111 = arith.constant 96 : index
        %get3A_1112 = tpu.vector_load %arg6[%get3A_1110, %get3A_1111] {strides = array<i32>} : memref<128x256xf32, #tpu.memory_space<vmem>>, vector<1x16xf32>,
        %get3A_1113 = vector.shape_cast %get3A_1112 : vector<1x16xf32> to vector<16xf32>
        %sub3A_1114 = arith.subf %get3A_1113, %broadcast_in_dim3A_1063 : vector<16xf32>
        %mul3A_1115 = arith.mulf %sub3A_1114, %sub3A_1114 : vector<16xf32>
        %add3A_1116 = arith.addf %add3A_997, %mul3A_1115 : vector<16xf32>
        %get3A_1117 = arith.index_cast %add3A_1067 : i32 to index
        %get3A_1118 = arith.constant 112 : index
        %get3A_1119 = tpu.vector_load %arg6[%get3A_1117, %get3A_1118] {strides = array<i32>} : memref<128x256xf32, #tpu.memory_space<vmem>>, vector<1x16xf32>,
        %get3A_1120 = vector.shape_cast %get3A_1119 : vector<1x16xf32> to vector<16xf32>
        %sub3A_1121 = arith.subf %get3A_1120, %broadcast_in_dim3A_1063 : vector<16xf32>
        %mul3A_1122 = arith.mulf %sub3A_1121, %sub3A_1121 : vector<16xf32>
        %add3A_1123 = arith.addf %add3A_1004, %mul3A_1122 : vector<16xf32>
        %get3A_1124 = arith.index_cast %add3A_1067 : i32 to index
        %get3A_1125 = arith.constant 128 : index
        %get3A_1126 = tpu.vector_load %arg6[%get3A_1124, %get3A_1125] {strides = array<i32>} : memref<128x256xf32, #tpu.memory_space<vmem>>, vector<1x16xf32>,
        %get3A_1127 = vector.shape_cast %get3A_1126 : vector<1x16xf32> to vector<16xf32>
        %sub3A_1128 = arith.subf %get3A_1127, %broadcast_in_dim3A_1063 : vector<16xf32>
        %mul3A_1129 = arith.mulf %sub3A_1128, %sub3A_1128 : vector<16xf32>
        %add3A_1130 = arith.addf %add3A_1011, %mul3A_1129 : vector<16xf32>
        %get3A_1131 = arith.index_cast %add3A_1067 : i32 to index
        %get3A_1132 = arith.constant 144 : index
        %get3A_1133 = tpu.vector_load %arg6[%get3A_1131, %get3A_1132] {strides = array<i32>} : memref<128x256xf32, #tpu.memory_space<vmem>>, vector<1x16xf32>,
        %get3A_1134 = vector.shape_cast %get3A_1133 : vector<1x16xf32> to vector<16xf32>
        %sub3A_1135 = arith.subf %get3A_1134, %broadcast_in_dim3A_1063 : vector<16xf32>
        %mul3A_1136 = arith.mulf %sub3A_1135, %sub3A_1135 : vector<16xf32>
        %add3A_1137 = arith.addf %add3A_1018, %mul3A_1136 : vector<16xf32>
        %get3A_1138 = arith.index_cast %add3A_1067 : i32 to index
        %get3A_1139 = arith.constant 160 : index
        %get3A_1140 = tpu.vector_load %arg6[%get3A_1138, %get3A_1139] {strides = array<i32>} : memref<128x256xf32, #tpu.memory_space<vmem>>, vector<1x16xf32>,
        %get3A_1141 = vector.shape_cast %get3A_1140 : vector<1x16xf32> to vector<16xf32>
        %sub3A_1142 = arith.subf %get3A_1141, %broadcast_in_dim3A_1063 : vector<16xf32>
        %mul3A_1143 = arith.mulf %sub3A_1142, %sub3A_1142 : vector<16xf32>
        %add3A_1144 = arith.addf %add3A_1025, %mul3A_1143 : vector<16xf32>
        %get3A_1145 = arith.index_cast %add3A_1067 : i32 to index
        %get3A_1146 = arith.constant 176 : index
        %get3A_1147 = tpu.vector_load %arg6[%get3A_1145, %get3A_1146] {strides = array<i32>} : memref<128x256xf32, #tpu.memory_space<vmem>>, vector<1x16xf32>,
        %get3A_1148 = vector.shape_cast %get3A_1147 : vector<1x16xf32> to vector<16xf32>
        %sub3A_1149 = arith.subf %get3A_1148, %broadcast_in_dim3A_1063 : vector<16xf32>
        %mul3A_1150 = arith.mulf %sub3A_1149, %sub3A_1149 : vector<16xf32>
        %add3A_1151 = arith.addf %add3A_1032, %mul3A_1150 : vector<16xf32>
        %get3A_1152 = arith.index_cast %add3A_1067 : i32 to index
        %get3A_1153 = arith.constant 192 : index
        %get3A_1154 = tpu.vector_load %arg6[%get3A_1152, %get3A_1153] {strides = array<i32>} : memref<128x256xf32, #tpu.memory_space<vmem>>, vector<1x16xf32>,
        %get3A_1155 = vector.shape_cast %get3A_1154 : vector<1x16xf32> to vector<16xf32>
        %sub3A_1156 = arith.subf %get3A_1155, %broadcast_in_dim3A_1063 : vector<16xf32>
        %mul3A_1157 = arith.mulf %sub3A_1156, %sub3A_1156 : vector<16xf32>
        %add3A_1158 = arith.addf %add3A_1039, %mul3A_1157 : vector<16xf32>
        %get3A_1159 = arith.index_cast %add3A_1067 : i32 to index
        %get3A_1160 = arith.constant 208 : index
        %get3A_1161 = tpu.vector_load %arg6[%get3A_1159, %get3A_1160] {strides = array<i32>} : memref<128x256xf32, #tpu.memory_space<vmem>>, vector<1x16xf32>,
        %get3A_1162 = vector.shape_cast %get3A_1161 : vector<1x16xf32> to vector<16xf32>
        %sub3A_1163 = arith.subf %get3A_1162, %broadcast_in_dim3A_1063 : vector<16xf32>
        %mul3A_1164 = arith.mulf %sub3A_1163, %sub3A_1163 : vector<16xf32>
        %add3A_1165 = arith.addf %add3A_1046, %mul3A_1164 : vector<16xf32>
        %get3A_1166 = arith.index_cast %add3A_1067 : i32 to index
        %get3A_1167 = arith.constant 224 : index
        %get3A_1168 = tpu.vector_load %arg6[%get3A_1166, %get3A_1167] {strides = array<i32>} : memref<128x256xf32, #tpu.memory_space<vmem>>, vector<1x16xf32>,
        %get3A_1169 = vector.shape_cast %get3A_1168 : vector<1x16xf32> to vector<16xf32>
        %sub3A_1170 = arith.subf %get3A_1169, %broadcast_in_dim3A_1063 : vector<16xf32>
        %mul3A_1171 = arith.mulf %sub3A_1170, %sub3A_1170 : vector<16xf32>
        %add3A_1172 = arith.addf %add3A_1053, %mul3A_1171 : vector<16xf32>
        %get3A_1173 = arith.index_cast %add3A_1067 : i32 to index
        %get3A_1174 = arith.constant 240 : index
        %get3A_1175 = tpu.vector_load %arg6[%get3A_1173, %get3A_1174] {strides = array<i32>} : memref<128x256xf32, #tpu.memory_space<vmem>>, vector<1x16xf32>,
        %get3A_1176 = vector.shape_cast %get3A_1175 : vector<1x16xf32> to vector<16xf32>
        %sub3A_1177 = arith.subf %get3A_1176, %broadcast_in_dim3A_1063 : vector<16xf32>
        %mul3A_1178 = arith.mulf %sub3A_1177, %sub3A_1177 : vector<16xf32>
        %add3A_1179 = arith.addf %add3A_1060, %mul3A_1178 : vector<16xf32>
        %slice3A_1180 = vector.extract_strided_slice %get3A_436 {offsets = [6], sizes = [1], strides = [1]} : vector<16xf32> to vector<1xf32>
        %squeeze3A_1181 = vector.extract %slice3A_1180[0] : f32 from vector<1xf32>
        %broadcast_in_dim3A_1182 = vector.broadcast %squeeze3A_1181 : f32 to vector<16xf32>
        %mul3A_1183 = arith.constant 16 : i32
        %mul3A_1184 = arith.muli %scan3A_415, %mul3A_1183 : i32
        %add3A_1185 = arith.constant 6 : i32
        %add3A_1186 = arith.addi %mul3A_1184, %add3A_1185 : i32
        %get3A_1187 = arith.index_cast %add3A_1186 : i32 to index
        %get3A_1188 = arith.constant 0 : index
        %get3A_1189 = tpu.vector_load %arg6[%get3A_1187, %get3A_1188] {strides = array<i32>} : memref<128x256xf32, #tpu.memory_space<vmem>>, vector<1x16xf32>,
        %get3A_1190 = vector.shape_cast %get3A_1189 : vector<1x16xf32> to vector<16xf32>
        %sub3A_1191 = arith.subf %get3A_1190, %broadcast_in_dim3A_1182 : vector<16xf32>
        %mul3A_1192 = arith.mulf %sub3A_1191, %sub3A_1191 : vector<16xf32>
        %add3A_1193 = arith.addf %add3A_1074, %mul3A_1192 : vector<16xf32>
        %get3A_1194 = arith.index_cast %add3A_1186 : i32 to index
        %get3A_1195 = arith.constant 16 : index
        %get3A_1196 = tpu.vector_load %arg6[%get3A_1194, %get3A_1195] {strides = array<i32>} : memref<128x256xf32, #tpu.memory_space<vmem>>, vector<1x16xf32>,
        %get3A_1197 = vector.shape_cast %get3A_1196 : vector<1x16xf32> to vector<16xf32>
        %sub3A_1198 = arith.subf %get3A_1197, %broadcast_in_dim3A_1182 : vector<16xf32>
        %mul3A_1199 = arith.mulf %sub3A_1198, %sub3A_1198 : vector<16xf32>
        %add3A_1200 = arith.addf %add3A_1081, %mul3A_1199 : vector<16xf32>
        %get3A_1201 = arith.index_cast %add3A_1186 : i32 to index
        %get3A_1202 = arith.constant 32 : index
        %get3A_1203 = tpu.vector_load %arg6[%get3A_1201, %get3A_1202] {strides = array<i32>} : memref<128x256xf32, #tpu.memory_space<vmem>>, vector<1x16xf32>,
        %get3A_1204 = vector.shape_cast %get3A_1203 : vector<1x16xf32> to vector<16xf32>
        %sub3A_1205 = arith.subf %get3A_1204, %broadcast_in_dim3A_1182 : vector<16xf32>
        %mul3A_1206 = arith.mulf %sub3A_1205, %sub3A_1205 : vector<16xf32>
        %add3A_1207 = arith.addf %add3A_1088, %mul3A_1206 : vector<16xf32>
        %get3A_1208 = arith.index_cast %add3A_1186 : i32 to index
        %get3A_1209 = arith.constant 48 : index
        %get3A_1210 = tpu.vector_load %arg6[%get3A_1208, %get3A_1209] {strides = array<i32>} : memref<128x256xf32, #tpu.memory_space<vmem>>, vector<1x16xf32>,
        %get3A_1211 = vector.shape_cast %get3A_1210 : vector<1x16xf32> to vector<16xf32>
        %sub3A_1212 = arith.subf %get3A_1211, %broadcast_in_dim3A_1182 : vector<16xf32>
        %mul3A_1213 = arith.mulf %sub3A_1212, %sub3A_1212 : vector<16xf32>
        %add3A_1214 = arith.addf %add3A_1095, %mul3A_1213 : vector<16xf32>
        %get3A_1215 = arith.index_cast %add3A_1186 : i32 to index
        %get3A_1216 = arith.constant 64 : index
        %get3A_1217 = tpu.vector_load %arg6[%get3A_1215, %get3A_1216] {strides = array<i32>} : memref<128x256xf32, #tpu.memory_space<vmem>>, vector<1x16xf32>,
        %get3A_1218 = vector.shape_cast %get3A_1217 : vector<1x16xf32> to vector<16xf32>
        %sub3A_1219 = arith.subf %get3A_1218, %broadcast_in_dim3A_1182 : vector<16xf32>
        %mul3A_1220 = arith.mulf %sub3A_1219, %sub3A_1219 : vector<16xf32>
        %add3A_1221 = arith.addf %add3A_1102, %mul3A_1220 : vector<16xf32>
        %get3A_1222 = arith.index_cast %add3A_1186 : i32 to index
        %get3A_1223 = arith.constant 80 : index
        %get3A_1224 = tpu.vector_load %arg6[%get3A_1222, %get3A_1223] {strides = array<i32>} : memref<128x256xf32, #tpu.memory_space<vmem>>, vector<1x16xf32>,
        %get3A_1225 = vector.shape_cast %get3A_1224 : vector<1x16xf32> to vector<16xf32>
        %sub3A_1226 = arith.subf %get3A_1225, %broadcast_in_dim3A_1182 : vector<16xf32>
        %mul3A_1227 = arith.mulf %sub3A_1226, %sub3A_1226 : vector<16xf32>
        %add3A_1228 = arith.addf %add3A_1109, %mul3A_1227 : vector<16xf32>
        %get3A_1229 = arith.index_cast %add3A_1186 : i32 to index
        %get3A_1230 = arith.constant 96 : index
        %get3A_1231 = tpu.vector_load %arg6[%get3A_1229, %get3A_1230] {strides = array<i32>} : memref<128x256xf32, #tpu.memory_space<vmem>>, vector<1x16xf32>,
        %get3A_1232 = vector.shape_cast %get3A_1231 : vector<1x16xf32> to vector<16xf32>
        %sub3A_1233 = arith.subf %get3A_1232, %broadcast_in_dim3A_1182 : vector<16xf32>
        %mul3A_1234 = arith.mulf %sub3A_1233, %sub3A_1233 : vector<16xf32>
        %add3A_1235 = arith.addf %add3A_1116, %mul3A_1234 : vector<16xf32>
        %get3A_1236 = arith.index_cast %add3A_1186 : i32 to index
        %get3A_1237 = arith.constant 112 : index
        %get3A_1238 = tpu.vector_load %arg6[%get3A_1236, %get3A_1237] {strides = array<i32>} : memref<128x256xf32, #tpu.memory_space<vmem>>, vector<1x16xf32>,
        %get3A_1239 = vector.shape_cast %get3A_1238 : vector<1x16xf32> to vector<16xf32>
        %sub3A_1240 = arith.subf %get3A_1239, %broadcast_in_dim3A_1182 : vector<16xf32>
        %mul3A_1241 = arith.mulf %sub3A_1240, %sub3A_1240 : vector<16xf32>
        %add3A_1242 = arith.addf %add3A_1123, %mul3A_1241 : vector<16xf32>
        %get3A_1243 = arith.index_cast %add3A_1186 : i32 to index
        %get3A_1244 = arith.constant 128 : index
        %get3A_1245 = tpu.vector_load %arg6[%get3A_1243, %get3A_1244] {strides = array<i32>} : memref<128x256xf32, #tpu.memory_space<vmem>>, vector<1x16xf32>,
        %get3A_1246 = vector.shape_cast %get3A_1245 : vector<1x16xf32> to vector<16xf32>
        %sub3A_1247 = arith.subf %get3A_1246, %broadcast_in_dim3A_1182 : vector<16xf32>
        %mul3A_1248 = arith.mulf %sub3A_1247, %sub3A_1247 : vector<16xf32>
        %add3A_1249 = arith.addf %add3A_1130, %mul3A_1248 : vector<16xf32>
        %get3A_1250 = arith.index_cast %add3A_1186 : i32 to index
        %get3A_1251 = arith.constant 144 : index
        %get3A_1252 = tpu.vector_load %arg6[%get3A_1250, %get3A_1251] {strides = array<i32>} : memref<128x256xf32, #tpu.memory_space<vmem>>, vector<1x16xf32>,
        %get3A_1253 = vector.shape_cast %get3A_1252 : vector<1x16xf32> to vector<16xf32>
        %sub3A_1254 = arith.subf %get3A_1253, %broadcast_in_dim3A_1182 : vector<16xf32>
        %mul3A_1255 = arith.mulf %sub3A_1254, %sub3A_1254 : vector<16xf32>
        %add3A_1256 = arith.addf %add3A_1137, %mul3A_1255 : vector<16xf32>
        %get3A_1257 = arith.index_cast %add3A_1186 : i32 to index
        %get3A_1258 = arith.constant 160 : index
        %get3A_1259 = tpu.vector_load %arg6[%get3A_1257, %get3A_1258] {strides = array<i32>} : memref<128x256xf32, #tpu.memory_space<vmem>>, vector<1x16xf32>,
        %get3A_1260 = vector.shape_cast %get3A_1259 : vector<1x16xf32> to vector<16xf32>
        %sub3A_1261 = arith.subf %get3A_1260, %broadcast_in_dim3A_1182 : vector<16xf32>
        %mul3A_1262 = arith.mulf %sub3A_1261, %sub3A_1261 : vector<16xf32>
        %add3A_1263 = arith.addf %add3A_1144, %mul3A_1262 : vector<16xf32>
        %get3A_1264 = arith.index_cast %add3A_1186 : i32 to index
        %get3A_1265 = arith.constant 176 : index
        %get3A_1266 = tpu.vector_load %arg6[%get3A_1264, %get3A_1265] {strides = array<i32>} : memref<128x256xf32, #tpu.memory_space<vmem>>, vector<1x16xf32>,
        %get3A_1267 = vector.shape_cast %get3A_1266 : vector<1x16xf32> to vector<16xf32>
        %sub3A_1268 = arith.subf %get3A_1267, %broadcast_in_dim3A_1182 : vector<16xf32>
        %mul3A_1269 = arith.mulf %sub3A_1268, %sub3A_1268 : vector<16xf32>
        %add3A_1270 = arith.addf %add3A_1151, %mul3A_1269 : vector<16xf32>
        %get3A_1271 = arith.index_cast %add3A_1186 : i32 to index
        %get3A_1272 = arith.constant 192 : index
        %get3A_1273 = tpu.vector_load %arg6[%get3A_1271, %get3A_1272] {strides = array<i32>} : memref<128x256xf32, #tpu.memory_space<vmem>>, vector<1x16xf32>,
        %get3A_1274 = vector.shape_cast %get3A_1273 : vector<1x16xf32> to vector<16xf32>
        %sub3A_1275 = arith.subf %get3A_1274, %broadcast_in_dim3A_1182 : vector<16xf32>
        %mul3A_1276 = arith.mulf %sub3A_1275, %sub3A_1275 : vector<16xf32>
        %add3A_1277 = arith.addf %add3A_1158, %mul3A_1276 : vector<16xf32>
        %get3A_1278 = arith.index_cast %add3A_1186 : i32 to index
        %get3A_1279 = arith.constant 208 : index
        %get3A_1280 = tpu.vector_load %arg6[%get3A_1278, %get3A_1279] {strides = array<i32>} : memref<128x256xf32, #tpu.memory_space<vmem>>, vector<1x16xf32>,
        %get3A_1281 = vector.shape_cast %get3A_1280 : vector<1x16xf32> to vector<16xf32>
        %sub3A_1282 = arith.subf %get3A_1281, %broadcast_in_dim3A_1182 : vector<16xf32>
        %mul3A_1283 = arith.mulf %sub3A_1282, %sub3A_1282 : vector<16xf32>
        %add3A_1284 = arith.addf %add3A_1165, %mul3A_1283 : vector<16xf32>
        %get3A_1285 = arith.index_cast %add3A_1186 : i32 to index
        %get3A_1286 = arith.constant 224 : index
        %get3A_1287 = tpu.vector_load %arg6[%get3A_1285, %get3A_1286] {strides = array<i32>} : memref<128x256xf32, #tpu.memory_space<vmem>>, vector<1x16xf32>,
        %get3A_1288 = vector.shape_cast %get3A_1287 : vector<1x16xf32> to vector<16xf32>
        %sub3A_1289 = arith.subf %get3A_1288, %broadcast_in_dim3A_1182 : vector<16xf32>
        %mul3A_1290 = arith.mulf %sub3A_1289, %sub3A_1289 : vector<16xf32>
        %add3A_1291 = arith.addf %add3A_1172, %mul3A_1290 : vector<16xf32>
        %get3A_1292 = arith.index_cast %add3A_1186 : i32 to index
        %get3A_1293 = arith.constant 240 : index
        %get3A_1294 = tpu.vector_load %arg6[%get3A_1292, %get3A_1293] {strides = array<i32>} : memref<128x256xf32, #tpu.memory_space<vmem>>, vector<1x16xf32>,
        %get3A_1295 = vector.shape_cast %get3A_1294 : vector<1x16xf32> to vector<16xf32>
        %sub3A_1296 = arith.subf %get3A_1295, %broadcast_in_dim3A_1182 : vector<16xf32>
        %mul3A_1297 = arith.mulf %sub3A_1296, %sub3A_1296 : vector<16xf32>
        %add3A_1298 = arith.addf %add3A_1179, %mul3A_1297 : vector<16xf32>
        %slice3A_1299 = vector.extract_strided_slice %get3A_436 {offsets = [7], sizes = [1], strides = [1]} : vector<16xf32> to vector<1xf32>
        %squeeze3A_1300 = vector.extract %slice3A_1299[0] : f32 from vector<1xf32>
        %broadcast_in_dim3A_1301 = vector.broadcast %squeeze3A_1300 : f32 to vector<16xf32>
        %mul3A_1302 = arith.constant 16 : i32
        %mul3A_1303 = arith.muli %scan3A_415, %mul3A_1302 : i32
        %add3A_1304 = arith.constant 7 : i32
        %add3A_1305 = arith.addi %mul3A_1303, %add3A_1304 : i32
        %get3A_1306 = arith.index_cast %add3A_1305 : i32 to index
        %get3A_1307 = arith.constant 0 : index
        %get3A_1308 = tpu.vector_load %arg6[%get3A_1306, %get3A_1307] {strides = array<i32>} : memref<128x256xf32, #tpu.memory_space<vmem>>, vector<1x16xf32>,
        %get3A_1309 = vector.shape_cast %get3A_1308 : vector<1x16xf32> to vector<16xf32>
        %sub3A_1310 = arith.subf %get3A_1309, %broadcast_in_dim3A_1301 : vector<16xf32>
        %mul3A_1311 = arith.mulf %sub3A_1310, %sub3A_1310 : vector<16xf32>
        %add3A_1312 = arith.addf %add3A_1193, %mul3A_1311 : vector<16xf32>
        %get3A_1313 = arith.index_cast %add3A_1305 : i32 to index
        %get3A_1314 = arith.constant 16 : index
        %get3A_1315 = tpu.vector_load %arg6[%get3A_1313, %get3A_1314] {strides = array<i32>} : memref<128x256xf32, #tpu.memory_space<vmem>>, vector<1x16xf32>,
        %get3A_1316 = vector.shape_cast %get3A_1315 : vector<1x16xf32> to vector<16xf32>
        %sub3A_1317 = arith.subf %get3A_1316, %broadcast_in_dim3A_1301 : vector<16xf32>
        %mul3A_1318 = arith.mulf %sub3A_1317, %sub3A_1317 : vector<16xf32>
        %add3A_1319 = arith.addf %add3A_1200, %mul3A_1318 : vector<16xf32>
        %get3A_1320 = arith.index_cast %add3A_1305 : i32 to index
        %get3A_1321 = arith.constant 32 : index
        %get3A_1322 = tpu.vector_load %arg6[%get3A_1320, %get3A_1321] {strides = array<i32>} : memref<128x256xf32, #tpu.memory_space<vmem>>, vector<1x16xf32>,
        %get3A_1323 = vector.shape_cast %get3A_1322 : vector<1x16xf32> to vector<16xf32>
        %sub3A_1324 = arith.subf %get3A_1323, %broadcast_in_dim3A_1301 : vector<16xf32>
        %mul3A_1325 = arith.mulf %sub3A_1324, %sub3A_1324 : vector<16xf32>
        %add3A_1326 = arith.addf %add3A_1207, %mul3A_1325 : vector<16xf32>
        %get3A_1327 = arith.index_cast %add3A_1305 : i32 to index
        %get3A_1328 = arith.constant 48 : index
        %get3A_1329 = tpu.vector_load %arg6[%get3A_1327, %get3A_1328] {strides = array<i32>} : memref<128x256xf32, #tpu.memory_space<vmem>>, vector<1x16xf32>,
        %get3A_1330 = vector.shape_cast %get3A_1329 : vector<1x16xf32> to vector<16xf32>
        %sub3A_1331 = arith.subf %get3A_1330, %broadcast_in_dim3A_1301 : vector<16xf32>
        %mul3A_1332 = arith.mulf %sub3A_1331, %sub3A_1331 : vector<16xf32>
        %add3A_1333 = arith.addf %add3A_1214, %mul3A_1332 : vector<16xf32>
        %get3A_1334 = arith.index_cast %add3A_1305 : i32 to index
        %get3A_1335 = arith.constant 64 : index
        %get3A_1336 = tpu.vector_load %arg6[%get3A_1334, %get3A_1335] {strides = array<i32>} : memref<128x256xf32, #tpu.memory_space<vmem>>, vector<1x16xf32>,
        %get3A_1337 = vector.shape_cast %get3A_1336 : vector<1x16xf32> to vector<16xf32>
        %sub3A_1338 = arith.subf %get3A_1337, %broadcast_in_dim3A_1301 : vector<16xf32>
        %mul3A_1339 = arith.mulf %sub3A_1338, %sub3A_1338 : vector<16xf32>
        %add3A_1340 = arith.addf %add3A_1221, %mul3A_1339 : vector<16xf32>
        %get3A_1341 = arith.index_cast %add3A_1305 : i32 to index
        %get3A_1342 = arith.constant 80 : index
        %get3A_1343 = tpu.vector_load %arg6[%get3A_1341, %get3A_1342] {strides = array<i32>} : memref<128x256xf32, #tpu.memory_space<vmem>>, vector<1x16xf32>,
        %get3A_1344 = vector.shape_cast %get3A_1343 : vector<1x16xf32> to vector<16xf32>
        %sub3A_1345 = arith.subf %get3A_1344, %broadcast_in_dim3A_1301 : vector<16xf32>
        %mul3A_1346 = arith.mulf %sub3A_1345, %sub3A_1345 : vector<16xf32>
        %add3A_1347 = arith.addf %add3A_1228, %mul3A_1346 : vector<16xf32>
        %get3A_1348 = arith.index_cast %add3A_1305 : i32 to index
        %get3A_1349 = arith.constant 96 : index
        %get3A_1350 = tpu.vector_load %arg6[%get3A_1348, %get3A_1349] {strides = array<i32>} : memref<128x256xf32, #tpu.memory_space<vmem>>, vector<1x16xf32>,
        %get3A_1351 = vector.shape_cast %get3A_1350 : vector<1x16xf32> to vector<16xf32>
        %sub3A_1352 = arith.subf %get3A_1351, %broadcast_in_dim3A_1301 : vector<16xf32>
        %mul3A_1353 = arith.mulf %sub3A_1352, %sub3A_1352 : vector<16xf32>
        %add3A_1354 = arith.addf %add3A_1235, %mul3A_1353 : vector<16xf32>
        %get3A_1355 = arith.index_cast %add3A_1305 : i32 to index
        %get3A_1356 = arith.constant 112 : index
        %get3A_1357 = tpu.vector_load %arg6[%get3A_1355, %get3A_1356] {strides = array<i32>} : memref<128x256xf32, #tpu.memory_space<vmem>>, vector<1x16xf32>,
        %get3A_1358 = vector.shape_cast %get3A_1357 : vector<1x16xf32> to vector<16xf32>
        %sub3A_1359 = arith.subf %get3A_1358, %broadcast_in_dim3A_1301 : vector<16xf32>
        %mul3A_1360 = arith.mulf %sub3A_1359, %sub3A_1359 : vector<16xf32>
        %add3A_1361 = arith.addf %add3A_1242, %mul3A_1360 : vector<16xf32>
        %get3A_1362 = arith.index_cast %add3A_1305 : i32 to index
        %get3A_1363 = arith.constant 128 : index
        %get3A_1364 = tpu.vector_load %arg6[%get3A_1362, %get3A_1363] {strides = array<i32>} : memref<128x256xf32, #tpu.memory_space<vmem>>, vector<1x16xf32>,
        %get3A_1365 = vector.shape_cast %get3A_1364 : vector<1x16xf32> to vector<16xf32>
        %sub3A_1366 = arith.subf %get3A_1365, %broadcast_in_dim3A_1301 : vector<16xf32>
        %mul3A_1367 = arith.mulf %sub3A_1366, %sub3A_1366 : vector<16xf32>
        %add3A_1368 = arith.addf %add3A_1249, %mul3A_1367 : vector<16xf32>
        %get3A_1369 = arith.index_cast %add3A_1305 : i32 to index
        %get3A_1370 = arith.constant 144 : index
        %get3A_1371 = tpu.vector_load %arg6[%get3A_1369, %get3A_1370] {strides = array<i32>} : memref<128x256xf32, #tpu.memory_space<vmem>>, vector<1x16xf32>,
        %get3A_1372 = vector.shape_cast %get3A_1371 : vector<1x16xf32> to vector<16xf32>
        %sub3A_1373 = arith.subf %get3A_1372, %broadcast_in_dim3A_1301 : vector<16xf32>
        %mul3A_1374 = arith.mulf %sub3A_1373, %sub3A_1373 : vector<16xf32>
        %add3A_1375 = arith.addf %add3A_1256, %mul3A_1374 : vector<16xf32>
        %get3A_1376 = arith.index_cast %add3A_1305 : i32 to index
        %get3A_1377 = arith.constant 160 : index
        %get3A_1378 = tpu.vector_load %arg6[%get3A_1376, %get3A_1377] {strides = array<i32>} : memref<128x256xf32, #tpu.memory_space<vmem>>, vector<1x16xf32>,
        %get3A_1379 = vector.shape_cast %get3A_1378 : vector<1x16xf32> to vector<16xf32>
        %sub3A_1380 = arith.subf %get3A_1379, %broadcast_in_dim3A_1301 : vector<16xf32>
        %mul3A_1381 = arith.mulf %sub3A_1380, %sub3A_1380 : vector<16xf32>
        %add3A_1382 = arith.addf %add3A_1263, %mul3A_1381 : vector<16xf32>
        %get3A_1383 = arith.index_cast %add3A_1305 : i32 to index
        %get3A_1384 = arith.constant 176 : index
        %get3A_1385 = tpu.vector_load %arg6[%get3A_1383, %get3A_1384] {strides = array<i32>} : memref<128x256xf32, #tpu.memory_space<vmem>>, vector<1x16xf32>,
        %get3A_1386 = vector.shape_cast %get3A_1385 : vector<1x16xf32> to vector<16xf32>
        %sub3A_1387 = arith.subf %get3A_1386, %broadcast_in_dim3A_1301 : vector<16xf32>
        %mul3A_1388 = arith.mulf %sub3A_1387, %sub3A_1387 : vector<16xf32>
        %add3A_1389 = arith.addf %add3A_1270, %mul3A_1388 : vector<16xf32>
        %get3A_1390 = arith.index_cast %add3A_1305 : i32 to index
        %get3A_1391 = arith.constant 192 : index
        %get3A_1392 = tpu.vector_load %arg6[%get3A_1390, %get3A_1391] {strides = array<i32>} : memref<128x256xf32, #tpu.memory_space<vmem>>, vector<1x16xf32>,
        %get3A_1393 = vector.shape_cast %get3A_1392 : vector<1x16xf32> to vector<16xf32>
        %sub3A_1394 = arith.subf %get3A_1393, %broadcast_in_dim3A_1301 : vector<16xf32>
        %mul3A_1395 = arith.mulf %sub3A_1394, %sub3A_1394 : vector<16xf32>
        %add3A_1396 = arith.addf %add3A_1277, %mul3A_1395 : vector<16xf32>
        %get3A_1397 = arith.index_cast %add3A_1305 : i32 to index
        %get3A_1398 = arith.constant 208 : index
        %get3A_1399 = tpu.vector_load %arg6[%get3A_1397, %get3A_1398] {strides = array<i32>} : memref<128x256xf32, #tpu.memory_space<vmem>>, vector<1x16xf32>,
        %get3A_1400 = vector.shape_cast %get3A_1399 : vector<1x16xf32> to vector<16xf32>
        %sub3A_1401 = arith.subf %get3A_1400, %broadcast_in_dim3A_1301 : vector<16xf32>
        %mul3A_1402 = arith.mulf %sub3A_1401, %sub3A_1401 : vector<16xf32>
        %add3A_1403 = arith.addf %add3A_1284, %mul3A_1402 : vector<16xf32>
        %get3A_1404 = arith.index_cast %add3A_1305 : i32 to index
        %get3A_1405 = arith.constant 224 : index
        %get3A_1406 = tpu.vector_load %arg6[%get3A_1404, %get3A_1405] {strides = array<i32>} : memref<128x256xf32, #tpu.memory_space<vmem>>, vector<1x16xf32>,
        %get3A_1407 = vector.shape_cast %get3A_1406 : vector<1x16xf32> to vector<16xf32>
        %sub3A_1408 = arith.subf %get3A_1407, %broadcast_in_dim3A_1301 : vector<16xf32>
        %mul3A_1409 = arith.mulf %sub3A_1408, %sub3A_1408 : vector<16xf32>
        %add3A_1410 = arith.addf %add3A_1291, %mul3A_1409 : vector<16xf32>
        %get3A_1411 = arith.index_cast %add3A_1305 : i32 to index
        %get3A_1412 = arith.constant 240 : index
        %get3A_1413 = tpu.vector_load %arg6[%get3A_1411, %get3A_1412] {strides = array<i32>} : memref<128x256xf32, #tpu.memory_space<vmem>>, vector<1x16xf32>,
        %get3A_1414 = vector.shape_cast %get3A_1413 : vector<1x16xf32> to vector<16xf32>
        %sub3A_1415 = arith.subf %get3A_1414, %broadcast_in_dim3A_1301 : vector<16xf32>
        %mul3A_1416 = arith.mulf %sub3A_1415, %sub3A_1415 : vector<16xf32>
        %add3A_1417 = arith.addf %add3A_1298, %mul3A_1416 : vector<16xf32>
        %slice3A_1418 = vector.extract_strided_slice %get3A_436 {offsets = [8], sizes = [1], strides = [1]} : vector<16xf32> to vector<1xf32>
        %squeeze3A_1419 = vector.extract %slice3A_1418[0] : f32 from vector<1xf32>
        %broadcast_in_dim3A_1420 = vector.broadcast %squeeze3A_1419 : f32 to vector<16xf32>
        %mul3A_1421 = arith.constant 16 : i32
        %mul3A_1422 = arith.muli %scan3A_415, %mul3A_1421 : i32
        %add3A_1423 = arith.constant 8 : i32
        %add3A_1424 = arith.addi %mul3A_1422, %add3A_1423 : i32
        %get3A_1425 = arith.index_cast %add3A_1424 : i32 to index
        %get3A_1426 = arith.constant 0 : index
        %get3A_1427 = tpu.vector_load %arg6[%get3A_1425, %get3A_1426] {strides = array<i32>} : memref<128x256xf32, #tpu.memory_space<vmem>>, vector<1x16xf32>,
        %get3A_1428 = vector.shape_cast %get3A_1427 : vector<1x16xf32> to vector<16xf32>
        %sub3A_1429 = arith.subf %get3A_1428, %broadcast_in_dim3A_1420 : vector<16xf32>
        %mul3A_1430 = arith.mulf %sub3A_1429, %sub3A_1429 : vector<16xf32>
        %add3A_1431 = arith.addf %add3A_1312, %mul3A_1430 : vector<16xf32>
        %get3A_1432 = arith.index_cast %add3A_1424 : i32 to index
        %get3A_1433 = arith.constant 16 : index
        %get3A_1434 = tpu.vector_load %arg6[%get3A_1432, %get3A_1433] {strides = array<i32>} : memref<128x256xf32, #tpu.memory_space<vmem>>, vector<1x16xf32>,
        %get3A_1435 = vector.shape_cast %get3A_1434 : vector<1x16xf32> to vector<16xf32>
        %sub3A_1436 = arith.subf %get3A_1435, %broadcast_in_dim3A_1420 : vector<16xf32>
        %mul3A_1437 = arith.mulf %sub3A_1436, %sub3A_1436 : vector<16xf32>
        %add3A_1438 = arith.addf %add3A_1319, %mul3A_1437 : vector<16xf32>
        %get3A_1439 = arith.index_cast %add3A_1424 : i32 to index
        %get3A_1440 = arith.constant 32 : index
        %get3A_1441 = tpu.vector_load %arg6[%get3A_1439, %get3A_1440] {strides = array<i32>} : memref<128x256xf32, #tpu.memory_space<vmem>>, vector<1x16xf32>,
        %get3A_1442 = vector.shape_cast %get3A_1441 : vector<1x16xf32> to vector<16xf32>
        %sub3A_1443 = arith.subf %get3A_1442, %broadcast_in_dim3A_1420 : vector<16xf32>
        %mul3A_1444 = arith.mulf %sub3A_1443, %sub3A_1443 : vector<16xf32>
        %add3A_1445 = arith.addf %add3A_1326, %mul3A_1444 : vector<16xf32>
        %get3A_1446 = arith.index_cast %add3A_1424 : i32 to index
        %get3A_1447 = arith.constant 48 : index
        %get3A_1448 = tpu.vector_load %arg6[%get3A_1446, %get3A_1447] {strides = array<i32>} : memref<128x256xf32, #tpu.memory_space<vmem>>, vector<1x16xf32>,
        %get3A_1449 = vector.shape_cast %get3A_1448 : vector<1x16xf32> to vector<16xf32>
        %sub3A_1450 = arith.subf %get3A_1449, %broadcast_in_dim3A_1420 : vector<16xf32>
        %mul3A_1451 = arith.mulf %sub3A_1450, %sub3A_1450 : vector<16xf32>
        %add3A_1452 = arith.addf %add3A_1333, %mul3A_1451 : vector<16xf32>
        %get3A_1453 = arith.index_cast %add3A_1424 : i32 to index
        %get3A_1454 = arith.constant 64 : index
        %get3A_1455 = tpu.vector_load %arg6[%get3A_1453, %get3A_1454] {strides = array<i32>} : memref<128x256xf32, #tpu.memory_space<vmem>>, vector<1x16xf32>,
        %get3A_1456 = vector.shape_cast %get3A_1455 : vector<1x16xf32> to vector<16xf32>
        %sub3A_1457 = arith.subf %get3A_1456, %broadcast_in_dim3A_1420 : vector<16xf32>
        %mul3A_1458 = arith.mulf %sub3A_1457, %sub3A_1457 : vector<16xf32>
        %add3A_1459 = arith.addf %add3A_1340, %mul3A_1458 : vector<16xf32>
        %get3A_1460 = arith.index_cast %add3A_1424 : i32 to index
        %get3A_1461 = arith.constant 80 : index
        %get3A_1462 = tpu.vector_load %arg6[%get3A_1460, %get3A_1461] {strides = array<i32>} : memref<128x256xf32, #tpu.memory_space<vmem>>, vector<1x16xf32>,
        %get3A_1463 = vector.shape_cast %get3A_1462 : vector<1x16xf32> to vector<16xf32>
        %sub3A_1464 = arith.subf %get3A_1463, %broadcast_in_dim3A_1420 : vector<16xf32>
        %mul3A_1465 = arith.mulf %sub3A_1464, %sub3A_1464 : vector<16xf32>
        %add3A_1466 = arith.addf %add3A_1347, %mul3A_1465 : vector<16xf32>
        %get3A_1467 = arith.index_cast %add3A_1424 : i32 to index
        %get3A_1468 = arith.constant 96 : index
        %get3A_1469 = tpu.vector_load %arg6[%get3A_1467, %get3A_1468] {strides = array<i32>} : memref<128x256xf32, #tpu.memory_space<vmem>>, vector<1x16xf32>,
        %get3A_1470 = vector.shape_cast %get3A_1469 : vector<1x16xf32> to vector<16xf32>
        %sub3A_1471 = arith.subf %get3A_1470, %broadcast_in_dim3A_1420 : vector<16xf32>
        %mul3A_1472 = arith.mulf %sub3A_1471, %sub3A_1471 : vector<16xf32>
        %add3A_1473 = arith.addf %add3A_1354, %mul3A_1472 : vector<16xf32>
        %get3A_1474 = arith.index_cast %add3A_1424 : i32 to index
        %get3A_1475 = arith.constant 112 : index
        %get3A_1476 = tpu.vector_load %arg6[%get3A_1474, %get3A_1475] {strides = array<i32>} : memref<128x256xf32, #tpu.memory_space<vmem>>, vector<1x16xf32>,
        %get3A_1477 = vector.shape_cast %get3A_1476 : vector<1x16xf32> to vector<16xf32>
        %sub3A_1478 = arith.subf %get3A_1477, %broadcast_in_dim3A_1420 : vector<16xf32>
        %mul3A_1479 = arith.mulf %sub3A_1478, %sub3A_1478 : vector<16xf32>
        %add3A_1480 = arith.addf %add3A_1361, %mul3A_1479 : vector<16xf32>
        %get3A_1481 = arith.index_cast %add3A_1424 : i32 to index
        %get3A_1482 = arith.constant 128 : index
        %get3A_1483 = tpu.vector_load %arg6[%get3A_1481, %get3A_1482] {strides = array<i32>} : memref<128x256xf32, #tpu.memory_space<vmem>>, vector<1x16xf32>,
        %get3A_1484 = vector.shape_cast %get3A_1483 : vector<1x16xf32> to vector<16xf32>
        %sub3A_1485 = arith.subf %get3A_1484, %broadcast_in_dim3A_1420 : vector<16xf32>
        %mul3A_1486 = arith.mulf %sub3A_1485, %sub3A_1485 : vector<16xf32>
        %add3A_1487 = arith.addf %add3A_1368, %mul3A_1486 : vector<16xf32>
        %get3A_1488 = arith.index_cast %add3A_1424 : i32 to index
        %get3A_1489 = arith.constant 144 : index
        %get3A_1490 = tpu.vector_load %arg6[%get3A_1488, %get3A_1489] {strides = array<i32>} : memref<128x256xf32, #tpu.memory_space<vmem>>, vector<1x16xf32>,
        %get3A_1491 = vector.shape_cast %get3A_1490 : vector<1x16xf32> to vector<16xf32>
        %sub3A_1492 = arith.subf %get3A_1491, %broadcast_in_dim3A_1420 : vector<16xf32>
        %mul3A_1493 = arith.mulf %sub3A_1492, %sub3A_1492 : vector<16xf32>
        %add3A_1494 = arith.addf %add3A_1375, %mul3A_1493 : vector<16xf32>
        %get3A_1495 = arith.index_cast %add3A_1424 : i32 to index
        %get3A_1496 = arith.constant 160 : index
        %get3A_1497 = tpu.vector_load %arg6[%get3A_1495, %get3A_1496] {strides = array<i32>} : memref<128x256xf32, #tpu.memory_space<vmem>>, vector<1x16xf32>,
        %get3A_1498 = vector.shape_cast %get3A_1497 : vector<1x16xf32> to vector<16xf32>
        %sub3A_1499 = arith.subf %get3A_1498, %broadcast_in_dim3A_1420 : vector<16xf32>
        %mul3A_1500 = arith.mulf %sub3A_1499, %sub3A_1499 : vector<16xf32>
        %add3A_1501 = arith.addf %add3A_1382, %mul3A_1500 : vector<16xf32>
        %get3A_1502 = arith.index_cast %add3A_1424 : i32 to index
        %get3A_1503 = arith.constant 176 : index
        %get3A_1504 = tpu.vector_load %arg6[%get3A_1502, %get3A_1503] {strides = array<i32>} : memref<128x256xf32, #tpu.memory_space<vmem>>, vector<1x16xf32>,
        %get3A_1505 = vector.shape_cast %get3A_1504 : vector<1x16xf32> to vector<16xf32>
        %sub3A_1506 = arith.subf %get3A_1505, %broadcast_in_dim3A_1420 : vector<16xf32>
        %mul3A_1507 = arith.mulf %sub3A_1506, %sub3A_1506 : vector<16xf32>
        %add3A_1508 = arith.addf %add3A_1389, %mul3A_1507 : vector<16xf32>
        %get3A_1509 = arith.index_cast %add3A_1424 : i32 to index
        %get3A_1510 = arith.constant 192 : index
        %get3A_1511 = tpu.vector_load %arg6[%get3A_1509, %get3A_1510] {strides = array<i32>} : memref<128x256xf32, #tpu.memory_space<vmem>>, vector<1x16xf32>,
        %get3A_1512 = vector.shape_cast %get3A_1511 : vector<1x16xf32> to vector<16xf32>
        %sub3A_1513 = arith.subf %get3A_1512, %broadcast_in_dim3A_1420 : vector<16xf32>
        %mul3A_1514 = arith.mulf %sub3A_1513, %sub3A_1513 : vector<16xf32>
        %add3A_1515 = arith.addf %add3A_1396, %mul3A_1514 : vector<16xf32>
        %get3A_1516 = arith.index_cast %add3A_1424 : i32 to index
        %get3A_1517 = arith.constant 208 : index
        %get3A_1518 = tpu.vector_load %arg6[%get3A_1516, %get3A_1517] {strides = array<i32>} : memref<128x256xf32, #tpu.memory_space<vmem>>, vector<1x16xf32>,
        %get3A_1519 = vector.shape_cast %get3A_1518 : vector<1x16xf32> to vector<16xf32>
        %sub3A_1520 = arith.subf %get3A_1519, %broadcast_in_dim3A_1420 : vector<16xf32>
        %mul3A_1521 = arith.mulf %sub3A_1520, %sub3A_1520 : vector<16xf32>
        %add3A_1522 = arith.addf %add3A_1403, %mul3A_1521 : vector<16xf32>
        %get3A_1523 = arith.index_cast %add3A_1424 : i32 to index
        %get3A_1524 = arith.constant 224 : index
        %get3A_1525 = tpu.vector_load %arg6[%get3A_1523, %get3A_1524] {strides = array<i32>} : memref<128x256xf32, #tpu.memory_space<vmem>>, vector<1x16xf32>,
        %get3A_1526 = vector.shape_cast %get3A_1525 : vector<1x16xf32> to vector<16xf32>
        %sub3A_1527 = arith.subf %get3A_1526, %broadcast_in_dim3A_1420 : vector<16xf32>
        %mul3A_1528 = arith.mulf %sub3A_1527, %sub3A_1527 : vector<16xf32>
        %add3A_1529 = arith.addf %add3A_1410, %mul3A_1528 : vector<16xf32>
        %get3A_1530 = arith.index_cast %add3A_1424 : i32 to index
        %get3A_1531 = arith.constant 240 : index
        %get3A_1532 = tpu.vector_load %arg6[%get3A_1530, %get3A_1531] {strides = array<i32>} : memref<128x256xf32, #tpu.memory_space<vmem>>, vector<1x16xf32>,
        %get3A_1533 = vector.shape_cast %get3A_1532 : vector<1x16xf32> to vector<16xf32>
        %sub3A_1534 = arith.subf %get3A_1533, %broadcast_in_dim3A_1420 : vector<16xf32>
        %mul3A_1535 = arith.mulf %sub3A_1534, %sub3A_1534 : vector<16xf32>
        %add3A_1536 = arith.addf %add3A_1417, %mul3A_1535 : vector<16xf32>
        %slice3A_1537 = vector.extract_strided_slice %get3A_436 {offsets = [9], sizes = [1], strides = [1]} : vector<16xf32> to vector<1xf32>
        %squeeze3A_1538 = vector.extract %slice3A_1537[0] : f32 from vector<1xf32>
        %broadcast_in_dim3A_1539 = vector.broadcast %squeeze3A_1538 : f32 to vector<16xf32>
        %mul3A_1540 = arith.constant 16 : i32
        %mul3A_1541 = arith.muli %scan3A_415, %mul3A_1540 : i32
        %add3A_1542 = arith.constant 9 : i32
        %add3A_1543 = arith.addi %mul3A_1541, %add3A_1542 : i32
        %get3A_1544 = arith.index_cast %add3A_1543 : i32 to index
        %get3A_1545 = arith.constant 0 : index
        %get3A_1546 = tpu.vector_load %arg6[%get3A_1544, %get3A_1545] {strides = array<i32>} : memref<128x256xf32, #tpu.memory_space<vmem>>, vector<1x16xf32>,
        %get3A_1547 = vector.shape_cast %get3A_1546 : vector<1x16xf32> to vector<16xf32>
        %sub3A_1548 = arith.subf %get3A_1547, %broadcast_in_dim3A_1539 : vector<16xf32>
        %mul3A_1549 = arith.mulf %sub3A_1548, %sub3A_1548 : vector<16xf32>
        %add3A_1550 = arith.addf %add3A_1431, %mul3A_1549 : vector<16xf32>
        %get3A_1551 = arith.index_cast %add3A_1543 : i32 to index
        %get3A_1552 = arith.constant 16 : index
        %get3A_1553 = tpu.vector_load %arg6[%get3A_1551, %get3A_1552] {strides = array<i32>} : memref<128x256xf32, #tpu.memory_space<vmem>>, vector<1x16xf32>,
        %get3A_1554 = vector.shape_cast %get3A_1553 : vector<1x16xf32> to vector<16xf32>
        %sub3A_1555 = arith.subf %get3A_1554, %broadcast_in_dim3A_1539 : vector<16xf32>
        %mul3A_1556 = arith.mulf %sub3A_1555, %sub3A_1555 : vector<16xf32>
        %add3A_1557 = arith.addf %add3A_1438, %mul3A_1556 : vector<16xf32>
        %get3A_1558 = arith.index_cast %add3A_1543 : i32 to index
        %get3A_1559 = arith.constant 32 : index
        %get3A_1560 = tpu.vector_load %arg6[%get3A_1558, %get3A_1559] {strides = array<i32>} : memref<128x256xf32, #tpu.memory_space<vmem>>, vector<1x16xf32>,
        %get3A_1561 = vector.shape_cast %get3A_1560 : vector<1x16xf32> to vector<16xf32>
        %sub3A_1562 = arith.subf %get3A_1561, %broadcast_in_dim3A_1539 : vector<16xf32>
        %mul3A_1563 = arith.mulf %sub3A_1562, %sub3A_1562 : vector<16xf32>
        %add3A_1564 = arith.addf %add3A_1445, %mul3A_1563 : vector<16xf32>
        %get3A_1565 = arith.index_cast %add3A_1543 : i32 to index
        %get3A_1566 = arith.constant 48 : index
        %get3A_1567 = tpu.vector_load %arg6[%get3A_1565, %get3A_1566] {strides = array<i32>} : memref<128x256xf32, #tpu.memory_space<vmem>>, vector<1x16xf32>,
        %get3A_1568 = vector.shape_cast %get3A_1567 : vector<1x16xf32> to vector<16xf32>
        %sub3A_1569 = arith.subf %get3A_1568, %broadcast_in_dim3A_1539 : vector<16xf32>
        %mul3A_1570 = arith.mulf %sub3A_1569, %sub3A_1569 : vector<16xf32>
        %add3A_1571 = arith.addf %add3A_1452, %mul3A_1570 : vector<16xf32>
        %get3A_1572 = arith.index_cast %add3A_1543 : i32 to index
        %get3A_1573 = arith.constant 64 : index
        %get3A_1574 = tpu.vector_load %arg6[%get3A_1572, %get3A_1573] {strides = array<i32>} : memref<128x256xf32, #tpu.memory_space<vmem>>, vector<1x16xf32>,
        %get3A_1575 = vector.shape_cast %get3A_1574 : vector<1x16xf32> to vector<16xf32>
        %sub3A_1576 = arith.subf %get3A_1575, %broadcast_in_dim3A_1539 : vector<16xf32>
        %mul3A_1577 = arith.mulf %sub3A_1576, %sub3A_1576 : vector<16xf32>
        %add3A_1578 = arith.addf %add3A_1459, %mul3A_1577 : vector<16xf32>
        %get3A_1579 = arith.index_cast %add3A_1543 : i32 to index
        %get3A_1580 = arith.constant 80 : index
        %get3A_1581 = tpu.vector_load %arg6[%get3A_1579, %get3A_1580] {strides = array<i32>} : memref<128x256xf32, #tpu.memory_space<vmem>>, vector<1x16xf32>,
        %get3A_1582 = vector.shape_cast %get3A_1581 : vector<1x16xf32> to vector<16xf32>
        %sub3A_1583 = arith.subf %get3A_1582, %broadcast_in_dim3A_1539 : vector<16xf32>
        %mul3A_1584 = arith.mulf %sub3A_1583, %sub3A_1583 : vector<16xf32>
        %add3A_1585 = arith.addf %add3A_1466, %mul3A_1584 : vector<16xf32>
        %get3A_1586 = arith.index_cast %add3A_1543 : i32 to index
        %get3A_1587 = arith.constant 96 : index
        %get3A_1588 = tpu.vector_load %arg6[%get3A_1586, %get3A_1587] {strides = array<i32>} : memref<128x256xf32, #tpu.memory_space<vmem>>, vector<1x16xf32>,
        %get3A_1589 = vector.shape_cast %get3A_1588 : vector<1x16xf32> to vector<16xf32>
        %sub3A_1590 = arith.subf %get3A_1589, %broadcast_in_dim3A_1539 : vector<16xf32>
        %mul3A_1591 = arith.mulf %sub3A_1590, %sub3A_1590 : vector<16xf32>
        %add3A_1592 = arith.addf %add3A_1473, %mul3A_1591 : vector<16xf32>
        %get3A_1593 = arith.index_cast %add3A_1543 : i32 to index
        %get3A_1594 = arith.constant 112 : index
        %get3A_1595 = tpu.vector_load %arg6[%get3A_1593, %get3A_1594] {strides = array<i32>} : memref<128x256xf32, #tpu.memory_space<vmem>>, vector<1x16xf32>,
        %get3A_1596 = vector.shape_cast %get3A_1595 : vector<1x16xf32> to vector<16xf32>
        %sub3A_1597 = arith.subf %get3A_1596, %broadcast_in_dim3A_1539 : vector<16xf32>
        %mul3A_1598 = arith.mulf %sub3A_1597, %sub3A_1597 : vector<16xf32>
        %add3A_1599 = arith.addf %add3A_1480, %mul3A_1598 : vector<16xf32>
        %get3A_1600 = arith.index_cast %add3A_1543 : i32 to index
        %get3A_1601 = arith.constant 128 : index
        %get3A_1602 = tpu.vector_load %arg6[%get3A_1600, %get3A_1601] {strides = array<i32>} : memref<128x256xf32, #tpu.memory_space<vmem>>, vector<1x16xf32>,
        %get3A_1603 = vector.shape_cast %get3A_1602 : vector<1x16xf32> to vector<16xf32>
        %sub3A_1604 = arith.subf %get3A_1603, %broadcast_in_dim3A_1539 : vector<16xf32>
        %mul3A_1605 = arith.mulf %sub3A_1604, %sub3A_1604 : vector<16xf32>
        %add3A_1606 = arith.addf %add3A_1487, %mul3A_1605 : vector<16xf32>
        %get3A_1607 = arith.index_cast %add3A_1543 : i32 to index
        %get3A_1608 = arith.constant 144 : index
        %get3A_1609 = tpu.vector_load %arg6[%get3A_1607, %get3A_1608] {strides = array<i32>} : memref<128x256xf32, #tpu.memory_space<vmem>>, vector<1x16xf32>,
        %get3A_1610 = vector.shape_cast %get3A_1609 : vector<1x16xf32> to vector<16xf32>
        %sub3A_1611 = arith.subf %get3A_1610, %broadcast_in_dim3A_1539 : vector<16xf32>
        %mul3A_1612 = arith.mulf %sub3A_1611, %sub3A_1611 : vector<16xf32>
        %add3A_1613 = arith.addf %add3A_1494, %mul3A_1612 : vector<16xf32>
        %get3A_1614 = arith.index_cast %add3A_1543 : i32 to index
        %get3A_1615 = arith.constant 160 : index
        %get3A_1616 = tpu.vector_load %arg6[%get3A_1614, %get3A_1615] {strides = array<i32>} : memref<128x256xf32, #tpu.memory_space<vmem>>, vector<1x16xf32>,
        %get3A_1617 = vector.shape_cast %get3A_1616 : vector<1x16xf32> to vector<16xf32>
        %sub3A_1618 = arith.subf %get3A_1617, %broadcast_in_dim3A_1539 : vector<16xf32>
        %mul3A_1619 = arith.mulf %sub3A_1618, %sub3A_1618 : vector<16xf32>
        %add3A_1620 = arith.addf %add3A_1501, %mul3A_1619 : vector<16xf32>
        %get3A_1621 = arith.index_cast %add3A_1543 : i32 to index
        %get3A_1622 = arith.constant 176 : index
        %get3A_1623 = tpu.vector_load %arg6[%get3A_1621, %get3A_1622] {strides = array<i32>} : memref<128x256xf32, #tpu.memory_space<vmem>>, vector<1x16xf32>,
        %get3A_1624 = vector.shape_cast %get3A_1623 : vector<1x16xf32> to vector<16xf32>
        %sub3A_1625 = arith.subf %get3A_1624, %broadcast_in_dim3A_1539 : vector<16xf32>
        %mul3A_1626 = arith.mulf %sub3A_1625, %sub3A_1625 : vector<16xf32>
        %add3A_1627 = arith.addf %add3A_1508, %mul3A_1626 : vector<16xf32>
        %get3A_1628 = arith.index_cast %add3A_1543 : i32 to index
        %get3A_1629 = arith.constant 192 : index
        %get3A_1630 = tpu.vector_load %arg6[%get3A_1628, %get3A_1629] {strides = array<i32>} : memref<128x256xf32, #tpu.memory_space<vmem>>, vector<1x16xf32>,
        %get3A_1631 = vector.shape_cast %get3A_1630 : vector<1x16xf32> to vector<16xf32>
        %sub3A_1632 = arith.subf %get3A_1631, %broadcast_in_dim3A_1539 : vector<16xf32>
        %mul3A_1633 = arith.mulf %sub3A_1632, %sub3A_1632 : vector<16xf32>
        %add3A_1634 = arith.addf %add3A_1515, %mul3A_1633 : vector<16xf32>
        %get3A_1635 = arith.index_cast %add3A_1543 : i32 to index
        %get3A_1636 = arith.constant 208 : index
        %get3A_1637 = tpu.vector_load %arg6[%get3A_1635, %get3A_1636] {strides = array<i32>} : memref<128x256xf32, #tpu.memory_space<vmem>>, vector<1x16xf32>,
        %get3A_1638 = vector.shape_cast %get3A_1637 : vector<1x16xf32> to vector<16xf32>
        %sub3A_1639 = arith.subf %get3A_1638, %broadcast_in_dim3A_1539 : vector<16xf32>
        %mul3A_1640 = arith.mulf %sub3A_1639, %sub3A_1639 : vector<16xf32>
        %add3A_1641 = arith.addf %add3A_1522, %mul3A_1640 : vector<16xf32>
        %get3A_1642 = arith.index_cast %add3A_1543 : i32 to index
        %get3A_1643 = arith.constant 224 : index
        %get3A_1644 = tpu.vector_load %arg6[%get3A_1642, %get3A_1643] {strides = array<i32>} : memref<128x256xf32, #tpu.memory_space<vmem>>, vector<1x16xf32>,
        %get3A_1645 = vector.shape_cast %get3A_1644 : vector<1x16xf32> to vector<16xf32>
        %sub3A_1646 = arith.subf %get3A_1645, %broadcast_in_dim3A_1539 : vector<16xf32>
        %mul3A_1647 = arith.mulf %sub3A_1646, %sub3A_1646 : vector<16xf32>
        %add3A_1648 = arith.addf %add3A_1529, %mul3A_1647 : vector<16xf32>
        %get3A_1649 = arith.index_cast %add3A_1543 : i32 to index
        %get3A_1650 = arith.constant 240 : index
        %get3A_1651 = tpu.vector_load %arg6[%get3A_1649, %get3A_1650] {strides = array<i32>} : memref<128x256xf32, #tpu.memory_space<vmem>>, vector<1x16xf32>,
        %get3A_1652 = vector.shape_cast %get3A_1651 : vector<1x16xf32> to vector<16xf32>
        %sub3A_1653 = arith.subf %get3A_1652, %broadcast_in_dim3A_1539 : vector<16xf32>
        %mul3A_1654 = arith.mulf %sub3A_1653, %sub3A_1653 : vector<16xf32>
        %add3A_1655 = arith.addf %add3A_1536, %mul3A_1654 : vector<16xf32>
        %slice3A_1656 = vector.extract_strided_slice %get3A_436 {offsets = [10], sizes = [1], strides = [1]} : vector<16xf32> to vector<1xf32>
        %squeeze3A_1657 = vector.extract %slice3A_1656[0] : f32 from vector<1xf32>
        %broadcast_in_dim3A_1658 = vector.broadcast %squeeze3A_1657 : f32 to vector<16xf32>
        %mul3A_1659 = arith.constant 16 : i32
        %mul3A_1660 = arith.muli %scan3A_415, %mul3A_1659 : i32
        %add3A_1661 = arith.constant 10 : i32
        %add3A_1662 = arith.addi %mul3A_1660, %add3A_1661 : i32
        %get3A_1663 = arith.index_cast %add3A_1662 : i32 to index
        %get3A_1664 = arith.constant 0 : index
        %get3A_1665 = tpu.vector_load %arg6[%get3A_1663, %get3A_1664] {strides = array<i32>} : memref<128x256xf32, #tpu.memory_space<vmem>>, vector<1x16xf32>,
        %get3A_1666 = vector.shape_cast %get3A_1665 : vector<1x16xf32> to vector<16xf32>
        %sub3A_1667 = arith.subf %get3A_1666, %broadcast_in_dim3A_1658 : vector<16xf32>
        %mul3A_1668 = arith.mulf %sub3A_1667, %sub3A_1667 : vector<16xf32>
        %add3A_1669 = arith.addf %add3A_1550, %mul3A_1668 : vector<16xf32>
        %get3A_1670 = arith.index_cast %add3A_1662 : i32 to index
        %get3A_1671 = arith.constant 16 : index
        %get3A_1672 = tpu.vector_load %arg6[%get3A_1670, %get3A_1671] {strides = array<i32>} : memref<128x256xf32, #tpu.memory_space<vmem>>, vector<1x16xf32>,
        %get3A_1673 = vector.shape_cast %get3A_1672 : vector<1x16xf32> to vector<16xf32>
        %sub3A_1674 = arith.subf %get3A_1673, %broadcast_in_dim3A_1658 : vector<16xf32>
        %mul3A_1675 = arith.mulf %sub3A_1674, %sub3A_1674 : vector<16xf32>
        %add3A_1676 = arith.addf %add3A_1557, %mul3A_1675 : vector<16xf32>
        %get3A_1677 = arith.index_cast %add3A_1662 : i32 to index
        %get3A_1678 = arith.constant 32 : index
        %get3A_1679 = tpu.vector_load %arg6[%get3A_1677, %get3A_1678] {strides = array<i32>} : memref<128x256xf32, #tpu.memory_space<vmem>>, vector<1x16xf32>,
        %get3A_1680 = vector.shape_cast %get3A_1679 : vector<1x16xf32> to vector<16xf32>
        %sub3A_1681 = arith.subf %get3A_1680, %broadcast_in_dim3A_1658 : vector<16xf32>
        %mul3A_1682 = arith.mulf %sub3A_1681, %sub3A_1681 : vector<16xf32>
        %add3A_1683 = arith.addf %add3A_1564, %mul3A_1682 : vector<16xf32>
        %get3A_1684 = arith.index_cast %add3A_1662 : i32 to index
        %get3A_1685 = arith.constant 48 : index
        %get3A_1686 = tpu.vector_load %arg6[%get3A_1684, %get3A_1685] {strides = array<i32>} : memref<128x256xf32, #tpu.memory_space<vmem>>, vector<1x16xf32>,
        %get3A_1687 = vector.shape_cast %get3A_1686 : vector<1x16xf32> to vector<16xf32>
        %sub3A_1688 = arith.subf %get3A_1687, %broadcast_in_dim3A_1658 : vector<16xf32>
        %mul3A_1689 = arith.mulf %sub3A_1688, %sub3A_1688 : vector<16xf32>
        %add3A_1690 = arith.addf %add3A_1571, %mul3A_1689 : vector<16xf32>
        %get3A_1691 = arith.index_cast %add3A_1662 : i32 to index
        %get3A_1692 = arith.constant 64 : index
        %get3A_1693 = tpu.vector_load %arg6[%get3A_1691, %get3A_1692] {strides = array<i32>} : memref<128x256xf32, #tpu.memory_space<vmem>>, vector<1x16xf32>,
        %get3A_1694 = vector.shape_cast %get3A_1693 : vector<1x16xf32> to vector<16xf32>
        %sub3A_1695 = arith.subf %get3A_1694, %broadcast_in_dim3A_1658 : vector<16xf32>
        %mul3A_1696 = arith.mulf %sub3A_1695, %sub3A_1695 : vector<16xf32>
        %add3A_1697 = arith.addf %add3A_1578, %mul3A_1696 : vector<16xf32>
        %get3A_1698 = arith.index_cast %add3A_1662 : i32 to index
        %get3A_1699 = arith.constant 80 : index
        %get3A_1700 = tpu.vector_load %arg6[%get3A_1698, %get3A_1699] {strides = array<i32>} : memref<128x256xf32, #tpu.memory_space<vmem>>, vector<1x16xf32>,
        %get3A_1701 = vector.shape_cast %get3A_1700 : vector<1x16xf32> to vector<16xf32>
        %sub3A_1702 = arith.subf %get3A_1701, %broadcast_in_dim3A_1658 : vector<16xf32>
        %mul3A_1703 = arith.mulf %sub3A_1702, %sub3A_1702 : vector<16xf32>
        %add3A_1704 = arith.addf %add3A_1585, %mul3A_1703 : vector<16xf32>
        %get3A_1705 = arith.index_cast %add3A_1662 : i32 to index
        %get3A_1706 = arith.constant 96 : index
        %get3A_1707 = tpu.vector_load %arg6[%get3A_1705, %get3A_1706] {strides = array<i32>} : memref<128x256xf32, #tpu.memory_space<vmem>>, vector<1x16xf32>,
        %get3A_1708 = vector.shape_cast %get3A_1707 : vector<1x16xf32> to vector<16xf32>
        %sub3A_1709 = arith.subf %get3A_1708, %broadcast_in_dim3A_1658 : vector<16xf32>
        %mul3A_1710 = arith.mulf %sub3A_1709, %sub3A_1709 : vector<16xf32>
        %add3A_1711 = arith.addf %add3A_1592, %mul3A_1710 : vector<16xf32>
        %get3A_1712 = arith.index_cast %add3A_1662 : i32 to index
        %get3A_1713 = arith.constant 112 : index
        %get3A_1714 = tpu.vector_load %arg6[%get3A_1712, %get3A_1713] {strides = array<i32>} : memref<128x256xf32, #tpu.memory_space<vmem>>, vector<1x16xf32>,
        %get3A_1715 = vector.shape_cast %get3A_1714 : vector<1x16xf32> to vector<16xf32>
        %sub3A_1716 = arith.subf %get3A_1715, %broadcast_in_dim3A_1658 : vector<16xf32>
        %mul3A_1717 = arith.mulf %sub3A_1716, %sub3A_1716 : vector<16xf32>
        %add3A_1718 = arith.addf %add3A_1599, %mul3A_1717 : vector<16xf32>
        %get3A_1719 = arith.index_cast %add3A_1662 : i32 to index
        %get3A_1720 = arith.constant 128 : index
        %get3A_1721 = tpu.vector_load %arg6[%get3A_1719, %get3A_1720] {strides = array<i32>} : memref<128x256xf32, #tpu.memory_space<vmem>>, vector<1x16xf32>,
        %get3A_1722 = vector.shape_cast %get3A_1721 : vector<1x16xf32> to vector<16xf32>
        %sub3A_1723 = arith.subf %get3A_1722, %broadcast_in_dim3A_1658 : vector<16xf32>
        %mul3A_1724 = arith.mulf %sub3A_1723, %sub3A_1723 : vector<16xf32>
        %add3A_1725 = arith.addf %add3A_1606, %mul3A_1724 : vector<16xf32>
        %get3A_1726 = arith.index_cast %add3A_1662 : i32 to index
        %get3A_1727 = arith.constant 144 : index
        %get3A_1728 = tpu.vector_load %arg6[%get3A_1726, %get3A_1727] {strides = array<i32>} : memref<128x256xf32, #tpu.memory_space<vmem>>, vector<1x16xf32>,
        %get3A_1729 = vector.shape_cast %get3A_1728 : vector<1x16xf32> to vector<16xf32>
        %sub3A_1730 = arith.subf %get3A_1729, %broadcast_in_dim3A_1658 : vector<16xf32>
        %mul3A_1731 = arith.mulf %sub3A_1730, %sub3A_1730 : vector<16xf32>
        %add3A_1732 = arith.addf %add3A_1613, %mul3A_1731 : vector<16xf32>
        %get3A_1733 = arith.index_cast %add3A_1662 : i32 to index
        %get3A_1734 = arith.constant 160 : index
        %get3A_1735 = tpu.vector_load %arg6[%get3A_1733, %get3A_1734] {strides = array<i32>} : memref<128x256xf32, #tpu.memory_space<vmem>>, vector<1x16xf32>,
        %get3A_1736 = vector.shape_cast %get3A_1735 : vector<1x16xf32> to vector<16xf32>
        %sub3A_1737 = arith.subf %get3A_1736, %broadcast_in_dim3A_1658 : vector<16xf32>
        %mul3A_1738 = arith.mulf %sub3A_1737, %sub3A_1737 : vector<16xf32>
        %add3A_1739 = arith.addf %add3A_1620, %mul3A_1738 : vector<16xf32>
        %get3A_1740 = arith.index_cast %add3A_1662 : i32 to index
        %get3A_1741 = arith.constant 176 : index
        %get3A_1742 = tpu.vector_load %arg6[%get3A_1740, %get3A_1741] {strides = array<i32>} : memref<128x256xf32, #tpu.memory_space<vmem>>, vector<1x16xf32>,
        %get3A_1743 = vector.shape_cast %get3A_1742 : vector<1x16xf32> to vector<16xf32>
        %sub3A_1744 = arith.subf %get3A_1743, %broadcast_in_dim3A_1658 : vector<16xf32>
        %mul3A_1745 = arith.mulf %sub3A_1744, %sub3A_1744 : vector<16xf32>
        %add3A_1746 = arith.addf %add3A_1627, %mul3A_1745 : vector<16xf32>
        %get3A_1747 = arith.index_cast %add3A_1662 : i32 to index
        %get3A_1748 = arith.constant 192 : index
        %get3A_1749 = tpu.vector_load %arg6[%get3A_1747, %get3A_1748] {strides = array<i32>} : memref<128x256xf32, #tpu.memory_space<vmem>>, vector<1x16xf32>,
        %get3A_1750 = vector.shape_cast %get3A_1749 : vector<1x16xf32> to vector<16xf32>
        %sub3A_1751 = arith.subf %get3A_1750, %broadcast_in_dim3A_1658 : vector<16xf32>
        %mul3A_1752 = arith.mulf %sub3A_1751, %sub3A_1751 : vector<16xf32>
        %add3A_1753 = arith.addf %add3A_1634, %mul3A_1752 : vector<16xf32>
        %get3A_1754 = arith.index_cast %add3A_1662 : i32 to index
        %get3A_1755 = arith.constant 208 : index
        %get3A_1756 = tpu.vector_load %arg6[%get3A_1754, %get3A_1755] {strides = array<i32>} : memref<128x256xf32, #tpu.memory_space<vmem>>, vector<1x16xf32>,
        %get3A_1757 = vector.shape_cast %get3A_1756 : vector<1x16xf32> to vector<16xf32>
        %sub3A_1758 = arith.subf %get3A_1757, %broadcast_in_dim3A_1658 : vector<16xf32>
        %mul3A_1759 = arith.mulf %sub3A_1758, %sub3A_1758 : vector<16xf32>
        %add3A_1760 = arith.addf %add3A_1641, %mul3A_1759 : vector<16xf32>
        %get3A_1761 = arith.index_cast %add3A_1662 : i32 to index
        %get3A_1762 = arith.constant 224 : index
        %get3A_1763 = tpu.vector_load %arg6[%get3A_1761, %get3A_1762] {strides = array<i32>} : memref<128x256xf32, #tpu.memory_space<vmem>>, vector<1x16xf32>,
        %get3A_1764 = vector.shape_cast %get3A_1763 : vector<1x16xf32> to vector<16xf32>
        %sub3A_1765 = arith.subf %get3A_1764, %broadcast_in_dim3A_1658 : vector<16xf32>
        %mul3A_1766 = arith.mulf %sub3A_1765, %sub3A_1765 : vector<16xf32>
        %add3A_1767 = arith.addf %add3A_1648, %mul3A_1766 : vector<16xf32>
        %get3A_1768 = arith.index_cast %add3A_1662 : i32 to index
        %get3A_1769 = arith.constant 240 : index
        %get3A_1770 = tpu.vector_load %arg6[%get3A_1768, %get3A_1769] {strides = array<i32>} : memref<128x256xf32, #tpu.memory_space<vmem>>, vector<1x16xf32>,
        %get3A_1771 = vector.shape_cast %get3A_1770 : vector<1x16xf32> to vector<16xf32>
        %sub3A_1772 = arith.subf %get3A_1771, %broadcast_in_dim3A_1658 : vector<16xf32>
        %mul3A_1773 = arith.mulf %sub3A_1772, %sub3A_1772 : vector<16xf32>
        %add3A_1774 = arith.addf %add3A_1655, %mul3A_1773 : vector<16xf32>
        %slice3A_1775 = vector.extract_strided_slice %get3A_436 {offsets = [11], sizes = [1], strides = [1]} : vector<16xf32> to vector<1xf32>
        %squeeze3A_1776 = vector.extract %slice3A_1775[0] : f32 from vector<1xf32>
        %broadcast_in_dim3A_1777 = vector.broadcast %squeeze3A_1776 : f32 to vector<16xf32>
        %mul3A_1778 = arith.constant 16 : i32
        %mul3A_1779 = arith.muli %scan3A_415, %mul3A_1778 : i32
        %add3A_1780 = arith.constant 11 : i32
        %add3A_1781 = arith.addi %mul3A_1779, %add3A_1780 : i32
        %get3A_1782 = arith.index_cast %add3A_1781 : i32 to index
        %get3A_1783 = arith.constant 0 : index
        %get3A_1784 = tpu.vector_load %arg6[%get3A_1782, %get3A_1783] {strides = array<i32>} : memref<128x256xf32, #tpu.memory_space<vmem>>, vector<1x16xf32>,
        %get3A_1785 = vector.shape_cast %get3A_1784 : vector<1x16xf32> to vector<16xf32>
        %sub3A_1786 = arith.subf %get3A_1785, %broadcast_in_dim3A_1777 : vector<16xf32>
        %mul3A_1787 = arith.mulf %sub3A_1786, %sub3A_1786 : vector<16xf32>
        %add3A_1788 = arith.addf %add3A_1669, %mul3A_1787 : vector<16xf32>
        %get3A_1789 = arith.index_cast %add3A_1781 : i32 to index
        %get3A_1790 = arith.constant 16 : index
        %get3A_1791 = tpu.vector_load %arg6[%get3A_1789, %get3A_1790] {strides = array<i32>} : memref<128x256xf32, #tpu.memory_space<vmem>>, vector<1x16xf32>,
        %get3A_1792 = vector.shape_cast %get3A_1791 : vector<1x16xf32> to vector<16xf32>
        %sub3A_1793 = arith.subf %get3A_1792, %broadcast_in_dim3A_1777 : vector<16xf32>
        %mul3A_1794 = arith.mulf %sub3A_1793, %sub3A_1793 : vector<16xf32>
        %add3A_1795 = arith.addf %add3A_1676, %mul3A_1794 : vector<16xf32>
        %get3A_1796 = arith.index_cast %add3A_1781 : i32 to index
        %get3A_1797 = arith.constant 32 : index
        %get3A_1798 = tpu.vector_load %arg6[%get3A_1796, %get3A_1797] {strides = array<i32>} : memref<128x256xf32, #tpu.memory_space<vmem>>, vector<1x16xf32>,
        %get3A_1799 = vector.shape_cast %get3A_1798 : vector<1x16xf32> to vector<16xf32>
        %sub3A_1800 = arith.subf %get3A_1799, %broadcast_in_dim3A_1777 : vector<16xf32>
        %mul3A_1801 = arith.mulf %sub3A_1800, %sub3A_1800 : vector<16xf32>
        %add3A_1802 = arith.addf %add3A_1683, %mul3A_1801 : vector<16xf32>
        %get3A_1803 = arith.index_cast %add3A_1781 : i32 to index
        %get3A_1804 = arith.constant 48 : index
        %get3A_1805 = tpu.vector_load %arg6[%get3A_1803, %get3A_1804] {strides = array<i32>} : memref<128x256xf32, #tpu.memory_space<vmem>>, vector<1x16xf32>,
        %get3A_1806 = vector.shape_cast %get3A_1805 : vector<1x16xf32> to vector<16xf32>
        %sub3A_1807 = arith.subf %get3A_1806, %broadcast_in_dim3A_1777 : vector<16xf32>
        %mul3A_1808 = arith.mulf %sub3A_1807, %sub3A_1807 : vector<16xf32>
        %add3A_1809 = arith.addf %add3A_1690, %mul3A_1808 : vector<16xf32>
        %get3A_1810 = arith.index_cast %add3A_1781 : i32 to index
        %get3A_1811 = arith.constant 64 : index
        %get3A_1812 = tpu.vector_load %arg6[%get3A_1810, %get3A_1811] {strides = array<i32>} : memref<128x256xf32, #tpu.memory_space<vmem>>, vector<1x16xf32>,
        %get3A_1813 = vector.shape_cast %get3A_1812 : vector<1x16xf32> to vector<16xf32>
        %sub3A_1814 = arith.subf %get3A_1813, %broadcast_in_dim3A_1777 : vector<16xf32>
        %mul3A_1815 = arith.mulf %sub3A_1814, %sub3A_1814 : vector<16xf32>
        %add3A_1816 = arith.addf %add3A_1697, %mul3A_1815 : vector<16xf32>
        %get3A_1817 = arith.index_cast %add3A_1781 : i32 to index
        %get3A_1818 = arith.constant 80 : index
        %get3A_1819 = tpu.vector_load %arg6[%get3A_1817, %get3A_1818] {strides = array<i32>} : memref<128x256xf32, #tpu.memory_space<vmem>>, vector<1x16xf32>,
        %get3A_1820 = vector.shape_cast %get3A_1819 : vector<1x16xf32> to vector<16xf32>
        %sub3A_1821 = arith.subf %get3A_1820, %broadcast_in_dim3A_1777 : vector<16xf32>
        %mul3A_1822 = arith.mulf %sub3A_1821, %sub3A_1821 : vector<16xf32>
        %add3A_1823 = arith.addf %add3A_1704, %mul3A_1822 : vector<16xf32>
        %get3A_1824 = arith.index_cast %add3A_1781 : i32 to index
        %get3A_1825 = arith.constant 96 : index
        %get3A_1826 = tpu.vector_load %arg6[%get3A_1824, %get3A_1825] {strides = array<i32>} : memref<128x256xf32, #tpu.memory_space<vmem>>, vector<1x16xf32>,
        %get3A_1827 = vector.shape_cast %get3A_1826 : vector<1x16xf32> to vector<16xf32>
        %sub3A_1828 = arith.subf %get3A_1827, %broadcast_in_dim3A_1777 : vector<16xf32>
        %mul3A_1829 = arith.mulf %sub3A_1828, %sub3A_1828 : vector<16xf32>
        %add3A_1830 = arith.addf %add3A_1711, %mul3A_1829 : vector<16xf32>
        %get3A_1831 = arith.index_cast %add3A_1781 : i32 to index
        %get3A_1832 = arith.constant 112 : index
        %get3A_1833 = tpu.vector_load %arg6[%get3A_1831, %get3A_1832] {strides = array<i32>} : memref<128x256xf32, #tpu.memory_space<vmem>>, vector<1x16xf32>,
        %get3A_1834 = vector.shape_cast %get3A_1833 : vector<1x16xf32> to vector<16xf32>
        %sub3A_1835 = arith.subf %get3A_1834, %broadcast_in_dim3A_1777 : vector<16xf32>
        %mul3A_1836 = arith.mulf %sub3A_1835, %sub3A_1835 : vector<16xf32>
        %add3A_1837 = arith.addf %add3A_1718, %mul3A_1836 : vector<16xf32>
        %get3A_1838 = arith.index_cast %add3A_1781 : i32 to index
        %get3A_1839 = arith.constant 128 : index
        %get3A_1840 = tpu.vector_load %arg6[%get3A_1838, %get3A_1839] {strides = array<i32>} : memref<128x256xf32, #tpu.memory_space<vmem>>, vector<1x16xf32>,
        %get3A_1841 = vector.shape_cast %get3A_1840 : vector<1x16xf32> to vector<16xf32>
        %sub3A_1842 = arith.subf %get3A_1841, %broadcast_in_dim3A_1777 : vector<16xf32>
        %mul3A_1843 = arith.mulf %sub3A_1842, %sub3A_1842 : vector<16xf32>
        %add3A_1844 = arith.addf %add3A_1725, %mul3A_1843 : vector<16xf32>
        %get3A_1845 = arith.index_cast %add3A_1781 : i32 to index
        %get3A_1846 = arith.constant 144 : index
        %get3A_1847 = tpu.vector_load %arg6[%get3A_1845, %get3A_1846] {strides = array<i32>} : memref<128x256xf32, #tpu.memory_space<vmem>>, vector<1x16xf32>,
        %get3A_1848 = vector.shape_cast %get3A_1847 : vector<1x16xf32> to vector<16xf32>
        %sub3A_1849 = arith.subf %get3A_1848, %broadcast_in_dim3A_1777 : vector<16xf32>
        %mul3A_1850 = arith.mulf %sub3A_1849, %sub3A_1849 : vector<16xf32>
        %add3A_1851 = arith.addf %add3A_1732, %mul3A_1850 : vector<16xf32>
        %get3A_1852 = arith.index_cast %add3A_1781 : i32 to index
        %get3A_1853 = arith.constant 160 : index
        %get3A_1854 = tpu.vector_load %arg6[%get3A_1852, %get3A_1853] {strides = array<i32>} : memref<128x256xf32, #tpu.memory_space<vmem>>, vector<1x16xf32>,
        %get3A_1855 = vector.shape_cast %get3A_1854 : vector<1x16xf32> to vector<16xf32>
        %sub3A_1856 = arith.subf %get3A_1855, %broadcast_in_dim3A_1777 : vector<16xf32>
        %mul3A_1857 = arith.mulf %sub3A_1856, %sub3A_1856 : vector<16xf32>
        %add3A_1858 = arith.addf %add3A_1739, %mul3A_1857 : vector<16xf32>
        %get3A_1859 = arith.index_cast %add3A_1781 : i32 to index
        %get3A_1860 = arith.constant 176 : index
        %get3A_1861 = tpu.vector_load %arg6[%get3A_1859, %get3A_1860] {strides = array<i32>} : memref<128x256xf32, #tpu.memory_space<vmem>>, vector<1x16xf32>,
        %get3A_1862 = vector.shape_cast %get3A_1861 : vector<1x16xf32> to vector<16xf32>
        %sub3A_1863 = arith.subf %get3A_1862, %broadcast_in_dim3A_1777 : vector<16xf32>
        %mul3A_1864 = arith.mulf %sub3A_1863, %sub3A_1863 : vector<16xf32>
        %add3A_1865 = arith.addf %add3A_1746, %mul3A_1864 : vector<16xf32>
        %get3A_1866 = arith.index_cast %add3A_1781 : i32 to index
        %get3A_1867 = arith.constant 192 : index
        %get3A_1868 = tpu.vector_load %arg6[%get3A_1866, %get3A_1867] {strides = array<i32>} : memref<128x256xf32, #tpu.memory_space<vmem>>, vector<1x16xf32>,
        %get3A_1869 = vector.shape_cast %get3A_1868 : vector<1x16xf32> to vector<16xf32>
        %sub3A_1870 = arith.subf %get3A_1869, %broadcast_in_dim3A_1777 : vector<16xf32>
        %mul3A_1871 = arith.mulf %sub3A_1870, %sub3A_1870 : vector<16xf32>
        %add3A_1872 = arith.addf %add3A_1753, %mul3A_1871 : vector<16xf32>
        %get3A_1873 = arith.index_cast %add3A_1781 : i32 to index
        %get3A_1874 = arith.constant 208 : index
        %get3A_1875 = tpu.vector_load %arg6[%get3A_1873, %get3A_1874] {strides = array<i32>} : memref<128x256xf32, #tpu.memory_space<vmem>>, vector<1x16xf32>,
        %get3A_1876 = vector.shape_cast %get3A_1875 : vector<1x16xf32> to vector<16xf32>
        %sub3A_1877 = arith.subf %get3A_1876, %broadcast_in_dim3A_1777 : vector<16xf32>
        %mul3A_1878 = arith.mulf %sub3A_1877, %sub3A_1877 : vector<16xf32>
        %add3A_1879 = arith.addf %add3A_1760, %mul3A_1878 : vector<16xf32>
        %get3A_1880 = arith.index_cast %add3A_1781 : i32 to index
        %get3A_1881 = arith.constant 224 : index
        %get3A_1882 = tpu.vector_load %arg6[%get3A_1880, %get3A_1881] {strides = array<i32>} : memref<128x256xf32, #tpu.memory_space<vmem>>, vector<1x16xf32>,
        %get3A_1883 = vector.shape_cast %get3A_1882 : vector<1x16xf32> to vector<16xf32>
        %sub3A_1884 = arith.subf %get3A_1883, %broadcast_in_dim3A_1777 : vector<16xf32>
        %mul3A_1885 = arith.mulf %sub3A_1884, %sub3A_1884 : vector<16xf32>
        %add3A_1886 = arith.addf %add3A_1767, %mul3A_1885 : vector<16xf32>
        %get3A_1887 = arith.index_cast %add3A_1781 : i32 to index
        %get3A_1888 = arith.constant 240 : index
        %get3A_1889 = tpu.vector_load %arg6[%get3A_1887, %get3A_1888] {strides = array<i32>} : memref<128x256xf32, #tpu.memory_space<vmem>>, vector<1x16xf32>,
        %get3A_1890 = vector.shape_cast %get3A_1889 : vector<1x16xf32> to vector<16xf32>
        %sub3A_1891 = arith.subf %get3A_1890, %broadcast_in_dim3A_1777 : vector<16xf32>
        %mul3A_1892 = arith.mulf %sub3A_1891, %sub3A_1891 : vector<16xf32>
        %add3A_1893 = arith.addf %add3A_1774, %mul3A_1892 : vector<16xf32>
        %slice3A_1894 = vector.extract_strided_slice %get3A_436 {offsets = [12], sizes = [1], strides = [1]} : vector<16xf32> to vector<1xf32>
        %squeeze3A_1895 = vector.extract %slice3A_1894[0] : f32 from vector<1xf32>
        %broadcast_in_dim3A_1896 = vector.broadcast %squeeze3A_1895 : f32 to vector<16xf32>
        %mul3A_1897 = arith.constant 16 : i32
        %mul3A_1898 = arith.muli %scan3A_415, %mul3A_1897 : i32
        %add3A_1899 = arith.constant 12 : i32
        %add3A_1900 = arith.addi %mul3A_1898, %add3A_1899 : i32
        %get3A_1901 = arith.index_cast %add3A_1900 : i32 to index
        %get3A_1902 = arith.constant 0 : index
        %get3A_1903 = tpu.vector_load %arg6[%get3A_1901, %get3A_1902] {strides = array<i32>} : memref<128x256xf32, #tpu.memory_space<vmem>>, vector<1x16xf32>,
        %get3A_1904 = vector.shape_cast %get3A_1903 : vector<1x16xf32> to vector<16xf32>
        %sub3A_1905 = arith.subf %get3A_1904, %broadcast_in_dim3A_1896 : vector<16xf32>
        %mul3A_1906 = arith.mulf %sub3A_1905, %sub3A_1905 : vector<16xf32>
        %add3A_1907 = arith.addf %add3A_1788, %mul3A_1906 : vector<16xf32>
        %get3A_1908 = arith.index_cast %add3A_1900 : i32 to index
        %get3A_1909 = arith.constant 16 : index
        %get3A_1910 = tpu.vector_load %arg6[%get3A_1908, %get3A_1909] {strides = array<i32>} : memref<128x256xf32, #tpu.memory_space<vmem>>, vector<1x16xf32>,
        %get3A_1911 = vector.shape_cast %get3A_1910 : vector<1x16xf32> to vector<16xf32>
        %sub3A_1912 = arith.subf %get3A_1911, %broadcast_in_dim3A_1896 : vector<16xf32>
        %mul3A_1913 = arith.mulf %sub3A_1912, %sub3A_1912 : vector<16xf32>
        %add3A_1914 = arith.addf %add3A_1795, %mul3A_1913 : vector<16xf32>
        %get3A_1915 = arith.index_cast %add3A_1900 : i32 to index
        %get3A_1916 = arith.constant 32 : index
        %get3A_1917 = tpu.vector_load %arg6[%get3A_1915, %get3A_1916] {strides = array<i32>} : memref<128x256xf32, #tpu.memory_space<vmem>>, vector<1x16xf32>,
        %get3A_1918 = vector.shape_cast %get3A_1917 : vector<1x16xf32> to vector<16xf32>
        %sub3A_1919 = arith.subf %get3A_1918, %broadcast_in_dim3A_1896 : vector<16xf32>
        %mul3A_1920 = arith.mulf %sub3A_1919, %sub3A_1919 : vector<16xf32>
        %add3A_1921 = arith.addf %add3A_1802, %mul3A_1920 : vector<16xf32>
        %get3A_1922 = arith.index_cast %add3A_1900 : i32 to index
        %get3A_1923 = arith.constant 48 : index
        %get3A_1924 = tpu.vector_load %arg6[%get3A_1922, %get3A_1923] {strides = array<i32>} : memref<128x256xf32, #tpu.memory_space<vmem>>, vector<1x16xf32>,
        %get3A_1925 = vector.shape_cast %get3A_1924 : vector<1x16xf32> to vector<16xf32>
        %sub3A_1926 = arith.subf %get3A_1925, %broadcast_in_dim3A_1896 : vector<16xf32>
        %mul3A_1927 = arith.mulf %sub3A_1926, %sub3A_1926 : vector<16xf32>
        %add3A_1928 = arith.addf %add3A_1809, %mul3A_1927 : vector<16xf32>
        %get3A_1929 = arith.index_cast %add3A_1900 : i32 to index
        %get3A_1930 = arith.constant 64 : index
        %get3A_1931 = tpu.vector_load %arg6[%get3A_1929, %get3A_1930] {strides = array<i32>} : memref<128x256xf32, #tpu.memory_space<vmem>>, vector<1x16xf32>,
        %get3A_1932 = vector.shape_cast %get3A_1931 : vector<1x16xf32> to vector<16xf32>
        %sub3A_1933 = arith.subf %get3A_1932, %broadcast_in_dim3A_1896 : vector<16xf32>
        %mul3A_1934 = arith.mulf %sub3A_1933, %sub3A_1933 : vector<16xf32>
        %add3A_1935 = arith.addf %add3A_1816, %mul3A_1934 : vector<16xf32>
        %get3A_1936 = arith.index_cast %add3A_1900 : i32 to index
        %get3A_1937 = arith.constant 80 : index
        %get3A_1938 = tpu.vector_load %arg6[%get3A_1936, %get3A_1937] {strides = array<i32>} : memref<128x256xf32, #tpu.memory_space<vmem>>, vector<1x16xf32>,
        %get3A_1939 = vector.shape_cast %get3A_1938 : vector<1x16xf32> to vector<16xf32>
        %sub3A_1940 = arith.subf %get3A_1939, %broadcast_in_dim3A_1896 : vector<16xf32>
        %mul3A_1941 = arith.mulf %sub3A_1940, %sub3A_1940 : vector<16xf32>
        %add3A_1942 = arith.addf %add3A_1823, %mul3A_1941 : vector<16xf32>
        %get3A_1943 = arith.index_cast %add3A_1900 : i32 to index
        %get3A_1944 = arith.constant 96 : index
        %get3A_1945 = tpu.vector_load %arg6[%get3A_1943, %get3A_1944] {strides = array<i32>} : memref<128x256xf32, #tpu.memory_space<vmem>>, vector<1x16xf32>,
        %get3A_1946 = vector.shape_cast %get3A_1945 : vector<1x16xf32> to vector<16xf32>
        %sub3A_1947 = arith.subf %get3A_1946, %broadcast_in_dim3A_1896 : vector<16xf32>
        %mul3A_1948 = arith.mulf %sub3A_1947, %sub3A_1947 : vector<16xf32>
        %add3A_1949 = arith.addf %add3A_1830, %mul3A_1948 : vector<16xf32>
        %get3A_1950 = arith.index_cast %add3A_1900 : i32 to index
        %get3A_1951 = arith.constant 112 : index
        %get3A_1952 = tpu.vector_load %arg6[%get3A_1950, %get3A_1951] {strides = array<i32>} : memref<128x256xf32, #tpu.memory_space<vmem>>, vector<1x16xf32>,
        %get3A_1953 = vector.shape_cast %get3A_1952 : vector<1x16xf32> to vector<16xf32>
        %sub3A_1954 = arith.subf %get3A_1953, %broadcast_in_dim3A_1896 : vector<16xf32>
        %mul3A_1955 = arith.mulf %sub3A_1954, %sub3A_1954 : vector<16xf32>
        %add3A_1956 = arith.addf %add3A_1837, %mul3A_1955 : vector<16xf32>
        %get3A_1957 = arith.index_cast %add3A_1900 : i32 to index
        %get3A_1958 = arith.constant 128 : index
        %get3A_1959 = tpu.vector_load %arg6[%get3A_1957, %get3A_1958] {strides = array<i32>} : memref<128x256xf32, #tpu.memory_space<vmem>>, vector<1x16xf32>,
        %get3A_1960 = vector.shape_cast %get3A_1959 : vector<1x16xf32> to vector<16xf32>
        %sub3A_1961 = arith.subf %get3A_1960, %broadcast_in_dim3A_1896 : vector<16xf32>
        %mul3A_1962 = arith.mulf %sub3A_1961, %sub3A_1961 : vector<16xf32>
        %add3A_1963 = arith.addf %add3A_1844, %mul3A_1962 : vector<16xf32>
        %get3A_1964 = arith.index_cast %add3A_1900 : i32 to index
        %get3A_1965 = arith.constant 144 : index
        %get3A_1966 = tpu.vector_load %arg6[%get3A_1964, %get3A_1965] {strides = array<i32>} : memref<128x256xf32, #tpu.memory_space<vmem>>, vector<1x16xf32>,
        %get3A_1967 = vector.shape_cast %get3A_1966 : vector<1x16xf32> to vector<16xf32>
        %sub3A_1968 = arith.subf %get3A_1967, %broadcast_in_dim3A_1896 : vector<16xf32>
        %mul3A_1969 = arith.mulf %sub3A_1968, %sub3A_1968 : vector<16xf32>
        %add3A_1970 = arith.addf %add3A_1851, %mul3A_1969 : vector<16xf32>
        %get3A_1971 = arith.index_cast %add3A_1900 : i32 to index
        %get3A_1972 = arith.constant 160 : index
        %get3A_1973 = tpu.vector_load %arg6[%get3A_1971, %get3A_1972] {strides = array<i32>} : memref<128x256xf32, #tpu.memory_space<vmem>>, vector<1x16xf32>,
        %get3A_1974 = vector.shape_cast %get3A_1973 : vector<1x16xf32> to vector<16xf32>
        %sub3A_1975 = arith.subf %get3A_1974, %broadcast_in_dim3A_1896 : vector<16xf32>
        %mul3A_1976 = arith.mulf %sub3A_1975, %sub3A_1975 : vector<16xf32>
        %add3A_1977 = arith.addf %add3A_1858, %mul3A_1976 : vector<16xf32>
        %get3A_1978 = arith.index_cast %add3A_1900 : i32 to index
        %get3A_1979 = arith.constant 176 : index
        %get3A_1980 = tpu.vector_load %arg6[%get3A_1978, %get3A_1979] {strides = array<i32>} : memref<128x256xf32, #tpu.memory_space<vmem>>, vector<1x16xf32>,
        %get3A_1981 = vector.shape_cast %get3A_1980 : vector<1x16xf32> to vector<16xf32>
        %sub3A_1982 = arith.subf %get3A_1981, %broadcast_in_dim3A_1896 : vector<16xf32>
        %mul3A_1983 = arith.mulf %sub3A_1982, %sub3A_1982 : vector<16xf32>
        %add3A_1984 = arith.addf %add3A_1865, %mul3A_1983 : vector<16xf32>
        %get3A_1985 = arith.index_cast %add3A_1900 : i32 to index
        %get3A_1986 = arith.constant 192 : index
        %get3A_1987 = tpu.vector_load %arg6[%get3A_1985, %get3A_1986] {strides = array<i32>} : memref<128x256xf32, #tpu.memory_space<vmem>>, vector<1x16xf32>,
        %get3A_1988 = vector.shape_cast %get3A_1987 : vector<1x16xf32> to vector<16xf32>
        %sub3A_1989 = arith.subf %get3A_1988, %broadcast_in_dim3A_1896 : vector<16xf32>
        %mul3A_1990 = arith.mulf %sub3A_1989, %sub3A_1989 : vector<16xf32>
        %add3A_1991 = arith.addf %add3A_1872, %mul3A_1990 : vector<16xf32>
        %get3A_1992 = arith.index_cast %add3A_1900 : i32 to index
        %get3A_1993 = arith.constant 208 : index
        %get3A_1994 = tpu.vector_load %arg6[%get3A_1992, %get3A_1993] {strides = array<i32>} : memref<128x256xf32, #tpu.memory_space<vmem>>, vector<1x16xf32>,
        %get3A_1995 = vector.shape_cast %get3A_1994 : vector<1x16xf32> to vector<16xf32>
        %sub3A_1996 = arith.subf %get3A_1995, %broadcast_in_dim3A_1896 : vector<16xf32>
        %mul3A_1997 = arith.mulf %sub3A_1996, %sub3A_1996 : vector<16xf32>
        %add3A_1998 = arith.addf %add3A_1879, %mul3A_1997 : vector<16xf32>
        %get3A_1999 = arith.index_cast %add3A_1900 : i32 to index
        %get3A_2000 = arith.constant 224 : index
        %get3A_2001 = tpu.vector_load %arg6[%get3A_1999, %get3A_2000] {strides = array<i32>} : memref<128x256xf32, #tpu.memory_space<vmem>>, vector<1x16xf32>,
        %get3A_2002 = vector.shape_cast %get3A_2001 : vector<1x16xf32> to vector<16xf32>
        %sub3A_2003 = arith.subf %get3A_2002, %broadcast_in_dim3A_1896 : vector<16xf32>
        %mul3A_2004 = arith.mulf %sub3A_2003, %sub3A_2003 : vector<16xf32>
        %add3A_2005 = arith.addf %add3A_1886, %mul3A_2004 : vector<16xf32>
        %get3A_2006 = arith.index_cast %add3A_1900 : i32 to index
        %get3A_2007 = arith.constant 240 : index
        %get3A_2008 = tpu.vector_load %arg6[%get3A_2006, %get3A_2007] {strides = array<i32>} : memref<128x256xf32, #tpu.memory_space<vmem>>, vector<1x16xf32>,
        %get3A_2009 = vector.shape_cast %get3A_2008 : vector<1x16xf32> to vector<16xf32>
        %sub3A_2010 = arith.subf %get3A_2009, %broadcast_in_dim3A_1896 : vector<16xf32>
        %mul3A_2011 = arith.mulf %sub3A_2010, %sub3A_2010 : vector<16xf32>
        %add3A_2012 = arith.addf %add3A_1893, %mul3A_2011 : vector<16xf32>
        %slice3A_2013 = vector.extract_strided_slice %get3A_436 {offsets = [13], sizes = [1], strides = [1]} : vector<16xf32> to vector<1xf32>
        %squeeze3A_2014 = vector.extract %slice3A_2013[0] : f32 from vector<1xf32>
        %broadcast_in_dim3A_2015 = vector.broadcast %squeeze3A_2014 : f32 to vector<16xf32>
        %mul3A_2016 = arith.constant 16 : i32
        %mul3A_2017 = arith.muli %scan3A_415, %mul3A_2016 : i32
        %add3A_2018 = arith.constant 13 : i32
        %add3A_2019 = arith.addi %mul3A_2017, %add3A_2018 : i32
        %get3A_2020 = arith.index_cast %add3A_2019 : i32 to index
        %get3A_2021 = arith.constant 0 : index
        %get3A_2022 = tpu.vector_load %arg6[%get3A_2020, %get3A_2021] {strides = array<i32>} : memref<128x256xf32, #tpu.memory_space<vmem>>, vector<1x16xf32>,
        %get3A_2023 = vector.shape_cast %get3A_2022 : vector<1x16xf32> to vector<16xf32>
        %sub3A_2024 = arith.subf %get3A_2023, %broadcast_in_dim3A_2015 : vector<16xf32>
        %mul3A_2025 = arith.mulf %sub3A_2024, %sub3A_2024 : vector<16xf32>
        %add3A_2026 = arith.addf %add3A_1907, %mul3A_2025 : vector<16xf32>
        %get3A_2027 = arith.index_cast %add3A_2019 : i32 to index
        %get3A_2028 = arith.constant 16 : index
        %get3A_2029 = tpu.vector_load %arg6[%get3A_2027, %get3A_2028] {strides = array<i32>} : memref<128x256xf32, #tpu.memory_space<vmem>>, vector<1x16xf32>,
        %get3A_2030 = vector.shape_cast %get3A_2029 : vector<1x16xf32> to vector<16xf32>
        %sub3A_2031 = arith.subf %get3A_2030, %broadcast_in_dim3A_2015 : vector<16xf32>
        %mul3A_2032 = arith.mulf %sub3A_2031, %sub3A_2031 : vector<16xf32>
        %add3A_2033 = arith.addf %add3A_1914, %mul3A_2032 : vector<16xf32>
        %get3A_2034 = arith.index_cast %add3A_2019 : i32 to index
        %get3A_2035 = arith.constant 32 : index
        %get3A_2036 = tpu.vector_load %arg6[%get3A_2034, %get3A_2035] {strides = array<i32>} : memref<128x256xf32, #tpu.memory_space<vmem>>, vector<1x16xf32>,
        %get3A_2037 = vector.shape_cast %get3A_2036 : vector<1x16xf32> to vector<16xf32>
        %sub3A_2038 = arith.subf %get3A_2037, %broadcast_in_dim3A_2015 : vector<16xf32>
        %mul3A_2039 = arith.mulf %sub3A_2038, %sub3A_2038 : vector<16xf32>
        %add3A_2040 = arith.addf %add3A_1921, %mul3A_2039 : vector<16xf32>
        %get3A_2041 = arith.index_cast %add3A_2019 : i32 to index
        %get3A_2042 = arith.constant 48 : index
        %get3A_2043 = tpu.vector_load %arg6[%get3A_2041, %get3A_2042] {strides = array<i32>} : memref<128x256xf32, #tpu.memory_space<vmem>>, vector<1x16xf32>,
        %get3A_2044 = vector.shape_cast %get3A_2043 : vector<1x16xf32> to vector<16xf32>
        %sub3A_2045 = arith.subf %get3A_2044, %broadcast_in_dim3A_2015 : vector<16xf32>
        %mul3A_2046 = arith.mulf %sub3A_2045, %sub3A_2045 : vector<16xf32>
        %add3A_2047 = arith.addf %add3A_1928, %mul3A_2046 : vector<16xf32>
        %get3A_2048 = arith.index_cast %add3A_2019 : i32 to index
        %get3A_2049 = arith.constant 64 : index
        %get3A_2050 = tpu.vector_load %arg6[%get3A_2048, %get3A_2049] {strides = array<i32>} : memref<128x256xf32, #tpu.memory_space<vmem>>, vector<1x16xf32>,
        %get3A_2051 = vector.shape_cast %get3A_2050 : vector<1x16xf32> to vector<16xf32>
        %sub3A_2052 = arith.subf %get3A_2051, %broadcast_in_dim3A_2015 : vector<16xf32>
        %mul3A_2053 = arith.mulf %sub3A_2052, %sub3A_2052 : vector<16xf32>
        %add3A_2054 = arith.addf %add3A_1935, %mul3A_2053 : vector<16xf32>
        %get3A_2055 = arith.index_cast %add3A_2019 : i32 to index
        %get3A_2056 = arith.constant 80 : index
        %get3A_2057 = tpu.vector_load %arg6[%get3A_2055, %get3A_2056] {strides = array<i32>} : memref<128x256xf32, #tpu.memory_space<vmem>>, vector<1x16xf32>,
        %get3A_2058 = vector.shape_cast %get3A_2057 : vector<1x16xf32> to vector<16xf32>
        %sub3A_2059 = arith.subf %get3A_2058, %broadcast_in_dim3A_2015 : vector<16xf32>
        %mul3A_2060 = arith.mulf %sub3A_2059, %sub3A_2059 : vector<16xf32>
        %add3A_2061 = arith.addf %add3A_1942, %mul3A_2060 : vector<16xf32>
        %get3A_2062 = arith.index_cast %add3A_2019 : i32 to index
        %get3A_2063 = arith.constant 96 : index
        %get3A_2064 = tpu.vector_load %arg6[%get3A_2062, %get3A_2063] {strides = array<i32>} : memref<128x256xf32, #tpu.memory_space<vmem>>, vector<1x16xf32>,
        %get3A_2065 = vector.shape_cast %get3A_2064 : vector<1x16xf32> to vector<16xf32>
        %sub3A_2066 = arith.subf %get3A_2065, %broadcast_in_dim3A_2015 : vector<16xf32>
        %mul3A_2067 = arith.mulf %sub3A_2066, %sub3A_2066 : vector<16xf32>
        %add3A_2068 = arith.addf %add3A_1949, %mul3A_2067 : vector<16xf32>
        %get3A_2069 = arith.index_cast %add3A_2019 : i32 to index
        %get3A_2070 = arith.constant 112 : index
        %get3A_2071 = tpu.vector_load %arg6[%get3A_2069, %get3A_2070] {strides = array<i32>} : memref<128x256xf32, #tpu.memory_space<vmem>>, vector<1x16xf32>,
        %get3A_2072 = vector.shape_cast %get3A_2071 : vector<1x16xf32> to vector<16xf32>
        %sub3A_2073 = arith.subf %get3A_2072, %broadcast_in_dim3A_2015 : vector<16xf32>
        %mul3A_2074 = arith.mulf %sub3A_2073, %sub3A_2073 : vector<16xf32>
        %add3A_2075 = arith.addf %add3A_1956, %mul3A_2074 : vector<16xf32>
        %get3A_2076 = arith.index_cast %add3A_2019 : i32 to index
        %get3A_2077 = arith.constant 128 : index
        %get3A_2078 = tpu.vector_load %arg6[%get3A_2076, %get3A_2077] {strides = array<i32>} : memref<128x256xf32, #tpu.memory_space<vmem>>, vector<1x16xf32>,
        %get3A_2079 = vector.shape_cast %get3A_2078 : vector<1x16xf32> to vector<16xf32>
        %sub3A_2080 = arith.subf %get3A_2079, %broadcast_in_dim3A_2015 : vector<16xf32>
        %mul3A_2081 = arith.mulf %sub3A_2080, %sub3A_2080 : vector<16xf32>
        %add3A_2082 = arith.addf %add3A_1963, %mul3A_2081 : vector<16xf32>
        %get3A_2083 = arith.index_cast %add3A_2019 : i32 to index
        %get3A_2084 = arith.constant 144 : index
        %get3A_2085 = tpu.vector_load %arg6[%get3A_2083, %get3A_2084] {strides = array<i32>} : memref<128x256xf32, #tpu.memory_space<vmem>>, vector<1x16xf32>,
        %get3A_2086 = vector.shape_cast %get3A_2085 : vector<1x16xf32> to vector<16xf32>
        %sub3A_2087 = arith.subf %get3A_2086, %broadcast_in_dim3A_2015 : vector<16xf32>
        %mul3A_2088 = arith.mulf %sub3A_2087, %sub3A_2087 : vector<16xf32>
        %add3A_2089 = arith.addf %add3A_1970, %mul3A_2088 : vector<16xf32>
        %get3A_2090 = arith.index_cast %add3A_2019 : i32 to index
        %get3A_2091 = arith.constant 160 : index
        %get3A_2092 = tpu.vector_load %arg6[%get3A_2090, %get3A_2091] {strides = array<i32>} : memref<128x256xf32, #tpu.memory_space<vmem>>, vector<1x16xf32>,
        %get3A_2093 = vector.shape_cast %get3A_2092 : vector<1x16xf32> to vector<16xf32>
        %sub3A_2094 = arith.subf %get3A_2093, %broadcast_in_dim3A_2015 : vector<16xf32>
        %mul3A_2095 = arith.mulf %sub3A_2094, %sub3A_2094 : vector<16xf32>
        %add3A_2096 = arith.addf %add3A_1977, %mul3A_2095 : vector<16xf32>
        %get3A_2097 = arith.index_cast %add3A_2019 : i32 to index
        %get3A_2098 = arith.constant 176 : index
        %get3A_2099 = tpu.vector_load %arg6[%get3A_2097, %get3A_2098] {strides = array<i32>} : memref<128x256xf32, #tpu.memory_space<vmem>>, vector<1x16xf32>,
        %get3A_2100 = vector.shape_cast %get3A_2099 : vector<1x16xf32> to vector<16xf32>
        %sub3A_2101 = arith.subf %get3A_2100, %broadcast_in_dim3A_2015 : vector<16xf32>
        %mul3A_2102 = arith.mulf %sub3A_2101, %sub3A_2101 : vector<16xf32>
        %add3A_2103 = arith.addf %add3A_1984, %mul3A_2102 : vector<16xf32>
        %get3A_2104 = arith.index_cast %add3A_2019 : i32 to index
        %get3A_2105 = arith.constant 192 : index
        %get3A_2106 = tpu.vector_load %arg6[%get3A_2104, %get3A_2105] {strides = array<i32>} : memref<128x256xf32, #tpu.memory_space<vmem>>, vector<1x16xf32>,
        %get3A_2107 = vector.shape_cast %get3A_2106 : vector<1x16xf32> to vector<16xf32>
        %sub3A_2108 = arith.subf %get3A_2107, %broadcast_in_dim3A_2015 : vector<16xf32>
        %mul3A_2109 = arith.mulf %sub3A_2108, %sub3A_2108 : vector<16xf32>
        %add3A_2110 = arith.addf %add3A_1991, %mul3A_2109 : vector<16xf32>
        %get3A_2111 = arith.index_cast %add3A_2019 : i32 to index
        %get3A_2112 = arith.constant 208 : index
        %get3A_2113 = tpu.vector_load %arg6[%get3A_2111, %get3A_2112] {strides = array<i32>} : memref<128x256xf32, #tpu.memory_space<vmem>>, vector<1x16xf32>,
        %get3A_2114 = vector.shape_cast %get3A_2113 : vector<1x16xf32> to vector<16xf32>
        %sub3A_2115 = arith.subf %get3A_2114, %broadcast_in_dim3A_2015 : vector<16xf32>
        %mul3A_2116 = arith.mulf %sub3A_2115, %sub3A_2115 : vector<16xf32>
        %add3A_2117 = arith.addf %add3A_1998, %mul3A_2116 : vector<16xf32>
        %get3A_2118 = arith.index_cast %add3A_2019 : i32 to index
        %get3A_2119 = arith.constant 224 : index
        %get3A_2120 = tpu.vector_load %arg6[%get3A_2118, %get3A_2119] {strides = array<i32>} : memref<128x256xf32, #tpu.memory_space<vmem>>, vector<1x16xf32>,
        %get3A_2121 = vector.shape_cast %get3A_2120 : vector<1x16xf32> to vector<16xf32>
        %sub3A_2122 = arith.subf %get3A_2121, %broadcast_in_dim3A_2015 : vector<16xf32>
        %mul3A_2123 = arith.mulf %sub3A_2122, %sub3A_2122 : vector<16xf32>
        %add3A_2124 = arith.addf %add3A_2005, %mul3A_2123 : vector<16xf32>
        %get3A_2125 = arith.index_cast %add3A_2019 : i32 to index
        %get3A_2126 = arith.constant 240 : index
        %get3A_2127 = tpu.vector_load %arg6[%get3A_2125, %get3A_2126] {strides = array<i32>} : memref<128x256xf32, #tpu.memory_space<vmem>>, vector<1x16xf32>,
        %get3A_2128 = vector.shape_cast %get3A_2127 : vector<1x16xf32> to vector<16xf32>
        %sub3A_2129 = arith.subf %get3A_2128, %broadcast_in_dim3A_2015 : vector<16xf32>
        %mul3A_2130 = arith.mulf %sub3A_2129, %sub3A_2129 : vector<16xf32>
        %add3A_2131 = arith.addf %add3A_2012, %mul3A_2130 : vector<16xf32>
        %slice3A_2132 = vector.extract_strided_slice %get3A_436 {offsets = [14], sizes = [1], strides = [1]} : vector<16xf32> to vector<1xf32>
        %squeeze3A_2133 = vector.extract %slice3A_2132[0] : f32 from vector<1xf32>
        %broadcast_in_dim3A_2134 = vector.broadcast %squeeze3A_2133 : f32 to vector<16xf32>
        %mul3A_2135 = arith.constant 16 : i32
        %mul3A_2136 = arith.muli %scan3A_415, %mul3A_2135 : i32
        %add3A_2137 = arith.constant 14 : i32
        %add3A_2138 = arith.addi %mul3A_2136, %add3A_2137 : i32
        %get3A_2139 = arith.index_cast %add3A_2138 : i32 to index
        %get3A_2140 = arith.constant 0 : index
        %get3A_2141 = tpu.vector_load %arg6[%get3A_2139, %get3A_2140] {strides = array<i32>} : memref<128x256xf32, #tpu.memory_space<vmem>>, vector<1x16xf32>,
        %get3A_2142 = vector.shape_cast %get3A_2141 : vector<1x16xf32> to vector<16xf32>
        %sub3A_2143 = arith.subf %get3A_2142, %broadcast_in_dim3A_2134 : vector<16xf32>
        %mul3A_2144 = arith.mulf %sub3A_2143, %sub3A_2143 : vector<16xf32>
        %add3A_2145 = arith.addf %add3A_2026, %mul3A_2144 : vector<16xf32>
        %get3A_2146 = arith.index_cast %add3A_2138 : i32 to index
        %get3A_2147 = arith.constant 16 : index
        %get3A_2148 = tpu.vector_load %arg6[%get3A_2146, %get3A_2147] {strides = array<i32>} : memref<128x256xf32, #tpu.memory_space<vmem>>, vector<1x16xf32>,
        %get3A_2149 = vector.shape_cast %get3A_2148 : vector<1x16xf32> to vector<16xf32>
        %sub3A_2150 = arith.subf %get3A_2149, %broadcast_in_dim3A_2134 : vector<16xf32>
        %mul3A_2151 = arith.mulf %sub3A_2150, %sub3A_2150 : vector<16xf32>
        %add3A_2152 = arith.addf %add3A_2033, %mul3A_2151 : vector<16xf32>
        %get3A_2153 = arith.index_cast %add3A_2138 : i32 to index
        %get3A_2154 = arith.constant 32 : index
        %get3A_2155 = tpu.vector_load %arg6[%get3A_2153, %get3A_2154] {strides = array<i32>} : memref<128x256xf32, #tpu.memory_space<vmem>>, vector<1x16xf32>,
        %get3A_2156 = vector.shape_cast %get3A_2155 : vector<1x16xf32> to vector<16xf32>
        %sub3A_2157 = arith.subf %get3A_2156, %broadcast_in_dim3A_2134 : vector<16xf32>
        %mul3A_2158 = arith.mulf %sub3A_2157, %sub3A_2157 : vector<16xf32>
        %add3A_2159 = arith.addf %add3A_2040, %mul3A_2158 : vector<16xf32>
        %get3A_2160 = arith.index_cast %add3A_2138 : i32 to index
        %get3A_2161 = arith.constant 48 : index
        %get3A_2162 = tpu.vector_load %arg6[%get3A_2160, %get3A_2161] {strides = array<i32>} : memref<128x256xf32, #tpu.memory_space<vmem>>, vector<1x16xf32>,
        %get3A_2163 = vector.shape_cast %get3A_2162 : vector<1x16xf32> to vector<16xf32>
        %sub3A_2164 = arith.subf %get3A_2163, %broadcast_in_dim3A_2134 : vector<16xf32>
        %mul3A_2165 = arith.mulf %sub3A_2164, %sub3A_2164 : vector<16xf32>
        %add3A_2166 = arith.addf %add3A_2047, %mul3A_2165 : vector<16xf32>
        %get3A_2167 = arith.index_cast %add3A_2138 : i32 to index
        %get3A_2168 = arith.constant 64 : index
        %get3A_2169 = tpu.vector_load %arg6[%get3A_2167, %get3A_2168] {strides = array<i32>} : memref<128x256xf32, #tpu.memory_space<vmem>>, vector<1x16xf32>,
        %get3A_2170 = vector.shape_cast %get3A_2169 : vector<1x16xf32> to vector<16xf32>
        %sub3A_2171 = arith.subf %get3A_2170, %broadcast_in_dim3A_2134 : vector<16xf32>
        %mul3A_2172 = arith.mulf %sub3A_2171, %sub3A_2171 : vector<16xf32>
        %add3A_2173 = arith.addf %add3A_2054, %mul3A_2172 : vector<16xf32>
        %get3A_2174 = arith.index_cast %add3A_2138 : i32 to index
        %get3A_2175 = arith.constant 80 : index
        %get3A_2176 = tpu.vector_load %arg6[%get3A_2174, %get3A_2175] {strides = array<i32>} : memref<128x256xf32, #tpu.memory_space<vmem>>, vector<1x16xf32>,
        %get3A_2177 = vector.shape_cast %get3A_2176 : vector<1x16xf32> to vector<16xf32>
        %sub3A_2178 = arith.subf %get3A_2177, %broadcast_in_dim3A_2134 : vector<16xf32>
        %mul3A_2179 = arith.mulf %sub3A_2178, %sub3A_2178 : vector<16xf32>
        %add3A_2180 = arith.addf %add3A_2061, %mul3A_2179 : vector<16xf32>
        %get3A_2181 = arith.index_cast %add3A_2138 : i32 to index
        %get3A_2182 = arith.constant 96 : index
        %get3A_2183 = tpu.vector_load %arg6[%get3A_2181, %get3A_2182] {strides = array<i32>} : memref<128x256xf32, #tpu.memory_space<vmem>>, vector<1x16xf32>,
        %get3A_2184 = vector.shape_cast %get3A_2183 : vector<1x16xf32> to vector<16xf32>
        %sub3A_2185 = arith.subf %get3A_2184, %broadcast_in_dim3A_2134 : vector<16xf32>
        %mul3A_2186 = arith.mulf %sub3A_2185, %sub3A_2185 : vector<16xf32>
        %add3A_2187 = arith.addf %add3A_2068, %mul3A_2186 : vector<16xf32>
        %get3A_2188 = arith.index_cast %add3A_2138 : i32 to index
        %get3A_2189 = arith.constant 112 : index
        %get3A_2190 = tpu.vector_load %arg6[%get3A_2188, %get3A_2189] {strides = array<i32>} : memref<128x256xf32, #tpu.memory_space<vmem>>, vector<1x16xf32>,
        %get3A_2191 = vector.shape_cast %get3A_2190 : vector<1x16xf32> to vector<16xf32>
        %sub3A_2192 = arith.subf %get3A_2191, %broadcast_in_dim3A_2134 : vector<16xf32>
        %mul3A_2193 = arith.mulf %sub3A_2192, %sub3A_2192 : vector<16xf32>
        %add3A_2194 = arith.addf %add3A_2075, %mul3A_2193 : vector<16xf32>
        %get3A_2195 = arith.index_cast %add3A_2138 : i32 to index
        %get3A_2196 = arith.constant 128 : index
        %get3A_2197 = tpu.vector_load %arg6[%get3A_2195, %get3A_2196] {strides = array<i32>} : memref<128x256xf32, #tpu.memory_space<vmem>>, vector<1x16xf32>,
        %get3A_2198 = vector.shape_cast %get3A_2197 : vector<1x16xf32> to vector<16xf32>
        %sub3A_2199 = arith.subf %get3A_2198, %broadcast_in_dim3A_2134 : vector<16xf32>
        %mul3A_2200 = arith.mulf %sub3A_2199, %sub3A_2199 : vector<16xf32>
        %add3A_2201 = arith.addf %add3A_2082, %mul3A_2200 : vector<16xf32>
        %get3A_2202 = arith.index_cast %add3A_2138 : i32 to index
        %get3A_2203 = arith.constant 144 : index
        %get3A_2204 = tpu.vector_load %arg6[%get3A_2202, %get3A_2203] {strides = array<i32>} : memref<128x256xf32, #tpu.memory_space<vmem>>, vector<1x16xf32>,
        %get3A_2205 = vector.shape_cast %get3A_2204 : vector<1x16xf32> to vector<16xf32>
        %sub3A_2206 = arith.subf %get3A_2205, %broadcast_in_dim3A_2134 : vector<16xf32>
        %mul3A_2207 = arith.mulf %sub3A_2206, %sub3A_2206 : vector<16xf32>
        %add3A_2208 = arith.addf %add3A_2089, %mul3A_2207 : vector<16xf32>
        %get3A_2209 = arith.index_cast %add3A_2138 : i32 to index
        %get3A_2210 = arith.constant 160 : index
        %get3A_2211 = tpu.vector_load %arg6[%get3A_2209, %get3A_2210] {strides = array<i32>} : memref<128x256xf32, #tpu.memory_space<vmem>>, vector<1x16xf32>,
        %get3A_2212 = vector.shape_cast %get3A_2211 : vector<1x16xf32> to vector<16xf32>
        %sub3A_2213 = arith.subf %get3A_2212, %broadcast_in_dim3A_2134 : vector<16xf32>
        %mul3A_2214 = arith.mulf %sub3A_2213, %sub3A_2213 : vector<16xf32>
        %add3A_2215 = arith.addf %add3A_2096, %mul3A_2214 : vector<16xf32>
        %get3A_2216 = arith.index_cast %add3A_2138 : i32 to index
        %get3A_2217 = arith.constant 176 : index
        %get3A_2218 = tpu.vector_load %arg6[%get3A_2216, %get3A_2217] {strides = array<i32>} : memref<128x256xf32, #tpu.memory_space<vmem>>, vector<1x16xf32>,
        %get3A_2219 = vector.shape_cast %get3A_2218 : vector<1x16xf32> to vector<16xf32>
        %sub3A_2220 = arith.subf %get3A_2219, %broadcast_in_dim3A_2134 : vector<16xf32>
        %mul3A_2221 = arith.mulf %sub3A_2220, %sub3A_2220 : vector<16xf32>
        %add3A_2222 = arith.addf %add3A_2103, %mul3A_2221 : vector<16xf32>
        %get3A_2223 = arith.index_cast %add3A_2138 : i32 to index
        %get3A_2224 = arith.constant 192 : index
        %get3A_2225 = tpu.vector_load %arg6[%get3A_2223, %get3A_2224] {strides = array<i32>} : memref<128x256xf32, #tpu.memory_space<vmem>>, vector<1x16xf32>,
        %get3A_2226 = vector.shape_cast %get3A_2225 : vector<1x16xf32> to vector<16xf32>
        %sub3A_2227 = arith.subf %get3A_2226, %broadcast_in_dim3A_2134 : vector<16xf32>
        %mul3A_2228 = arith.mulf %sub3A_2227, %sub3A_2227 : vector<16xf32>
        %add3A_2229 = arith.addf %add3A_2110, %mul3A_2228 : vector<16xf32>
        %get3A_2230 = arith.index_cast %add3A_2138 : i32 to index
        %get3A_2231 = arith.constant 208 : index
        %get3A_2232 = tpu.vector_load %arg6[%get3A_2230, %get3A_2231] {strides = array<i32>} : memref<128x256xf32, #tpu.memory_space<vmem>>, vector<1x16xf32>,
        %get3A_2233 = vector.shape_cast %get3A_2232 : vector<1x16xf32> to vector<16xf32>
        %sub3A_2234 = arith.subf %get3A_2233, %broadcast_in_dim3A_2134 : vector<16xf32>
        %mul3A_2235 = arith.mulf %sub3A_2234, %sub3A_2234 : vector<16xf32>
        %add3A_2236 = arith.addf %add3A_2117, %mul3A_2235 : vector<16xf32>
        %get3A_2237 = arith.index_cast %add3A_2138 : i32 to index
        %get3A_2238 = arith.constant 224 : index
        %get3A_2239 = tpu.vector_load %arg6[%get3A_2237, %get3A_2238] {strides = array<i32>} : memref<128x256xf32, #tpu.memory_space<vmem>>, vector<1x16xf32>,
        %get3A_2240 = vector.shape_cast %get3A_2239 : vector<1x16xf32> to vector<16xf32>
        %sub3A_2241 = arith.subf %get3A_2240, %broadcast_in_dim3A_2134 : vector<16xf32>
        %mul3A_2242 = arith.mulf %sub3A_2241, %sub3A_2241 : vector<16xf32>
        %add3A_2243 = arith.addf %add3A_2124, %mul3A_2242 : vector<16xf32>
        %get3A_2244 = arith.index_cast %add3A_2138 : i32 to index
        %get3A_2245 = arith.constant 240 : index
        %get3A_2246 = tpu.vector_load %arg6[%get3A_2244, %get3A_2245] {strides = array<i32>} : memref<128x256xf32, #tpu.memory_space<vmem>>, vector<1x16xf32>,
        %get3A_2247 = vector.shape_cast %get3A_2246 : vector<1x16xf32> to vector<16xf32>
        %sub3A_2248 = arith.subf %get3A_2247, %broadcast_in_dim3A_2134 : vector<16xf32>
        %mul3A_2249 = arith.mulf %sub3A_2248, %sub3A_2248 : vector<16xf32>
        %add3A_2250 = arith.addf %add3A_2131, %mul3A_2249 : vector<16xf32>
        %slice3A_2251 = vector.extract_strided_slice %get3A_436 {offsets = [15], sizes = [1], strides = [1]} : vector<16xf32> to vector<1xf32>
        %squeeze3A_2252 = vector.extract %slice3A_2251[0] : f32 from vector<1xf32>
        %broadcast_in_dim3A_2253 = vector.broadcast %squeeze3A_2252 : f32 to vector<16xf32>
        %mul3A_2254 = arith.constant 16 : i32
        %mul3A_2255 = arith.muli %scan3A_415, %mul3A_2254 : i32
        %add3A_2256 = arith.constant 15 : i32
        %add3A_2257 = arith.addi %mul3A_2255, %add3A_2256 : i32
        %get3A_2258 = arith.index_cast %add3A_2257 : i32 to index
        %get3A_2259 = arith.constant 0 : index
        %get3A_2260 = tpu.vector_load %arg6[%get3A_2258, %get3A_2259] {strides = array<i32>} : memref<128x256xf32, #tpu.memory_space<vmem>>, vector<1x16xf32>,
        %get3A_2261 = vector.shape_cast %get3A_2260 : vector<1x16xf32> to vector<16xf32>
        %sub3A_2262 = arith.subf %get3A_2261, %broadcast_in_dim3A_2253 : vector<16xf32>
        %mul3A_2263 = arith.mulf %sub3A_2262, %sub3A_2262 : vector<16xf32>
        %add3A_2264 = arith.addf %add3A_2145, %mul3A_2263 : vector<16xf32>
        %get3A_2265 = arith.index_cast %add3A_2257 : i32 to index
        %get3A_2266 = arith.constant 16 : index
        %get3A_2267 = tpu.vector_load %arg6[%get3A_2265, %get3A_2266] {strides = array<i32>} : memref<128x256xf32, #tpu.memory_space<vmem>>, vector<1x16xf32>,
        %get3A_2268 = vector.shape_cast %get3A_2267 : vector<1x16xf32> to vector<16xf32>
        %sub3A_2269 = arith.subf %get3A_2268, %broadcast_in_dim3A_2253 : vector<16xf32>
        %mul3A_2270 = arith.mulf %sub3A_2269, %sub3A_2269 : vector<16xf32>
        %add3A_2271 = arith.addf %add3A_2152, %mul3A_2270 : vector<16xf32>
        %get3A_2272 = arith.index_cast %add3A_2257 : i32 to index
        %get3A_2273 = arith.constant 32 : index
        %get3A_2274 = tpu.vector_load %arg6[%get3A_2272, %get3A_2273] {strides = array<i32>} : memref<128x256xf32, #tpu.memory_space<vmem>>, vector<1x16xf32>,
        %get3A_2275 = vector.shape_cast %get3A_2274 : vector<1x16xf32> to vector<16xf32>
        %sub3A_2276 = arith.subf %get3A_2275, %broadcast_in_dim3A_2253 : vector<16xf32>
        %mul3A_2277 = arith.mulf %sub3A_2276, %sub3A_2276 : vector<16xf32>
        %add3A_2278 = arith.addf %add3A_2159, %mul3A_2277 : vector<16xf32>
        %get3A_2279 = arith.index_cast %add3A_2257 : i32 to index
        %get3A_2280 = arith.constant 48 : index
        %get3A_2281 = tpu.vector_load %arg6[%get3A_2279, %get3A_2280] {strides = array<i32>} : memref<128x256xf32, #tpu.memory_space<vmem>>, vector<1x16xf32>,
        %get3A_2282 = vector.shape_cast %get3A_2281 : vector<1x16xf32> to vector<16xf32>
        %sub3A_2283 = arith.subf %get3A_2282, %broadcast_in_dim3A_2253 : vector<16xf32>
        %mul3A_2284 = arith.mulf %sub3A_2283, %sub3A_2283 : vector<16xf32>
        %add3A_2285 = arith.addf %add3A_2166, %mul3A_2284 : vector<16xf32>
        %get3A_2286 = arith.index_cast %add3A_2257 : i32 to index
        %get3A_2287 = arith.constant 64 : index
        %get3A_2288 = tpu.vector_load %arg6[%get3A_2286, %get3A_2287] {strides = array<i32>} : memref<128x256xf32, #tpu.memory_space<vmem>>, vector<1x16xf32>,
        %get3A_2289 = vector.shape_cast %get3A_2288 : vector<1x16xf32> to vector<16xf32>
        %sub3A_2290 = arith.subf %get3A_2289, %broadcast_in_dim3A_2253 : vector<16xf32>
        %mul3A_2291 = arith.mulf %sub3A_2290, %sub3A_2290 : vector<16xf32>
        %add3A_2292 = arith.addf %add3A_2173, %mul3A_2291 : vector<16xf32>
        %get3A_2293 = arith.index_cast %add3A_2257 : i32 to index
        %get3A_2294 = arith.constant 80 : index
        %get3A_2295 = tpu.vector_load %arg6[%get3A_2293, %get3A_2294] {strides = array<i32>} : memref<128x256xf32, #tpu.memory_space<vmem>>, vector<1x16xf32>,
        %get3A_2296 = vector.shape_cast %get3A_2295 : vector<1x16xf32> to vector<16xf32>
        %sub3A_2297 = arith.subf %get3A_2296, %broadcast_in_dim3A_2253 : vector<16xf32>
        %mul3A_2298 = arith.mulf %sub3A_2297, %sub3A_2297 : vector<16xf32>
        %add3A_2299 = arith.addf %add3A_2180, %mul3A_2298 : vector<16xf32>
        %get3A_2300 = arith.index_cast %add3A_2257 : i32 to index
        %get3A_2301 = arith.constant 96 : index
        %get3A_2302 = tpu.vector_load %arg6[%get3A_2300, %get3A_2301] {strides = array<i32>} : memref<128x256xf32, #tpu.memory_space<vmem>>, vector<1x16xf32>,
        %get3A_2303 = vector.shape_cast %get3A_2302 : vector<1x16xf32> to vector<16xf32>
        %sub3A_2304 = arith.subf %get3A_2303, %broadcast_in_dim3A_2253 : vector<16xf32>
        %mul3A_2305 = arith.mulf %sub3A_2304, %sub3A_2304 : vector<16xf32>
        %add3A_2306 = arith.addf %add3A_2187, %mul3A_2305 : vector<16xf32>
        %get3A_2307 = arith.index_cast %add3A_2257 : i32 to index
        %get3A_2308 = arith.constant 112 : index
        %get3A_2309 = tpu.vector_load %arg6[%get3A_2307, %get3A_2308] {strides = array<i32>} : memref<128x256xf32, #tpu.memory_space<vmem>>, vector<1x16xf32>,
        %get3A_2310 = vector.shape_cast %get3A_2309 : vector<1x16xf32> to vector<16xf32>
        %sub3A_2311 = arith.subf %get3A_2310, %broadcast_in_dim3A_2253 : vector<16xf32>
        %mul3A_2312 = arith.mulf %sub3A_2311, %sub3A_2311 : vector<16xf32>
        %add3A_2313 = arith.addf %add3A_2194, %mul3A_2312 : vector<16xf32>
        %get3A_2314 = arith.index_cast %add3A_2257 : i32 to index
        %get3A_2315 = arith.constant 128 : index
        %get3A_2316 = tpu.vector_load %arg6[%get3A_2314, %get3A_2315] {strides = array<i32>} : memref<128x256xf32, #tpu.memory_space<vmem>>, vector<1x16xf32>,
        %get3A_2317 = vector.shape_cast %get3A_2316 : vector<1x16xf32> to vector<16xf32>
        %sub3A_2318 = arith.subf %get3A_2317, %broadcast_in_dim3A_2253 : vector<16xf32>
        %mul3A_2319 = arith.mulf %sub3A_2318, %sub3A_2318 : vector<16xf32>
        %add3A_2320 = arith.addf %add3A_2201, %mul3A_2319 : vector<16xf32>
        %get3A_2321 = arith.index_cast %add3A_2257 : i32 to index
        %get3A_2322 = arith.constant 144 : index
        %get3A_2323 = tpu.vector_load %arg6[%get3A_2321, %get3A_2322] {strides = array<i32>} : memref<128x256xf32, #tpu.memory_space<vmem>>, vector<1x16xf32>,
        %get3A_2324 = vector.shape_cast %get3A_2323 : vector<1x16xf32> to vector<16xf32>
        %sub3A_2325 = arith.subf %get3A_2324, %broadcast_in_dim3A_2253 : vector<16xf32>
        %mul3A_2326 = arith.mulf %sub3A_2325, %sub3A_2325 : vector<16xf32>
        %add3A_2327 = arith.addf %add3A_2208, %mul3A_2326 : vector<16xf32>
        %get3A_2328 = arith.index_cast %add3A_2257 : i32 to index
        %get3A_2329 = arith.constant 160 : index
        %get3A_2330 = tpu.vector_load %arg6[%get3A_2328, %get3A_2329] {strides = array<i32>} : memref<128x256xf32, #tpu.memory_space<vmem>>, vector<1x16xf32>,
        %get3A_2331 = vector.shape_cast %get3A_2330 : vector<1x16xf32> to vector<16xf32>
        %sub3A_2332 = arith.subf %get3A_2331, %broadcast_in_dim3A_2253 : vector<16xf32>
        %mul3A_2333 = arith.mulf %sub3A_2332, %sub3A_2332 : vector<16xf32>
        %add3A_2334 = arith.addf %add3A_2215, %mul3A_2333 : vector<16xf32>
        %get3A_2335 = arith.index_cast %add3A_2257 : i32 to index
        %get3A_2336 = arith.constant 176 : index
        %get3A_2337 = tpu.vector_load %arg6[%get3A_2335, %get3A_2336] {strides = array<i32>} : memref<128x256xf32, #tpu.memory_space<vmem>>, vector<1x16xf32>,
        %get3A_2338 = vector.shape_cast %get3A_2337 : vector<1x16xf32> to vector<16xf32>
        %sub3A_2339 = arith.subf %get3A_2338, %broadcast_in_dim3A_2253 : vector<16xf32>
        %mul3A_2340 = arith.mulf %sub3A_2339, %sub3A_2339 : vector<16xf32>
        %add3A_2341 = arith.addf %add3A_2222, %mul3A_2340 : vector<16xf32>
        %get3A_2342 = arith.index_cast %add3A_2257 : i32 to index
        %get3A_2343 = arith.constant 192 : index
        %get3A_2344 = tpu.vector_load %arg6[%get3A_2342, %get3A_2343] {strides = array<i32>} : memref<128x256xf32, #tpu.memory_space<vmem>>, vector<1x16xf32>,
        %get3A_2345 = vector.shape_cast %get3A_2344 : vector<1x16xf32> to vector<16xf32>
        %sub3A_2346 = arith.subf %get3A_2345, %broadcast_in_dim3A_2253 : vector<16xf32>
        %mul3A_2347 = arith.mulf %sub3A_2346, %sub3A_2346 : vector<16xf32>
        %add3A_2348 = arith.addf %add3A_2229, %mul3A_2347 : vector<16xf32>
        %get3A_2349 = arith.index_cast %add3A_2257 : i32 to index
        %get3A_2350 = arith.constant 208 : index
        %get3A_2351 = tpu.vector_load %arg6[%get3A_2349, %get3A_2350] {strides = array<i32>} : memref<128x256xf32, #tpu.memory_space<vmem>>, vector<1x16xf32>,
        %get3A_2352 = vector.shape_cast %get3A_2351 : vector<1x16xf32> to vector<16xf32>
        %sub3A_2353 = arith.subf %get3A_2352, %broadcast_in_dim3A_2253 : vector<16xf32>
        %mul3A_2354 = arith.mulf %sub3A_2353, %sub3A_2353 : vector<16xf32>
        %add3A_2355 = arith.addf %add3A_2236, %mul3A_2354 : vector<16xf32>
        %get3A_2356 = arith.index_cast %add3A_2257 : i32 to index
        %get3A_2357 = arith.constant 224 : index
        %get3A_2358 = tpu.vector_load %arg6[%get3A_2356, %get3A_2357] {strides = array<i32>} : memref<128x256xf32, #tpu.memory_space<vmem>>, vector<1x16xf32>,
        %get3A_2359 = vector.shape_cast %get3A_2358 : vector<1x16xf32> to vector<16xf32>
        %sub3A_2360 = arith.subf %get3A_2359, %broadcast_in_dim3A_2253 : vector<16xf32>
        %mul3A_2361 = arith.mulf %sub3A_2360, %sub3A_2360 : vector<16xf32>
        %add3A_2362 = arith.addf %add3A_2243, %mul3A_2361 : vector<16xf32>
        %get3A_2363 = arith.index_cast %add3A_2257 : i32 to index
        %get3A_2364 = arith.constant 240 : index
        %get3A_2365 = tpu.vector_load %arg6[%get3A_2363, %get3A_2364] {strides = array<i32>} : memref<128x256xf32, #tpu.memory_space<vmem>>, vector<1x16xf32>,
        %get3A_2366 = vector.shape_cast %get3A_2365 : vector<1x16xf32> to vector<16xf32>
        %sub3A_2367 = arith.subf %get3A_2366, %broadcast_in_dim3A_2253 : vector<16xf32>
        %mul3A_2368 = arith.mulf %sub3A_2367, %sub3A_2367 : vector<16xf32>
        %add3A_2369 = arith.addf %add3A_2250, %mul3A_2368 : vector<16xf32>
        %add3A_2370 = arith.addf %scan3A_416, %add3A_2264 : vector<16xf32>
        %add3A_2371 = arith.addf %scan3A_417, %add3A_2271 : vector<16xf32>
        %add3A_2372 = arith.addf %scan3A_418, %add3A_2278 : vector<16xf32>
        %add3A_2373 = arith.addf %scan3A_419, %add3A_2285 : vector<16xf32>
        %add3A_2374 = arith.addf %scan3A_420, %add3A_2292 : vector<16xf32>
        %add3A_2375 = arith.addf %scan3A_421, %add3A_2299 : vector<16xf32>
        %add3A_2376 = arith.addf %scan3A_422, %add3A_2306 : vector<16xf32>
        %add3A_2377 = arith.addf %scan3A_423, %add3A_2313 : vector<16xf32>
        %add3A_2378 = arith.addf %scan3A_424, %add3A_2320 : vector<16xf32>
        %add3A_2379 = arith.addf %scan3A_425, %add3A_2327 : vector<16xf32>
        %add3A_2380 = arith.addf %scan3A_426, %add3A_2334 : vector<16xf32>
        %add3A_2381 = arith.addf %scan3A_427, %add3A_2341 : vector<16xf32>
        %add3A_2382 = arith.addf %scan3A_428, %add3A_2348 : vector<16xf32>
        %add3A_2383 = arith.addf %scan3A_429, %add3A_2355 : vector<16xf32>
        %add3A_2384 = arith.addf %scan3A_430, %add3A_2362 : vector<16xf32>
        %add3A_2385 = arith.addf %scan3A_431, %add3A_2369 : vector<16xf32>
        scf.yield %add3A_2370, %add3A_2371, %add3A_2372, %add3A_2373, %add3A_2374, %add3A_2375, %add3A_2376, %add3A_2377, %add3A_2378, %add3A_2379, %add3A_2380, %add3A_2381, %add3A_2382, %add3A_2383, %add3A_2384, %add3A_2385 : vector<16xf32>, vector<16xf32>, vector<16xf32>, vector<16xf32>, vector<16xf32>, vector<16xf32>, vector<16xf32>, vector<16xf32>, vector<16xf32>, vector<16xf32>, vector<16xf32>, vector<16xf32>, vector<16xf32>, vector<16xf32>, vector<16xf32>, vector<16xf32>
      }
      %scan3A_188 = arith.constant 8 : i32
      %min3A = arith.minimumf %scan3A_187#0, %scan3A_187#1 : vector<16xf32>
      %min3A_189 = arith.minimumf %min3A, %scan3A_187#2 : vector<16xf32>
      %min3A_190 = arith.minimumf %min3A_189, %scan3A_187#3 : vector<16xf32>
      %min3A_191 = arith.minimumf %min3A_190, %scan3A_187#4 : vector<16xf32>
      %min3A_192 = arith.minimumf %min3A_191, %scan3A_187#5 : vector<16xf32>
      %min3A_193 = arith.minimumf %min3A_192, %scan3A_187#6 : vector<16xf32>
      %min3A_194 = arith.minimumf %min3A_193, %scan3A_187#7 : vector<16xf32>
      %min3A_195 = arith.minimumf %min3A_194, %scan3A_187#8 : vector<16xf32>
      %min3A_196 = arith.minimumf %min3A_195, %scan3A_187#9 : vector<16xf32>
      %min3A_197 = arith.minimumf %min3A_196, %scan3A_187#10 : vector<16xf32>
      %min3A_198 = arith.minimumf %min3A_197, %scan3A_187#11 : vector<16xf32>
      %min3A_199 = arith.minimumf %min3A_198, %scan3A_187#12 : vector<16xf32>
      %min3A_200 = arith.minimumf %min3A_199, %scan3A_187#13 : vector<16xf32>
      %min3A_201 = arith.minimumf %min3A_200, %scan3A_187#14 : vector<16xf32>
      %min3A_202 = arith.minimumf %min3A_201, %scan3A_187#15 : vector<16xf32>
      %iota3A_203 = tpu.iota {dimensions = array<i32: 0>} : vector<16xi32>
      %xor3A = arith.constant 8 : i32
      %xor3A_204 = vector.broadcast %xor3A : i32 to vector<16xi32>
      %xor3A_205 = arith.xori %iota3A_203, %xor3A_204 : vector<16xi32>
      %lt3A_206 = arith.constant 0 : i32
      %lt3A_207 = vector.broadcast %lt3A_206 : i32 to vector<16xi32>
      %lt3A_208 = arith.cmpi slt, %xor3A_205, %lt3A_207 : vector<16xi32>
      %add3A_209 = arith.constant 16 : i32
      %add3A_210 = vector.broadcast %add3A_209 : i32 to vector<16xi32>
      %add3A_211 = arith.addi %xor3A_205, %add3A_210 : vector<16xi32>
      %select_n3A_212 = arith.select %lt3A_208, %add3A_211, %xor3A_205 : vector<16xi1>, vector<16xi32>
      %broadcast_in_dim3A_213 = vector.shape_cast %select_n3A_212 : vector<16xi32> to vector<16x1xi32>
      %gather3A_214 = vector.shape_cast %broadcast_in_dim3A_213 : vector<16x1xi32> to vector<16xi32>
      %gather3A_215 = tpu.dynamic_gather %min3A_202[%gather3A_214] in [0] : vector<16xf32>, vector<16xi32> -> vector<16xf32>
      %min3A_216 = arith.minimumf %min3A_202, %gather3A_215 : vector<16xf32>
      %xor3A_217 = arith.constant 4 : i32
      %xor3A_218 = vector.broadcast %xor3A_217 : i32 to vector<16xi32>
      %xor3A_219 = arith.xori %iota3A_203, %xor3A_218 : vector<16xi32>
      %lt3A_220 = arith.constant 0 : i32
      %lt3A_221 = vector.broadcast %lt3A_220 : i32 to vector<16xi32>
      %lt3A_222 = arith.cmpi slt, %xor3A_219, %lt3A_221 : vector<16xi32>
      %add3A_223 = arith.constant 16 : i32
      %add3A_224 = vector.broadcast %add3A_223 : i32 to vector<16xi32>
      %add3A_225 = arith.addi %xor3A_219, %add3A_224 : vector<16xi32>
      %select_n3A_226 = arith.select %lt3A_222, %add3A_225, %xor3A_219 : vector<16xi1>, vector<16xi32>
      %broadcast_in_dim3A_227 = vector.shape_cast %select_n3A_226 : vector<16xi32> to vector<16x1xi32>
      %gather3A_228 = vector.shape_cast %broadcast_in_dim3A_227 : vector<16x1xi32> to vector<16xi32>
      %gather3A_229 = tpu.dynamic_gather %min3A_216[%gather3A_228] in [0] : vector<16xf32>, vector<16xi32> -> vector<16xf32>
      %min3A_230 = arith.minimumf %min3A_216, %gather3A_229 : vector<16xf32>
      %xor3A_231 = arith.constant 2 : i32
      %xor3A_232 = vector.broadcast %xor3A_231 : i32 to vector<16xi32>
      %xor3A_233 = arith.xori %iota3A_203, %xor3A_232 : vector<16xi32>
      %lt3A_234 = arith.constant 0 : i32
      %lt3A_235 = vector.broadcast %lt3A_234 : i32 to vector<16xi32>
      %lt3A_236 = arith.cmpi slt, %xor3A_233, %lt3A_235 : vector<16xi32>
      %add3A_237 = arith.constant 16 : i32
      %add3A_238 = vector.broadcast %add3A_237 : i32 to vector<16xi32>
      %add3A_239 = arith.addi %xor3A_233, %add3A_238 : vector<16xi32>
      %select_n3A_240 = arith.select %lt3A_236, %add3A_239, %xor3A_233 : vector<16xi1>, vector<16xi32>
      %broadcast_in_dim3A_241 = vector.shape_cast %select_n3A_240 : vector<16xi32> to vector<16x1xi32>
      %gather3A_242 = vector.shape_cast %broadcast_in_dim3A_241 : vector<16x1xi32> to vector<16xi32>
      %gather3A_243 = tpu.dynamic_gather %min3A_230[%gather3A_242] in [0] : vector<16xf32>, vector<16xi32> -> vector<16xf32>
      %min3A_244 = arith.minimumf %min3A_230, %gather3A_243 : vector<16xf32>
      %xor3A_245 = arith.constant 1 : i32
      %xor3A_246 = vector.broadcast %xor3A_245 : i32 to vector<16xi32>
      %xor3A_247 = arith.xori %iota3A_203, %xor3A_246 : vector<16xi32>
      %lt3A_248 = arith.constant 0 : i32
      %lt3A_249 = vector.broadcast %lt3A_248 : i32 to vector<16xi32>
      %lt3A_250 = arith.cmpi slt, %xor3A_247, %lt3A_249 : vector<16xi32>
      %add3A_251 = arith.constant 16 : i32
      %add3A_252 = vector.broadcast %add3A_251 : i32 to vector<16xi32>
      %add3A_253 = arith.addi %xor3A_247, %add3A_252 : vector<16xi32>
      %select_n3A_254 = arith.select %lt3A_250, %add3A_253, %xor3A_247 : vector<16xi1>, vector<16xi32>
      %broadcast_in_dim3A_255 = vector.shape_cast %select_n3A_254 : vector<16xi32> to vector<16x1xi32>
      %gather3A_256 = vector.shape_cast %broadcast_in_dim3A_255 : vector<16x1xi32> to vector<16xi32>
      %gather3A_257 = tpu.dynamic_gather %min3A_244[%gather3A_256] in [0] : vector<16xf32>, vector<16xi32> -> vector<16xf32>
      %min3A_258 = arith.minimumf %min3A_244, %gather3A_257 : vector<16xf32>
      %eq3A_259 = arith.cmpf oeq, %scan3A_187#0, %min3A_258 : vector<16xf32>
      %add3A_260 = arith.constant 0 : i32
      %add3A_261 = vector.broadcast %add3A_260 : i32 to vector<16xi32>
      %add3A_262 = arith.addi %iota3A, %add3A_261 : vector<16xi32>
      %select_n3A_263 = arith.select %eq3A_259, %add3A_262, %broadcast_in_dim3A_3 : vector<16xi1>, vector<16xi32>
      %min3A_264 = arith.minsi %broadcast_in_dim3A_3, %select_n3A_263 : vector<16xi32>
      %eq3A_265 = arith.cmpf oeq, %scan3A_187#1, %min3A_258 : vector<16xf32>
      %add3A_266 = arith.constant 16 : i32
      %add3A_267 = vector.broadcast %add3A_266 : i32 to vector<16xi32>
      %add3A_268 = arith.addi %iota3A, %add3A_267 : vector<16xi32>
      %select_n3A_269 = arith.select %eq3A_265, %add3A_268, %broadcast_in_dim3A_3 : vector<16xi1>, vector<16xi32>
      %min3A_270 = arith.minsi %min3A_264, %select_n3A_269 : vector<16xi32>
      %eq3A_271 = arith.cmpf oeq, %scan3A_187#2, %min3A_258 : vector<16xf32>
      %add3A_272 = arith.constant 32 : i32
      %add3A_273 = vector.broadcast %add3A_272 : i32 to vector<16xi32>
      %add3A_274 = arith.addi %iota3A, %add3A_273 : vector<16xi32>
      %select_n3A_275 = arith.select %eq3A_271, %add3A_274, %broadcast_in_dim3A_3 : vector<16xi1>, vector<16xi32>
      %min3A_276 = arith.minsi %min3A_270, %select_n3A_275 : vector<16xi32>
      %eq3A_277 = arith.cmpf oeq, %scan3A_187#3, %min3A_258 : vector<16xf32>
      %add3A_278 = arith.constant 48 : i32
      %add3A_279 = vector.broadcast %add3A_278 : i32 to vector<16xi32>
      %add3A_280 = arith.addi %iota3A, %add3A_279 : vector<16xi32>
      %select_n3A_281 = arith.select %eq3A_277, %add3A_280, %broadcast_in_dim3A_3 : vector<16xi1>, vector<16xi32>
      %min3A_282 = arith.minsi %min3A_276, %select_n3A_281 : vector<16xi32>
      %eq3A_283 = arith.cmpf oeq, %scan3A_187#4, %min3A_258 : vector<16xf32>
      %add3A_284 = arith.constant 64 : i32
      %add3A_285 = vector.broadcast %add3A_284 : i32 to vector<16xi32>
      %add3A_286 = arith.addi %iota3A, %add3A_285 : vector<16xi32>
      %select_n3A_287 = arith.select %eq3A_283, %add3A_286, %broadcast_in_dim3A_3 : vector<16xi1>, vector<16xi32>
      %min3A_288 = arith.minsi %min3A_282, %select_n3A_287 : vector<16xi32>
      %eq3A_289 = arith.cmpf oeq, %scan3A_187#5, %min3A_258 : vector<16xf32>
      %add3A_290 = arith.constant 80 : i32
      %add3A_291 = vector.broadcast %add3A_290 : i32 to vector<16xi32>
      %add3A_292 = arith.addi %iota3A, %add3A_291 : vector<16xi32>
      %select_n3A_293 = arith.select %eq3A_289, %add3A_292, %broadcast_in_dim3A_3 : vector<16xi1>, vector<16xi32>
      %min3A_294 = arith.minsi %min3A_288, %select_n3A_293 : vector<16xi32>
      %eq3A_295 = arith.cmpf oeq, %scan3A_187#6, %min3A_258 : vector<16xf32>
      %add3A_296 = arith.constant 96 : i32
      %add3A_297 = vector.broadcast %add3A_296 : i32 to vector<16xi32>
      %add3A_298 = arith.addi %iota3A, %add3A_297 : vector<16xi32>
      %select_n3A_299 = arith.select %eq3A_295, %add3A_298, %broadcast_in_dim3A_3 : vector<16xi1>, vector<16xi32>
      %min3A_300 = arith.minsi %min3A_294, %select_n3A_299 : vector<16xi32>
      %eq3A_301 = arith.cmpf oeq, %scan3A_187#7, %min3A_258 : vector<16xf32>
      %add3A_302 = arith.constant 112 : i32
      %add3A_303 = vector.broadcast %add3A_302 : i32 to vector<16xi32>
      %add3A_304 = arith.addi %iota3A, %add3A_303 : vector<16xi32>
      %select_n3A_305 = arith.select %eq3A_301, %add3A_304, %broadcast_in_dim3A_3 : vector<16xi1>, vector<16xi32>
      %min3A_306 = arith.minsi %min3A_300, %select_n3A_305 : vector<16xi32>
      %eq3A_307 = arith.cmpf oeq, %scan3A_187#8, %min3A_258 : vector<16xf32>
      %add3A_308 = arith.constant 128 : i32
      %add3A_309 = vector.broadcast %add3A_308 : i32 to vector<16xi32>
      %add3A_310 = arith.addi %iota3A, %add3A_309 : vector<16xi32>
      %select_n3A_311 = arith.select %eq3A_307, %add3A_310, %broadcast_in_dim3A_3 : vector<16xi1>, vector<16xi32>
      %min3A_312 = arith.minsi %min3A_306, %select_n3A_311 : vector<16xi32>
      %eq3A_313 = arith.cmpf oeq, %scan3A_187#9, %min3A_258 : vector<16xf32>
      %add3A_314 = arith.constant 144 : i32
      %add3A_315 = vector.broadcast %add3A_314 : i32 to vector<16xi32>
      %add3A_316 = arith.addi %iota3A, %add3A_315 : vector<16xi32>
      %select_n3A_317 = arith.select %eq3A_313, %add3A_316, %broadcast_in_dim3A_3 : vector<16xi1>, vector<16xi32>
      %min3A_318 = arith.minsi %min3A_312, %select_n3A_317 : vector<16xi32>
      %eq3A_319 = arith.cmpf oeq, %scan3A_187#10, %min3A_258 : vector<16xf32>
      %add3A_320 = arith.constant 160 : i32
      %add3A_321 = vector.broadcast %add3A_320 : i32 to vector<16xi32>
      %add3A_322 = arith.addi %iota3A, %add3A_321 : vector<16xi32>
      %select_n3A_323 = arith.select %eq3A_319, %add3A_322, %broadcast_in_dim3A_3 : vector<16xi1>, vector<16xi32>
      %min3A_324 = arith.minsi %min3A_318, %select_n3A_323 : vector<16xi32>
      %eq3A_325 = arith.cmpf oeq, %scan3A_187#11, %min3A_258 : vector<16xf32>
      %add3A_326 = arith.constant 176 : i32
      %add3A_327 = vector.broadcast %add3A_326 : i32 to vector<16xi32>
      %add3A_328 = arith.addi %iota3A, %add3A_327 : vector<16xi32>
      %select_n3A_329 = arith.select %eq3A_325, %add3A_328, %broadcast_in_dim3A_3 : vector<16xi1>, vector<16xi32>
      %min3A_330 = arith.minsi %min3A_324, %select_n3A_329 : vector<16xi32>
      %eq3A_331 = arith.cmpf oeq, %scan3A_187#12, %min3A_258 : vector<16xf32>
      %add3A_332 = arith.constant 192 : i32
      %add3A_333 = vector.broadcast %add3A_332 : i32 to vector<16xi32>
      %add3A_334 = arith.addi %iota3A, %add3A_333 : vector<16xi32>
      %select_n3A_335 = arith.select %eq3A_331, %add3A_334, %broadcast_in_dim3A_3 : vector<16xi1>, vector<16xi32>
      %min3A_336 = arith.minsi %min3A_330, %select_n3A_335 : vector<16xi32>
      %eq3A_337 = arith.cmpf oeq, %scan3A_187#13, %min3A_258 : vector<16xf32>
      %add3A_338 = arith.constant 208 : i32
      %add3A_339 = vector.broadcast %add3A_338 : i32 to vector<16xi32>
      %add3A_340 = arith.addi %iota3A, %add3A_339 : vector<16xi32>
      %select_n3A_341 = arith.select %eq3A_337, %add3A_340, %broadcast_in_dim3A_3 : vector<16xi1>, vector<16xi32>
      %min3A_342 = arith.minsi %min3A_336, %select_n3A_341 : vector<16xi32>
      %eq3A_343 = arith.cmpf oeq, %scan3A_187#14, %min3A_258 : vector<16xf32>
      %add3A_344 = arith.constant 224 : i32
      %add3A_345 = vector.broadcast %add3A_344 : i32 to vector<16xi32>
      %add3A_346 = arith.addi %iota3A, %add3A_345 : vector<16xi32>
      %select_n3A_347 = arith.select %eq3A_343, %add3A_346, %broadcast_in_dim3A_3 : vector<16xi1>, vector<16xi32>
      %min3A_348 = arith.minsi %min3A_342, %select_n3A_347 : vector<16xi32>
      %eq3A_349 = arith.cmpf oeq, %scan3A_187#15, %min3A_258 : vector<16xf32>
      %add3A_350 = arith.constant 240 : i32
      %add3A_351 = vector.broadcast %add3A_350 : i32 to vector<16xi32>
      %add3A_352 = arith.addi %iota3A, %add3A_351 : vector<16xi32>
      %select_n3A_353 = arith.select %eq3A_349, %add3A_352, %broadcast_in_dim3A_3 : vector<16xi1>, vector<16xi32>
      %min3A_354 = arith.minsi %min3A_348, %select_n3A_353 : vector<16xi32>
      %iota3A_355 = tpu.iota {dimensions = array<i32: 0>} : vector<16xi32>
      %xor3A_356 = arith.constant 8 : i32
      %xor3A_357 = vector.broadcast %xor3A_356 : i32 to vector<16xi32>
      %xor3A_358 = arith.xori %iota3A_355, %xor3A_357 : vector<16xi32>
      %lt3A_359 = arith.constant 0 : i32
      %lt3A_360 = vector.broadcast %lt3A_359 : i32 to vector<16xi32>
      %lt3A_361 = arith.cmpi slt, %xor3A_358, %lt3A_360 : vector<16xi32>
      %add3A_362 = arith.constant 16 : i32
      %add3A_363 = vector.broadcast %add3A_362 : i32 to vector<16xi32>
      %add3A_364 = arith.addi %xor3A_358, %add3A_363 : vector<16xi32>
      %select_n3A_365 = arith.select %lt3A_361, %add3A_364, %xor3A_358 : vector<16xi1>, vector<16xi32>
      %broadcast_in_dim3A_366 = vector.shape_cast %select_n3A_365 : vector<16xi32> to vector<16x1xi32>
      %gather3A_367 = vector.shape_cast %broadcast_in_dim3A_366 : vector<16x1xi32> to vector<16xi32>
      %gather3A_368 = tpu.dynamic_gather %min3A_354[%gather3A_367] in [0] : vector<16xi32>, vector<16xi32> -> vector<16xi32>
      %min3A_369 = arith.minsi %min3A_354, %gather3A_368 : vector<16xi32>
      %xor3A_370 = arith.constant 4 : i32
      %xor3A_371 = vector.broadcast %xor3A_370 : i32 to vector<16xi32>
      %xor3A_372 = arith.xori %iota3A_355, %xor3A_371 : vector<16xi32>
      %lt3A_373 = arith.constant 0 : i32
      %lt3A_374 = vector.broadcast %lt3A_373 : i32 to vector<16xi32>
      %lt3A_375 = arith.cmpi slt, %xor3A_372, %lt3A_374 : vector<16xi32>
      %add3A_376 = arith.constant 16 : i32
      %add3A_377 = vector.broadcast %add3A_376 : i32 to vector<16xi32>
      %add3A_378 = arith.addi %xor3A_372, %add3A_377 : vector<16xi32>
      %select_n3A_379 = arith.select %lt3A_375, %add3A_378, %xor3A_372 : vector<16xi1>, vector<16xi32>
      %broadcast_in_dim3A_380 = vector.shape_cast %select_n3A_379 : vector<16xi32> to vector<16x1xi32>
      %gather3A_381 = vector.shape_cast %broadcast_in_dim3A_380 : vector<16x1xi32> to vector<16xi32>
      %gather3A_382 = tpu.dynamic_gather %min3A_369[%gather3A_381] in [0] : vector<16xi32>, vector<16xi32> -> vector<16xi32>
      %min3A_383 = arith.minsi %min3A_369, %gather3A_382 : vector<16xi32>
      %xor3A_384 = arith.constant 2 : i32
      %xor3A_385 = vector.broadcast %xor3A_384 : i32 to vector<16xi32>
      %xor3A_386 = arith.xori %iota3A_355, %xor3A_385 : vector<16xi32>
      %lt3A_387 = arith.constant 0 : i32
      %lt3A_388 = vector.broadcast %lt3A_387 : i32 to vector<16xi32>
      %lt3A_389 = arith.cmpi slt, %xor3A_386, %lt3A_388 : vector<16xi32>
      %add3A_390 = arith.constant 16 : i32
      %add3A_391 = vector.broadcast %add3A_390 : i32 to vector<16xi32>
      %add3A_392 = arith.addi %xor3A_386, %add3A_391 : vector<16xi32>
      %select_n3A_393 = arith.select %lt3A_389, %add3A_392, %xor3A_386 : vector<16xi1>, vector<16xi32>
      %broadcast_in_dim3A_394 = vector.shape_cast %select_n3A_393 : vector<16xi32> to vector<16x1xi32>
      %gather3A_395 = vector.shape_cast %broadcast_in_dim3A_394 : vector<16x1xi32> to vector<16xi32>
      %gather3A_396 = tpu.dynamic_gather %min3A_383[%gather3A_395] in [0] : vector<16xi32>, vector<16xi32> -> vector<16xi32>
      %min3A_397 = arith.minsi %min3A_383, %gather3A_396 : vector<16xi32>
      %xor3A_398 = arith.constant 1 : i32
      %xor3A_399 = vector.broadcast %xor3A_398 : i32 to vector<16xi32>
      %xor3A_400 = arith.xori %iota3A_355, %xor3A_399 : vector<16xi32>
      %lt3A_401 = arith.constant 0 : i32
      %lt3A_402 = vector.broadcast %lt3A_401 : i32 to vector<16xi32>
      %lt3A_403 = arith.cmpi slt, %xor3A_400, %lt3A_402 : vector<16xi32>
      %add3A_404 = arith.constant 16 : i32
      %add3A_405 = vector.broadcast %add3A_404 : i32 to vector<16xi32>
      %add3A_406 = arith.addi %xor3A_400, %add3A_405 : vector<16xi32>
      %select_n3A_407 = arith.select %lt3A_403, %add3A_406, %xor3A_400 : vector<16xi1>, vector<16xi32>
      %broadcast_in_dim3A_408 = vector.shape_cast %select_n3A_407 : vector<16xi32> to vector<16x1xi32>
      %gather3A_409 = vector.shape_cast %broadcast_in_dim3A_408 : vector<16x1xi32> to vector<16xi32>
      %gather3A_410 = tpu.dynamic_gather %min3A_397[%gather3A_409] in [0] : vector<16xi32>, vector<16xi32> -> vector<16xi32>
      %min3A_411 = arith.minsi %min3A_397, %gather3A_410 : vector<16xi32>
      %eq3A_412 = vector.broadcast %scan3A_147 : i32 to vector<16xi32>
      %eq3A_413 = arith.cmpi eq, %iota3A, %eq3A_412 : vector<16xi32>
      %select_n3A_414 = arith.select %eq3A_413, %min3A_411, %scan3A_148 : vector<16xi1>, vector<16xi32>
      scf.yield %select_n3A_414 : vector<16xi32>
    }
    %scan3A_82 = arith.constant 16 : i32
    %shift_right_arithmetic3A_83 = arith.constant 4 : i32
    %shift_right_arithmetic3A_84 = vector.broadcast %shift_right_arithmetic3A_83 : i32 to vector<16xi32>
    %shift_right_arithmetic3A_85 = arith.shrsi %scan3A_81, %shift_right_arithmetic3A_84 : vector<16xi32>
    %and3A_86 = arith.constant 15 : i32
    %and3A_87 = vector.broadcast %and3A_86 : i32 to vector<16xi32>
    %and3A_88 = arith.andi %scan3A_81, %and3A_87 : vector<16xi32>
    %add3A_89 = arith.constant 0 : i32
    %add3A_90 = vector.broadcast %add3A_89 : i32 to vector<16xi32>
    %add3A_91 = arith.addi %shift_right_arithmetic3A_5, %add3A_90 : vector<16xi32>
    %lt3A_92 = arith.constant 0 : i32
    %lt3A_93 = vector.broadcast %lt3A_92 : i32 to vector<16xi32>
    %lt3A_94 = arith.cmpi slt, %add3A_91, %lt3A_93 : vector<16xi32>
    %add3A_95 = arith.constant 16 : i32
    %add3A_96 = vector.broadcast %add3A_95 : i32 to vector<16xi32>
    %add3A_97 = arith.addi %add3A_91, %add3A_96 : vector<16xi32>
    %select_n3A_98 = arith.select %lt3A_94, %add3A_97, %add3A_91 : vector<16xi1>, vector<16xi32>
    %broadcast_in_dim3A_99 = vector.shape_cast %select_n3A_98 : vector<16xi32> to vector<16x1xi32>
    %gather3A_100 = vector.shape_cast %broadcast_in_dim3A_99 : vector<16x1xi32> to vector<16xi32>
    %gather3A_101 = tpu.dynamic_gather %shift_right_arithmetic3A_85[%gather3A_100] in [0] : vector<16xi32>, vector<16xi32> -> vector<16xi32>
    %lt3A_102 = arith.constant 0 : i32
    %lt3A_103 = vector.broadcast %lt3A_102 : i32 to vector<16xi32>
    %lt3A_104 = arith.cmpi slt, %add3A_91, %lt3A_103 : vector<16xi32>
    %add3A_105 = arith.constant 16 : i32
    %add3A_106 = vector.broadcast %add3A_105 : i32 to vector<16xi32>
    %add3A_107 = arith.addi %add3A_91, %add3A_106 : vector<16xi32>
    %select_n3A_108 = arith.select %lt3A_104, %add3A_107, %add3A_91 : vector<16xi1>, vector<16xi32>
    %broadcast_in_dim3A_109 = vector.shape_cast %select_n3A_108 : vector<16xi32> to vector<16x1xi32>
    %gather3A_110 = vector.shape_cast %broadcast_in_dim3A_109 : vector<16x1xi32> to vector<16xi32>
    %gather3A_111 = tpu.dynamic_gather %and3A_88[%gather3A_110] in [0] : vector<16xi32>, vector<16xi32> -> vector<16xi32>
    %select_n3A_112 = arith.select %eq3A_9, %gather3A_101, %gather3A_111 : vector<16xi1>, vector<16xi32>
    %swap3A_113 = arith.constant 32 : index
    %swap3A_114 = tpu.vector_load %arg7[%swap3A_113] {strides = array<i32>} : memref<64xi32, #tpu.memory_space<vmem>>, vector<16xi32>,
    %swap3A_115 = vector.shape_cast %swap3A_114 : vector<16xi32> to vector<16xi32>
    %swap3A_116 = vector.shape_cast %select_n3A_112 : vector<16xi32> to vector<16xi32>
    tpu.vector_store %arg7[%swap3A_113], %swap3A_116 {strides = array<i32>} : memref<64xi32, #tpu.memory_space<vmem>>, vector<16xi32>,
    %add3A_117 = arith.constant 8 : i32
    %add3A_118 = vector.broadcast %add3A_117 : i32 to vector<16xi32>
    %add3A_119 = arith.addi %shift_right_arithmetic3A_5, %add3A_118 : vector<16xi32>
    %lt3A_120 = arith.constant 0 : i32
    %lt3A_121 = vector.broadcast %lt3A_120 : i32 to vector<16xi32>
    %lt3A_122 = arith.cmpi slt, %add3A_119, %lt3A_121 : vector<16xi32>
    %add3A_123 = arith.constant 16 : i32
    %add3A_124 = vector.broadcast %add3A_123 : i32 to vector<16xi32>
    %add3A_125 = arith.addi %add3A_119, %add3A_124 : vector<16xi32>
    %select_n3A_126 = arith.select %lt3A_122, %add3A_125, %add3A_119 : vector<16xi1>, vector<16xi32>
    %broadcast_in_dim3A_127 = vector.shape_cast %select_n3A_126 : vector<16xi32> to vector<16x1xi32>
    %gather3A_128 = vector.shape_cast %broadcast_in_dim3A_127 : vector<16x1xi32> to vector<16xi32>
    %gather3A_129 = tpu.dynamic_gather %shift_right_arithmetic3A_85[%gather3A_128] in [0] : vector<16xi32>, vector<16xi32> -> vector<16xi32>
    %lt3A_130 = arith.constant 0 : i32
    %lt3A_131 = vector.broadcast %lt3A_130 : i32 to vector<16xi32>
    %lt3A_132 = arith.cmpi slt, %add3A_119, %lt3A_131 : vector<16xi32>
    %add3A_133 = arith.constant 16 : i32
    %add3A_134 = vector.broadcast %add3A_133 : i32 to vector<16xi32>
    %add3A_135 = arith.addi %add3A_119, %add3A_134 : vector<16xi32>
    %select_n3A_136 = arith.select %lt3A_132, %add3A_135, %add3A_119 : vector<16xi1>, vector<16xi32>
    %broadcast_in_dim3A_137 = vector.shape_cast %select_n3A_136 : vector<16xi32> to vector<16x1xi32>
    %gather3A_138 = vector.shape_cast %broadcast_in_dim3A_137 : vector<16x1xi32> to vector<16xi32>
    %gather3A_139 = tpu.dynamic_gather %and3A_88[%gather3A_138] in [0] : vector<16xi32>, vector<16xi32> -> vector<16xi32>
    %select_n3A_140 = arith.select %eq3A_9, %gather3A_129, %gather3A_139 : vector<16xi1>, vector<16xi32>
    %swap3A_141 = arith.constant 48 : index
    %swap3A_142 = tpu.vector_load %arg7[%swap3A_141] {strides = array<i32>} : memref<64xi32, #tpu.memory_space<vmem>>, vector<16xi32>,
    %swap3A_143 = vector.shape_cast %swap3A_142 : vector<16xi32> to vector<16xi32>
    %swap3A_144 = vector.shape_cast %select_n3A_140 : vector<16xi32> to vector<16xi32>
    tpu.vector_store %arg7[%swap3A_141], %swap3A_144 {strides = array<i32>} : memref<64xi32, #tpu.memory_space<vmem>>, vector<16xi32>,
    %mul3A_145 = arith.constant 2 : i32
    %mul3A_146 = arith.muli %mul3A_2, %mul3A_145 : i32
    "tpu.region"() ({
      %run_scoped3A = tpu.sem_alloc : memref<!tpu.dma_semaphore, #tpu.memory_space<semaphore_mem>>
      %dma_start3A = tpu.memref_slice %arg4[%mul3A_146] : memref<2048xi32, #tpu.memory_space<hbm>> -> memref<64xi32, #tpu.memory_space<hbm>>
      %dma_start3A_147 = tpu.memref_slice %arg4[%mul3A_146] : memref<2048xi32, #tpu.memory_space<hbm>> -> memref<64xi32, #tpu.memory_space<hbm>>
      tpu.enqueue_dma source(%arg7 : memref<64xi32, #tpu.memory_space<vmem>>) target(%dma_start3A_147 : memref<64xi32, #tpu.memory_space<hbm>>) target_semaphore(%run_scoped3A : memref<!tpu.dma_semaphore, #tpu.memory_space<semaphore_mem>>)
      %dma_wait3A = tpu.memref_slice %arg4[%mul3A_146] : memref<2048xi32, #tpu.memory_space<hbm>> -> memref<64xi32, #tpu.memory_space<hbm>>
      %dma_wait3A_148 = tpu.memref_slice %arg4[%mul3A_146] : memref<2048xi32, #tpu.memory_space<hbm>> -> memref<64xi32, #tpu.memory_space<hbm>>
      tpu.wait_dma2 semaphore(%run_scoped3A : memref<!tpu.dma_semaphore, #tpu.memory_space<semaphore_mem>>) src(%arg7 : memref<64xi32, #tpu.memory_space<vmem>>) dst(%dma_wait3A_148 : memref<64xi32, #tpu.memory_space<hbm>>)
      tpu.yield
    }) : () -> ()
    return
  }
}

</mosaic_0001>

<sc_bundles>
// kernel: kernel.3.cloned.1.call-start
scs
__scs_entry_jumppad:
0x0: {  	(pc) =	sbr.rel $0x88, $3  }
0x1: {  	(tag) =	ssettag $0x0;
	lr =	simm.s32 $0x1  }
0x2: {  	[smem:$0x3F9F] =	sst lr;
	_ =	strace $0xD0000000  }
0x3: {  	_ = 	snop  }
0x4: {  	_ = 	snop  }
0x5: {  	_ = 	snop  }
0x6: {  	_ = 	snop  }
0x7: {  	_ = 	snop  }
__scs_overlays_trampoline_lowered:
0x8: {  	[smem:$0x3FAE] =	sst s0  }
0x9: {  	[smem:$0x3FAF] =	sst s1  }
0xa: {  	[smem:$0x3FB0] =	sst s2  }
0xb: {  	[smem:$0x3FB1] =	sst s3  }
0xc: {  	[smem:$0x3FB2] =	sst s4  }
0xd: {  	[smem:$0x3FB3] =	sst s5  }
0xe: {  	[smem:$0x3FB4] =	sst s6  }
0xf: {  	[smem:$0x3FB5] =	sst s7  }
0x10: {  	[smem:$0x3FB6] =	sst s8  }
0x11: {  	[smem:$0x3FB7] =	sst s9;
	s0 =	simm.s32 @!p0 $0x0  }
0x12: {  	s1 =	sld [smem:$0x3F9D];
	s0 =	simm.s32 @p0 $0x1  }
0x13: {  	[smem:$0x3FB8] =	sst s0;
	s0 =	simm.s32 @!p1 $0x0  }
0x14: {  	s2 =	sld [smem:$0x3F9C];
	s0 =	simm.s32 @p1 $0x1  }
0x15: {  	[smem:$0x3FB9] =	sst s0;
	s0 =	simm.s32 @!p2 $0x0  }
0x16: {  	s3 =	sld [smem:$0x3FDB];
	s0 =	simm.s32 @p2 $0x1  }
0x17: {  	s4 =	simm.s32 $0x1BF5;
	[smem:$0x3FBB] =	sst s0  }
0x18: {  	s0 =	sld [smem:$0x3F9E];
	_ =	swait.ge [sflag:s4], $0x0  }
0x19: {  	s7 =	sld [smem:$0x3F9F]  }
0x1a: {  	s8 =	sadd.s32 $0xFFFFE003, lr  }
0x1b: {  	s9 =	sadd.s32 $0xFFFFFEF7, lr;
	s5 =	simm.s32 $0xFFFFFFFF;
	p2 =	slt.u32 s8, $0xFFFFF086  }
0x1c: {  	p1 =	slt.u32 s9, $0xF7A;
	s5 =	simm.s32 @!p2 $0x0  }
0x1d: {  	s5 =	simm.s32 @p1 $0x1;
	p0 =	seq.s32 s7, s2  }
0x1e: {  	s7 =	smul.u32 @!p0 $0xF7A, s2;
	p2 =	seq.s32 @!p0 s5, $0x0  }
0x1f: {  	s9 =	smul.u32 $0xF7A, s1;
	s8 =	simm.s32 @!p0 $0x1BF5;
	p2 =	por !p2, p0  }
0x20: {  	[sflag:s8] =	ssyncset.s32 @!p0 $0xFFFFF086;
	s6 =	sadd.s32 @!p0 s3, s7;
	s7 =	simm.s32 @!p0 $0x108  }
0x21: {  	s3 =	sadd.s32 s3, s9;
	s6 =	sadd.s32 @!p0 $0x88, s6;
	s7 =	simm.s32 @p2 $0x1082  }
0x22: {  	[simem:s7], [sflag:s8] =	dma.local @!p0 [hbm:s6], $0xF7A  }
0x23: {  	s9 =	sor.u32 $0xD0000000, s2;
	s6 =	simm.s32 $0x108;
	_ =	swait.ge @!p0 [sflag:s8], $0x0  }
0x24: {  	s3 =	sadd.s32 $0x88, s3;
	s6 =	simm.s32 @!p1 $0x1082;
	[sflag:s4] =	ssyncset.s32 $0xFFFFF086  }
0x25: {  	[simem:s6], [sflag:s4] =	dma.local [hbm:s3], $0xF7A  }
0x26: {  	[smem:$0x3F9F] =	sst s1;
	(tag) =	ssettag s2;
	_ =	strace s9  }
0x27: {  	s1 =	sld [smem:$0x3FAF]  }
0x28: {  	s2 =	sld [smem:$0x3FB0]  }
0x29: {  	s4 =	sld [smem:$0x3FB2]  }
0x2a: {  	p0 =	seq.s32 s5, $0x0;
	s5 =	sld [smem:$0x3FB3]  }
0x2b: {  	s6 =	sld [smem:$0x3FB4]  }
0x2c: {  	s7 =	sld [smem:$0x3FB5]  }
0x2d: {  	s3 =	simm.s32 $0x108;
	s8 =	sld [smem:$0x3FB6]  }
0x2e: {  	s3 =	simm.s32 @!p0 $0x1082;
	s9 =	sld [smem:$0x3FB7]  }
0x2f: {  	lr =	sadd.s32 s0, s3;
	s0 =	sld [smem:$0x3FAE]  }
0x30: {  	s3 =	sld [smem:$0x3FB1]  }
0x31: {  	[smem:$0x3FBA] =	sst s10  }
0x32: {  	s10 =	sld [smem:$0x3FB8];
	_ =	sdelay $0x3  }
0x33: {  	p0 =	seq.s32 s10, $0x1;
	s10 =	sld [smem:$0x3FBA];
	_ =	sdelay $0x3  }
0x34: {  	[smem:$0x3FBA] =	sst s10  }
0x35: {  	s10 =	sld [smem:$0x3FB9];
	_ =	sdelay $0x3  }
0x36: {  	p1 =	seq.s32 s10, $0x1;
	s10 =	sld [smem:$0x3FBA];
	_ =	sdelay $0x3  }
0x37: {  	[smem:$0x3FBA] =	sst s10  }
0x38: {  	s10 =	sld [smem:$0x3FBB]  }
0x39: {  	_ = 	snop;
	(pc) =	sbr.ind lr, $3  }
0x3a: {  	_ = 	snop  }
0x3b: {  	_ = 	snop  }
0x3c: {  	p2 =	seq.s32 s10, $0x1;
	s10 =	sld [smem:$0x3FBA]  }
0x3d: {  	_ =	shalt  }
0x3e: {  	_ =	shalt  }
0x3f: {  	_ =	shalt  }
0x40: {  	_ =	shalt  }
0x41: {  	_ =	shalt  }
0x42: {  	_ =	shalt  }
0x43: {  	_ =	shalt  }
0x44: {  	_ =	shalt  }
0x45: {  	_ =	shalt  }
0x46: {  	_ =	shalt  }
0x47: {  	_ =	shalt  }
0x48: {  	_ =	shalt  }
0x49: {  	_ =	shalt  }
0x4a: {  	_ =	shalt  }
0x4b: {  	_ =	shalt  }
0x4c: {  	_ =	shalt  }
0x4d: {  	_ =	shalt  }
0x4e: {  	_ =	shalt  }
0x4f: {  	_ =	shalt  }
0x50: {  	_ =	shalt  }
0x51: {  	_ =	shalt  }
0x52: {  	_ =	shalt  }
0x53: {  	_ =	shalt  }
0x54: {  	_ =	shalt  }
0x55: {  	_ =	shalt  }
0x56: {  	_ =	shalt  }
0x57: {  	_ =	shalt  }
0x58: {  	_ =	shalt  }
0x59: {  	_ =	shalt  }
0x5a: {  	_ =	shalt  }
0x5b: {  	_ =	shalt  }
0x5c: {  	_ =	shalt  }
0x5d: {  	_ =	shalt  }
0x5e: {  	_ =	shalt  }
0x5f: {  	_ =	shalt  }
0x60: {  	_ =	shalt  }
0x61: {  	_ =	shalt  }
0x62: {  	_ =	shalt  }
0x63: {  	_ =	shalt  }
0x64: {  	_ =	shalt  }
0x65: {  	_ =	shalt  }
0x66: {  	_ =	shalt  }
0x67: {  	_ =	shalt  }
0x68: {  	_ =	shalt  }
0x69: {  	_ =	shalt  }
0x6a: {  	_ =	shalt  }
0x6b: {  	_ =	shalt  }
0x6c: {  	_ =	shalt  }
0x6d: {  	_ =	shalt  }
0x6e: {  	_ =	shalt  }
0x6f: {  	_ =	shalt  }
0x70: {  	_ =	shalt  }
0x71: {  	_ =	shalt  }
0x72: {  	_ =	shalt  }
0x73: {  	_ =	shalt  }
0x74: {  	_ =	shalt  }
0x75: {  	_ =	shalt  }
0x76: {  	_ =	shalt  }
0x77: {  	_ =	shalt  }
0x78: {  	_ =	shalt  }
0x79: {  	_ =	shalt  }
0x7a: {  	_ =	shalt  }
0x7b: {  	_ =	shalt  }
0x7c: {  	_ =	shalt  }
0x7d: {  	_ =	shalt  }
0x7e: {  	_ =	shalt  }
0x7f: {  	_ =	shalt  }
0x80: {  	_ =	shalt  }
0x81: {  	_ =	shalt  }
0x82: {  	_ =	shalt  }
0x83: {  	_ =	shalt  }
0x84: {  	_ =	shalt  }
0x85: {  	_ =	shalt  }
0x86: {  	_ =	shalt  }
0x87: {  	_ =	shalt  }
.Lfunc_end0:
.L_simem_size_0:
called_computation_lowered:
.L_overlay_start_0:
0x88: {  	s2 =	sld [smem:$0x3FD9]  }
0x89: {  	s3 =	sld [smem:$0x3FFE];
	_ =	sdelay $0x1  }
0x8a: {  	s1 =	srdreg.scid  }
0x8b: {  	s0 =	sand.u32 $0x1, s1  }
0x8c: {  	s17 =	sshll.u32 s0, $0xA;
	s2 =	sadd.s32 s3, s2  }
0x8d: {  	s2 =	sadd.s32 s2, s17  }
0x8e: {  	[smem:$0x3FC6] =	sst s2  }
0x8f: {  	_ = 	snop  }
0x90: {  	s2 =	sld [smem:$0x3FC9]  }
0x91: {  	s18 =	sld [smem:$0x3FD0];
	(tm) =	ssettm $0x1  }
0x92: {  	s4 =	sld [smem:$0x3FFB];
	_ =	sdelay $0x3  }
0x93: {  	_ =	strace s4  }
0x94: {  	s4 =	sld [smem:$0x3FFC];
	_ =	sdelay $0x3  }
0x95: {  	_ =	strace s4  }
0x96: {  	s4 =	sld [smem:$0x3FFD];
	_ =	sdelay $0x3  }
0x97: {  	_ =	strace s4  }
0x98: {  	_ =	strace $0x8FFFFFFF  }
0x99: {  	s19 =	sld [smem:$0x3FDB];
	_ =	sdelay $0x1  }
0x9a: {  	s5 =	simm.s32 $_scs_section_size  }
0x9b: {  	s6 =	simm.s32 $_size__tile_overlayer_lowered;
	s7 =	simm.s32 $_tile_overlayer_lowered  }
0x9c: {  	s22 =	simm.s32 $0x1BFF;
	s21 =	sshll.u32 s7, $0x1;
	s4 =	sadd.s32 s5, s19  }
0x9d: {  	s8 =	simm.s32 $0x0;
	s20 =	sshll.u32 s6, $0x1;
	s6 =	sadd.s32 s21, s4  }
0x9e: {  	[timem:s8], [sflag:s22] =	dma.local [hbm:s6], s20  }
0x9f: {  	_ =	swait.ge [sflag:s22], s20  }
0xa0: {  	s5 =	ssub.s32 $0x0, s20;
	[sflag:s22] =	ssyncset.done $0x0  }
0xa1: {  	[sflag:s22] =	ssyncadd.s32 s5;
	_ =	sdelay $0x1  }
0xa2: {  	s23 =	simm.s32 $0x1B8B  }
0xa3: {  	_ =	swait.ge [sflag:s23], $0x1  }
0xa4: {  	[sflag:s23] =	ssyncset.done $0x0  }
0xa5: {  	s25 =	simm.s32 $0x1B8E;
	s24 =	sld [smem:$0x3FFE];
	[sflag:s23] =	ssyncadd.s32 $0xFFFFFFFF  }
0xa6: {  	s26 =	simm.s32 $execute0_lowered;
	[smem:$0x3FD2] =	sst s25  }
0xa7: {  	s6 =	sshll.u32 s26, $0x1;
	_ =	strace $0x80000046;
	[dreg:$0x1] =	wrdreg $0xFFFFFFFF  }
0xa8: {  	s28 =	simm.s32 $_size_execute0_lowered;
	s4 =	sadd.s32 s4, s6;
	[dreg:$0x0] =	wrdreg $0x0  }
0xa9: {  	s6 =	sshll.u32 s28, $0x1;
	[dreg:$0x2] =	wrdreg s4  }
0xaa: {  	[dreg:$0x3] =	wrdreg s6  }
0xab: {  	[dreg:$0x4] =	wrdreg $0xC0  }
0xac: {  	_ =	task [dreg:s8], $0x5FFFF  }
0xad: {  	[dreg:$0x1] =	wrdreg $0xFFFFFFFF  }
0xae: {  	[dreg:$0x0] =	wrdreg $0x60  }
0xaf: {  	[dreg:$0x2] =	wrdreg s2  }
0xb0: {  	[dreg:$0x3] =	wrdreg s24  }
0xb1: {  	[dreg:$0x4] =	wrdreg s18  }
0xb2: {  	[dreg:$0x5] =	wrdreg $0x9  }
0xb3: {  	_ =	task.clear_ibuf [dreg:s8], $0x6FFFF;
	_ =	strace $0x90000046  }
0xb4: {  	s29 =	simm.s32 $0x9;
	_ =	strace $0x80000048  }
0xb5: {  	_ =	swait.ge [sflag:s29], $0x1  }
0xb6: {  	[sflag:s29] =	ssyncadd.s32 $0xFFFFFFFF  }
0xb7: {  	_ =	strace $0x90000048  }
0xb8: {  	_ =	sfence  }
0xb9: {  	s30 =	sld [smem:$0x0];
	_ =	sdelay $0x2  }
0xba: {  	s31 =	sshll.u32 s1, $0xD;
	s1 =	sshrl.u32 s1, $0x2  }
0xbb: {  	s3 =	sand.u32 $0x4000, s31;
	s1 =	sadd.s32 s1, s30  }
0xbc: {  	s0 =	sor.u32 s3, s0;
	s1 =	sshll.u32 s1, $0x11  }
0xbd: {  	s0 =	sor.u32 s1, s0  }
0xbe: {  	s0 =	sadd.s32 $0x8F2B, s0  }
0xbf: {  	[sflag:s0] =	ssyncadd.remote.s32 $0x1  }
0xc0: {  	_ =	sfence.sel $0xFFFF  }
0xc1: {  	[dreg:$0x0] =	wrdreg $0xFFFFFFFF;
	(pc) =	sbr.abs _section_cstart, $3  }
0xc2: {  	[dreg:$0x1] =	wrdreg $0xFFFFFFFF  }
0xc3: {  	_ =	task.clear_ibuf [dreg:s8], $0x2FFFF;
	_ =	strace $0x9FFFFFFF  }
0xc4: {  	(tm) =	ssettm $0x7FFFFFFF  }
0xc5: {  	_ =	shalt  }
tec
execute0_lowered:
.L_overlay_start_1:
0x0: {  	(tag) =	ssettag $0x1  }
0x1: {  	v0 =	vimm.s32 $0xFEDCBA98;
	v1 =	vimm.s32 $0x76543210;
	v2 =	vimm.s32 $0xBA98FEDC  }
0x2: {  	v3 =	vimm.s32 $0x32107654;
	v4 =	vimm.s32 $0xDCFE98BA;
	v5 =	vimm.s32 $0x54761032  }
0x3: {  	vm0 =	vcmask $0xB08;
	vm1 =	vcmask $0x300;
	v0 =	vunpack.c.l.s4.s8 v0  }
0x4: {  	v1 =	vunpack.c.l.s4.s8 v1;
	v2 =	vunpack.c.l.s4.s8 v2;
	v3 =	vunpack.c.l.s4.s8 v3  }
0x5: {  	v4 =	vunpack.c.l.s4.s8 v4;
	v5 =	vunpack.c.l.s4.s8 v5;
	vm0 =	vmor vm1, vm0  }
0x6: {  	vm1 =	vcmask $0x1310;
	v0 =	vunpack.c.0.s8.s32 v0;
	v2 =	vunpack.c.0.s8.s32 v2  }
0x7: {  	v3 =	vunpack.c.0.s8.s32 v3;
	v4 =	vunpack.c.0.s8.s32 v4;
	v5 =	vunpack.c.0.s8.s32 v5  }
0x8: {  	s4 =	rddreg [dreg:$0x0];
	vm0 =	vmor vm0, vm1;
	v1 =	vunpack.c.0.s8.s32 v1  }
0x9: {  	s3 =	rddreg [dreg:$0x1];
	v0 =	vand.u32 $0xF, v0;
	v2 =	vcombine.low v3, v2;
	v3 =	vcombine.low v5, v4  }
0xa: {  	s5 =	rddreg [dreg:$0x2];
	v4 =	vimm.s32 $0x67452301;
	v52 =	vcombine.low v0, v1;
	v1 =	vimm.s32 $0xEFCDAB89  }
0xb: {  	s0 =	rddreg [dreg:$0x3];
	vm1 =	vcmask $0x1B18;
	v4 =	vunpack.c.l.s4.s8 v4;
	v1 =	vunpack.c.l.s4.s8 v1  }
0xc: {  	s2 =	simm.s32 $0x0;
	s6 =	srdreg.scid;
	s1 =	stileid.u32;
	vm0 =	vmor vm0, vm1  }
0xd: {  	s10 =	simm.s32 $0x0;
	[smem:$0x7FF] =	sst s2;
	s6 =	sand.u32 $0x1, s6;
	vm1 =	vcmask $0x2320;
	v4 =	vunpack.c.0.s8.s32 v4;
	v5 =	vunpack.c.0.s8.s32 v1  }
0xe: {  	s7 =	sshll.u32 s1, $0x1;
	s3 =	sadd.s32 $0x400, s3;
	s8 =	ssub.s32 $0x2, s6;
	vm0 =	vmor vm0, vm1  }
0xf: {  	_ =	strace $0x80000047;
	s6 =	sor.u32 s6, s7;
	s31 =	sshrl.u32 s8, $0x1;
	vm1 =	vcmask $0x2B28;
	v53 =	vand.u32 $0xF, v2;
	v4 =	vcombine.low v4, v5  }
0x10: {  	s9 =	sshll.u32 s6, $0x9;
	s6 =	sshll.u32 s6, $0x3;
	s7 =	ssub.s32 s8, s31;
	vm0 =	vmor vm0, vm1;
	vm1 =	vcmask $0x3330;
	v3 =	vand.u32 $0xF, v3;
	[tilespmem:$0x1FFD0] =	vst v53  }
0x11: {  	s4 =	sadd.s32 s4, s9;
	s5 =	sadd.s32 s5, s6;
	s8 =	simm.s32 $0x1000;
	vm0 =	vmor vm0, vm1;
	vm1 =	vcmask $0x3B38;
	[tilespmem:$0x1FFE0] =	vst v3;
	v54 =	vand.u32 $0xF, v4  }
0x12: {  	s9 =	simm.s32 $0x9000;
	s6 =	smax.u32 s7, $0x1;
	s7 =	simm.s32 $0x1;
	vm0 =	vmor vm0, vm1;
	v4 =	vlaneseq.u32;
	[tilespmem:$0x1FFF0] =	vst v54  }
.LBB2_1:
0x13: {  	[tilespmem:s2], [sflag:$0x1] =	stream.linear.gather [hbm4b:s4+s2], $0x1000, $0x38;
	[tilespmem:$0x9080] =	vst v63  }
0x14: {  	_ =	swait.ge [sflag:s7], $0x1000  }
0x15: {  	[sflag:s7] =	ssyncset.done $0x0  }
0x16: {  	[sflag:s7] =	ssyncadd.s32 $0xFFFFF000  }
0x17: {  	[tilespmem:s8], [sflag:$0x1] =	stream.linear.gather [hbm4b:s3+s2], $0x8000, $0x38;
	[tilespmem:$0x9080] =	vst v63  }
0x18: {  	_ =	swait.ge [sflag:s7], $0x8000  }
0x19: {  	[sflag:s7] =	ssyncset.done $0x0  }
0x1a: {  	v20 =	vimm.s32 $0x0;
	s11 =	simm.s32 $0x0;
	[sflag:s7] =	ssyncadd.s32 $0xFFFF8000  }
.LBB2_2:
0x1b: {  	v5 =	vimm.f32 $0.0e+00;
	v6 =	vimm.f32 $0.0e+00  }
0x1c: {  	s12 =	sshll.u32 s11, $0x7;
	v7 =	vimm.f32 $0.0e+00;
	v8 =	vimm.f32 $0.0e+00;
	v9 =	vimm.f32 $0.0e+00  }
0x1d: {  	v10 =	vimm.f32 $0.0e+00;
	v11 =	vimm.f32 $0.0e+00;
	v12 =	vimm.f32 $0.0e+00;
	s12 =	sand.u32 $0x3FFFFF80, s12  }
0x1e: {  	v13 =	vimm.f32 $0.0e+00;
	v14 =	vimm.f32 $0.0e+00;
	v22 =	vmov s12  }
0x1f: {  	v15 =	vimm.f32 $0.0e+00;
	v16 =	vimm.f32 $0.0e+00;
	v17 =	vimm.f32 $0.0e+00  }
0x20: {  	v18 =	vimm.f32 $0.0e+00;
	v19 =	vimm.f32 $0.0e+00;
	v21 =	vimm.f32 $0.0e+00;
	s12 =	simm.s32 $0x0  }
.LBB2_3:
0x21: {  	s13 =	sshll.u32 s12, $0x4  }
0x22: {  	s14 =	sshll.u32 s12, $0xC;
	s13 =	sand.u32 $0x3FFFFFF0, s13  }
0x23: {  	s31 =	sand.u32 $0x3FFFF000, s14;
	v23 =	vld.idx.msk [tilespmem:v22+s13+$0x0 ss:$0x1], $0xffff  }
0x24: {  	v24 =	vld [tilespmem:s31+$0x1000]  }
0x25: {  	v25 =	vld [tilespmem:s31+$0x1010]  }
0x26: {  	v26 =	vld [tilespmem:s31+$0x1020]  }
0x27: {  	v27 =	vld [tilespmem:s31+$0x1030]  }
0x28: {  	v28 =	vld [tilespmem:s31+$0x1040]  }
0x29: {  	v29 =	vld [tilespmem:s31+$0x1050]  }
0x2a: {  	v30 =	vld [tilespmem:s31+$0x1060]  }
0x2b: {  	v31 =	vld [tilespmem:s31+$0x1070]  }
0x2c: {  	v32 =	vld [tilespmem:s31+$0x1400]  }
0x2d: {  	v33 =	vld [tilespmem:s31+$0x1410]  }
0x2e: {  	v34 =	vld [tilespmem:s31+$0x1420]  }
0x2f: {  	v36 =	vld [tilespmem:s31+$0x1430]  }
0x30: {  	v37 =	vld [tilespmem:s31+$0x1440];
	v35 =	vbroadcast v23, $0x0  }
0x31: {  	v38 =	vld [tilespmem:s31+$0x1450]  }
0x32: {  	v39 =	vld [tilespmem:s31+$0x1460];
	v24 =	vsub.f32 v24, v35;
	v25 =	vsub.f32 v25, v35  }
0x33: {  	v40 =	vld [tilespmem:s31+$0x1470];
	v26 =	vsub.f32 v26, v35;
	v27 =	vsub.f32 v27, v35  }
0x34: {  	v41 =	vld [tilespmem:s31+$0x1080];
	v28 =	vsub.f32 v28, v35;
	v29 =	vsub.f32 v29, v35  }
0x35: {  	v42 =	vld [tilespmem:s31+$0x1090];
	v30 =	vsub.f32 v30, v35;
	v31 =	vsub.f32 v31, v35  }
0x36: {  	v43 =	vld [tilespmem:s31+$0x10A0];
	v32 =	vsub.f32 v32, v35;
	v33 =	vsub.f32 v33, v35  }
0x37: {  	v44 =	vld [tilespmem:s31+$0x10B0];
	v34 =	vsub.f32 v34, v35;
	v36 =	vsub.f32 v36, v35  }
0x38: {  	v45 =	vld [tilespmem:s31+$0x10C0];
	v46 =	vbroadcast v23, $0x1;
	v37 =	vsub.f32 v37, v35;
	v38 =	vsub.f32 v38, v35  }
0x39: {  	v47 =	vld [tilespmem:s31+$0x10D0];
	v39 =	vsub.f32 v39, v35;
	v35 =	vsub.f32 v40, v35  }
0x3a: {  	v61 =	vld [tilespmem:s31+$0x10E0];
	v41 =	vsub.f32 v41, v46;
	v42 =	vsub.f32 v42, v46  }
0x3b: {  	v48 =	vld [tilespmem:s31+$0x10F0];
	v43 =	vsub.f32 v43, v46;
	v24 =	vmul.f32 v24, v24;
	v25 =	vmul.f32 v25, v25  }
0x3c: {  	v49 =	vld [tilespmem:s31+$0x1480];
	v44 =	vsub.f32 v44, v46;
	v26 =	vmul.f32 v26, v26;
	v27 =	vmul.f32 v27, v27  }
0x3d: {  	v50 =	vld [tilespmem:s31+$0x1490];
	v45 =	vsub.f32 v45, v46;
	v28 =	vmul.f32 v28, v28;
	v29 =	vmul.f32 v29, v29  }
0x3e: {  	v51 =	vld [tilespmem:s31+$0x14A0];
	v47 =	vsub.f32 v47, v46;
	v30 =	vmul.f32 v30, v30;
	v31 =	vmul.f32 v31, v31  }
0x3f: {  	v60 =	vld [tilespmem:s31+$0x14F0];
	v40 =	vsub.f32 v61, v46;
	v32 =	vmul.f32 v32, v32;
	v33 =	vmul.f32 v33, v33  }
0x40: {  	v48 =	vsub.f32 v48, v46;
	v34 =	vmul.f32 v34, v34;
	v41 =	vmul.f32 v41, v41  }
0x41: {  	v55 =	vsub.f32 v49, v46;
	v42 =	vmul.f32 v42, v42;
	v43 =	vmul.f32 v43, v43  }
0x42: {  	v56 =	vsub.f32 v50, v46;
	v44 =	vmul.f32 v44, v44;
	v62 =	vmul.f32 v45, v45  }
0x43: {  	v63 =	vld [tilespmem:s31+$0x14B0];
	v57 =	vsub.f32 v51, v46;
	v47 =	vmul.f32 v47, v47;
	v36 =	vmul.f32 v36, v36  }
0x44: {  	v49 =	vld [tilespmem:s31+$0x14E0];
	v37 =	vmul.f32 v37, v37;
	v40 =	vmul.f32 v40, v40;
	v45 =	vsub.f32 v60, v46  }
0x45: {  	v58 =	vmul.f32 v55, v55;
	v55 =	vld [tilespmem:s31+$0x1120];
	v24 =	vadd.f32 v41, v24;
	v25 =	vadd.f32 v42, v25  }
0x46: {  	v59 =	vmul.f32 v56, v56;
	v26 =	vadd.f32 v43, v26;
	v27 =	vadd.f32 v44, v27;
	v43 =	vld [tilespmem:s31+$0x14C0]  }
0x47: {  	v61 =	vmul.f32 v57, v57;
	v28 =	vadd.f32 v62, v28;
	v29 =	vadd.f32 v47, v29;
	v47 =	vld [tilespmem:s31+$0x14D0]  }
0x48: {  	v35 =	vmul.f32 v35, v35;
	v42 =	vsub.f32 v63, v46;
	v30 =	vadd.f32 v40, v30;
	v62 =	vld [tilespmem:s31+$0x1100]  }
0x49: {  	v41 =	vmul.f32 v48, v48;
	v32 =	vadd.f32 v58, v32;
	v33 =	vadd.f32 v59, v33;
	v63 =	vld [tilespmem:s31+$0x1110]  }
0x4a: {  	v34 =	vadd.f32 v61, v34;
	v44 =	vbroadcast v23, $0x2;
	v58 =	vld [tilespmem:s31+$0x1130];
	v45 =	vmul.f32 v45, v45  }
0x4b: {  	v60 =	vld [tilespmem:s31+$0x1150];
	v49 =	vsub.f32 v49, v46;
	v31 =	vadd.f32 v41, v31;
	v42 =	vmul.f32 v42, v42  }
0x4c: {  	v38 =	vmul.f32 v38, v38;
	v59 =	vld [tilespmem:s31+$0x1140];
	v35 =	vadd.f32 v45, v35;
	v41 =	vsub.f32 v55, v44  }
0x4d: {  	v39 =	vmul.f32 v39, v39;
	v61 =	vld [tilespmem:s31+$0x1160];
	v36 =	vadd.f32 v42, v36;
	v56 =	vsub.f32 v43, v46  }
0x4e: {  	v49 =	vmul.f32 v49, v49;
	v48 =	vsub.f32 v62, v44;
	v40 =	vsub.f32 v63, v44;
	v63 =	vld [tilespmem:s31+$0x1170]  }
0x4f: {  	v57 =	vsub.f32 v47, v46;
	v55 =	vsub.f32 v58, v44;
	v58 =	vld [tilespmem:s31+$0x1510];
	v42 =	vmul.f32 v56, v56  }
0x50: {  	v39 =	vadd.f32 v49, v39;
	v41 =	vmul.f32 v41, v41;
	v49 =	vld [tilespmem:s31+$0x1520];
	v62 =	vmul.f32 v48, v48  }
0x51: {  	v40 =	vmul.f32 v40, v40;
	v56 =	vsub.f32 v59, v44;
	v37 =	vadd.f32 v42, v37;
	v42 =	vld [tilespmem:s31+$0x1500]  }
0x52: {  	v43 =	vmul.f32 v57, v57;
	v57 =	vsub.f32 v60, v44;
	v24 =	vadd.f32 v62, v24;
	v62 =	vld [tilespmem:s31+$0x1530]  }
0x53: {  	v59 =	vsub.f32 v61, v44;
	v25 =	vadd.f32 v40, v25;
	v40 =	vmul.f32 v55, v55;
	v55 =	vld [tilespmem:s31+$0x1540]  }
0x54: {  	v26 =	vadd.f32 v41, v26;
	v38 =	vadd.f32 v43, v38;
	v60 =	vmul.f32 v56, v56;
	v56 =	vld [tilespmem:s31+$0x1550]  }
0x55: {  	v61 =	vmul.f32 v57, v57;
	v57 =	vld [tilespmem:s31+$0x1560];
	v43 =	vsub.f32 v63, v44;
	v58 =	vsub.f32 v58, v44  }
0x56: {  	v63 =	vmul.f32 v59, v59;
	v59 =	vld [tilespmem:s31+$0x1570];
	v27 =	vadd.f32 v40, v27;
	v28 =	vadd.f32 v60, v28  }
0x57: {  	v29 =	vadd.f32 v61, v29;
	v60 =	vsub.f32 v49, v44;
	v61 =	vld [tilespmem:s31+$0x1180];
	v43 =	vmul.f32 v43, v43  }
0x58: {  	v49 =	vld [tilespmem:s31+$0x11E0];
	v30 =	vadd.f32 v63, v30;
	v42 =	vsub.f32 v42, v44  }
0x59: {  	v63 =	vld [tilespmem:s31+$0x11A0];
	v47 =	vmul.f32 v60, v60;
	v31 =	vadd.f32 v43, v31;
	v46 =	vsub.f32 v62, v44  }
0x5a: {  	v48 =	vsub.f32 v55, v44;
	v62 =	vld [tilespmem:s31+$0x1190];
	v41 =	vsub.f32 v56, v44;
	v42 =	vmul.f32 v42, v42  }
0x5b: {  	v43 =	vmul.f32 v58, v58;
	v55 =	vld [tilespmem:s31+$0x11B0];
	v40 =	vsub.f32 v57, v44;
	v56 =	vsub.f32 v59, v44  }
0x5c: {  	v59 =	vld [tilespmem:s31+$0x11D0];
	v41 =	vmul.f32 v41, v41;
	v32 =	vadd.f32 v42, v32;
	v42 =	vbroadcast v23, $0x3  }
0x5d: {  	v34 =	vadd.f32 v47, v34;
	v44 =	vld [tilespmem:s31+$0x11C0];
	v46 =	vmul.f32 v46, v46;
	v33 =	vadd.f32 v43, v33  }
0x5e: {  	v38 =	vadd.f32 v41, v38;
	v41 =	vmul.f32 v56, v56;
	v56 =	vld [tilespmem:s31+$0x1580];
	v57 =	vsub.f32 v61, v42  }
0x5f: {  	v58 =	vsub.f32 v62, v42;
	v60 =	vsub.f32 v63, v42;
	v63 =	vld [tilespmem:s31+$0x11F0]  }
0x60: {  	v48 =	vmul.f32 v48, v48;
	v36 =	vadd.f32 v46, v36;
	v35 =	vadd.f32 v41, v35;
	v41 =	vld [tilespmem:s31+$0x15A0]  }
0x61: {  	v59 =	vsub.f32 v59, v42;
	v61 =	vmul.f32 v57, v57;
	v62 =	vmul.f32 v58, v58;
	v57 =	vld [tilespmem:s31+$0x1590]  }
0x62: {  	v37 =	vadd.f32 v48, v37;
	v43 =	vsub.f32 v55, v42;
	v55 =	vmul.f32 v60, v60;
	v60 =	vld [tilespmem:s31+$0x15B0]  }
0x63: {  	v58 =	vsub.f32 v44, v42;
	v44 =	vmul.f32 v59, v59;
	v25 =	vadd.f32 v62, v25;
	v62 =	vld [tilespmem:s31+$0x15C0]  }
0x64: {  	v43 =	vmul.f32 v43, v43;
	v48 =	vsub.f32 v56, v42;
	v26 =	vadd.f32 v55, v26;
	v55 =	vld [tilespmem:s31+$0x15E0]  }
0x65: {  	v40 =	vmul.f32 v40, v40;
	v24 =	vadd.f32 v61, v24;
	v29 =	vadd.f32 v44, v29;
	v44 =	vld [tilespmem:s31+$0x1220]  }
0x66: {  	v27 =	vadd.f32 v43, v27;
	v61 =	vsub.f32 v49, v42;
	v43 =	vmul.f32 v58, v58;
	v49 =	vld [tilespmem:s31+$0x1660]  }
0x67: {  	v39 =	vadd.f32 v40, v39;
	v46 =	vsub.f32 v63, v42;
	v63 =	vld [tilespmem:s31+$0x15D0];
	v56 =	vmul.f32 v48, v48  }
0x68: {  	v41 =	vsub.f32 v41, v42;
	v47 =	vmul.f32 v61, v61;
	v28 =	vadd.f32 v43, v28;
	v43 =	vld [tilespmem:s31+$0x1200]  }
0x69: {  	v61 =	vld [tilespmem:s31+$0x1210];
	v46 =	vmul.f32 v46, v46;
	v40 =	vsub.f32 v57, v42;
	v32 =	vadd.f32 v56, v32  }
0x6a: {  	v57 =	vld [tilespmem:s31+$0x15F0];
	v58 =	vsub.f32 v60, v42;
	v41 =	vmul.f32 v41, v41;
	v30 =	vadd.f32 v47, v30  }
0x6b: {  	v56 =	vld [tilespmem:s31+$0x1230];
	v31 =	vadd.f32 v46, v31;
	v40 =	vmul.f32 v40, v40;
	v59 =	vsub.f32 v62, v42  }
0x6c: {  	v62 =	vsub.f32 v55, v42;
	v34 =	vadd.f32 v41, v34;
	v41 =	vbroadcast v23, $0x4  }
0x6d: {  	v60 =	vsub.f32 v63, v42;
	v33 =	vadd.f32 v40, v33;
	v40 =	vmul.f32 v58, v58  }
0x6e: {  	v63 =	vmul.f32 v59, v59;
	v61 =	vsub.f32 v61, v41;
	v44 =	vsub.f32 v44, v41  }
0x6f: {  	v58 =	vld [tilespmem:s31+$0x1240];
	v49 =	vsub.f32 v49, v41;
	v42 =	vsub.f32 v57, v42;
	v55 =	vmul.f32 v60, v60  }
0x70: {  	v59 =	vld [tilespmem:s31+$0x1250];
	v57 =	vmul.f32 v62, v62;
	v60 =	vsub.f32 v43, v41;
	v46 =	vsub.f32 v56, v41  }
0x71: {  	v62 =	vld [tilespmem:s31+$0x1270];
	v36 =	vadd.f32 v40, v36;
	v37 =	vadd.f32 v63, v37;
	v43 =	vmul.f32 v61, v61  }
0x72: {  	v56 =	vld [tilespmem:s31+$0x1620];
	v44 =	vmul.f32 v44, v44;
	v42 =	vmul.f32 v42, v42;
	v38 =	vadd.f32 v55, v38  }
0x73: {  	v40 =	vld [tilespmem:s31+$0x1260];
	v49 =	vmul.f32 v49, v49;
	v39 =	vadd.f32 v57, v39;
	v25 =	vadd.f32 v43, v25  }
0x74: {  	v63 =	vld [tilespmem:s31+$0x1600];
	v46 =	vmul.f32 v46, v46;
	v26 =	vadd.f32 v44, v26;
	v35 =	vadd.f32 v42, v35  }
0x75: {  	v55 =	vld [tilespmem:s31+$0x1610];
	v42 =	vmul.f32 v60, v60;
	v48 =	vsub.f32 v58, v41;
	v45 =	vsub.f32 v59, v41  }
0x76: {  	v47 =	vld [tilespmem:s31+$0x1650];
	v27 =	vadd.f32 v46, v27;
	v39 =	vadd.f32 v49, v39  }
0x77: {  	v58 =	vld [tilespmem:s31+$0x1630];
	v60 =	vsub.f32 v62, v41;
	v24 =	vadd.f32 v42, v24  }
0x78: {  	v44 =	vld [tilespmem:s31+$0x1640];
	v57 =	vmul.f32 v48, v48;
	v59 =	vmul.f32 v45, v45;
	v40 =	vsub.f32 v40, v41  }
0x79: {  	v61 =	vsub.f32 v63, v41;
	v63 =	vsub.f32 v56, v41;
	v45 =	vbroadcast v23, $0x5  }
0x7a: {  	v62 =	vsub.f32 v55, v41;
	v42 =	vmul.f32 v60, v60;
	v60 =	vld [tilespmem:s31+$0x1290];
	v28 =	vadd.f32 v57, v28  }
0x7b: {  	v29 =	vadd.f32 v59, v29;
	v40 =	vmul.f32 v40, v40;
	v55 =	vmul.f32 v61, v61;
	v57 =	vld [tilespmem:s31+$0x1670]  }
0x7c: {  	v59 =	vld [tilespmem:s31+$0x1280];
	v43 =	vsub.f32 v58, v41;
	v56 =	vmul.f32 v62, v62;
	v31 =	vadd.f32 v42, v31  }
0x7d: {  	v61 =	vld [tilespmem:s31+$0x12A0];
	v58 =	vmul.f32 v63, v63;
	v62 =	vsub.f32 v44, v41;
	v63 =	vsub.f32 v47, v41  }
0x7e: {  	v42 =	vld [tilespmem:s31+$0x1680];
	v30 =	vadd.f32 v40, v30;
	v32 =	vadd.f32 v55, v32;
	v43 =	vmul.f32 v43, v43  }
0x7f: {  	v55 =	vld [tilespmem:s31+$0x12B0];
	v33 =	vadd.f32 v56, v33;
	v34 =	vadd.f32 v58, v34  }
0x80: {  	v56 =	vld [tilespmem:s31+$0x12C0];
	v44 =	vmul.f32 v63, v63;
	v40 =	vsub.f32 v60, v45;
	v36 =	vadd.f32 v43, v36  }
0x81: {  	v60 =	vld [tilespmem:s31+$0x12F0];
	v41 =	vsub.f32 v57, v41;
	v48 =	vsub.f32 v59, v45  }
0x82: {  	v43 =	vmul.f32 v62, v62;
	v57 =	vld [tilespmem:s31+$0x12D0];
	v38 =	vadd.f32 v44, v38;
	v61 =	vsub.f32 v61, v45  }
0x83: {  	v58 =	vld [tilespmem:s31+$0x12E0];
	v40 =	vmul.f32 v40, v40;
	v42 =	vsub.f32 v42, v45;
	v41 =	vmul.f32 v41, v41  }
0x84: {  	v37 =	vadd.f32 v43, v37;
	v59 =	vmul.f32 v48, v48;
	v62 =	vsub.f32 v55, v45  }
0x85: {  	v49 =	vld [tilespmem:s31+$0x16A0];
	v25 =	vadd.f32 v40, v25;
	v63 =	vsub.f32 v56, v45;
	v42 =	vmul.f32 v42, v42  }
0x86: {  	v56 =	vld [tilespmem:s31+$0x1690];
	v35 =	vadd.f32 v41, v35;
	v24 =	vadd.f32 v59, v24;
	v41 =	vmul.f32 v61, v61  }
0x87: {  	v40 =	vmul.f32 v62, v62;
	v44 =	vsub.f32 v60, v45;
	v60 =	vld [tilespmem:s31+$0x16B0];
	v55 =	vsub.f32 v57, v45  }
0x88: {  	v62 =	vld [tilespmem:s31+$0x16C0];
	v57 =	vsub.f32 v58, v45;
	v58 =	vmul.f32 v63, v63;
	v32 =	vadd.f32 v42, v32  }
0x89: {  	v63 =	vld [tilespmem:s31+$0x16D0];
	v26 =	vadd.f32 v41, v26;
	v27 =	vadd.f32 v40, v27;
	v44 =	vmul.f32 v44, v44  }
0x8a: {  	v59 =	vmul.f32 v55, v55;
	v28 =	vadd.f32 v58, v28;
	v55 =	vld [tilespmem:s31+$0x16E0];
	v58 =	vsub.f32 v49, v45  }
0x8b: {  	v61 =	vmul.f32 v57, v57;
	v57 =	vld [tilespmem:s31+$0x16F0];
	v31 =	vadd.f32 v44, v31;
	v56 =	vsub.f32 v56, v45  }
0x8c: {  	v42 =	vbroadcast v23, $0x6;
	v29 =	vadd.f32 v59, v29;
	v46 =	vsub.f32 v60, v45;
	v59 =	vld [tilespmem:s31+$0x1300]  }
0x8d: {  	v48 =	vsub.f32 v62, v45;
	v60 =	vld [tilespmem:s31+$0x1310];
	v47 =	vmul.f32 v58, v58;
	v43 =	vmul.f32 v56, v56  }
0x8e: {  	v30 =	vadd.f32 v61, v30;
	v61 =	vld [tilespmem:s31+$0x1320];
	v41 =	vsub.f32 v63, v45;
	v46 =	vmul.f32 v46, v46  }
0x8f: {  	v63 =	vld [tilespmem:s31+$0x1330];
	v62 =	vmul.f32 v48, v48;
	v34 =	vadd.f32 v47, v34;
	v33 =	vadd.f32 v43, v33  }
0x90: {  	v44 =	vld [tilespmem:s31+$0x1340];
	v41 =	vmul.f32 v41, v41;
	v40 =	vsub.f32 v55, v45;
	v55 =	vsub.f32 v57, v45  }
0x91: {  	v47 =	vld [tilespmem:s31+$0x1350];
	v36 =	vadd.f32 v46, v36;
	v37 =	vadd.f32 v62, v37  }
0x92: {  	v49 =	vld [tilespmem:s31+$0x1360];
	v38 =	vadd.f32 v41, v38;
	v40 =	vmul.f32 v40, v40;
	v56 =	vsub.f32 v59, v42  }
0x93: {  	v57 =	vsub.f32 v60, v42;
	v41 =	vmul.f32 v55, v55;
	v58 =	vsub.f32 v61, v42;
	v61 =	vld [tilespmem:s31+$0x1370]  }
0x94: {  	v55 =	vld [tilespmem:s31+$0x1710];
	v43 =	vsub.f32 v63, v42;
	v39 =	vadd.f32 v40, v39  }
0x95: {  	v63 =	vld [tilespmem:s31+$0x1700];
	v59 =	vmul.f32 v56, v56;
	v60 =	vmul.f32 v57, v57;
	v35 =	vadd.f32 v41, v35  }
0x96: {  	v62 =	vmul.f32 v58, v58;
	v57 =	vsub.f32 v44, v42;
	v58 =	vsub.f32 v47, v42  }
0x97: {  	v56 =	vld [tilespmem:s31+$0x1720];
	v43 =	vmul.f32 v43, v43;
	v24 =	vadd.f32 v59, v24;
	v25 =	vadd.f32 v60, v25  }
0x98: {  	v26 =	vadd.f32 v62, v26;
	v59 =	vld [tilespmem:s31+$0x1730];
	v60 =	vsub.f32 v49, v42  }
0x99: {  	v44 =	vmul.f32 v58, v58;
	v62 =	vld [tilespmem:s31+$0x1750];
	v27 =	vadd.f32 v43, v27;
	v46 =	vsub.f32 v61, v42  }
0x9a: {  	v61 =	vld [tilespmem:s31+$0x1740];
	v43 =	vmul.f32 v57, v57;
	v40 =	vsub.f32 v55, v42;
	v48 =	vsub.f32 v63, v42  }
0x9b: {  	v47 =	vmul.f32 v60, v60;
	v63 =	vld [tilespmem:s31+$0x1760];
	v29 =	vadd.f32 v44, v29;
	v46 =	vmul.f32 v46, v46  }
0x9c: {  	v49 =	vld [tilespmem:s31+$0x17E0];
	v28 =	vadd.f32 v43, v28;
	v40 =	vmul.f32 v40, v40;
	v41 =	vsub.f32 v56, v42  }
0x9d: {  	v55 =	vld [tilespmem:s31+$0x1770];
	v48 =	vmul.f32 v48, v48;
	v30 =	vadd.f32 v47, v30;
	v31 =	vadd.f32 v46, v31  }
0x9e: {  	v43 =	vld [tilespmem:s31+$0x1380];
	v33 =	vadd.f32 v40, v33;
	v56 =	vsub.f32 v59, v42  }
0x9f: {  	v44 =	vld [tilespmem:s31+$0x13A0];
	v41 =	vmul.f32 v41, v41;
	v58 =	vsub.f32 v62, v42;
	v32 =	vadd.f32 v48, v32  }
0xa0: {  	v59 =	vld [tilespmem:s31+$0x1390];
	v57 =	vsub.f32 v61, v42;
	v40 =	vmul.f32 v56, v56;
	v60 =	vsub.f32 v63, v42  }
0xa1: {  	v34 =	vadd.f32 v41, v34;
	v62 =	vmul.f32 v58, v58;
	v63 =	vld [tilespmem:s31+$0x13B0];
	v41 =	vbroadcast v23, $0x7  }
0xa2: {  	v42 =	vsub.f32 v55, v42;
	v56 =	vld [tilespmem:s31+$0x13C0];
	v61 =	vmul.f32 v57, v57;
	v36 =	vadd.f32 v40, v36  }
0xa3: {  	v57 =	vld [tilespmem:s31+$0x13D0];
	v55 =	vmul.f32 v60, v60;
	v38 =	vadd.f32 v62, v38;
	v58 =	vsub.f32 v43, v41  }
0xa4: {  	v42 =	vmul.f32 v42, v42;
	v40 =	vld [tilespmem:s31+$0x13E0];
	v44 =	vsub.f32 v44, v41;
	v49 =	vsub.f32 v49, v41  }
0xa5: {  	v60 =	vld [tilespmem:s31+$0x13F0];
	v37 =	vadd.f32 v61, v37;
	v59 =	vsub.f32 v59, v41  }
0xa6: {  	v62 =	vld [tilespmem:s31+$0x1790];
	v39 =	vadd.f32 v55, v39;
	v35 =	vadd.f32 v42, v35;
	v42 =	vmul.f32 v58, v58  }
0xa7: {  	v61 =	vld [tilespmem:s31+$0x1780];
	v44 =	vmul.f32 v44, v44;
	v49 =	vmul.f32 v49, v49;
	v46 =	vsub.f32 v63, v41  }
0xa8: {  	v43 =	vmul.f32 v59, v59;
	v48 =	vsub.f32 v56, v41;
	v45 =	vsub.f32 v57, v41  }
0xa9: {  	v63 =	vld [tilespmem:s31+$0x17A0];
	v24 =	vadd.f32 v42, v24;
	v26 =	vadd.f32 v44, v26  }
0xaa: {  	v56 =	vld [tilespmem:s31+$0x17B0];
	v39 =	vadd.f32 v49, v39;
	v46 =	vmul.f32 v46, v46;
	v25 =	vadd.f32 v43, v25  }
0xab: {  	v47 =	vld [tilespmem:s31+$0x17D0];
	v55 =	vmul.f32 v48, v48;
	v40 =	vsub.f32 v40, v41;
	v58 =	vsub.f32 v60, v41  }
0xac: {  	v44 =	vld [tilespmem:s31+$0x17C0];
	v60 =	vsub.f32 v62, v41;
	v57 =	vmul.f32 v45, v45;
	v59 =	vsub.f32 v61, v41  }
0xad: {  	v27 =	vadd.f32 v46, v27;
	v28 =	vadd.f32 v55, v28;
	v55 =	vld [tilespmem:s31+$0x17F0]  }
0xae: {  	v40 =	vmul.f32 v40, v40;
	v42 =	vmul.f32 v58, v58;
	v58 =	vld [tilespmem:s31+$0x1810];
	v29 =	vadd.f32 v57, v29  }
0xaf: {  	v61 =	vsub.f32 v63, v41;
	v43 =	vsub.f32 v56, v41;
	v57 =	vld [tilespmem:s31+$0x1800]  }
0xb0: {  	v62 =	vmul.f32 v59, v59;
	v63 =	vmul.f32 v60, v60;
	v59 =	vld [tilespmem:s31+$0x1820];
	v30 =	vadd.f32 v40, v30  }
0xb1: {  	v31 =	vadd.f32 v42, v31;
	v60 =	vsub.f32 v44, v41;
	v42 =	vld [tilespmem:s31+$0x1C00];
	v56 =	vmul.f32 v61, v61  }
0xb2: {  	v43 =	vmul.f32 v43, v43;
	v32 =	vadd.f32 v62, v32;
	v33 =	vadd.f32 v63, v33;
	v62 =	vld [tilespmem:s31+$0x1830]  }
0xb3: {  	v45 =	vbroadcast v23, $0x8;
	v61 =	vsub.f32 v47, v41;
	v63 =	vld [tilespmem:s31+$0x1840];
	v34 =	vadd.f32 v56, v34  }
0xb4: {  	v36 =	vadd.f32 v43, v36;
	v41 =	vsub.f32 v55, v41;
	v43 =	vmul.f32 v60, v60;
	v55 =	vld [tilespmem:s31+$0x1850]  }
0xb5: {  	v44 =	vmul.f32 v61, v61;
	v40 =	vsub.f32 v58, v45;
	v58 =	vld [tilespmem:s31+$0x1870];
	v48 =	vsub.f32 v57, v45  }
0xb6: {  	v56 =	vld [tilespmem:s31+$0x1860];
	v59 =	vsub.f32 v59, v45;
	v41 =	vmul.f32 v41, v41;
	v37 =	vadd.f32 v43, v37  }
0xb7: {  	v38 =	vadd.f32 v44, v38;
	v40 =	vmul.f32 v40, v40;
	v42 =	vsub.f32 v42, v45  }
0xb8: {  	v49 =	vld [tilespmem:s31+$0x1C20];
	v57 =	vmul.f32 v48, v48;
	v60 =	vsub.f32 v62, v45;
	v61 =	vsub.f32 v63, v45  }
0xb9: {  	v63 =	vld [tilespmem:s31+$0x1C10];
	v35 =	vadd.f32 v41, v35;
	v25 =	vadd.f32 v40, v25;
	v41 =	vmul.f32 v59, v59  }
0xba: {  	v42 =	vmul.f32 v42, v42;
	v24 =	vadd.f32 v57, v24;
	v44 =	vsub.f32 v58, v45;
	v58 =	vld [tilespmem:s31+$0x1C30]  }
0xbb: {  	v62 =	vsub.f32 v55, v45;
	v40 =	vmul.f32 v60, v60;
	v55 =	vsub.f32 v56, v45;
	v60 =	vld [tilespmem:s31+$0x1C40]  }
0xbc: {  	v56 =	vmul.f32 v61, v61;
	v61 =	vld [tilespmem:s31+$0x1C50];
	v26 =	vadd.f32 v41, v26;
	v32 =	vadd.f32 v42, v32  }
0xbd: {  	v57 =	vmul.f32 v62, v62;
	v27 =	vadd.f32 v40, v27;
	v59 =	vmul.f32 v55, v55;
	v62 =	vld [tilespmem:s31+$0x1C60]  }
0xbe: {  	v44 =	vmul.f32 v44, v44;
	v28 =	vadd.f32 v56, v28;
	v55 =	vld [tilespmem:s31+$0x1C70];
	v56 =	vsub.f32 v49, v45  }
0xbf: {  	v63 =	vsub.f32 v63, v45;
	v29 =	vadd.f32 v57, v29;
	v57 =	vld [tilespmem:s31+$0x1880]  }
0xc0: {  	v30 =	vadd.f32 v59, v30;
	v31 =	vadd.f32 v44, v31;
	v47 =	vmul.f32 v56, v56;
	v59 =	vld [tilespmem:s31+$0x18A0]  }
0xc1: {  	v56 =	vld [tilespmem:s31+$0x18D0];
	v46 =	vsub.f32 v58, v45;
	v43 =	vmul.f32 v63, v63;
	v48 =	vsub.f32 v60, v45  }
0xc2: {  	v42 =	vbroadcast v23, $0x9;
	v58 =	vld [tilespmem:s31+$0x1890];
	v41 =	vsub.f32 v61, v45;
	v34 =	vadd.f32 v47, v34  }
0xc3: {  	v61 =	vld [tilespmem:s31+$0x18B0];
	v46 =	vmul.f32 v46, v46;
	v33 =	vadd.f32 v43, v33;
	v60 =	vmul.f32 v48, v48  }
0xc4: {  	v41 =	vmul.f32 v41, v41;
	v40 =	vsub.f32 v62, v45;
	v62 =	vsub.f32 v55, v45  }
0xc5: {  	v44 =	vld [tilespmem:s31+$0x18C0];
	v36 =	vadd.f32 v46, v36;
	v37 =	vadd.f32 v60, v37  }
0xc6: {  	v49 =	vld [tilespmem:s31+$0x18E0];
	v38 =	vadd.f32 v41, v38;
	v63 =	vsub.f32 v57, v42  }
0xc7: {  	v40 =	vmul.f32 v40, v40;
	v57 =	vsub.f32 v59, v42;
	v60 =	vld [tilespmem:s31+$0x18F0];
	v56 =	vsub.f32 v56, v42  }
0xc8: {  	v41 =	vmul.f32 v62, v62;
	v62 =	vld [tilespmem:s31+$0x1C80];
	v55 =	vsub.f32 v58, v42;
	v43 =	vsub.f32 v61, v42  }
0xc9: {  	v39 =	vadd.f32 v40, v39;
	v58 =	vmul.f32 v63, v63;
	v61 =	vmul.f32 v57, v57;
	v63 =	vld [tilespmem:s31+$0x1C90]  }
0xca: {  	v35 =	vadd.f32 v41, v35;
	v41 =	vld [tilespmem:s31+$0x1CA0];
	v59 =	vmul.f32 v55, v55;
	v55 =	vsub.f32 v44, v42  }
0xcb: {  	v57 =	vld [tilespmem:s31+$0x1CB0];
	v43 =	vmul.f32 v43, v43;
	v24 =	vadd.f32 v58, v24;
	v26 =	vadd.f32 v61, v26  }
0xcc: {  	v44 =	vmul.f32 v56, v56;
	v58 =	vsub.f32 v49, v42;
	v61 =	vld [tilespmem:s31+$0x1CE0];
	v25 =	vadd.f32 v59, v25  }
0xcd: {  	v27 =	vadd.f32 v43, v27;
	v46 =	vsub.f32 v60, v42;
	v59 =	vld [tilespmem:s31+$0x1CC0];
	v43 =	vmul.f32 v55, v55  }
0xce: {  	v48 =	vsub.f32 v62, v42;
	v60 =	vld [tilespmem:s31+$0x1CD0];
	v29 =	vadd.f32 v44, v29;
	v47 =	vmul.f32 v58, v58  }
0xcf: {  	v49 =	vld [tilespmem:s31+$0x1D60];
	v46 =	vmul.f32 v46, v46;
	v40 =	vsub.f32 v63, v42;
	v28 =	vadd.f32 v43, v28  }
0xd0: {  	v62 =	vmul.f32 v48, v48;
	v63 =	vld [tilespmem:s31+$0x1CF0];
	v41 =	vsub.f32 v41, v42;
	v48 =	vsub.f32 v57, v42  }
0xd1: {  	v43 =	vld [tilespmem:s31+$0x1900];
	v30 =	vadd.f32 v47, v30;
	v31 =	vadd.f32 v46, v31  }
0xd2: {  	v57 =	vld [tilespmem:s31+$0x1910];
	v40 =	vmul.f32 v40, v40;
	v32 =	vadd.f32 v62, v32;
	v58 =	vsub.f32 v61, v42  }
0xd3: {  	v44 =	vld [tilespmem:s31+$0x1920];
	v41 =	vmul.f32 v41, v41;
	v55 =	vsub.f32 v59, v42;
	v56 =	vsub.f32 v60, v42  }
0xd4: {  	v61 =	vld [tilespmem:s31+$0x1930];
	v33 =	vadd.f32 v40, v33;
	v40 =	vmul.f32 v48, v48;
	v62 =	vmul.f32 v58, v58  }
0xd5: {  	v34 =	vadd.f32 v41, v34;
	v41 =	vbroadcast v23, $0xA;
	v58 =	vld [tilespmem:s31+$0x1970];
	v42 =	vsub.f32 v63, v42  }
0xd6: {  	v59 =	vmul.f32 v55, v55;
	v63 =	vld [tilespmem:s31+$0x1940];
	v36 =	vadd.f32 v40, v36;
	v39 =	vadd.f32 v62, v39  }
0xd7: {  	v60 =	vmul.f32 v56, v56;
	v55 =	vld [tilespmem:s31+$0x1950];
	v56 =	vsub.f32 v43, v41;
	v57 =	vsub.f32 v57, v41  }
0xd8: {  	v44 =	vsub.f32 v44, v41;
	v49 =	vsub.f32 v49, v41  }
0xd9: {  	v40 =	vld [tilespmem:s31+$0x1960];
	v42 =	vmul.f32 v42, v42;
	v37 =	vadd.f32 v59, v37;
	v38 =	vadd.f32 v60, v38  }
0xda: {  	v46 =	vsub.f32 v61, v41;
	v59 =	vld [tilespmem:s31+$0x1D00];
	v43 =	vmul.f32 v57, v57;
	v44 =	vmul.f32 v44, v44  }
0xdb: {  	v60 =	vld [tilespmem:s31+$0x1D10];
	v35 =	vadd.f32 v42, v35;
	v42 =	vmul.f32 v56, v56;
	v56 =	vsub.f32 v58, v41  }
0xdc: {  	v61 =	vld [tilespmem:s31+$0x1D20];
	v49 =	vmul.f32 v49, v49;
	v48 =	vsub.f32 v63, v41;
	v45 =	vsub.f32 v55, v41  }
0xdd: {  	v46 =	vmul.f32 v46, v46;
	v25 =	vadd.f32 v43, v25;
	v26 =	vadd.f32 v44, v26  }
0xde: {  	v63 =	vld [tilespmem:s31+$0x1D30];
	v39 =	vadd.f32 v49, v39;
	v24 =	vadd.f32 v42, v24  }
0xdf: {  	v44 =	vld [tilespmem:s31+$0x1D40];
	v27 =	vadd.f32 v46, v27;
	v40 =	vsub.f32 v40, v41;
	v42 =	vmul.f32 v56, v56  }
0xe0: {  	v47 =	vld [tilespmem:s31+$0x1D50];
	v62 =	vmul.f32 v48, v48;
	v55 =	vmul.f32 v45, v45;
	v57 =	vsub.f32 v59, v41  }
0xe1: {  	v56 =	vld [tilespmem:s31+$0x1990];
	v58 =	vsub.f32 v60, v41;
	v59 =	vsub.f32 v61, v41;
	v45 =	vbroadcast v23, $0xB  }
0xe2: {  	v40 =	vmul.f32 v40, v40;
	v31 =	vadd.f32 v42, v31;
	v42 =	vld [tilespmem:s31+$0x1D80];
	v28 =	vadd.f32 v62, v28  }
0xe3: {  	v29 =	vadd.f32 v55, v29;
	v60 =	vmul.f32 v57, v57;
	v62 =	vld [tilespmem:s31+$0x1D70];
	v43 =	vsub.f32 v63, v41  }
0xe4: {  	v61 =	vmul.f32 v58, v58;
	v55 =	vld [tilespmem:s31+$0x1980];
	v30 =	vadd.f32 v40, v30;
	v58 =	vsub.f32 v44, v41  }
0xe5: {  	v57 =	vld [tilespmem:s31+$0x19A0];
	v63 =	vmul.f32 v59, v59;
	v59 =	vsub.f32 v47, v41;
	v32 =	vadd.f32 v60, v32  }
0xe6: {  	v33 =	vadd.f32 v61, v33;
	v60 =	vld [tilespmem:s31+$0x19B0];
	v40 =	vsub.f32 v56, v45;
	v43 =	vmul.f32 v43, v43  }
0xe7: {  	v61 =	vld [tilespmem:s31+$0x19C0];
	v34 =	vadd.f32 v63, v34;
	v44 =	vmul.f32 v59, v59;
	v42 =	vsub.f32 v42, v45  }
0xe8: {  	v56 =	vld [tilespmem:s31+$0x19F0];
	v40 =	vmul.f32 v40, v40;
	v36 =	vadd.f32 v43, v36;
	v41 =	vsub.f32 v62, v41  }
0xe9: {  	v43 =	vmul.f32 v58, v58;
	v48 =	vsub.f32 v55, v45;
	v38 =	vadd.f32 v44, v38  }
0xea: {  	v62 =	vld [tilespmem:s31+$0x19D0];
	v57 =	vsub.f32 v57, v45;
	v25 =	vadd.f32 v40, v25  }
0xeb: {  	v63 =	vld [tilespmem:s31+$0x19E0];
	v42 =	vmul.f32 v42, v42;
	v41 =	vmul.f32 v41, v41;
	v37 =	vadd.f32 v43, v37  }
0xec: {  	v49 =	vld [tilespmem:s31+$0x1DA0];
	v55 =	vmul.f32 v48, v48;
	v58 =	vsub.f32 v60, v45;
	v59 =	vsub.f32 v61, v45  }
0xed: {  	v61 =	vld [tilespmem:s31+$0x1D90];
	v44 =	vsub.f32 v56, v45;
	v32 =	vadd.f32 v42, v32  }
0xee: {  	v56 =	vld [tilespmem:s31+$0x1DB0];
	v35 =	vadd.f32 v41, v35;
	v24 =	vadd.f32 v55, v24;
	v41 =	vmul.f32 v57, v57  }
0xef: {  	v40 =	vmul.f32 v58, v58;
	v44 =	vmul.f32 v44, v44;
	v58 =	vld [tilespmem:s31+$0x1DC0];
	v60 =	vsub.f32 v62, v45  }
0xf0: {  	v62 =	vsub.f32 v63, v45;
	v63 =	vmul.f32 v59, v59;
	v59 =	vld [tilespmem:s31+$0x1DD0];
	v26 =	vadd.f32 v41, v26  }
0xf1: {  	v27 =	vadd.f32 v40, v27;
	v31 =	vadd.f32 v44, v31;
	v44 =	vld [tilespmem:s31+$0x1A40];
	v55 =	vmul.f32 v60, v60  }
0xf2: {  	v57 =	vmul.f32 v62, v62;
	v28 =	vadd.f32 v63, v28;
	v60 =	vld [tilespmem:s31+$0x1DE0];
	v61 =	vsub.f32 v61, v45  }
0xf3: {  	v62 =	vld [tilespmem:s31+$0x1DF0];
	v63 =	vsub.f32 v49, v45;
	v46 =	vsub.f32 v56, v45  }
0xf4: {  	v56 =	vld [tilespmem:s31+$0x1A10];
	v29 =	vadd.f32 v55, v29;
	v30 =	vadd.f32 v57, v30;
	v43 =	vmul.f32 v61, v61  }
0xf5: {  	v55 =	vld [tilespmem:s31+$0x1A00];
	v48 =	vsub.f32 v58, v45;
	v47 =	vmul.f32 v63, v63;
	v46 =	vmul.f32 v46, v46  }
0xf6: {  	v42 =	vbroadcast v23, $0xC;
	v57 =	vld [tilespmem:s31+$0x1A20];
	v41 =	vsub.f32 v59, v45;
	v33 =	vadd.f32 v43, v33  }
0xf7: {  	v63 =	vld [tilespmem:s31+$0x1A50];
	v58 =	vmul.f32 v48, v48;
	v34 =	vadd.f32 v47, v34;
	v36 =	vadd.f32 v46, v36  }
0xf8: {  	v59 =	vld [tilespmem:s31+$0x1A30];
	v41 =	vmul.f32 v41, v41;
	v40 =	vsub.f32 v60, v45;
	v60 =	vsub.f32 v62, v45  }
0xf9: {  	v49 =	vld [tilespmem:s31+$0x1A60];
	v62 =	vsub.f32 v56, v42;
	v37 =	vadd.f32 v58, v37  }
0xfa: {  	v58 =	vld [tilespmem:s31+$0x1A70];
	v38 =	vadd.f32 v41, v38;
	v40 =	vmul.f32 v40, v40;
	v61 =	vsub.f32 v55, v42  }
0xfb: {  	v41 =	vmul.f32 v60, v60;
	v55 =	vsub.f32 v57, v42;
	v57 =	vmul.f32 v62, v62;
	v60 =	vld [tilespmem:s31+$0x1E00]  }
0xfc: {  	v62 =	vsub.f32 v44, v42;
	v63 =	vsub.f32 v63, v42;
	v56 =	vmul.f32 v61, v61;
	v61 =	vld [tilespmem:s31+$0x1E10]  }
0xfd: {  	v43 =	vsub.f32 v59, v42;
	v35 =	vadd.f32 v41, v35;
	v59 =	vmul.f32 v55, v55;
	v41 =	vld [tilespmem:s31+$0x1E20]  }
0xfe: {  	v39 =	vadd.f32 v40, v39;
	v25 =	vadd.f32 v57, v25;
	v55 =	vld [tilespmem:s31+$0x1E30];
	v44 =	vmul.f32 v63, v63  }
0xff: {  	v57 =	vld [tilespmem:s31+$0x1E40];
	v43 =	vmul.f32 v43, v43;
	v24 =	vadd.f32 v56, v24;
	v26 =	vadd.f32 v59, v26  }
0x100: {  	v56 =	vsub.f32 v49, v42;
	v46 =	vsub.f32 v58, v42  }
0x101: {  	v58 =	vld [tilespmem:s31+$0x1E50];
	v29 =	vadd.f32 v44, v29;
	v27 =	vadd.f32 v43, v27;
	v43 =	vmul.f32 v62, v62  }
0x102: {  	v59 =	vld [tilespmem:s31+$0x1E60];
	v48 =	vsub.f32 v60, v42;
	v47 =	vmul.f32 v56, v56;
	v40 =	vsub.f32 v61, v42  }
0x103: {  	v44 =	vld [tilespmem:s31+$0x1AA0];
	v46 =	vmul.f32 v46, v46;
	v28 =	vadd.f32 v43, v28;
	v41 =	vsub.f32 v41, v42  }
0x104: {  	v49 =	vld [tilespmem:s31+$0x1EE0];
	v60 =	vmul.f32 v48, v48;
	v62 =	vsub.f32 v55, v42;
	v63 =	vsub.f32 v57, v42  }
0x105: {  	v61 =	vld [tilespmem:s31+$0x1E70];
	v30 =	vadd.f32 v47, v30;
	v31 =	vadd.f32 v46, v31  }
0x106: {  	v43 =	vld [tilespmem:s31+$0x1A80];
	v40 =	vmul.f32 v40, v40;
	v32 =	vadd.f32 v60, v32;
	v41 =	vmul.f32 v41, v41  }
0x107: {  	v56 =	vld [tilespmem:s31+$0x1A90];
	v55 =	vsub.f32 v58, v42;
	v57 =	vsub.f32 v59, v42;
	v58 =	vmul.f32 v63, v63  }
0x108: {  	v60 =	vld [tilespmem:s31+$0x1AB0];
	v33 =	vadd.f32 v40, v33;
	v40 =	vmul.f32 v62, v62;
	v34 =	vadd.f32 v41, v34  }
0x109: {  	v63 =	vld [tilespmem:s31+$0x1AD0];
	v59 =	vmul.f32 v55, v55;
	v37 =	vadd.f32 v58, v37;
	v41 =	vbroadcast v23, $0xD  }
0x10a: {  	v62 =	vld [tilespmem:s31+$0x1AC0];
	v42 =	vsub.f32 v61, v42;
	v36 =	vadd.f32 v40, v36  }
0x10b: {  	v58 =	vld [tilespmem:s31+$0x1E80];
	v61 =	vmul.f32 v57, v57;
	v38 =	vadd.f32 v59, v38;
	v55 =	vsub.f32 v43, v41  }
0x10c: {  	v56 =	vsub.f32 v56, v41;
	v44 =	vsub.f32 v44, v41  }
0x10d: {  	v57 =	vld [tilespmem:s31+$0x1AF0];
	v49 =	vsub.f32 v49, v41;
	v42 =	vmul.f32 v42, v42;
	v39 =	vadd.f32 v61, v39  }
0x10e: {  	v40 =	vld [tilespmem:s31+$0x1AE0];
	v46 =	vsub.f32 v60, v41;
	v45 =	vsub.f32 v63, v41;
	v43 =	vmul.f32 v56, v56  }
0x10f: {  	v59 =	vld [tilespmem:s31+$0x1E90];
	v44 =	vmul.f32 v44, v44;
	v49 =	vmul.f32 v49, v49;
	v35 =	vadd.f32 v42, v35  }
0x110: {  	v60 =	vld [tilespmem:s31+$0x1EA0];
	v42 =	vmul.f32 v55, v55;
	v48 =	vsub.f32 v62, v41;
	v55 =	vsub.f32 v58, v41  }
0x111: {  	v47 =	vld [tilespmem:s31+$0x1ED0];
	v46 =	vmul.f32 v46, v46;
	v25 =	vadd.f32 v43, v25;
	v26 =	vadd.f32 v44, v26  }
0x112: {  	v62 =	vld [tilespmem:s31+$0x1EB0];
	v63 =	vmul.f32 v45, v45;
	v39 =	vadd.f32 v49, v39;
	v24 =	vadd.f32 v42, v24  }
0x113: {  	v44 =	vld [tilespmem:s31+$0x1EC0];
	v27 =	vadd.f32 v46, v27;
	v40 =	vsub.f32 v40, v41  }
0x114: {  	v61 =	vmul.f32 v48, v48;
	v29 =	vadd.f32 v63, v29;
	v48 =	vsub.f32 v57, v41;
	v63 =	vld [tilespmem:s31+$0x1B10]  }
0x115: {  	v56 =	vsub.f32 v59, v41;
	v58 =	vmul.f32 v55, v55;
	v55 =	vld [tilespmem:s31+$0x1B20];
	v57 =	vsub.f32 v60, v41  }
0x116: {  	v60 =	vld [tilespmem:s31+$0x1EF0];
	v28 =	vadd.f32 v61, v28;
	v40 =	vmul.f32 v40, v40;
	v42 =	vmul.f32 v48, v48  }
0x117: {  	v59 =	vmul.f32 v56, v56;
	v32 =	vadd.f32 v58, v32;
	v58 =	vld [tilespmem:s31+$0x1B30];
	v43 =	vsub.f32 v62, v41  }
0x118: {  	v61 =	vmul.f32 v57, v57;
	v62 =	vld [tilespmem:s31+$0x1B00];
	v57 =	vsub.f32 v47, v41;
	v30 =	vadd.f32 v40, v30  }
0x119: {  	v45 =	vbroadcast v23, $0xE;
	v31 =	vadd.f32 v42, v31;
	v33 =	vadd.f32 v59, v33;
	v59 =	vld [tilespmem:s31+$0x1B40]  }
0x11a: {  	v56 =	vsub.f32 v44, v41;
	v42 =	vld [tilespmem:s31+$0x1F00];
	v43 =	vmul.f32 v43, v43;
	v34 =	vadd.f32 v61, v34  }
0x11b: {  	v44 =	vmul.f32 v57, v57;
	v40 =	vsub.f32 v63, v45;
	v61 =	vld [tilespmem:s31+$0x1B60];
	v49 =	vsub.f32 v55, v45  }
0x11c: {  	v63 =	vld [tilespmem:s31+$0x1B70];
	v41 =	vsub.f32 v60, v41;
	v36 =	vadd.f32 v43, v36  }
0x11d: {  	v60 =	vld [tilespmem:s31+$0x1B50];
	v43 =	vmul.f32 v56, v56;
	v38 =	vadd.f32 v44, v38;
	v40 =	vmul.f32 v40, v40  }
0x11e: {  	v55 =	vsub.f32 v58, v45;
	v48 =	vsub.f32 v62, v45  }
0x11f: {  	v50 =	vld [tilespmem:s31+$0x1BF0];
	v41 =	vmul.f32 v41, v41;
	v37 =	vadd.f32 v43, v37;
	v25 =	vadd.f32 v40, v25  }
0x120: {  	v58 =	vld [tilespmem:s31+$0x1F10];
	v56 =	vsub.f32 v59, v45;
	v40 =	vmul.f32 v55, v55;
	v42 =	vsub.f32 v42, v45  }
0x121: {  	v55 =	vld [tilespmem:s31+$0x1F40];
	v62 =	vmul.f32 v48, v48;
	v35 =	vadd.f32 v41, v35;
	v59 =	vsub.f32 v61, v45  }
0x122: {  	v41 =	vmul.f32 v49, v49;
	v44 =	vsub.f32 v63, v45;
	v49 =	vld [tilespmem:s31+$0x1F20];
	v57 =	vsub.f32 v60, v45  }
0x123: {  	v60 =	vmul.f32 v56, v56;
	v27 =	vadd.f32 v40, v27;
	v56 =	vld [tilespmem:s31+$0x1F50];
	v42 =	vmul.f32 v42, v42  }
0x124: {  	v24 =	vadd.f32 v62, v24;
	v26 =	vadd.f32 v41, v26;
	v62 =	vld [tilespmem:s31+$0x1F30];
	v63 =	vmul.f32 v59, v59  }
0x125: {  	v44 =	vmul.f32 v44, v44;
	v58 =	vsub.f32 v58, v45;
	v59 =	vld [tilespmem:s31+$0x1F70];
	v28 =	vadd.f32 v60, v28  }
0x126: {  	v61 =	vmul.f32 v57, v57;
	v57 =	vld [tilespmem:s31+$0x1F60];
	v32 =	vadd.f32 v42, v32;
	v48 =	vsub.f32 v55, v45  }
0x127: {  	v42 =	vld [tilespmem:s31+$0x1BC0];
	v30 =	vadd.f32 v63, v30;
	v31 =	vadd.f32 v44, v31;
	v43 =	vmul.f32 v58, v58  }
0x128: {  	v63 =	vld [tilespmem:s31+$0x1BA0];
	v29 =	vadd.f32 v61, v29;
	v60 =	vsub.f32 v49, v45;
	v55 =	vmul.f32 v48, v48  }
0x129: {  	v23 =	vbroadcast v23, $0xF;
	v61 =	vld [tilespmem:s31+$0x1B80];
	v41 =	vsub.f32 v56, v45;
	v33 =	vadd.f32 v43, v33  }
0x12a: {  	v56 =	vld [tilespmem:s31+$0x1BB0];
	v46 =	vsub.f32 v62, v45;
	v47 =	vmul.f32 v60, v60;
	v37 =	vadd.f32 v55, v37  }
0x12b: {  	v62 =	vld [tilespmem:s31+$0x1B90];
	v41 =	vmul.f32 v41, v41;
	v40 =	vsub.f32 v57, v45;
	v57 =	vsub.f32 v59, v45  }
0x12c: {  	v60 =	vld [tilespmem:s31+$0x1BD0];
	v42 =	vsub.f32 v42, v23;
	v45 =	vsub.f32 v50, v23;
	v46 =	vmul.f32 v46, v46  }
0x12d: {  	v34 =	vadd.f32 v47, v34;
	v38 =	vadd.f32 v41, v38;
	v40 =	vmul.f32 v40, v40  }
0x12e: {  	v55 =	vld [tilespmem:s31+$0x1F80];
	v58 =	vsub.f32 v61, v23;
	v41 =	vmul.f32 v57, v57;
	v61 =	vsub.f32 v63, v23  }
0x12f: {  	v42 =	vmul.f32 v42, v42;
	v36 =	vadd.f32 v46, v36;
	v43 =	vsub.f32 v56, v23  }
0x130: {  	v45 =	vmul.f32 v45, v45;
	v59 =	vsub.f32 v62, v23;
	v39 =	vadd.f32 v40, v39  }
0x131: {  	v57 =	vld [tilespmem:s31+$0x1FA0];
	v63 =	vmul.f32 v58, v58;
	v35 =	vadd.f32 v41, v35;
	v58 =	vsub.f32 v60, v23  }
0x132: {  	v56 =	vld [tilespmem:s31+$0x1F90];
	v51 =	vmul.f32 v61, v61;
	v28 =	vadd.f32 v42, v28;
	v31 =	vadd.f32 v45, v31  }
0x133: {  	v62 =	vld [tilespmem:s31+$0x1BE0];
	v43 =	vmul.f32 v43, v43;
	v47 =	vsub.f32 v55, v23;
	v24 =	vadd.f32 v63, v24  }
0x134: {  	v49 =	vmul.f32 v59, v59;
	v26 =	vadd.f32 v51, v26;
	v16 =	vadd.f32 v28, v16  }
0x135: {  	v61 =	vld [tilespmem:s31+$0x1FC0];
	v13 =	vadd.f32 v31, v13;
	v27 =	vadd.f32 v43, v27  }
0x136: {  	v59 =	vld [tilespmem:s31+$0x1FB0];
	v43 =	vmul.f32 v58, v58;
	v41 =	vsub.f32 v57, v23;
	v25 =	vadd.f32 v49, v25  }
0x137: {  	v63 =	vld [tilespmem:s31+$0x1FE0];
	v55 =	vmul.f32 v47, v47;
	v40 =	vsub.f32 v56, v23;
	v21 =	vadd.f32 v24, v21  }
0x138: {  	v18 =	vadd.f32 v26, v18;
	v60 =	vsub.f32 v62, v23  }
0x139: {  	v29 =	vadd.f32 v43, v29;
	v32 =	vadd.f32 v55, v32  }
0x13a: {  	v56 =	vld [tilespmem:s31+$0x1FF0];
	v41 =	vmul.f32 v41, v41;
	v58 =	vsub.f32 v61, v23;
	v17 =	vadd.f32 v27, v17  }
0x13b: {  	v62 =	vld [tilespmem:s31+$0x1FD0];
	v40 =	vmul.f32 v40, v40;
	v19 =	vadd.f32 v25, v19;
	v57 =	vsub.f32 v59, v23  }
0x13c: {  	v46 =	vmul.f32 v60, v60;
	v60 =	vsub.f32 v63, v23;
	v34 =	vadd.f32 v41, v34  }
0x13d: {  	v61 =	vmul.f32 v58, v58;
	v15 =	vadd.f32 v29, v15;
	v12 =	vadd.f32 v32, v12  }
0x13e: {  	v33 =	vadd.f32 v40, v33;
	v30 =	vadd.f32 v46, v30  }
0x13f: {  	v40 =	vmul.f32 v57, v57;
	v37 =	vadd.f32 v61, v37;
	v10 =	vadd.f32 v34, v10  }
0x140: {  	v63 =	vmul.f32 v60, v60;
	v59 =	vsub.f32 v62, v23;
	v23 =	vsub.f32 v56, v23  }
0x141: {  	p0 =	sne.s32 s12, $0x7;
	v11 =	vadd.f32 v33, v11;
	v36 =	vadd.f32 v40, v36  }
.Ltmp0:
0x142: {  	v39 =	vadd.f32 v63, v39;
	v62 =	vmul.f32 v59, v59;
	v23 =	vmul.f32 v23, v23;
	(pc) =	sbr.rel @p0 .LBB2_3-.Ltmp0, $4  }
0x143: {  	v14 =	vadd.f32 v30, v14;
	v8 =	vadd.f32 v37, v8  }
0x144: {  	v38 =	vadd.f32 v62, v38;
	v23 =	vadd.f32 v23, v35  }
0x145: {  	v9 =	vadd.f32 v36, v9;
	v6 =	vadd.f32 v39, v6  }
0x146: {  	s12 =	sadd.s32 $0x1, s12;
	v7 =	vadd.f32 v38, v7;
	v5 =	vadd.f32 v23, v5  }
0x147: {  	v22 =	vmin.f32 v21, v19  }
0x148: {  	v22 =	vmin.f32 v22, v18  }
0x149: {  	v22 =	vmin.f32 v22, v17  }
0x14a: {  	v22 =	vmin.f32 v22, v16  }
0x14b: {  	v22 =	vmin.f32 v22, v15  }
0x14c: {  	v22 =	vmin.f32 v22, v14  }
0x14d: {  	v22 =	vmin.f32 v22, v13  }
0x14e: {  	v22 =	vmin.f32 v22, v12  }
0x14f: {  	v22 =	vmin.f32 v22, v11  }
0x150: {  	v22 =	vmin.f32 v22, v10  }
0x151: {  	v22 =	vmin.f32 v22, v9  }
0x152: {  	v22 =	vmin.f32 v22, v8  }
0x153: {  	v22 =	vmin.f32 v22, v7  }
0x154: {  	v22 =	vmin.f32 v22, v6  }
0x155: {  	v22 =	vmin.f32 v22, v5  }
0x156: {  	v23 =	vperm.xlane v22, v52;
	_ =	sdelay $0x1  }
0x157: {  	v22 =	vmin.f32 v22, v23  }
0x158: {  	v23 =	vperm.xlane v22, v53;
	_ =	sdelay $0x1  }
0x159: {  	v22 =	vmin.f32 v22, v23  }
0x15a: {  	v23 =	vperm.xlane v22, v3;
	_ =	sdelay $0x1  }
0x15b: {  	v22 =	vmin.f32 v22, v23  }
0x15c: {  	v23 =	vperm.xlane v22, v54;
	_ =	sdelay $0x1  }
0x15d: {  	v22 =	vmin.f32 v22, v23  }
0x15e: {  	vm1 =	veq.f32 v5, v22;
	v5 =	vor.u32 $0xF0, v4  }
0x15f: {  	vm2 =	veq.f32 v6, v22;
	v6 =	vor.u32 $0xE0, v4;
	v23 =	vnsel vm1, $0x40000000, v5  }
0x160: {  	vm1 =	veq.f32 v7, v22;
	v7 =	vor.u32 $0xD0, v4;
	v23 =	vsel vm2, v6, v23  }
0x161: {  	vm2 =	veq.f32 v8, v22;
	v8 =	vor.u32 $0xC0, v4;
	v23 =	vsel vm1, v7, v23  }
0x162: {  	vm1 =	veq.f32 v9, v22;
	v9 =	vor.u32 $0xB0, v4;
	v23 =	vsel vm2, v8, v23  }
0x163: {  	vm2 =	veq.f32 v10, v22;
	v10 =	vor.u32 $0xA0, v4;
	v23 =	vsel vm1, v9, v23  }
0x164: {  	vm1 =	veq.f32 v11, v22;
	v11 =	vor.u32 $0x90, v4;
	v23 =	vsel vm2, v10, v23  }
0x165: {  	vm2 =	veq.f32 v12, v22;
	v12 =	vor.u32 $0x80, v4;
	v23 =	vsel vm1, v11, v23  }
0x166: {  	vm1 =	veq.f32 v13, v22;
	v13 =	vor.u32 $0x70, v4;
	v23 =	vsel vm2, v12, v23  }
0x167: {  	vm2 =	veq.f32 v14, v22;
	v14 =	vor.u32 $0x60, v4;
	v23 =	vsel vm1, v13, v23  }
0x168: {  	vm1 =	veq.f32 v15, v22;
	v15 =	vor.u32 $0x50, v4;
	v23 =	vsel vm2, v14, v23  }
0x169: {  	vm2 =	veq.f32 v16, v22;
	v16 =	vor.u32 $0x40, v4;
	v23 =	vsel vm1, v15, v23  }
0x16a: {  	vm1 =	veq.f32 v17, v22;
	v17 =	vor.u32 $0x30, v4;
	v23 =	vsel vm2, v16, v23  }
0x16b: {  	vm2 =	veq.f32 v18, v22;
	v18 =	vor.u32 $0x20, v4;
	v23 =	vsel vm1, v17, v23  }
0x16c: {  	vm1 =	veq.f32 v19, v22;
	v19 =	vor.u32 $0x10, v4;
	v23 =	vsel vm2, v18, v23  }
0x16d: {  	vm2 =	veq.f32 v21, v22;
	v21 =	vsel vm1, v19, v23  }
0x16e: {  	v21 =	vsel vm2, v4, v21  }
0x16f: {  	v22 =	vperm.xlane v21, v52;
	_ =	sdelay $0x1  }
0x170: {  	vm1 =	vlt.s32 v21, v22  }
0x171: {  	v21 =	vsel vm1, v21, v22  }
0x172: {  	v22 =	vperm.xlane v21, v53;
	_ =	sdelay $0x1  }
0x173: {  	vm1 =	vlt.s32 v21, v22  }
0x174: {  	v21 =	vsel vm1, v21, v22  }
0x175: {  	v22 =	vperm.xlane v21, v3;
	_ =	sdelay $0x1  }
0x176: {  	v23 =	vmov s11;
	s11 =	sadd.s32 $0x1, s11;
	vm1 =	vlt.s32 v21, v22  }
0x177: {  	p0 =	sne.s32 s11, $0x10;
	v21 =	vsel vm1, v21, v22  }
.Ltmp1:
0x178: {  	v22 =	vperm.xlane v21, v54;
	(pc) =	sbr.rel @p0 .LBB2_2-.Ltmp1, $4  }
0x179: {  	_ = 	snop  }
0x17a: {  	vm1 =	vlt.s32 v21, v22  }
0x17b: {  	v21 =	vsel vm1, v21, v22;
	vm1 =	veq.s32 v23, v4  }
0x17c: {  	v20 =	vsel vm1, v21, v20  }
0x17d: {  	v22 =	vshra.s32 v20, $0x4;
	v23 =	vand.u32 $0xF, v20;
	v0 =	vshrl.u32 v4, $0x1  }
0x17e: {  	v24 =	vperm.xlane v22, v0;
	v25 =	vperm.xlane v23, v0;
	[tilespmem:$0x1FFB0] =	vst v0;
	v0 =	vor.u32 $0x8, v0  }
0x17f: {  	v22 =	vperm.xlane v22, v0;
	v23 =	vperm.xlane v23, v0  }
0x180: {  	[tilespmem:$0x1FFC0] =	vst v0;
	v24 =	vsel vm0, v24, v25  }
0x181: {  	[tilespmem:$0x9000] =	vst v24;
	v22 =	vsel vm0, v22, v23  }
0x182: {  	s11 =	simm.s32 $0x0;
	[tilespmem:$0x9010] =	vst v22;
	v22 =	vimm.s32 $0x0  }
.LBB2_6:
0x183: {  	s12 =	sshll.u32 s11, $0x7;
	v36 =	vimm.f32 $0.0e+00;
	v38 =	vimm.f32 $0.0e+00  }
0x184: {  	v37 =	vimm.f32 $0.0e+00;
	v35 =	vimm.f32 $0.0e+00;
	v34 =	vimm.f32 $0.0e+00;
	s12 =	sand.u32 $0x3FFFFF80, s12  }
0x185: {  	v33 =	vimm.f32 $0.0e+00;
	v32 =	vimm.f32 $0.0e+00;
	v31 =	vimm.f32 $0.0e+00;
	s12 =	sadd.s32 $0x800, s12  }
0x186: {  	v30 =	vimm.f32 $0.0e+00;
	v29 =	vimm.f32 $0.0e+00;
	v39 =	vmov s12  }
0x187: {  	v28 =	vimm.f32 $0.0e+00;
	v27 =	vimm.f32 $0.0e+00;
	v26 =	vimm.f32 $0.0e+00  }
0x188: {  	v3 =	vmovc v52;
	v25 =	vimm.f32 $0.0e+00;
	v24 =	vimm.f32 $0.0e+00;
	v23 =	vimm.f32 $0.0e+00;
	s12 =	simm.s32 $0x0  }
.LBB2_7:
0x189: {  	s13 =	sshll.u32 s12, $0x4  }
0x18a: {  	s14 =	sshll.u32 s12, $0xC;
	s13 =	sand.u32 $0x3FFFFFF0, s13  }
0x18b: {  	s31 =	sand.u32 $0x3FFFF000, s14;
	v40 =	vld.idx.msk [tilespmem:v39+s13+$0x0 ss:$0x1], $0xffff  }
0x18c: {  	v41 =	vld [tilespmem:s31+$0x1000]  }
0x18d: {  	v42 =	vld [tilespmem:s31+$0x1010]  }
0x18e: {  	v43 =	vld [tilespmem:s31+$0x1020]  }
0x18f: {  	v44 =	vld [tilespmem:s31+$0x1030]  }
0x190: {  	v45 =	vld [tilespmem:s31+$0x1040]  }
0x191: {  	v46 =	vld [tilespmem:s31+$0x1050]  }
0x192: {  	v47 =	vld [tilespmem:s31+$0x1060]  }
0x193: {  	v48 =	vld [tilespmem:s31+$0x1070]  }
0x194: {  	v49 =	vld [tilespmem:s31+$0x1400]  }
0x195: {  	v50 =	vld [tilespmem:s31+$0x1410]  }
0x196: {  	v51 =	vld [tilespmem:s31+$0x1420]  }
0x197: {  	v53 =	vld [tilespmem:s31+$0x1430];
	v52 =	vbroadcast v40, $0x0  }
0x198: {  	v54 =	vld [tilespmem:s31+$0x1440]  }
0x199: {  	v55 =	vld [tilespmem:s31+$0x1450];
	v41 =	vsub.f32 v41, v52  }
0x19a: {  	v56 =	vld [tilespmem:s31+$0x1460];
	v42 =	vsub.f32 v42, v52;
	v43 =	vsub.f32 v43, v52  }
0x19b: {  	v57 =	vld [tilespmem:s31+$0x1470];
	v44 =	vsub.f32 v44, v52;
	v45 =	vsub.f32 v45, v52  }
0x19c: {  	v58 =	vld [tilespmem:s31+$0x1080];
	v46 =	vsub.f32 v46, v52;
	v47 =	vsub.f32 v47, v52  }
0x19d: {  	v59 =	vld [tilespmem:s31+$0x1090];
	v48 =	vsub.f32 v48, v52;
	v49 =	vsub.f32 v49, v52  }
0x19e: {  	v60 =	vld [tilespmem:s31+$0x10A0];
	v50 =	vsub.f32 v50, v52;
	v51 =	vsub.f32 v51, v52  }
0x19f: {  	v61 =	vld [tilespmem:s31+$0x10B0];
	v63 =	vbroadcast v40, $0x1;
	v53 =	vsub.f32 v53, v52;
	v54 =	vsub.f32 v54, v52  }
0x1a0: {  	v62 =	vld [tilespmem:s31+$0x10C0];
	v55 =	vsub.f32 v55, v52;
	v56 =	vsub.f32 v56, v52  }
0x1a1: {  	v21 =	vld [tilespmem:s31+$0x10D0];
	v52 =	vsub.f32 v57, v52;
	v58 =	vsub.f32 v58, v63  }
0x1a2: {  	v20 =	vld [tilespmem:s31+$0x10F0];
	v59 =	vsub.f32 v59, v63;
	v41 =	vmul.f32 v41, v41;
	v42 =	vmul.f32 v42, v42  }
0x1a3: {  	v0 =	vld [tilespmem:s31+$0x1480];
	v60 =	vsub.f32 v60, v63;
	v43 =	vmul.f32 v43, v43;
	v44 =	vmul.f32 v44, v44  }
0x1a4: {  	v1 =	vld [tilespmem:s31+$0x1490];
	v61 =	vsub.f32 v61, v63;
	v45 =	vmul.f32 v45, v45;
	v46 =	vmul.f32 v46, v46  }
0x1a5: {  	v2 =	vld [tilespmem:s31+$0x14A0];
	v62 =	vsub.f32 v62, v63;
	v47 =	vmul.f32 v47, v47;
	v48 =	vmul.f32 v48, v48  }
0x1a6: {  	v21 =	vsub.f32 v21, v63;
	v49 =	vmul.f32 v49, v49;
	v50 =	vmul.f32 v50, v50  }
0x1a7: {  	v57 =	vld [tilespmem:s31+$0x10E0];
	v20 =	vsub.f32 v20, v63;
	v51 =	vmul.f32 v51, v51;
	v58 =	vmul.f32 v58, v58  }
0x1a8: {  	v0 =	vsub.f32 v0, v63;
	v59 =	vmul.f32 v59, v59;
	v60 =	vmul.f32 v60, v60  }
0x1a9: {  	v1 =	vsub.f32 v1, v63;
	v61 =	vmul.f32 v61, v61;
	v21 =	vmul.f32 v21, v21  }
0x1aa: {  	v2 =	vsub.f32 v2, v63;
	v53 =	vmul.f32 v53, v53;
	v54 =	vmul.f32 v54, v54  }
0x1ab: {  	v20 =	vmul.f32 v20, v20;
	v41 =	vadd.f32 v58, v41;
	v58 =	vmul.f32 v62, v62;
	v62 =	vld [tilespmem:s31+$0x14B0]  }
0x1ac: {  	v0 =	vmul.f32 v0, v0;
	v21 =	vadd.f32 v21, v46;
	v46 =	vld [tilespmem:s31+$0x14C0];
	v57 =	vsub.f32 v57, v63  }
0x1ad: {  	v1 =	vmul.f32 v1, v1;
	v42 =	vadd.f32 v59, v42;
	v43 =	vadd.f32 v60, v43;
	v60 =	vld [tilespmem:s31+$0x14E0]  }
0x1ae: {  	v44 =	vadd.f32 v61, v44;
	v0 =	vadd.f32 v0, v49;
	v49 =	vld [tilespmem:s31+$0x1110];
	v57 =	vmul.f32 v57, v57  }
0x1af: {  	v2 =	vmul.f32 v2, v2;
	v1 =	vadd.f32 v1, v50;
	v45 =	vadd.f32 v58, v45;
	v58 =	vld [tilespmem:s31+$0x14D0]  }
0x1b0: {  	v55 =	vmul.f32 v55, v55;
	v59 =	vsub.f32 v62, v63;
	v47 =	vadd.f32 v57, v47;
	v57 =	vld [tilespmem:s31+$0x14F0]  }
0x1b1: {  	v50 =	vmul.f32 v56, v56;
	v2 =	vadd.f32 v2, v51;
	v51 =	vld [tilespmem:s31+$0x1120];
	v56 =	vbroadcast v40, $0x2  }
0x1b2: {  	v20 =	vadd.f32 v20, v48;
	v61 =	vld [tilespmem:s31+$0x1140];
	v46 =	vsub.f32 v46, v63;
	v62 =	vmul.f32 v59, v59  }
0x1b3: {  	v52 =	vmul.f32 v52, v52;
	v60 =	vsub.f32 v60, v63;
	v49 =	vsub.f32 v49, v56;
	v59 =	vld [tilespmem:s31+$0x1100]  }
0x1b4: {  	v46 =	vmul.f32 v46, v46;
	v48 =	vadd.f32 v62, v53;
	v53 =	vsub.f32 v58, v63;
	v58 =	vld [tilespmem:s31+$0x1130]  }
0x1b5: {  	v60 =	vmul.f32 v60, v60;
	v49 =	vmul.f32 v49, v49;
	v62 =	vld [tilespmem:s31+$0x1150];
	v57 =	vsub.f32 v57, v63  }
0x1b6: {  	v51 =	vsub.f32 v51, v56;
	v46 =	vadd.f32 v46, v54;
	v53 =	vmul.f32 v53, v53  }
0x1b7: {  	v50 =	vadd.f32 v60, v50;
	v42 =	vadd.f32 v49, v42;
	v63 =	vld [tilespmem:s31+$0x1160];
	v57 =	vmul.f32 v57, v57  }
0x1b8: {  	v54 =	vld [tilespmem:s31+$0x1500];
	v59 =	vsub.f32 v59, v56;
	v53 =	vadd.f32 v53, v55  }
0x1b9: {  	v51 =	vmul.f32 v51, v51;
	v55 =	vld [tilespmem:s31+$0x1170];
	v52 =	vadd.f32 v57, v52;
	v60 =	vsub.f32 v58, v56  }
0x1ba: {  	v57 =	vsub.f32 v61, v56;
	v58 =	vsub.f32 v62, v56  }
0x1bb: {  	v43 =	vadd.f32 v51, v43;
	v59 =	vmul.f32 v59, v59;
	v61 =	vld [tilespmem:s31+$0x1520];
	v49 =	vmul.f32 v60, v60  }
0x1bc: {  	v60 =	vsub.f32 v63, v56;
	v51 =	vmul.f32 v57, v57;
	v57 =	vmul.f32 v58, v58;
	v58 =	vld [tilespmem:s31+$0x1530]  }
0x1bd: {  	v54 =	vsub.f32 v54, v56;
	v41 =	vadd.f32 v59, v41;
	v59 =	vld [tilespmem:s31+$0x1510]  }
0x1be: {  	v55 =	vsub.f32 v55, v56;
	v44 =	vadd.f32 v49, v44;
	v49 =	vmul.f32 v60, v60;
	v60 =	vld [tilespmem:s31+$0x1540]  }
0x1bf: {  	v54 =	vmul.f32 v54, v54;
	v45 =	vadd.f32 v51, v45;
	v51 =	vld [tilespmem:s31+$0x1550]  }
0x1c0: {  	v21 =	vadd.f32 v57, v21;
	v55 =	vmul.f32 v55, v55;
	v47 =	vadd.f32 v49, v47;
	v49 =	vld [tilespmem:s31+$0x1560]  }
0x1c1: {  	v62 =	vld [tilespmem:s31+$0x1190];
	v0 =	vadd.f32 v54, v0;
	v58 =	vsub.f32 v58, v56  }
0x1c2: {  	v57 =	vld [tilespmem:s31+$0x1570];
	v20 =	vadd.f32 v55, v20;
	v55 =	vsub.f32 v59, v56  }
0x1c3: {  	v59 =	vsub.f32 v61, v56;
	v61 =	vld [tilespmem:s31+$0x1180];
	v60 =	vsub.f32 v60, v56;
	v58 =	vmul.f32 v58, v58  }
0x1c4: {  	v63 =	vld [tilespmem:s31+$0x11A0];
	v54 =	vbroadcast v40, $0x3;
	v51 =	vsub.f32 v51, v56;
	v55 =	vmul.f32 v55, v55  }
0x1c5: {  	v60 =	vmul.f32 v60, v60;
	v48 =	vadd.f32 v58, v48;
	v49 =	vsub.f32 v49, v56  }
0x1c6: {  	v59 =	vmul.f32 v59, v59;
	v58 =	vsub.f32 v62, v54;
	v1 =	vadd.f32 v55, v1;
	v55 =	vld [tilespmem:s31+$0x11B0]  }
0x1c7: {  	v51 =	vmul.f32 v51, v51;
	v46 =	vadd.f32 v60, v46;
	v60 =	vsub.f32 v57, v56  }
0x1c8: {  	v2 =	vadd.f32 v59, v2;
	v59 =	vld [tilespmem:s31+$0x11D0];
	v49 =	vmul.f32 v49, v49;
	v57 =	vsub.f32 v61, v54  }
0x1c9: {  	v51 =	vadd.f32 v51, v53;
	v56 =	vld [tilespmem:s31+$0x11C0];
	v53 =	vmul.f32 v60, v60;
	v60 =	vsub.f32 v63, v54  }
0x1ca: {  	v49 =	vadd.f32 v49, v50;
	v50 =	vmul.f32 v57, v57;
	v57 =	vmul.f32 v58, v58;
	v58 =	vld [tilespmem:s31+$0x11F0]  }
0x1cb: {  	v61 =	vld [tilespmem:s31+$0x11E0];
	v55 =	vsub.f32 v55, v54  }
0x1cc: {  	v52 =	vadd.f32 v53, v52;
	v53 =	vmul.f32 v60, v60;
	v60 =	vld [tilespmem:s31+$0x1580]  }
0x1cd: {  	v41 =	vadd.f32 v50, v41;
	v50 =	vld [tilespmem:s31+$0x1590];
	v55 =	vmul.f32 v55, v55  }
0x1ce: {  	v62 =	vld [tilespmem:s31+$0x15D0];
	v42 =	vadd.f32 v57, v42;
	v43 =	vadd.f32 v53, v43  }
0x1cf: {  	v53 =	vld [tilespmem:s31+$0x15A0];
	v58 =	vsub.f32 v58, v54;
	v44 =	vadd.f32 v55, v44  }
0x1d0: {  	v57 =	vld [tilespmem:s31+$0x15B0];
	v55 =	vsub.f32 v56, v54;
	v56 =	vsub.f32 v59, v54  }
0x1d1: {  	v59 =	vsub.f32 v61, v54;
	v61 =	vld [tilespmem:s31+$0x15C0];
	v60 =	vsub.f32 v60, v54;
	v58 =	vmul.f32 v58, v58  }
0x1d2: {  	v50 =	vsub.f32 v50, v54;
	v56 =	vmul.f32 v56, v56  }
0x1d3: {  	v55 =	vmul.f32 v55, v55;
	v60 =	vmul.f32 v60, v60;
	v20 =	vadd.f32 v58, v20  }
0x1d4: {  	v63 =	vld [tilespmem:s31+$0x15E0];
	v59 =	vmul.f32 v59, v59;
	v53 =	vsub.f32 v53, v54;
	v21 =	vadd.f32 v56, v21  }
0x1d5: {  	v50 =	vmul.f32 v50, v50;
	v56 =	vld [tilespmem:s31+$0x15F0];
	v0 =	vadd.f32 v60, v0;
	v60 =	vsub.f32 v57, v54  }
0x1d6: {  	v58 =	vsub.f32 v62, v54;
	v53 =	vmul.f32 v53, v53;
	v57 =	vsub.f32 v61, v54  }
0x1d7: {  	v45 =	vadd.f32 v55, v45;
	v55 =	vld [tilespmem:s31+$0x1200];
	v1 =	vadd.f32 v50, v1;
	v50 =	vmul.f32 v60, v60  }
0x1d8: {  	v2 =	vadd.f32 v53, v2;
	v53 =	vmul.f32 v57, v57;
	v57 =	vmul.f32 v58, v58;
	v58 =	vld [tilespmem:s31+$0x1230]  }
0x1d9: {  	v47 =	vadd.f32 v59, v47;
	v59 =	vld [tilespmem:s31+$0x1210];
	v60 =	vsub.f32 v63, v54  }
0x1da: {  	v54 =	vsub.f32 v56, v54;
	v56 =	vld [tilespmem:s31+$0x1220];
	v48 =	vadd.f32 v50, v48  }
0x1db: {  	v50 =	vmul.f32 v60, v60;
	v60 =	vld [tilespmem:s31+$0x1240];
	v46 =	vadd.f32 v53, v46;
	v53 =	vbroadcast v40, $0x4  }
0x1dc: {  	v51 =	vadd.f32 v57, v51;
	v57 =	vld [tilespmem:s31+$0x1250];
	v54 =	vmul.f32 v54, v54  }
0x1dd: {  	v49 =	vadd.f32 v50, v49;
	v58 =	vsub.f32 v58, v53  }
0x1de: {  	v61 =	vld [tilespmem:s31+$0x1600];
	v50 =	vadd.f32 v54, v52;
	v54 =	vsub.f32 v55, v53  }
0x1df: {  	v52 =	vld [tilespmem:s31+$0x1260];
	v55 =	vsub.f32 v59, v53  }
0x1e0: {  	v59 =	vld [tilespmem:s31+$0x1270];
	v56 =	vsub.f32 v56, v53;
	v58 =	vmul.f32 v58, v58;
	v54 =	vmul.f32 v54, v54  }
0x1e1: {  	v62 =	vld [tilespmem:s31+$0x1610];
	v60 =	vsub.f32 v60, v53;
	v57 =	vsub.f32 v57, v53;
	v55 =	vmul.f32 v55, v55  }
0x1e2: {  	v63 =	vld [tilespmem:s31+$0x1620];
	v44 =	vadd.f32 v58, v44;
	v41 =	vadd.f32 v54, v41  }
0x1e3: {  	v42 =	vadd.f32 v55, v42;
	v54 =	vmul.f32 v60, v60;
	v55 =	vld [tilespmem:s31+$0x1630];
	v60 =	vmul.f32 v57, v57  }
0x1e4: {  	v56 =	vmul.f32 v56, v56;
	v57 =	vsub.f32 v61, v53;
	v52 =	vsub.f32 v52, v53  }
0x1e5: {  	v61 =	vld [tilespmem:s31+$0x1660];
	v21 =	vadd.f32 v60, v21;
	v60 =	vsub.f32 v59, v53  }
0x1e6: {  	v58 =	vsub.f32 v62, v53;
	v43 =	vadd.f32 v56, v43;
	v52 =	vmul.f32 v52, v52  }
0x1e7: {  	v56 =	vld [tilespmem:s31+$0x1640];
	v45 =	vadd.f32 v54, v45;
	v54 =	vmul.f32 v60, v60;
	v60 =	vsub.f32 v63, v53  }
0x1e8: {  	v59 =	vld [tilespmem:s31+$0x1650];
	v55 =	vsub.f32 v55, v53;
	v47 =	vadd.f32 v52, v47;
	v52 =	vmul.f32 v57, v57  }
0x1e9: {  	v57 =	vmul.f32 v58, v58;
	v20 =	vadd.f32 v54, v20;
	v54 =	vmul.f32 v60, v60;
	v60 =	vld [tilespmem:s31+$0x1280]  }
0x1ea: {  	v58 =	vld [tilespmem:s31+$0x1670];
	v61 =	vsub.f32 v61, v53;
	v55 =	vmul.f32 v55, v55  }
0x1eb: {  	v0 =	vadd.f32 v52, v0;
	v1 =	vadd.f32 v57, v1;
	v52 =	vld [tilespmem:s31+$0x1290]  }
0x1ec: {  	v62 =	vld [tilespmem:s31+$0x12D0];
	v57 =	vbroadcast v40, $0x5;
	v2 =	vadd.f32 v54, v2;
	v48 =	vadd.f32 v55, v48  }
0x1ed: {  	v54 =	vld [tilespmem:s31+$0x12A0];
	v55 =	vsub.f32 v56, v53;
	v56 =	vsub.f32 v59, v53  }
0x1ee: {  	v61 =	vmul.f32 v61, v61;
	v59 =	vld [tilespmem:s31+$0x12B0];
	v60 =	vsub.f32 v60, v57  }
0x1ef: {  	v53 =	vsub.f32 v58, v53;
	v58 =	vld [tilespmem:s31+$0x12C0];
	v55 =	vmul.f32 v55, v55;
	v56 =	vmul.f32 v56, v56  }
0x1f0: {  	v63 =	vld [tilespmem:s31+$0x12E0];
	v49 =	vadd.f32 v61, v49;
	v52 =	vsub.f32 v52, v57;
	v60 =	vmul.f32 v60, v60  }
0x1f1: {  	v53 =	vmul.f32 v53, v53;
	v46 =	vadd.f32 v55, v46;
	v51 =	vadd.f32 v56, v51  }
0x1f2: {  	v56 =	vld [tilespmem:s31+$0x12F0];
	v41 =	vadd.f32 v60, v41;
	v60 =	vsub.f32 v54, v57  }
0x1f3: {  	v50 =	vadd.f32 v53, v50;
	v52 =	vmul.f32 v52, v52;
	v61 =	vsub.f32 v59, v57;
	v54 =	vld [tilespmem:s31+$0x1680]  }
0x1f4: {  	v59 =	vld [tilespmem:s31+$0x1690];
	v55 =	vsub.f32 v58, v57;
	v58 =	vsub.f32 v62, v57;
	v53 =	vmul.f32 v60, v60  }
0x1f5: {  	v42 =	vadd.f32 v52, v42;
	v52 =	vmul.f32 v61, v61;
	v61 =	vld [tilespmem:s31+$0x16A0];
	v60 =	vsub.f32 v63, v57  }
0x1f6: {  	v43 =	vadd.f32 v53, v43;
	v53 =	vmul.f32 v55, v55;
	v55 =	vmul.f32 v58, v58;
	v58 =	vld [tilespmem:s31+$0x16B0]  }
0x1f7: {  	v56 =	vsub.f32 v56, v57;
	v44 =	vadd.f32 v52, v44;
	v52 =	vmul.f32 v60, v60;
	v60 =	vld [tilespmem:s31+$0x16C0]  }
0x1f8: {  	v62 =	vld [tilespmem:s31+$0x1310];
	v54 =	vsub.f32 v54, v57;
	v45 =	vadd.f32 v53, v45  }
0x1f9: {  	v56 =	vmul.f32 v56, v56;
	v21 =	vadd.f32 v55, v21;
	v53 =	vld [tilespmem:s31+$0x16D0];
	v55 =	vsub.f32 v59, v57  }
0x1fa: {  	v47 =	vadd.f32 v52, v47;
	v52 =	vld [tilespmem:s31+$0x16E0];
	v59 =	vsub.f32 v61, v57  }
0x1fb: {  	v61 =	vld [tilespmem:s31+$0x1300];
	v20 =	vadd.f32 v56, v20;
	v54 =	vmul.f32 v54, v54;
	v55 =	vmul.f32 v55, v55  }
0x1fc: {  	v56 =	vld [tilespmem:s31+$0x16F0];
	v58 =	vsub.f32 v58, v57;
	v60 =	vsub.f32 v60, v57  }
0x1fd: {  	v63 =	vld [tilespmem:s31+$0x1320];
	v59 =	vmul.f32 v59, v59;
	v0 =	vadd.f32 v54, v0;
	v1 =	vadd.f32 v55, v1  }
0x1fe: {  	v55 =	vld [tilespmem:s31+$0x1330];
	v58 =	vmul.f32 v58, v58;
	v53 =	vsub.f32 v53, v57;
	v60 =	vmul.f32 v60, v60  }
0x1ff: {  	v54 =	vbroadcast v40, $0x6;
	v2 =	vadd.f32 v59, v2;
	v52 =	vsub.f32 v52, v57  }
0x200: {  	v48 =	vadd.f32 v58, v48;
	v53 =	vmul.f32 v53, v53;
	v46 =	vadd.f32 v60, v46  }
0x201: {  	v59 =	vld [tilespmem:s31+$0x1350];
	v60 =	vsub.f32 v56, v57;
	v57 =	vsub.f32 v61, v54  }
0x202: {  	v56 =	vld [tilespmem:s31+$0x1340];
	v52 =	vmul.f32 v52, v52;
	v58 =	vsub.f32 v62, v54;
	v51 =	vadd.f32 v53, v51  }
0x203: {  	v61 =	vld [tilespmem:s31+$0x1360];
	v53 =	vmul.f32 v60, v60;
	v60 =	vsub.f32 v63, v54;
	v55 =	vsub.f32 v55, v54  }
0x204: {  	v49 =	vadd.f32 v52, v49;
	v52 =	vmul.f32 v57, v57;
	v57 =	vmul.f32 v58, v58;
	v58 =	vld [tilespmem:s31+$0x1370]  }
0x205: {  	v50 =	vadd.f32 v53, v50;
	v53 =	vmul.f32 v60, v60;
	v55 =	vmul.f32 v55, v55;
	v60 =	vld [tilespmem:s31+$0x1700]  }
0x206: {  	v41 =	vadd.f32 v52, v41;
	v52 =	vld [tilespmem:s31+$0x1710]  }
0x207: {  	v62 =	vld [tilespmem:s31+$0x1750];
	v44 =	vadd.f32 v55, v44;
	v55 =	vsub.f32 v56, v54  }
0x208: {  	v63 =	vld [tilespmem:s31+$0x1760];
	v56 =	vsub.f32 v59, v54;
	v59 =	vsub.f32 v61, v54  }
0x209: {  	v43 =	vadd.f32 v53, v43;
	v53 =	vld [tilespmem:s31+$0x1720];
	v58 =	vsub.f32 v58, v54;
	v55 =	vmul.f32 v55, v55  }
0x20a: {  	v42 =	vadd.f32 v57, v42;
	v57 =	vld [tilespmem:s31+$0x1730];
	v56 =	vmul.f32 v56, v56;
	v59 =	vmul.f32 v59, v59  }
0x20b: {  	v61 =	vld [tilespmem:s31+$0x1740];
	v60 =	vsub.f32 v60, v54;
	v58 =	vmul.f32 v58, v58;
	v52 =	vsub.f32 v52, v54  }
0x20c: {  	v45 =	vadd.f32 v55, v45;
	v21 =	vadd.f32 v56, v21;
	v56 =	vld [tilespmem:s31+$0x1770]  }
0x20d: {  	v47 =	vadd.f32 v59, v47;
	v60 =	vmul.f32 v60, v60;
	v20 =	vadd.f32 v58, v20  }
0x20e: {  	v52 =	vmul.f32 v52, v52;
	v53 =	vsub.f32 v53, v54;
	v58 =	vsub.f32 v62, v54  }
0x20f: {  	v55 =	vld [tilespmem:s31+$0x1380];
	v0 =	vadd.f32 v60, v0;
	v60 =	vsub.f32 v57, v54  }
0x210: {  	v59 =	vld [tilespmem:s31+$0x1390];
	v1 =	vadd.f32 v52, v1;
	v53 =	vmul.f32 v53, v53;
	v57 =	vsub.f32 v61, v54  }
0x211: {  	v52 =	vmul.f32 v60, v60;
	v60 =	vsub.f32 v63, v54;
	v54 =	vsub.f32 v56, v54;
	v56 =	vld [tilespmem:s31+$0x13A0]  }
0x212: {  	v2 =	vadd.f32 v53, v2;
	v53 =	vmul.f32 v57, v57;
	v57 =	vmul.f32 v58, v58;
	v58 =	vld [tilespmem:s31+$0x13B0]  }
0x213: {  	v48 =	vadd.f32 v52, v48;
	v52 =	vmul.f32 v60, v60;
	v54 =	vmul.f32 v54, v54;
	v60 =	vld [tilespmem:s31+$0x13C0]  }
0x214: {  	v46 =	vadd.f32 v53, v46;
	v51 =	vadd.f32 v57, v51;
	v53 =	vbroadcast v40, $0x7;
	v57 =	vld [tilespmem:s31+$0x13D0]  }
0x215: {  	v50 =	vadd.f32 v54, v50  }
0x216: {  	v61 =	vld [tilespmem:s31+$0x1780];
	v54 =	vsub.f32 v55, v53;
	v55 =	vsub.f32 v59, v53  }
0x217: {  	v49 =	vadd.f32 v52, v49;
	v52 =	vld [tilespmem:s31+$0x13E0];
	v56 =	vsub.f32 v56, v53  }
0x218: {  	v59 =	vld [tilespmem:s31+$0x13F0];
	v58 =	vsub.f32 v58, v53;
	v54 =	vmul.f32 v54, v54;
	v55 =	vmul.f32 v55, v55  }
0x219: {  	v62 =	vld [tilespmem:s31+$0x1790];
	v60 =	vsub.f32 v60, v53;
	v56 =	vmul.f32 v56, v56;
	v57 =	vsub.f32 v57, v53  }
0x21a: {  	v63 =	vld [tilespmem:s31+$0x17A0];
	v41 =	vadd.f32 v54, v41;
	v42 =	vadd.f32 v55, v42  }
0x21b: {  	v55 =	vld [tilespmem:s31+$0x17B0];
	v54 =	vmul.f32 v60, v60;
	v43 =	vadd.f32 v56, v43;
	v60 =	vmul.f32 v57, v57  }
0x21c: {  	v58 =	vmul.f32 v58, v58;
	v52 =	vsub.f32 v52, v53;
	v57 =	vsub.f32 v61, v53;
	v61 =	vld [tilespmem:s31+$0x17E0]  }
0x21d: {  	v21 =	vadd.f32 v60, v21;
	v60 =	vsub.f32 v59, v53  }
0x21e: {  	v44 =	vadd.f32 v58, v44;
	v58 =	vsub.f32 v62, v53;
	v52 =	vmul.f32 v52, v52  }
0x21f: {  	v56 =	vld [tilespmem:s31+$0x17C0];
	v45 =	vadd.f32 v54, v45;
	v54 =	vmul.f32 v60, v60;
	v60 =	vsub.f32 v63, v53  }
0x220: {  	v59 =	vld [tilespmem:s31+$0x17D0];
	v55 =	vsub.f32 v55, v53;
	v47 =	vadd.f32 v52, v47  }
0x221: {  	v52 =	vmul.f32 v57, v57;
	v57 =	vmul.f32 v58, v58;
	v58 =	vld [tilespmem:s31+$0x17F0];
	v61 =	vsub.f32 v61, v53  }
0x222: {  	v20 =	vadd.f32 v54, v20;
	v54 =	vmul.f32 v60, v60;
	v55 =	vmul.f32 v55, v55;
	v60 =	vld [tilespmem:s31+$0x1800]  }
0x223: {  	v62 =	vld [tilespmem:s31+$0x1850];
	v0 =	vadd.f32 v52, v0;
	v1 =	vadd.f32 v57, v1  }
0x224: {  	v52 =	vld [tilespmem:s31+$0x1810];
	v2 =	vadd.f32 v54, v2;
	v48 =	vadd.f32 v55, v48  }
0x225: {  	v57 =	vbroadcast v40, $0x8;
	v54 =	vld [tilespmem:s31+$0x1820];
	v55 =	vsub.f32 v56, v53;
	v56 =	vsub.f32 v59, v53  }
0x226: {  	v61 =	vmul.f32 v61, v61;
	v59 =	vld [tilespmem:s31+$0x1830];
	v53 =	vsub.f32 v58, v53  }
0x227: {  	v58 =	vld [tilespmem:s31+$0x1840];
	v56 =	vmul.f32 v56, v56;
	v60 =	vsub.f32 v60, v57  }
0x228: {  	v63 =	vld [tilespmem:s31+$0x1860];
	v49 =	vadd.f32 v61, v49;
	v55 =	vmul.f32 v55, v55;
	v53 =	vmul.f32 v53, v53  }
0x229: {  	v52 =	vsub.f32 v52, v57;
	v51 =	vadd.f32 v56, v51;
	v56 =	vld [tilespmem:s31+$0x1870];
	v60 =	vmul.f32 v60, v60  }
0x22a: {  	v46 =	vadd.f32 v55, v46;
	v50 =	vadd.f32 v53, v50  }
0x22b: {  	v52 =	vmul.f32 v52, v52;
	v41 =	vadd.f32 v60, v41;
	v60 =	vsub.f32 v54, v57  }
0x22c: {  	v61 =	vsub.f32 v59, v57;
	v55 =	vsub.f32 v58, v57;
	v54 =	vld [tilespmem:s31+$0x1C00]  }
0x22d: {  	v59 =	vld [tilespmem:s31+$0x1C10];
	v58 =	vsub.f32 v62, v57;
	v42 =	vadd.f32 v52, v42;
	v53 =	vmul.f32 v60, v60  }
0x22e: {  	v52 =	vmul.f32 v61, v61;
	v61 =	vld [tilespmem:s31+$0x1C20];
	v60 =	vsub.f32 v63, v57;
	v56 =	vsub.f32 v56, v57  }
0x22f: {  	v43 =	vadd.f32 v53, v43;
	v53 =	vmul.f32 v55, v55;
	v55 =	vmul.f32 v58, v58;
	v58 =	vld [tilespmem:s31+$0x1C30]  }
0x230: {  	v44 =	vadd.f32 v52, v44;
	v52 =	vmul.f32 v60, v60;
	v60 =	vld [tilespmem:s31+$0x1C40]  }
0x231: {  	v62 =	vld [tilespmem:s31+$0x1890];
	v56 =	vmul.f32 v56, v56;
	v54 =	vsub.f32 v54, v57;
	v45 =	vadd.f32 v53, v45  }
0x232: {  	v21 =	vadd.f32 v55, v21;
	v53 =	vld [tilespmem:s31+$0x1C50];
	v55 =	vsub.f32 v59, v57  }
0x233: {  	v47 =	vadd.f32 v52, v47;
	v20 =	vadd.f32 v56, v20;
	v52 =	vld [tilespmem:s31+$0x1C60]  }
0x234: {  	v56 =	vld [tilespmem:s31+$0x1C70];
	v59 =	vsub.f32 v61, v57;
	v54 =	vmul.f32 v54, v54;
	v55 =	vmul.f32 v55, v55  }
0x235: {  	v61 =	vld [tilespmem:s31+$0x1880];
	v58 =	vsub.f32 v58, v57;
	v60 =	vsub.f32 v60, v57  }
0x236: {  	v63 =	vld [tilespmem:s31+$0x18A0];
	v59 =	vmul.f32 v59, v59;
	v0 =	vadd.f32 v54, v0;
	v1 =	vadd.f32 v55, v1  }
0x237: {  	v55 =	vld [tilespmem:s31+$0x18B0];
	v58 =	vmul.f32 v58, v58;
	v53 =	vsub.f32 v53, v57;
	v60 =	vmul.f32 v60, v60  }
0x238: {  	v54 =	vbroadcast v40, $0x9;
	v2 =	vadd.f32 v59, v2;
	v52 =	vsub.f32 v52, v57  }
0x239: {  	v48 =	vadd.f32 v58, v48;
	v53 =	vmul.f32 v53, v53;
	v46 =	vadd.f32 v60, v46  }
0x23a: {  	v59 =	vld [tilespmem:s31+$0x18D0];
	v60 =	vsub.f32 v56, v57;
	v57 =	vsub.f32 v61, v54  }
0x23b: {  	v56 =	vld [tilespmem:s31+$0x18C0];
	v52 =	vmul.f32 v52, v52;
	v58 =	vsub.f32 v62, v54;
	v51 =	vadd.f32 v53, v51  }
0x23c: {  	v61 =	vld [tilespmem:s31+$0x18E0];
	v53 =	vmul.f32 v60, v60;
	v60 =	vsub.f32 v63, v54;
	v55 =	vsub.f32 v55, v54  }
0x23d: {  	v49 =	vadd.f32 v52, v49;
	v52 =	vmul.f32 v57, v57;
	v57 =	vmul.f32 v58, v58;
	v58 =	vld [tilespmem:s31+$0x18F0]  }
0x23e: {  	v50 =	vadd.f32 v53, v50;
	v53 =	vmul.f32 v60, v60;
	v55 =	vmul.f32 v55, v55;
	v60 =	vld [tilespmem:s31+$0x1C80]  }
0x23f: {  	v41 =	vadd.f32 v52, v41;
	v52 =	vld [tilespmem:s31+$0x1C90]  }
0x240: {  	v62 =	vld [tilespmem:s31+$0x1CD0];
	v44 =	vadd.f32 v55, v44;
	v55 =	vsub.f32 v56, v54  }
0x241: {  	v63 =	vld [tilespmem:s31+$0x1CE0];
	v56 =	vsub.f32 v59, v54;
	v59 =	vsub.f32 v61, v54  }
0x242: {  	v43 =	vadd.f32 v53, v43;
	v53 =	vld [tilespmem:s31+$0x1CA0];
	v58 =	vsub.f32 v58, v54;
	v55 =	vmul.f32 v55, v55  }
0x243: {  	v42 =	vadd.f32 v57, v42;
	v57 =	vld [tilespmem:s31+$0x1CB0];
	v56 =	vmul.f32 v56, v56;
	v59 =	vmul.f32 v59, v59  }
0x244: {  	v61 =	vld [tilespmem:s31+$0x1CC0];
	v60 =	vsub.f32 v60, v54;
	v58 =	vmul.f32 v58, v58;
	v52 =	vsub.f32 v52, v54  }
0x245: {  	v45 =	vadd.f32 v55, v45;
	v21 =	vadd.f32 v56, v21;
	v56 =	vld [tilespmem:s31+$0x1CF0]  }
0x246: {  	v47 =	vadd.f32 v59, v47;
	v60 =	vmul.f32 v60, v60;
	v20 =	vadd.f32 v58, v20  }
0x247: {  	v52 =	vmul.f32 v52, v52;
	v53 =	vsub.f32 v53, v54;
	v58 =	vsub.f32 v62, v54  }
0x248: {  	v55 =	vld [tilespmem:s31+$0x1900];
	v0 =	vadd.f32 v60, v0;
	v60 =	vsub.f32 v57, v54  }
0x249: {  	v59 =	vld [tilespmem:s31+$0x1910];
	v1 =	vadd.f32 v52, v1;
	v53 =	vmul.f32 v53, v53;
	v57 =	vsub.f32 v61, v54  }
0x24a: {  	v52 =	vmul.f32 v60, v60;
	v60 =	vsub.f32 v63, v54;
	v54 =	vsub.f32 v56, v54;
	v56 =	vld [tilespmem:s31+$0x1920]  }
0x24b: {  	v2 =	vadd.f32 v53, v2;
	v53 =	vmul.f32 v57, v57;
	v57 =	vmul.f32 v58, v58;
	v58 =	vld [tilespmem:s31+$0x1930]  }
0x24c: {  	v48 =	vadd.f32 v52, v48;
	v52 =	vmul.f32 v60, v60;
	v54 =	vmul.f32 v54, v54;
	v60 =	vld [tilespmem:s31+$0x1940]  }
0x24d: {  	v46 =	vadd.f32 v53, v46;
	v51 =	vadd.f32 v57, v51;
	v53 =	vbroadcast v40, $0xA;
	v57 =	vld [tilespmem:s31+$0x1950]  }
0x24e: {  	v50 =	vadd.f32 v54, v50  }
0x24f: {  	v61 =	vld [tilespmem:s31+$0x1D00];
	v54 =	vsub.f32 v55, v53;
	v55 =	vsub.f32 v59, v53  }
0x250: {  	v49 =	vadd.f32 v52, v49;
	v52 =	vld [tilespmem:s31+$0x1960];
	v56 =	vsub.f32 v56, v53  }
0x251: {  	v59 =	vld [tilespmem:s31+$0x1970];
	v58 =	vsub.f32 v58, v53;
	v54 =	vmul.f32 v54, v54;
	v55 =	vmul.f32 v55, v55  }
0x252: {  	v62 =	vld [tilespmem:s31+$0x1D10];
	v60 =	vsub.f32 v60, v53;
	v56 =	vmul.f32 v56, v56;
	v57 =	vsub.f32 v57, v53  }
0x253: {  	v63 =	vld [tilespmem:s31+$0x1D20];
	v41 =	vadd.f32 v54, v41;
	v42 =	vadd.f32 v55, v42  }
0x254: {  	v55 =	vld [tilespmem:s31+$0x1D30];
	v54 =	vmul.f32 v60, v60;
	v43 =	vadd.f32 v56, v43;
	v60 =	vmul.f32 v57, v57  }
0x255: {  	v58 =	vmul.f32 v58, v58;
	v52 =	vsub.f32 v52, v53;
	v57 =	vsub.f32 v61, v53;
	v61 =	vld [tilespmem:s31+$0x1D60]  }
0x256: {  	v21 =	vadd.f32 v60, v21;
	v60 =	vsub.f32 v59, v53  }
0x257: {  	v44 =	vadd.f32 v58, v44;
	v58 =	vsub.f32 v62, v53;
	v52 =	vmul.f32 v52, v52  }
0x258: {  	v56 =	vld [tilespmem:s31+$0x1D40];
	v45 =	vadd.f32 v54, v45;
	v54 =	vmul.f32 v60, v60;
	v60 =	vsub.f32 v63, v53  }
0x259: {  	v59 =	vld [tilespmem:s31+$0x1D50];
	v55 =	vsub.f32 v55, v53;
	v47 =	vadd.f32 v52, v47  }
0x25a: {  	v52 =	vmul.f32 v57, v57;
	v57 =	vmul.f32 v58, v58;
	v58 =	vld [tilespmem:s31+$0x1D70];
	v61 =	vsub.f32 v61, v53  }
0x25b: {  	v20 =	vadd.f32 v54, v20;
	v54 =	vmul.f32 v60, v60;
	v55 =	vmul.f32 v55, v55;
	v60 =	vld [tilespmem:s31+$0x1980]  }
0x25c: {  	v62 =	vld [tilespmem:s31+$0x19D0];
	v0 =	vadd.f32 v52, v0;
	v1 =	vadd.f32 v57, v1  }
0x25d: {  	v52 =	vld [tilespmem:s31+$0x1990];
	v2 =	vadd.f32 v54, v2;
	v48 =	vadd.f32 v55, v48  }
0x25e: {  	v57 =	vbroadcast v40, $0xB;
	v54 =	vld [tilespmem:s31+$0x19A0];
	v55 =	vsub.f32 v56, v53;
	v56 =	vsub.f32 v59, v53  }
0x25f: {  	v61 =	vmul.f32 v61, v61;
	v59 =	vld [tilespmem:s31+$0x19B0];
	v53 =	vsub.f32 v58, v53  }
0x260: {  	v58 =	vld [tilespmem:s31+$0x19C0];
	v56 =	vmul.f32 v56, v56;
	v60 =	vsub.f32 v60, v57  }
0x261: {  	v63 =	vld [tilespmem:s31+$0x19E0];
	v49 =	vadd.f32 v61, v49;
	v55 =	vmul.f32 v55, v55;
	v53 =	vmul.f32 v53, v53  }
0x262: {  	v52 =	vsub.f32 v52, v57;
	v51 =	vadd.f32 v56, v51;
	v56 =	vld [tilespmem:s31+$0x19F0];
	v60 =	vmul.f32 v60, v60  }
0x263: {  	v46 =	vadd.f32 v55, v46;
	v50 =	vadd.f32 v53, v50  }
0x264: {  	v52 =	vmul.f32 v52, v52;
	v41 =	vadd.f32 v60, v41;
	v60 =	vsub.f32 v54, v57  }
0x265: {  	v61 =	vsub.f32 v59, v57;
	v55 =	vsub.f32 v58, v57;
	v54 =	vld [tilespmem:s31+$0x1D80]  }
0x266: {  	v59 =	vld [tilespmem:s31+$0x1D90];
	v58 =	vsub.f32 v62, v57;
	v42 =	vadd.f32 v52, v42;
	v53 =	vmul.f32 v60, v60  }
0x267: {  	v52 =	vmul.f32 v61, v61;
	v61 =	vld [tilespmem:s31+$0x1DA0];
	v60 =	vsub.f32 v63, v57;
	v56 =	vsub.f32 v56, v57  }
0x268: {  	v43 =	vadd.f32 v53, v43;
	v53 =	vmul.f32 v55, v55;
	v55 =	vmul.f32 v58, v58;
	v58 =	vld [tilespmem:s31+$0x1DB0]  }
0x269: {  	v44 =	vadd.f32 v52, v44;
	v52 =	vmul.f32 v60, v60;
	v60 =	vld [tilespmem:s31+$0x1DC0]  }
0x26a: {  	v62 =	vld [tilespmem:s31+$0x1A10];
	v56 =	vmul.f32 v56, v56;
	v54 =	vsub.f32 v54, v57;
	v45 =	vadd.f32 v53, v45  }
0x26b: {  	v21 =	vadd.f32 v55, v21;
	v53 =	vld [tilespmem:s31+$0x1DD0];
	v55 =	vsub.f32 v59, v57  }
0x26c: {  	v47 =	vadd.f32 v52, v47;
	v20 =	vadd.f32 v56, v20;
	v52 =	vld [tilespmem:s31+$0x1DE0]  }
0x26d: {  	v56 =	vld [tilespmem:s31+$0x1DF0];
	v59 =	vsub.f32 v61, v57;
	v54 =	vmul.f32 v54, v54;
	v55 =	vmul.f32 v55, v55  }
0x26e: {  	v61 =	vld [tilespmem:s31+$0x1A00];
	v58 =	vsub.f32 v58, v57;
	v60 =	vsub.f32 v60, v57  }
0x26f: {  	v63 =	vld [tilespmem:s31+$0x1A20];
	v59 =	vmul.f32 v59, v59;
	v0 =	vadd.f32 v54, v0;
	v1 =	vadd.f32 v55, v1  }
0x270: {  	v55 =	vld [tilespmem:s31+$0x1A30];
	v58 =	vmul.f32 v58, v58;
	v53 =	vsub.f32 v53, v57;
	v60 =	vmul.f32 v60, v60  }
0x271: {  	v54 =	vbroadcast v40, $0xC;
	v2 =	vadd.f32 v59, v2;
	v52 =	vsub.f32 v52, v57  }
0x272: {  	v48 =	vadd.f32 v58, v48;
	v53 =	vmul.f32 v53, v53;
	v46 =	vadd.f32 v60, v46  }
0x273: {  	v59 =	vld [tilespmem:s31+$0x1A50];
	v60 =	vsub.f32 v56, v57;
	v57 =	vsub.f32 v61, v54  }
0x274: {  	v56 =	vld [tilespmem:s31+$0x1A40];
	v52 =	vmul.f32 v52, v52;
	v58 =	vsub.f32 v62, v54;
	v51 =	vadd.f32 v53, v51  }
0x275: {  	v61 =	vld [tilespmem:s31+$0x1A60];
	v53 =	vmul.f32 v60, v60;
	v60 =	vsub.f32 v63, v54;
	v55 =	vsub.f32 v55, v54  }
0x276: {  	v49 =	vadd.f32 v52, v49;
	v52 =	vmul.f32 v57, v57;
	v57 =	vmul.f32 v58, v58;
	v58 =	vld [tilespmem:s31+$0x1A70]  }
0x277: {  	v50 =	vadd.f32 v53, v50;
	v53 =	vmul.f32 v60, v60;
	v55 =	vmul.f32 v55, v55;
	v60 =	vld [tilespmem:s31+$0x1E00]  }
0x278: {  	v41 =	vadd.f32 v52, v41;
	v52 =	vld [tilespmem:s31+$0x1E10]  }
0x279: {  	v62 =	vld [tilespmem:s31+$0x1E50];
	v44 =	vadd.f32 v55, v44;
	v55 =	vsub.f32 v56, v54  }
0x27a: {  	v63 =	vld [tilespmem:s31+$0x1E60];
	v56 =	vsub.f32 v59, v54;
	v59 =	vsub.f32 v61, v54  }
0x27b: {  	v43 =	vadd.f32 v53, v43;
	v53 =	vld [tilespmem:s31+$0x1E20];
	v58 =	vsub.f32 v58, v54;
	v55 =	vmul.f32 v55, v55  }
0x27c: {  	v42 =	vadd.f32 v57, v42;
	v57 =	vld [tilespmem:s31+$0x1E30];
	v56 =	vmul.f32 v56, v56;
	v59 =	vmul.f32 v59, v59  }
0x27d: {  	v61 =	vld [tilespmem:s31+$0x1E40];
	v60 =	vsub.f32 v60, v54;
	v58 =	vmul.f32 v58, v58;
	v52 =	vsub.f32 v52, v54  }
0x27e: {  	v45 =	vadd.f32 v55, v45;
	v21 =	vadd.f32 v56, v21;
	v56 =	vld [tilespmem:s31+$0x1E70]  }
0x27f: {  	v47 =	vadd.f32 v59, v47;
	v60 =	vmul.f32 v60, v60;
	v20 =	vadd.f32 v58, v20  }
0x280: {  	v52 =	vmul.f32 v52, v52;
	v53 =	vsub.f32 v53, v54;
	v58 =	vsub.f32 v62, v54  }
0x281: {  	v55 =	vld [tilespmem:s31+$0x1A80];
	v0 =	vadd.f32 v60, v0;
	v60 =	vsub.f32 v57, v54  }
0x282: {  	v59 =	vld [tilespmem:s31+$0x1A90];
	v1 =	vadd.f32 v52, v1;
	v53 =	vmul.f32 v53, v53;
	v57 =	vsub.f32 v61, v54  }
0x283: {  	v52 =	vmul.f32 v60, v60;
	v60 =	vsub.f32 v63, v54;
	v54 =	vsub.f32 v56, v54;
	v56 =	vld [tilespmem:s31+$0x1AA0]  }
0x284: {  	v2 =	vadd.f32 v53, v2;
	v53 =	vmul.f32 v57, v57;
	v57 =	vmul.f32 v58, v58;
	v58 =	vld [tilespmem:s31+$0x1AB0]  }
0x285: {  	v48 =	vadd.f32 v52, v48;
	v52 =	vmul.f32 v60, v60;
	v54 =	vmul.f32 v54, v54;
	v60 =	vld [tilespmem:s31+$0x1AC0]  }
0x286: {  	v46 =	vadd.f32 v53, v46;
	v51 =	vadd.f32 v57, v51;
	v53 =	vbroadcast v40, $0xD;
	v57 =	vld [tilespmem:s31+$0x1AD0]  }
0x287: {  	v62 =	vld [tilespmem:s31+$0x1E90];
	v49 =	vadd.f32 v52, v49;
	v50 =	vadd.f32 v54, v50  }
0x288: {  	v61 =	vld [tilespmem:s31+$0x1E80];
	v54 =	vsub.f32 v55, v53;
	v55 =	vsub.f32 v59, v53  }
0x289: {  	v52 =	vld [tilespmem:s31+$0x1AE0];
	v56 =	vsub.f32 v56, v53;
	v58 =	vsub.f32 v58, v53  }
0x28a: {  	v59 =	vld [tilespmem:s31+$0x1AF0];
	v54 =	vmul.f32 v54, v54;
	v55 =	vmul.f32 v55, v55;
	v60 =	vsub.f32 v60, v53  }
0x28b: {  	v63 =	vld [tilespmem:s31+$0x1EA0];
	v56 =	vmul.f32 v56, v56;
	v58 =	vmul.f32 v58, v58;
	v57 =	vsub.f32 v57, v53  }
0x28c: {  	v41 =	vadd.f32 v54, v41;
	v42 =	vadd.f32 v55, v42;
	v55 =	vld [tilespmem:s31+$0x1EB0];
	v54 =	vmul.f32 v60, v60  }
0x28d: {  	v43 =	vadd.f32 v56, v43;
	v44 =	vadd.f32 v58, v44;
	v60 =	vmul.f32 v57, v57  }
0x28e: {  	v52 =	vsub.f32 v52, v53;
	v57 =	vsub.f32 v61, v53  }
0x28f: {  	v61 =	vld [tilespmem:s31+$0x1EE0];
	v21 =	vadd.f32 v60, v21;
	v60 =	vsub.f32 v59, v53  }
0x290: {  	v56 =	vld [tilespmem:s31+$0x1EC0];
	v58 =	vsub.f32 v62, v53;
	v45 =	vadd.f32 v54, v45;
	v52 =	vmul.f32 v52, v52  }
0x291: {  	v59 =	vld [tilespmem:s31+$0x1ED0];
	v54 =	vmul.f32 v60, v60;
	v60 =	vsub.f32 v63, v53;
	v55 =	vsub.f32 v55, v53  }
0x292: {  	v47 =	vadd.f32 v52, v47;
	v52 =	vmul.f32 v57, v57;
	v57 =	vmul.f32 v58, v58;
	v58 =	vld [tilespmem:s31+$0x1EF0]  }
0x293: {  	v20 =	vadd.f32 v54, v20;
	v54 =	vmul.f32 v60, v60;
	v55 =	vmul.f32 v55, v55;
	v60 =	vld [tilespmem:s31+$0x1B00]  }
0x294: {  	v61 =	vsub.f32 v61, v53;
	v0 =	vadd.f32 v52, v0;
	v52 =	vld [tilespmem:s31+$0x1B10]  }
0x295: {  	v62 =	vld [tilespmem:s31+$0x1B50];
	v1 =	vadd.f32 v57, v1;
	v48 =	vadd.f32 v55, v48  }
0x296: {  	v57 =	vbroadcast v40, $0xE;
	v55 =	vsub.f32 v56, v53;
	v56 =	vsub.f32 v59, v53;
	v59 =	vld [tilespmem:s31+$0x1B30]  }
0x297: {  	v61 =	vmul.f32 v61, v61;
	v2 =	vadd.f32 v54, v2;
	v54 =	vld [tilespmem:s31+$0x1B20];
	v53 =	vsub.f32 v58, v53  }
0x298: {  	v58 =	vld [tilespmem:s31+$0x1B40];
	v55 =	vmul.f32 v55, v55;
	v56 =	vmul.f32 v56, v56;
	v60 =	vsub.f32 v60, v57  }
0x299: {  	v63 =	vld [tilespmem:s31+$0x1B60];
	v49 =	vadd.f32 v61, v49;
	v53 =	vmul.f32 v53, v53;
	v52 =	vsub.f32 v52, v57  }
0x29a: {  	v46 =	vadd.f32 v55, v46;
	v51 =	vadd.f32 v56, v51;
	v56 =	vld [tilespmem:s31+$0x1B70];
	v60 =	vmul.f32 v60, v60  }
0x29b: {  	v50 =	vadd.f32 v53, v50;
	v61 =	vsub.f32 v59, v57  }
0x29c: {  	v52 =	vmul.f32 v52, v52;
	v41 =	vadd.f32 v60, v41;
	v60 =	vsub.f32 v54, v57;
	v54 =	vld [tilespmem:s31+$0x1F00]  }
0x29d: {  	v59 =	vld [tilespmem:s31+$0x1F10];
	v55 =	vsub.f32 v58, v57;
	v58 =	vsub.f32 v62, v57  }
0x29e: {  	v42 =	vadd.f32 v52, v42;
	v52 =	vmul.f32 v61, v61;
	v61 =	vld [tilespmem:s31+$0x1F20];
	v53 =	vmul.f32 v60, v60  }
0x29f: {  	v62 =	vld [tilespmem:s31+$0x1B90];
	v60 =	vsub.f32 v63, v57;
	v56 =	vsub.f32 v56, v57  }
0x2a0: {  	v43 =	vadd.f32 v53, v43;
	v53 =	vmul.f32 v55, v55;
	v55 =	vmul.f32 v58, v58;
	v58 =	vld [tilespmem:s31+$0x1F30]  }
0x2a1: {  	v44 =	vadd.f32 v52, v44;
	v52 =	vmul.f32 v60, v60;
	v60 =	vld [tilespmem:s31+$0x1F40];
	v54 =	vsub.f32 v54, v57  }
0x2a2: {  	v63 =	vld [tilespmem:s31+$0x1BA0];
	v56 =	vmul.f32 v56, v56;
	v45 =	vadd.f32 v53, v45;
	v21 =	vadd.f32 v55, v21  }
0x2a3: {  	v53 =	vld [tilespmem:s31+$0x1F50];
	v55 =	vsub.f32 v59, v57;
	v59 =	vsub.f32 v61, v57  }
0x2a4: {  	v47 =	vadd.f32 v52, v47;
	v20 =	vadd.f32 v56, v20;
	v52 =	vld [tilespmem:s31+$0x1F60];
	v54 =	vmul.f32 v54, v54  }
0x2a5: {  	v56 =	vld [tilespmem:s31+$0x1F70];
	v55 =	vmul.f32 v55, v55;
	v59 =	vmul.f32 v59, v59;
	v58 =	vsub.f32 v58, v57  }
0x2a6: {  	v40 =	vbroadcast v40, $0xF;
	v61 =	vld [tilespmem:s31+$0x1B80];
	v60 =	vsub.f32 v60, v57;
	v0 =	vadd.f32 v54, v0  }
0x2a7: {  	v54 =	vld [tilespmem:s31+$0x1BC0];
	v1 =	vadd.f32 v55, v1;
	v2 =	vadd.f32 v59, v2;
	v58 =	vmul.f32 v58, v58  }
0x2a8: {  	v55 =	vld [tilespmem:s31+$0x1BB0];
	v59 =	vsub.f32 v63, v40;
	v53 =	vsub.f32 v53, v57;
	v60 =	vmul.f32 v60, v60  }
0x2a9: {  	v52 =	vsub.f32 v52, v57;
	v48 =	vadd.f32 v58, v48  }
0x2aa: {  	v63 =	vmul.f32 v59, v59;
	v46 =	vadd.f32 v60, v46;
	v60 =	vsub.f32 v56, v57  }
0x2ab: {  	v59 =	vld [tilespmem:s31+$0x1F80];
	v53 =	vmul.f32 v53, v53;
	v56 =	vsub.f32 v61, v40;
	v57 =	vsub.f32 v62, v40  }
0x2ac: {  	v52 =	vmul.f32 v52, v52;
	v62 =	vld [tilespmem:s31+$0x1BF0];
	v43 =	vadd.f32 v63, v43;
	v54 =	vsub.f32 v54, v40  }
0x2ad: {  	v51 =	vadd.f32 v53, v51;
	v53 =	vmul.f32 v60, v60;
	v55 =	vsub.f32 v55, v40  }
0x2ae: {  	v58 =	vld [tilespmem:s31+$0x1BD0];
	v49 =	vadd.f32 v52, v49;
	v52 =	vmul.f32 v56, v56;
	v61 =	vmul.f32 v57, v57  }
0x2af: {  	v60 =	vld [tilespmem:s31+$0x1BE0];
	v54 =	vmul.f32 v54, v54;
	v25 =	vadd.f32 v43, v25;
	v50 =	vadd.f32 v53, v50  }
0x2b0: {  	v55 =	vmul.f32 v55, v55;
	v41 =	vadd.f32 v52, v41;
	v42 =	vadd.f32 v61, v42  }
0x2b1: {  	v52 =	vld [tilespmem:s31+$0x1F90];
	v59 =	vsub.f32 v59, v40;
	v57 =	vsub.f32 v62, v40  }
0x2b2: {  	v53 =	vld [tilespmem:s31+$0x1FA0];
	v45 =	vadd.f32 v54, v45;
	v44 =	vadd.f32 v55, v44  }
0x2b3: {  	v61 =	vld [tilespmem:s31+$0x1FD0];
	v55 =	vsub.f32 v58, v40;
	v59 =	vmul.f32 v59, v59;
	v23 =	vadd.f32 v41, v23  }
0x2b4: {  	v24 =	vadd.f32 v42, v24;
	v58 =	vsub.f32 v60, v40  }
0x2b5: {  	v60 =	vld [tilespmem:s31+$0x1FC0];
	v57 =	vmul.f32 v57, v57;
	v27 =	vadd.f32 v45, v27;
	v0 =	vadd.f32 v59, v0  }
0x2b6: {  	v62 =	vld [tilespmem:s31+$0x1FE0];
	v55 =	vmul.f32 v55, v55;
	v26 =	vadd.f32 v44, v26;
	v52 =	vsub.f32 v52, v40  }
0x2b7: {  	v56 =	vld [tilespmem:s31+$0x1FB0];
	v58 =	vmul.f32 v58, v58;
	v20 =	vadd.f32 v57, v20;
	v53 =	vsub.f32 v53, v40  }
0x2b8: {  	v63 =	vsub.f32 v61, v40;
	v21 =	vadd.f32 v55, v21  }
0x2b9: {  	v55 =	vld [tilespmem:s31+$0x1FF0];
	v31 =	vadd.f32 v0, v31;
	v47 =	vadd.f32 v58, v47  }
0x2ba: {  	v52 =	vmul.f32 v52, v52;
	v30 =	vadd.f32 v20, v30;
	v54 =	vsub.f32 v60, v40  }
0x2bb: {  	v53 =	vmul.f32 v53, v53;
	v60 =	vsub.f32 v62, v40;
	v28 =	vadd.f32 v21, v28  }
0x2bc: {  	v1 =	vadd.f32 v52, v1;
	v52 =	vsub.f32 v56, v40  }
0x2bd: {  	v62 =	vmul.f32 v63, v63;
	v2 =	vadd.f32 v53, v2;
	v29 =	vadd.f32 v47, v29  }
0x2be: {  	v61 =	vmul.f32 v54, v54;
	v63 =	vmul.f32 v60, v60;
	v40 =	vsub.f32 v55, v40  }
0x2bf: {  	p0 =	sne.s32 s12, $0x7;
	v51 =	vadd.f32 v62, v51;
	v52 =	vmul.f32 v52, v52;
	v32 =	vadd.f32 v1, v32  }
.Ltmp2:
0x2c0: {  	v33 =	vadd.f32 v2, v33;
	v46 =	vadd.f32 v61, v46;
	v40 =	vmul.f32 v40, v40;
	(pc) =	sbr.rel @p0 .LBB2_7-.Ltmp2, $4  }
0x2c1: {  	v49 =	vadd.f32 v63, v49;
	v37 =	vadd.f32 v51, v37  }
0x2c2: {  	v48 =	vadd.f32 v52, v48;
	v40 =	vadd.f32 v40, v50  }
0x2c3: {  	v35 =	vadd.f32 v46, v35;
	v38 =	vadd.f32 v49, v38  }
0x2c4: {  	s12 =	sadd.s32 $0x1, s12;
	v34 =	vadd.f32 v48, v34;
	v36 =	vadd.f32 v40, v36  }
0x2c5: {  	v0 =	vmin.f32 v23, v24  }
0x2c6: {  	v0 =	vmin.f32 v0, v25  }
0x2c7: {  	v0 =	vmin.f32 v0, v26  }
0x2c8: {  	v0 =	vmin.f32 v0, v27  }
0x2c9: {  	v0 =	vmin.f32 v0, v28  }
0x2ca: {  	v0 =	vmin.f32 v0, v29  }
0x2cb: {  	v0 =	vmin.f32 v0, v30  }
0x2cc: {  	v0 =	vmin.f32 v0, v31  }
0x2cd: {  	v0 =	vmin.f32 v0, v32  }
0x2ce: {  	v0 =	vmin.f32 v0, v33  }
0x2cf: {  	v0 =	vmin.f32 v0, v34  }
0x2d0: {  	v0 =	vmin.f32 v0, v35  }
0x2d1: {  	v0 =	vmin.f32 v0, v37  }
0x2d2: {  	v53 =	vld [tilespmem:$0x1FFD0];
	v0 =	vmin.f32 v0, v38  }
0x2d3: {  	v0 =	vmin.f32 v0, v36  }
0x2d4: {  	v1 =	vperm.xlane v0, v3  }
0x2d5: {  	v52 =	vmov v3;
	v3 =	vld [tilespmem:$0x1FFE0]  }
0x2d6: {  	v0 =	vmin.f32 v0, v1  }
0x2d7: {  	v1 =	vperm.xlane v0, v53  }
0x2d8: {  	v54 =	vld [tilespmem:$0x1FFF0]  }
0x2d9: {  	v0 =	vmin.f32 v0, v1  }
0x2da: {  	v1 =	vperm.xlane v0, v3;
	_ =	sdelay $0x1  }
0x2db: {  	v0 =	vmin.f32 v0, v1  }
0x2dc: {  	v1 =	vperm.xlane v0, v54;
	_ =	sdelay $0x1  }
0x2dd: {  	v0 =	vmin.f32 v0, v1  }
0x2de: {  	vm1 =	veq.f32 v36, v0  }
0x2df: {  	vm2 =	veq.f32 v38, v0;
	v1 =	vnsel vm1, $0x40000000, v5  }
0x2e0: {  	vm1 =	veq.f32 v37, v0;
	v1 =	vsel vm2, v6, v1  }
0x2e1: {  	vm2 =	veq.f32 v35, v0;
	v1 =	vsel vm1, v7, v1  }
0x2e2: {  	vm1 =	veq.f32 v34, v0;
	v1 =	vsel vm2, v8, v1  }
0x2e3: {  	vm2 =	veq.f32 v33, v0;
	v1 =	vsel vm1, v9, v1  }
0x2e4: {  	vm1 =	veq.f32 v32, v0;
	v1 =	vsel vm2, v10, v1  }
0x2e5: {  	vm2 =	veq.f32 v31, v0;
	v1 =	vsel vm1, v11, v1  }
0x2e6: {  	vm1 =	veq.f32 v30, v0;
	v1 =	vsel vm2, v12, v1  }
0x2e7: {  	vm2 =	veq.f32 v29, v0;
	v1 =	vsel vm1, v13, v1  }
0x2e8: {  	vm1 =	veq.f32 v28, v0;
	v1 =	vsel vm2, v14, v1  }
0x2e9: {  	vm2 =	veq.f32 v27, v0;
	v1 =	vsel vm1, v15, v1  }
0x2ea: {  	vm1 =	veq.f32 v26, v0;
	v1 =	vsel vm2, v16, v1  }
0x2eb: {  	vm2 =	veq.f32 v25, v0;
	v1 =	vsel vm1, v17, v1  }
0x2ec: {  	vm1 =	veq.f32 v24, v0;
	v1 =	vsel vm2, v18, v1  }
0x2ed: {  	vm2 =	veq.f32 v23, v0;
	v0 =	vsel vm1, v19, v1  }
0x2ee: {  	v0 =	vsel vm2, v4, v0  }
0x2ef: {  	v1 =	vperm.xlane v0, v52;
	_ =	sdelay $0x1  }
0x2f0: {  	vm1 =	vlt.s32 v0, v1  }
0x2f1: {  	v0 =	vsel vm1, v0, v1  }
0x2f2: {  	v1 =	vperm.xlane v0, v53;
	_ =	sdelay $0x1  }
0x2f3: {  	vm1 =	vlt.s32 v0, v1  }
0x2f4: {  	v0 =	vsel vm1, v0, v1  }
0x2f5: {  	v1 =	vperm.xlane v0, v3;
	_ =	sdelay $0x1  }
0x2f6: {  	v2 =	vmov s11;
	s11 =	sadd.s32 $0x1, s11;
	vm1 =	vlt.s32 v0, v1  }
0x2f7: {  	p0 =	sne.s32 s11, $0x10;
	v0 =	vsel vm1, v0, v1  }
.Ltmp3:
0x2f8: {  	v1 =	vperm.xlane v0, v54;
	(pc) =	sbr.rel @p0 .LBB2_6-.Ltmp3, $4  }
0x2f9: {  	_ = 	snop  }
0x2fa: {  	vm1 =	vlt.s32 v0, v1  }
0x2fb: {  	v0 =	vsel vm1, v0, v1;
	vm1 =	veq.s32 v2, v4  }
0x2fc: {  	v22 =	vsel vm1, v0, v22  }
0x2fd: {  	v5 =	vld [tilespmem:$0x1FFB0]  }
0x2fe: {  	v6 =	vld [tilespmem:$0x1FFC0];
	_ =	sdelay $0x2  }
0x2ff: {  	v0 =	vshra.s32 v22, $0x4;
	v1 =	vand.u32 $0xF, v22  }
0x300: {  	v2 =	vperm.xlane v0, v5;
	v5 =	vperm.xlane v1, v5  }
0x301: {  	v0 =	vperm.xlane v0, v6;
	v1 =	vperm.xlane v1, v6  }
0x302: {  	s10 =	sadd.s32 $0x1, s10;
	v2 =	vsel vm0, v2, v5  }
0x303: {  	p0 =	sne.s32 s10, s6;
	v0 =	vsel vm0, v0, v1;
	[tilespmem:$0x9020] =	vst v2  }
.Ltmp4:
0x304: {  	[tilespmem:$0x9030] =	vst v0;
	(pc) =	sbr.rel @p0 .LBB2_1-.Ltmp4, $4  }
0x305: {  	[hbm4b:s5+s2] =	stream.linear.scatter [tilespmem:s9], [sflag:$0x1], $0x40, $0x38;
	[tilespmem:$0x9080] =	vst v63  }
0x306: {  	_ =	swait.ge [sflag:s7], $0x40  }
0x307: {  	[sflag:s7] =	ssyncset.done $0x0  }
0x308: {  	[sflag:s7] =	ssyncadd.s32 $0xFFFFFFC0  }
0x309: {  	_ =	sfence.sel $0x180000  }
0x30a: {  	[bflag:$0x0] =	sbarrier.arrive $0xFFFF  }
0x30b: {  	p0 =	sne.s32 s1, $0x0;
	_ =	strace $0x90000047  }
0x30c: {  	s0 =	sadd.s32 @!p0 $0x100000, s0;
	[bflag:$0x2] =	sbarrier.arrive $0xFFFF  }
0x30d: {  	[sflag:s0] =	ssyncadd.tile.s32 @!p0 $0x1;
	_ =	shalt  }
.Lfunc_end2:
_tile_overlayer_lowered:
.L_overlay_start_2:
0x30e: {  	(tag) =	ssettag $0x2  }
0x30f: {  	s0 =	rddreg [dreg:$0x0];
	s2 =	stileid.u32  }
0x310: {  	s1 =	rddreg [dreg:$0x1];
	p0 =	sne.s32 s2, $0x0  }
0x311: {  	s3 =	rddreg [dreg:$0x2];
	[bflag:$0x3] =	sbarrier.arrive $0xFFFF;
	s2 =	simm.s32 @!p0 $0x1C01  }
0x312: {  	[timem:s3], [sflag:s2] =	dma.local @!p0 [hbm:s0], s1  }
0x313: {  	s0 =	simm.s32 @!p0 $0x1  }
0x314: {  	_ =	swait.ge @!p0 [sflag:s0], s1  }
0x315: {  	s1 =	ssub.s32 @!p0 $0x0, s1;
	[sflag:s0] =	ssyncset.done @!p0 $0x0  }
0x316: {  	[sflag:s0] =	ssyncadd.s32 @!p0 s1  }
0x317: {  	[bflag:$0x3] =	sbarrier.arrive $0xFFFF  }
0x318: {  	_ =	shalt  }

</sc_bundles>
